<compile_context>
chip_gen: v7x
topology: tpu7x:2x2x1
jax: 0.10.2.dev20260603
libtpu: 0.0.44.dev20260713+nightly
codegen_flags: <defaults>
</compile_context>

<pallas_src>
import dataclasses
import functools

import jax
import jax.numpy as jnp
from jax import lax
from jax.experimental import pallas as pl
from jax.experimental.pallas import tpu as pltpu
from jax.experimental.pallas import tpu_sc as plsc

N = 10000
E = 320000
D = 128
VOCAB = 20215
G = 512

NPAD = 10240
EPAD = 327680
TRASH = N
GPAD = 640
NW = 32
C0 = 288
C1 = 32

_mesh = plsc.VectorSubcoreMesh(core_axis_name="c", subcore_axis_name="s")

_sc_params = pltpu.CompilerParams()
if "needs_layout_passes" in pltpu.CompilerParams.__dataclass_fields__:
    _sc_params = dataclasses.replace(_sc_params, needs_layout_passes=False)

_f32 = jnp.float32
_i32 = jnp.int32


@functools.partial(
    pl.kernel,
    out_type=[
        jax.ShapeDtypeStruct((NPAD, D), _f32),
        jax.ShapeDtypeStruct((2, NPAD, D), _f32),
        jax.ShapeDtypeStruct((NW * NPAD,), _f32),
        jax.ShapeDtypeStruct((NW * GPAD,), _f32),
    ],
    mesh=_mesh,
    compiler_params=_sc_params,
    scratch_types=[
        pltpu.VMEM_SHARED((NPAD, D), _f32),
        pltpu.VMEM((NPAD,), _i32),
        pltpu.VMEM((NPAD,), _f32),
        pltpu.VMEM((GPAD,), _f32),
        pltpu.VMEM((128,), _i32),
        pltpu.VMEM((128,), _i32),
        pltpu.VMEM((64,), _i32),
        pltpu.VMEM((64,), _i32),
        pltpu.VMEM((64,), _i32),
        pltpu.VMEM((64,), _i32),
        pltpu.VMEM((64,), _i32),
        pltpu.VMEM((64, D), _f32),
        pltpu.VMEM((64, D), _f32),
        pltpu.SemaphoreType.DMA,
        pltpu.SemaphoreType.DMA,
    ],
)
def _agg_kernel(emb_hbm, x_hbm, sd_hbm, batch_hbm,
                h_hbm, p_hbm, cnt_hbm, gc_hbm,
                agg_sh, x_v, cnt_v, gcv_v, sd_a, sd_b, dst_a, dst_b,
                eidx_a, eidx_b, bidx_v, msg_a, msg_b, sem_a, sem_b):
    c = lax.axis_index("c")
    s = lax.axis_index("s")
    wid = c * 16 + s

    @pl.loop(0, 64)
    def _(r):
        @pl.loop(0, D, step=16)
        def _(cc):
            msg_a[r, pl.ds(cc, 16)] = jnp.zeros((16,), _f32)

    rb = pl.multiple_of(s * 640, 64)

    @pl.loop(0, 640, step=64)
    def _(r):
        pltpu.sync_copy(msg_a, agg_sh.at[pl.ds(rb + r, 64)])

    @pl.loop(0, NPAD, step=16)
    def _(r):
        cnt_v[pl.ds(r, 16)] = jnp.zeros((16,), _f32)

    @pl.loop(0, GPAD, step=16)
    def _(r):
        gcv_v[pl.ds(r, 16)] = jnp.zeros((16,), _f32)

    plsc.subcore_barrier()

    pltpu.sync_copy(x_hbm, x_v)

    nbase = wid * 320

    @pl.loop(0, 5)
    def _(k):
        b = pl.multiple_of(nbase + k * 64, 64)
        ga = pltpu.async_copy(emb_hbm.at[x_v.at[pl.ds(b, 64)]], msg_a, sem_a)
        pltpu.sync_copy(batch_hbm.at[pl.ds(b, 64)], bidx_v)

        @pl.loop(0, 64, step=16)
        def _(j):
            plsc.addupdate_scatter(gcv_v, [bidx_v[pl.ds(j, 16)]],
                                   jnp.ones((16,), _f32))

        ga.wait()
        pltpu.sync_copy(msg_a, h_hbm.at[pl.ds(b, 64)])

    base_chunk = jnp.where(c == 0, s * C0, 16 * C0 + s * C1)
    nchunks = jnp.where(c == 0, C0, C1)
    ebase = base_chunk * 128

    @pl.loop(0, nchunks, step=2)
    def _(k):
        bA = pl.multiple_of(ebase + k * 128, 128)
        pltpu.sync_copy(sd_hbm.at[pl.ds(bA, 128)], sd_a)

        @pl.loop(0, 64, step=16)
        def _(j):
            eidx_a[pl.ds(j, 16)] = plsc.load_gather(x_v, [sd_a[pl.ds(j, 16)]])
            dv = sd_a[pl.ds(64 + j, 16)]
            dst_a[pl.ds(j, 16)] = dv
            plsc.addupdate_scatter(cnt_v, [dv], jnp.ones((16,), _f32))

        ga = pltpu.async_copy(emb_hbm.at[eidx_a], msg_a, sem_a)
        bB = pl.multiple_of(bA + 128, 128)
        pltpu.sync_copy(sd_hbm.at[pl.ds(bB, 128)], sd_b)

        @pl.loop(0, 64, step=16)
        def _(j):
            eidx_b[pl.ds(j, 16)] = plsc.load_gather(x_v, [sd_b[pl.ds(j, 16)]])
            dv = sd_b[pl.ds(64 + j, 16)]
            dst_b[pl.ds(j, 16)] = dv
            plsc.addupdate_scatter(cnt_v, [dv], jnp.ones((16,), _f32))

        gb = pltpu.async_copy(emb_hbm.at[eidx_b], msg_b, sem_b)
        ga.wait()
        pltpu.sync_copy(msg_a, agg_sh.at[dst_a], add=True)
        gb.wait()
        pltpu.sync_copy(msg_b, agg_sh.at[dst_b], add=True)

    plsc.subcore_barrier()

    cb = pl.multiple_of(wid * NPAD, 128)
    pltpu.sync_copy(cnt_v, cnt_hbm.at[pl.ds(cb, NPAD)])
    gcb = pl.multiple_of(wid * GPAD, 128)
    pltpu.sync_copy(gcv_v, gc_hbm.at[pl.ds(gcb, GPAD)])
    pltpu.sync_copy(agg_sh.at[pl.ds(rb, 640)], p_hbm.at[c, pl.ds(rb, 640)])


def _tc_body(p, cnt, h, wlT, wrT, bl, o):
    deg = jnp.sum(cnt[...], axis=0).reshape(_BR, 1)
    deg = jnp.maximum(deg, 1.0)
    mean = (p[0] + p[1]) / deg
    acc = jnp.dot(mean, wlT[...], preferred_element_type=_f32)
    acc = acc + jnp.dot(h[...], wrT[...], preferred_element_type=_f32)
    o[...] = jnp.maximum(acc + bl[0:1, :], 0.0)


_BR = 512

_tc_call = pl.pallas_call(
    _tc_body,
    grid=(NPAD // _BR,),
    in_specs=[
        pl.BlockSpec((2, _BR, D), lambda i: (0, i, 0)),
        pl.BlockSpec((NW, _BR), lambda i: (0, i)),
        pl.BlockSpec((_BR, D), lambda i: (i, 0)),
        pl.BlockSpec((D, D), lambda i: (0, 0)),
        pl.BlockSpec((D, D), lambda i: (0, 0)),
        pl.BlockSpec((8, D), lambda i: (0, 0)),
    ],
    out_specs=pl.BlockSpec((_BR, D), lambda i: (i, 0)),
    out_shape=jax.ShapeDtypeStruct((NPAD, D), _f32),
)


@functools.partial(
    pl.kernel,
    out_type=jax.ShapeDtypeStruct((G,), _f32),
    mesh=_mesh,
    compiler_params=_sc_params,
    scratch_types=[
        pltpu.VMEM((NW * GPAD,), _f32),
        pltpu.VMEM((GPAD + 16,), _f32),
        pltpu.VMEM((NPAD,), _i32),
        pltpu.VMEM((64, D), _f32),
        pltpu.VMEM((16, D), _f32),
        pltpu.VMEM((16, D), _f32),
        pltpu.VMEM((2 * D,), _f32),
        pltpu.VMEM((16,), _f32),
        pltpu.VMEM((16,), _f32),
        pltpu.SemaphoreType.DMA,
    ],
)
def _pool_kernel(out_hbm, batch_hbm, gc_all_hbm, wout_hbm, bout_hbm,
                 res_hbm, gc_v, gct_v, batch_v, rowbuf, accmax, accsum,
                 wout_v, bout_v, res_v, sem):
    c = lax.axis_index("c")
    s = lax.axis_index("s")
    wid = c * 16 + s
    wid16 = wid * 16

    pltpu.sync_copy(gc_all_hbm, gc_v)

    @pl.loop(0, GPAD, step=16)
    def _(r):
        t = jnp.zeros((16,), _f32)
        for w in range(NW):
            t = t + gc_v[pl.ds(w * GPAD + r, 16)]
        gct_v[pl.ds(r, 16)] = t

    gct_v[pl.ds(GPAD, 16)] = jnp.zeros((16,), _f32)
    pltpu.sync_copy(batch_hbm, batch_v)
    pltpu.sync_copy(wout_hbm, wout_v)
    pltpu.sync_copy(bout_hbm, bout_v)

    @pl.loop(0, 16)
    def _(r):
        @pl.loop(0, D, step=16)
        def _(cc):
            accmax[r, pl.ds(cc, 16)] = jnp.zeros((16,), _f32)
            accsum[r, pl.ds(cc, 16)] = jnp.zeros((16,), _f32)

    def _cnt_at(g):
        return gct_v[pl.ds(g, 16)][0]

    start_f = lax.fori_loop(0, wid16, lambda g, a: a + _cnt_at(g), 0.0)
    cgs = [_cnt_at(wid16 + gl) for gl in range(16)]
    total_f = cgs[0]
    for gl in range(1, 16):
        total_f = total_f + cgs[gl]
    start = start_f.astype(_i32)
    total = total_f.astype(_i32)

    end = start + total
    w0 = start // 64

    def _chunk(i, carry):
        p = pl.multiple_of((w0 + i) * 64, 64)
        pltpu.sync_copy(out_hbm.at[pl.ds(p, 64)], rowbuf)
        lo = jnp.maximum(start - p, 0)
        hi = jnp.minimum(end - p, 64)

        @pl.loop(0, 64)
        def _(r):
            @pl.when((r >= lo) & (r < hi))
            def _():
                gloc = batch_v[pl.ds(p + r, 16)][0] - wid16

                @pl.loop(0, D, step=16)
                def _(cc):
                    v = rowbuf[r, pl.ds(cc, 16)]
                    accmax[gloc, pl.ds(cc, 16)] = jnp.maximum(
                        accmax[gloc, pl.ds(cc, 16)], v)
                    accsum[gloc, pl.ds(cc, 16)] = accsum[gloc, pl.ds(cc, 16)] + v

        return carry

    nch = jnp.where(total > 0, (end + 63) // 64 - w0, 0)
    lax.fori_loop(0, nch, _chunk, 0)

    lane = lax.iota(_i32, 16)
    bias = bout_v[...][0]
    logits = jnp.zeros((16,), _f32)
    for gl in range(16):
        denom = jnp.maximum(cgs[gl], 1.0)
        acc = jnp.zeros((16,), _f32)
        for cc in range(8):
            acc = acc + accmax[gl, pl.ds(cc * 16, 16)] * wout_v[pl.ds(cc * 16, 16)]
            acc = acc + accsum[gl, pl.ds(cc * 16, 16)] * (
                wout_v[pl.ds(D + cc * 16, 16)] / denom)
        t = jnp.sum(acc) + bias
        logits = jnp.where(lane == gl, t, logits)

    res_v[...] = 1.0 / (1.0 + jnp.exp(-logits))
    pltpu.sync_copy(res_v, res_hbm.at[pl.ds(wid16, 16)])


def kernel(x, edge_index, batch, emb_table, W_l, b_l, W_r, W_out, b_out):
    xp = jnp.concatenate([x[:, 0], jnp.zeros((NPAD - N,), _i32)])
    srcp = jnp.concatenate([edge_index[0], jnp.zeros((EPAD - E,), _i32)])
    pad_dst = TRASH + (jnp.arange(EPAD - E, dtype=_i32) % (NPAD - N))
    dstp = jnp.concatenate([edge_index[1], pad_dst])
    sdp = jnp.stack([srcp.reshape(-1, 64), dstp.reshape(-1, 64)],
                    axis=1).reshape(-1)
    batchp = jnp.concatenate([batch, jnp.full((NPAD - N,), G, _i32)])
    wlT = W_l.T
    wrT = W_r.T
    bl8 = jnp.broadcast_to(b_l[None, :], (8, D))
    woutv = W_out.reshape(-1)
    boutv = jnp.pad(b_out, (0, 15))

    h, p, cnt, gc = _agg_kernel(emb_table, xp, sdp, batchp)
    cnt2 = cnt.reshape(NW, NPAD)
    out = _tc_call(p, cnt2, h, wlT, wrT, bl8)
    res = _pool_kernel(out, batchp, gc.reshape(-1), woutv, boutv)
    return res

# --- scband reference (transcript-rebuilt; emitter-appended) ---
"""Pipeline reference for scband-net-29643864277324 (READ-ONLY COPY).

The authoritative reference and input builder live on the scoring server;
editing this copy changes nothing except your own understanding.
"""

import jax, jax.numpy as jnp
import numpy as np

N = 10000
E = 320000
D = 128
VOCAB = 20215
G = 512


def setup_inputs(seed: int = 0) -> dict:
    key = jax.random.key(seed)
    ks = jax.random.split(key, 10)
    x = jax.random.randint(ks[0], (N, 1), 0, VOCAB, dtype=jnp.int32)
    edge_index = jax.random.randint(ks[1], (2, E), 0, N, dtype=jnp.int32)
    batch = jnp.sort(jax.random.randint(ks[2], (N,), 0, G, dtype=jnp.int32))
    emb_table = jax.random.normal(ks[3], (VOCAB, D), dtype=jnp.float32) * 0.05
    W_l = jax.random.normal(ks[4], (D, D), dtype=jnp.float32) * (1.0 / np.sqrt(D))
    b_l = jnp.zeros((D,), dtype=jnp.float32)
    W_r = jax.random.normal(ks[5], (D, D), dtype=jnp.float32) * (1.0 / np.sqrt(D))
    W_out = jax.random.normal(ks[6], (1, 2 * D), dtype=jnp.float32) * (1.0 / np.sqrt(2 * D))
    b_out = jnp.zeros((1,), dtype=jnp.float32)
    return {"x": x, "edge_index": edge_index, "batch": batch,
            "emb_table": emb_table, "W_l": W_l, "b_l": b_l, "W_r": W_r,
            "W_out": W_out, "b_out": b_out}


def reference(x, edge_index, batch, emb_table, W_l, b_l, W_r, W_out, b_out):
    # item embedding lookup + squeeze(1)
    h = jnp.take(emb_table, x[:, 0], axis=0)  # [N, D]
    # SAGEConv (mean aggregation): out = lin_l(mean_j x_j) + lin_r(x_i)
    src = edge_index[0]
    dst = edge_index[1]
    msg = jnp.take(h, src, axis=0)  # gather [E, D]
    agg = jax.ops.segment_sum(msg, dst, num_segments=N)  # scatter-add [N, D]
    deg = jax.ops.segment_sum(jnp.ones((E, 1), jnp.float32), dst, num_segments=N)
    mean = agg / jnp.maximum(deg, 1.0)
    out = mean @ W_l.T + b_l + h @ W_r.T
    out = jax.nn.relu(out)
    # global max pool + global mean pool over graphs (batch segment ids)
    gmax = jax.ops.segment_max(out, batch, num_segments=G)
    gmax = jnp.where(jnp.isfinite(gmax), gmax, 0.0)  # empty segments -> 0
    cnt = jax.ops.segment_sum(jnp.ones((N, 1), jnp.float32), batch, num_segments=G)
    gmean = jax.ops.segment_sum(out, batch, num_segments=G) / jnp.maximum(cnt, 1.0)
    feat = jnp.concatenate([gmax, gmean], axis=1)  # [G, 256]
    # dropout p=0.5 is identity in eval mode
    logits = feat @ W_out.T + b_out
    return jax.nn.sigmoid(logits)[:, 0]  # [G]

if __name__ == "__main__":
    import jax
    _d = setup_inputs()
    print(jax.jit(kernel)(*tuple(_d.values())))

</pallas_src>

<mosaic_0001>
#map = affine_map<(d0, d1) -> (0, 0)>
#map1 = affine_map<(d0, d1) -> (0)>
#map2 = affine_map<(d0, d1) -> (0, 0, 0)>
module attributes {stable_mosaic.version = 14 : i64} {
  func.func @_agg_kernel(%arg0: i32, %arg1: i32, %arg2: memref<20215x128xf32, #tpu.memory_space<hbm>>, %arg3: memref<10240xi32, #tpu.memory_space<hbm>>, %arg4: memref<655360xi32, #tpu.memory_space<hbm>>, %arg5: memref<10240xi32, #tpu.memory_space<hbm>>, %arg6: memref<10240x128xf32, #tpu.memory_space<hbm>>, %arg7: memref<2x10240x128xf32, #tpu.memory_space<hbm>>, %arg8: memref<327680xf32, #tpu.memory_space<hbm>>, %arg9: memref<20480xf32, #tpu.memory_space<hbm>>, %arg10: memref<10240x128xf32, #tpu.memory_space<vmem_shared>>, %arg11: memref<10240xi32, #tpu.memory_space<vmem>>, %arg12: memref<10240xf32, #tpu.memory_space<vmem>>, %arg13: memref<640xf32, #tpu.memory_space<vmem>>, %arg14: memref<128xi32, #tpu.memory_space<vmem>>, %arg15: memref<128xi32, #tpu.memory_space<vmem>>, %arg16: memref<64xi32, #tpu.memory_space<vmem>>, %arg17: memref<64xi32, #tpu.memory_space<vmem>>, %arg18: memref<64xi32, #tpu.memory_space<vmem>>, %arg19: memref<64xi32, #tpu.memory_space<vmem>>, %arg20: memref<64xi32, #tpu.memory_space<vmem>>, %arg21: memref<64x128xf32, #tpu.memory_space<vmem>>, %arg22: memref<64x128xf32, #tpu.memory_space<vmem>>, %arg23: memref<!tpu.dma_semaphore, #tpu.memory_space<semaphore_mem>>, %arg24: memref<!tpu.dma_semaphore, #tpu.memory_space<semaphore_mem>>) attributes {dimension_semantics = [#tpu.dimension_semantics<core_parallel>, #tpu.dimension_semantics<subcore_parallel>], iteration_bounds = array<i64: 2, 16>, scalar_prefetch = 0 : i64, scratch_operands = 15 : i64, tpu.core_type = #tpu.core_type<sc_vector_subcore>, window_params = [{transform_indices = #map}, {transform_indices = #map1}, {transform_indices = #map1}, {transform_indices = #map1}, {transform_indices = #map}, {transform_indices = #map2}, {transform_indices = #map1}, {transform_indices = #map1}]} {
    %mul3A = arith.constant 16 : i32
    %mul3A_0 = arith.muli %arg0, %mul3A : i32
    %add3A = arith.addi %mul3A_0, %arg1 : i32
    %scan3A = arith.constant 0 : i32
    %scan3A_1 = arith.constant 64 : i32
    %scan3A_2 = arith.addi %scan3A, %scan3A_1 : i32
    %scan3A_3 = arith.constant 1 : i32
    scf.for %scan3A_65 = %scan3A to %scan3A_2 step %scan3A_3  : i32 {
      %mul3A_66 = arith.constant 1 : i32
      %mul3A_67 = arith.muli %scan3A_65, %mul3A_66 : i32
      %add3A_68 = arith.constant 0 : i32
      %add3A_69 = arith.addi %add3A_68, %mul3A_67 : i32
      %scan3A_70 = arith.constant 0 : i32
      %scan3A_71 = arith.constant 8 : i32
      %scan3A_72 = arith.addi %scan3A_70, %scan3A_71 : i32
      %scan3A_73 = arith.constant 1 : i32
      scf.for %scan3A_75 = %scan3A_70 to %scan3A_72 step %scan3A_73  : i32 {
        %mul3A_76 = arith.constant 16 : i32
        %mul3A_77 = arith.muli %scan3A_75, %mul3A_76 : i32
        %add3A_78 = arith.constant 0 : i32
        %add3A_79 = arith.addi %add3A_78, %mul3A_77 : i32
        %broadcast_in_dim3A = arith.constant 0.000000e+00 : f32
        %broadcast_in_dim3A_80 = vector.broadcast %broadcast_in_dim3A : f32 to vector<16xf32>
        %swap3A = arith.index_cast %add3A_69 : i32 to index
        %swap3A_81 = arith.index_cast %add3A_79 : i32 to index
        %swap3A_82 = tpu.vector_load %arg21[%swap3A, %swap3A_81] {strides = array<i32>} : memref<64x128xf32, #tpu.memory_space<vmem>>, vector<16xf32>,
        tpu.vector_store %arg21[%swap3A, %swap3A_81], %broadcast_in_dim3A_80 {strides = array<i32>} : memref<64x128xf32, #tpu.memory_space<vmem>>, vector<16xf32>,
      }
      %scan3A_74 = arith.constant 8 : i32
    }
    %scan3A_4 = arith.constant 64 : i32
    %mul3A_5 = arith.constant 640 : i32
    %mul3A_6 = arith.muli %arg1, %mul3A_5 : i32
    %multiple_of3A = tpu.assume_multiple %mul3A_6, 64 : i32
    %scan3A_7 = arith.constant 0 : i32
    %scan3A_8 = arith.constant 10 : i32
    %scan3A_9 = arith.addi %scan3A_7, %scan3A_8 : i32
    %scan3A_10 = arith.constant 1 : i32
    scf.for %scan3A_65 = %scan3A_7 to %scan3A_9 step %scan3A_10  : i32 {
      %mul3A_66 = arith.constant 64 : i32
      %mul3A_67 = arith.muli %scan3A_65, %mul3A_66 : i32
      %add3A_68 = arith.constant 0 : i32
      %add3A_69 = arith.addi %add3A_68, %mul3A_67 : i32
      %add3A_70 = arith.addi %multiple_of3A, %add3A_69 : i32
      "tpu.region"() ({
        %run_scoped3A = tpu.sem_alloc : memref<!tpu.dma_semaphore, #tpu.memory_space<semaphore_mem>>
        %dma_start3A = arith.constant 0 : i32
        %dma_start3A_71 = tpu.memref_slice %arg10[%add3A_70, %dma_start3A] : memref<10240x128xf32, #tpu.memory_space<vmem_shared>> -> memref<64x128xf32, #tpu.memory_space<vmem_shared>>
        %dma_start3A_72 = arith.constant 0 : i32
        %dma_start3A_73 = tpu.memref_slice %arg10[%add3A_70, %dma_start3A_72] : memref<10240x128xf32, #tpu.memory_space<vmem_shared>> -> memref<64x128xf32, #tpu.memory_space<vmem_shared>>
        tpu.enqueue_dma source(%arg21 : memref<64x128xf32, #tpu.memory_space<vmem>>) target(%dma_start3A_73 : memref<64x128xf32, #tpu.memory_space<vmem_shared>>) target_semaphore(%run_scoped3A : memref<!tpu.dma_semaphore, #tpu.memory_space<semaphore_mem>>)
        %dma_wait3A = arith.constant 0 : i32
        %dma_wait3A_74 = tpu.memref_slice %arg10[%add3A_70, %dma_wait3A] : memref<10240x128xf32, #tpu.memory_space<vmem_shared>> -> memref<64x128xf32, #tpu.memory_space<vmem_shared>>
        %dma_wait3A_75 = arith.constant 0 : i32
        %dma_wait3A_76 = tpu.memref_slice %arg10[%add3A_70, %dma_wait3A_75] : memref<10240x128xf32, #tpu.memory_space<vmem_shared>> -> memref<64x128xf32, #tpu.memory_space<vmem_shared>>
        tpu.wait_dma2 semaphore(%run_scoped3A : memref<!tpu.dma_semaphore, #tpu.memory_space<semaphore_mem>>) src(%arg21 : memref<64x128xf32, #tpu.memory_space<vmem>>) dst(%dma_wait3A_76 : memref<64x128xf32, #tpu.memory_space<vmem_shared>>)
        tpu.yield
      }) : () -> ()
    }
    %scan3A_11 = arith.constant 10 : i32
    %scan3A_12 = arith.constant 0 : i32
    %scan3A_13 = arith.constant 640 : i32
    %scan3A_14 = arith.addi %scan3A_12, %scan3A_13 : i32
    %scan3A_15 = arith.constant 1 : i32
    scf.for %scan3A_65 = %scan3A_12 to %scan3A_14 step %scan3A_15  : i32 {
      %mul3A_66 = arith.constant 16 : i32
      %mul3A_67 = arith.muli %scan3A_65, %mul3A_66 : i32
      %add3A_68 = arith.constant 0 : i32
      %add3A_69 = arith.addi %add3A_68, %mul3A_67 : i32
      %broadcast_in_dim3A = arith.constant 0.000000e+00 : f32
      %broadcast_in_dim3A_70 = vector.broadcast %broadcast_in_dim3A : f32 to vector<16xf32>
      %swap3A = arith.index_cast %add3A_69 : i32 to index
      %swap3A_71 = tpu.vector_load %arg12[%swap3A] {strides = array<i32>} : memref<10240xf32, #tpu.memory_space<vmem>>, vector<16xf32>,
      tpu.vector_store %arg12[%swap3A], %broadcast_in_dim3A_70 {strides = array<i32>} : memref<10240xf32, #tpu.memory_space<vmem>>, vector<16xf32>,
    }
    %scan3A_16 = arith.constant 640 : i32
    %scan3A_17 = arith.constant 0 : i32
    %scan3A_18 = arith.constant 40 : i32
    %scan3A_19 = arith.addi %scan3A_17, %scan3A_18 : i32
    %scan3A_20 = arith.constant 1 : i32
    scf.for %scan3A_65 = %scan3A_17 to %scan3A_19 step %scan3A_20  : i32 {
      %mul3A_66 = arith.constant 16 : i32
      %mul3A_67 = arith.muli %scan3A_65, %mul3A_66 : i32
      %add3A_68 = arith.constant 0 : i32
      %add3A_69 = arith.addi %add3A_68, %mul3A_67 : i32
      %broadcast_in_dim3A = arith.constant 0.000000e+00 : f32
      %broadcast_in_dim3A_70 = vector.broadcast %broadcast_in_dim3A : f32 to vector<16xf32>
      %swap3A = arith.index_cast %add3A_69 : i32 to index
      %swap3A_71 = tpu.vector_load %arg13[%swap3A] {strides = array<i32>} : memref<640xf32, #tpu.memory_space<vmem>>, vector<16xf32>,
      tpu.vector_store %arg13[%swap3A], %broadcast_in_dim3A_70 {strides = array<i32>} : memref<640xf32, #tpu.memory_space<vmem>>, vector<16xf32>,
    }
    %scan3A_21 = arith.constant 40 : i32
    %barrier3A = arith.constant 0 : index
    tpu.barrier barrier_id(%barrier3A)
    "tpu.region"() ({
      %run_scoped3A = tpu.sem_alloc : memref<!tpu.dma_semaphore, #tpu.memory_space<semaphore_mem>>
      tpu.enqueue_dma source(%arg3 : memref<10240xi32, #tpu.memory_space<hbm>>) target(%arg11 : memref<10240xi32, #tpu.memory_space<vmem>>) target_semaphore(%run_scoped3A : memref<!tpu.dma_semaphore, #tpu.memory_space<semaphore_mem>>)
      tpu.wait_dma2 semaphore(%run_scoped3A : memref<!tpu.dma_semaphore, #tpu.memory_space<semaphore_mem>>) src(%arg3 : memref<10240xi32, #tpu.memory_space<hbm>>) dst(%arg11 : memref<10240xi32, #tpu.memory_space<vmem>>)
      tpu.yield
    }) : () -> ()
    %mul3A_22 = arith.constant 320 : i32
    %mul3A_23 = arith.muli %add3A, %mul3A_22 : i32
    %scan3A_24 = arith.constant 0 : i32
    %scan3A_25 = arith.constant 5 : i32
    %scan3A_26 = arith.addi %scan3A_24, %scan3A_25 : i32
    %scan3A_27 = arith.constant 1 : i32
    scf.for %scan3A_65 = %scan3A_24 to %scan3A_26 step %scan3A_27  : i32 {
      %mul3A_66 = arith.constant 1 : i32
      %mul3A_67 = arith.muli %scan3A_65, %mul3A_66 : i32
      %add3A_68 = arith.constant 0 : i32
      %add3A_69 = arith.addi %add3A_68, %mul3A_67 : i32
      %mul3A_70 = arith.constant 64 : i32
      %mul3A_71 = arith.muli %add3A_69, %mul3A_70 : i32
      %add3A_72 = arith.addi %mul3A_23, %mul3A_71 : i32
      %multiple_of3A_73 = tpu.assume_multiple %add3A_72, 64 : i32
      %dma_start3A = tpu.memref_slice %arg11[%multiple_of3A_73] : memref<10240xi32, #tpu.memory_space<vmem>> -> memref<64xi32, #tpu.memory_space<vmem>>
      %dma_start3A_74 = arith.constant 0 : i32
      %dma_start3A_75 = arith.constant 0 : i32
      %dma_start3A_76 = tpu.memref_slice %arg2[%dma_start3A_74, %dma_start3A_75] : memref<20215x128xf32, #tpu.memory_space<hbm>> -> memref<20215x128xf32, #tpu.memory_space<hbm>>
      tpu.enqueue_indirect_dma source(%dma_start3A_76 : memref<20215x128xf32, #tpu.memory_space<hbm>>) target(%arg21 : memref<64x128xf32, #tpu.memory_space<vmem>>) offsets(%dma_start3A : memref<64xi32, #tpu.memory_space<vmem>>) semaphore(%arg23 : memref<!tpu.dma_semaphore, #tpu.memory_space<semaphore_mem>>)
      "tpu.region"() ({
        %run_scoped3A = tpu.sem_alloc : memref<!tpu.dma_semaphore, #tpu.memory_space<semaphore_mem>>
        %dma_start3A_85 = tpu.memref_slice %arg5[%multiple_of3A_73] : memref<10240xi32, #tpu.memory_space<hbm>> -> memref<64xi32, #tpu.memory_space<hbm>>
        %dma_start3A_86 = tpu.memref_slice %arg5[%multiple_of3A_73] : memref<10240xi32, #tpu.memory_space<hbm>> -> memref<64xi32, #tpu.memory_space<hbm>>
        tpu.enqueue_dma source(%dma_start3A_86 : memref<64xi32, #tpu.memory_space<hbm>>) target(%arg20 : memref<64xi32, #tpu.memory_space<vmem>>) target_semaphore(%run_scoped3A : memref<!tpu.dma_semaphore, #tpu.memory_space<semaphore_mem>>)
        %dma_wait3A_87 = tpu.memref_slice %arg5[%multiple_of3A_73] : memref<10240xi32, #tpu.memory_space<hbm>> -> memref<64xi32, #tpu.memory_space<hbm>>
        %dma_wait3A_88 = tpu.memref_slice %arg5[%multiple_of3A_73] : memref<10240xi32, #tpu.memory_space<hbm>> -> memref<64xi32, #tpu.memory_space<hbm>>
        tpu.wait_dma2 semaphore(%run_scoped3A : memref<!tpu.dma_semaphore, #tpu.memory_space<semaphore_mem>>) src(%dma_wait3A_88 : memref<64xi32, #tpu.memory_space<hbm>>) dst(%arg20 : memref<64xi32, #tpu.memory_space<vmem>>)
        tpu.yield
      }) : () -> ()
      %scan3A_77 = arith.constant 0 : i32
      %scan3A_78 = arith.constant 4 : i32
      %scan3A_79 = arith.addi %scan3A_77, %scan3A_78 : i32
      %scan3A_80 = arith.constant 1 : i32
      scf.for %scan3A_85 = %scan3A_77 to %scan3A_79 step %scan3A_80  : i32 {
        %mul3A_86 = arith.constant 16 : i32
        %mul3A_87 = arith.muli %scan3A_85, %mul3A_86 : i32
        %add3A_88 = arith.constant 0 : i32
        %add3A_89 = arith.addi %add3A_88, %mul3A_87 : i32
        %get3A = arith.index_cast %add3A_89 : i32 to index
        %get3A_90 = tpu.vector_load %arg20[%get3A] {strides = array<i32>} : memref<64xi32, #tpu.memory_space<vmem>>, vector<16xi32>,
        %broadcast_in_dim3A = arith.constant 1.000000e+00 : f32
        %broadcast_in_dim3A_91 = vector.broadcast %broadcast_in_dim3A : f32 to vector<16xf32>
        tpu.vector_store_idx %arg13[%get3A_90], %broadcast_in_dim3A_91 {add = true} : memref<640xf32, #tpu.memory_space<vmem>>[vector<16xi32>], vector<16xf32>,
      }
      %scan3A_81 = arith.constant 4 : i32
      %dma_wait3A = tpu.memref_slice %arg11[%multiple_of3A_73] : memref<10240xi32, #tpu.memory_space<vmem>> -> memref<64xi32, #tpu.memory_space<vmem>>
      %dma_wait3A_82 = arith.constant 0 : i32
      %dma_wait3A_83 = arith.constant 0 : i32
      %dma_wait3A_84 = tpu.memref_slice %arg2[%dma_wait3A_82, %dma_wait3A_83] : memref<20215x128xf32, #tpu.memory_space<hbm>> -> memref<20215x128xf32, #tpu.memory_space<hbm>>
      tpu.wait_indirect_dma semaphore(%arg23 : memref<!tpu.dma_semaphore, #tpu.memory_space<semaphore_mem>>) src(%dma_wait3A_84 : memref<20215x128xf32, #tpu.memory_space<hbm>>) dst(%arg21 : memref<64x128xf32, #tpu.memory_space<vmem>>)
      "tpu.region"() ({
        %run_scoped3A = tpu.sem_alloc : memref<!tpu.dma_semaphore, #tpu.memory_space<semaphore_mem>>
        %dma_start3A_85 = arith.constant 0 : i32
        %dma_start3A_86 = tpu.memref_slice %arg6[%multiple_of3A_73, %dma_start3A_85] : memref<10240x128xf32, #tpu.memory_space<hbm>> -> memref<64x128xf32, #tpu.memory_space<hbm>>
        %dma_start3A_87 = arith.constant 0 : i32
        %dma_start3A_88 = tpu.memref_slice %arg6[%multiple_of3A_73, %dma_start3A_87] : memref<10240x128xf32, #tpu.memory_space<hbm>> -> memref<64x128xf32, #tpu.memory_space<hbm>>
        tpu.enqueue_dma source(%arg21 : memref<64x128xf32, #tpu.memory_space<vmem>>) target(%dma_start3A_88 : memref<64x128xf32, #tpu.memory_space<hbm>>) target_semaphore(%run_scoped3A : memref<!tpu.dma_semaphore, #tpu.memory_space<semaphore_mem>>)
        %dma_wait3A_89 = arith.constant 0 : i32
        %dma_wait3A_90 = tpu.memref_slice %arg6[%multiple_of3A_73, %dma_wait3A_89] : memref<10240x128xf32, #tpu.memory_space<hbm>> -> memref<64x128xf32, #tpu.memory_space<hbm>>
        %dma_wait3A_91 = arith.constant 0 : i32
        %dma_wait3A_92 = tpu.memref_slice %arg6[%multiple_of3A_73, %dma_wait3A_91] : memref<10240x128xf32, #tpu.memory_space<hbm>> -> memref<64x128xf32, #tpu.memory_space<hbm>>
        tpu.wait_dma2 semaphore(%run_scoped3A : memref<!tpu.dma_semaphore, #tpu.memory_space<semaphore_mem>>) src(%arg21 : memref<64x128xf32, #tpu.memory_space<vmem>>) dst(%dma_wait3A_92 : memref<64x128xf32, #tpu.memory_space<hbm>>)
        tpu.yield
      }) : () -> ()
    }
    %scan3A_28 = arith.constant 5 : i32
    %eq3A = arith.constant 0 : i32
    %eq3A_29 = arith.cmpi eq, %arg0, %eq3A : i32
    %mul3A_30 = arith.constant 288 : i32
    %mul3A_31 = arith.muli %arg1, %mul3A_30 : i32
    %mul3A_32 = arith.constant 32 : i32
    %mul3A_33 = arith.muli %arg1, %mul3A_32 : i32
    %add3A_34 = arith.constant 4608 : i32
    %add3A_35 = arith.addi %add3A_34, %mul3A_33 : i32
    %select_n3A = arith.select %eq3A_29, %mul3A_31, %add3A_35 : i32
    %eq3A_36 = arith.constant 0 : i32
    %eq3A_37 = arith.cmpi eq, %arg0, %eq3A_36 : i32
    %jit3A = arith.constant 288 : i32
    %jit3A_38 = arith.constant 32 : i32
    %select_n3A_39 = arith.select %eq3A_37, %jit3A, %jit3A_38 : i32
    %mul3A_40 = arith.constant 128 : i32
    %mul3A_41 = arith.muli %select_n3A, %mul3A_40 : i32
    %sub3A = arith.constant 0 : i32
    %sub3A_42 = arith.subi %select_n3A_39, %sub3A : i32
    %sub3A_43 = arith.constant 2 : i32
    %sub3A_44 = arith.constant 1 : i32
    %sub3A_45 = arith.subi %sub3A_43, %sub3A_44 : i32
    %add3A_46 = arith.addi %sub3A_42, %sub3A_45 : i32
    %div3A = arith.constant 2 : i32
    %div3A_47 = arith.divsi %add3A_46, %div3A : i32
    %while3A = arith.constant 2 : i32
    %while3A_48 = arith.constant 0 : i32
    %while3A_49 = arith.constant 0 : i32
    %while3A_50 = arith.subi %div3A_47, %while3A_49 : i32
    %while3A_51 = arith.addi %while3A_49, %while3A_50 : i32
    %while3A_52 = arith.constant 1 : i32
    %while3A_53 = arith.divsi %while3A_50, %while3A_52 : i32
    %while3A_54 = arith.muli %while3A_53, %while3A_52 : i32
    %while3A_55 = arith.addi %while3A_49, %while3A_54 : i32
    %while3A_56 = arith.constant 1 : i32
    scf.for %while3A_65 = %while3A_49 to %while3A_55 step %while3A_56  : i32 {
      %mul3A_66 = arith.muli %while3A_65, %while3A : i32
      %add3A_67 = arith.addi %while3A_48, %mul3A_66 : i32
      %mul3A_68 = arith.constant 128 : i32
      %mul3A_69 = arith.muli %add3A_67, %mul3A_68 : i32
      %add3A_70 = arith.addi %mul3A_41, %mul3A_69 : i32
      %multiple_of3A_71 = tpu.assume_multiple %add3A_70, 128 : i32
      "tpu.region"() ({
        %run_scoped3A = tpu.sem_alloc : memref<!tpu.dma_semaphore, #tpu.memory_space<semaphore_mem>>
        %dma_start3A_95 = tpu.memref_slice %arg4[%multiple_of3A_71] : memref<655360xi32, #tpu.memory_space<hbm>> -> memref<128xi32, #tpu.memory_space<hbm>>
        %dma_start3A_96 = tpu.memref_slice %arg4[%multiple_of3A_71] : memref<655360xi32, #tpu.memory_space<hbm>> -> memref<128xi32, #tpu.memory_space<hbm>>
        tpu.enqueue_dma source(%dma_start3A_96 : memref<128xi32, #tpu.memory_space<hbm>>) target(%arg14 : memref<128xi32, #tpu.memory_space<vmem>>) target_semaphore(%run_scoped3A : memref<!tpu.dma_semaphore, #tpu.memory_space<semaphore_mem>>)
        %dma_wait3A_97 = tpu.memref_slice %arg4[%multiple_of3A_71] : memref<655360xi32, #tpu.memory_space<hbm>> -> memref<128xi32, #tpu.memory_space<hbm>>
        %dma_wait3A_98 = tpu.memref_slice %arg4[%multiple_of3A_71] : memref<655360xi32, #tpu.memory_space<hbm>> -> memref<128xi32, #tpu.memory_space<hbm>>
        tpu.wait_dma2 semaphore(%run_scoped3A : memref<!tpu.dma_semaphore, #tpu.memory_space<semaphore_mem>>) src(%dma_wait3A_98 : memref<128xi32, #tpu.memory_space<hbm>>) dst(%arg14 : memref<128xi32, #tpu.memory_space<vmem>>)
        tpu.yield
      }) : () -> ()
      %scan3A_72 = arith.constant 0 : i32
      %scan3A_73 = arith.constant 4 : i32
      %scan3A_74 = arith.addi %scan3A_72, %scan3A_73 : i32
      %scan3A_75 = arith.constant 1 : i32
      scf.for %scan3A_95 = %scan3A_72 to %scan3A_74 step %scan3A_75  : i32 {
        %mul3A_96 = arith.constant 16 : i32
        %mul3A_97 = arith.muli %scan3A_95, %mul3A_96 : i32
        %add3A_98 = arith.constant 0 : i32
        %add3A_99 = arith.addi %add3A_98, %mul3A_97 : i32
        %get3A = arith.index_cast %add3A_99 : i32 to index
        %get3A_100 = tpu.vector_load %arg14[%get3A] {strides = array<i32>} : memref<128xi32, #tpu.memory_space<vmem>>, vector<16xi32>,
        %gather3A = tpu.vector_load_idx %arg11[%get3A_100] : memref<10240xi32, #tpu.memory_space<vmem>>[vector<16xi32>], vector<16xi32>,
        %swap3A = arith.index_cast %add3A_99 : i32 to index
        %swap3A_101 = tpu.vector_load %arg18[%swap3A] {strides = array<i32>} : memref<64xi32, #tpu.memory_space<vmem>>, vector<16xi32>,
        tpu.vector_store %arg18[%swap3A], %gather3A {strides = array<i32>} : memref<64xi32, #tpu.memory_space<vmem>>, vector<16xi32>,
        %add3A_102 = arith.constant 64 : i32
        %add3A_103 = arith.addi %add3A_102, %add3A_99 : i32
        %get3A_104 = arith.index_cast %add3A_103 : i32 to index
        %get3A_105 = tpu.vector_load %arg14[%get3A_104] {strides = array<i32>} : memref<128xi32, #tpu.memory_space<vmem>>, vector<16xi32>,
        %swap3A_106 = arith.index_cast %add3A_99 : i32 to index
        %swap3A_107 = tpu.vector_load %arg16[%swap3A_106] {strides = array<i32>} : memref<64xi32, #tpu.memory_space<vmem>>, vector<16xi32>,
        tpu.vector_store %arg16[%swap3A_106], %get3A_105 {strides = array<i32>} : memref<64xi32, #tpu.memory_space<vmem>>, vector<16xi32>,
        %broadcast_in_dim3A = arith.constant 1.000000e+00 : f32
        %broadcast_in_dim3A_108 = vector.broadcast %broadcast_in_dim3A : f32 to vector<16xf32>
        tpu.vector_store_idx %arg12[%get3A_105], %broadcast_in_dim3A_108 {add = true} : memref<10240xf32, #tpu.memory_space<vmem>>[vector<16xi32>], vector<16xf32>,
      }
      %scan3A_76 = arith.constant 4 : i32
      %dma_start3A = arith.constant 0 : i32
      %dma_start3A_77 = arith.constant 0 : i32
      %dma_start3A_78 = tpu.memref_slice %arg2[%dma_start3A, %dma_start3A_77] : memref<20215x128xf32, #tpu.memory_space<hbm>> -> memref<20215x128xf32, #tpu.memory_space<hbm>>
      tpu.enqueue_indirect_dma source(%dma_start3A_78 : memref<20215x128xf32, #tpu.memory_space<hbm>>) target(%arg21 : memref<64x128xf32, #tpu.memory_space<vmem>>) offsets(%arg18 : memref<64xi32, #tpu.memory_space<vmem>>) semaphore(%arg23 : memref<!tpu.dma_semaphore, #tpu.memory_space<semaphore_mem>>)
      %add3A_79 = arith.constant 128 : i32
      %add3A_80 = arith.addi %multiple_of3A_71, %add3A_79 : i32
      %multiple_of3A_81 = tpu.assume_multiple %add3A_80, 128 : i32
      "tpu.region"() ({
        %run_scoped3A = tpu.sem_alloc : memref<!tpu.dma_semaphore, #tpu.memory_space<semaphore_mem>>
        %dma_start3A_95 = tpu.memref_slice %arg4[%multiple_of3A_81] : memref<655360xi32, #tpu.memory_space<hbm>> -> memref<128xi32, #tpu.memory_space<hbm>>
        %dma_start3A_96 = tpu.memref_slice %arg4[%multiple_of3A_81] : memref<655360xi32, #tpu.memory_space<hbm>> -> memref<128xi32, #tpu.memory_space<hbm>>
        tpu.enqueue_dma source(%dma_start3A_96 : memref<128xi32, #tpu.memory_space<hbm>>) target(%arg15 : memref<128xi32, #tpu.memory_space<vmem>>) target_semaphore(%run_scoped3A : memref<!tpu.dma_semaphore, #tpu.memory_space<semaphore_mem>>)
        %dma_wait3A_97 = tpu.memref_slice %arg4[%multiple_of3A_81] : memref<655360xi32, #tpu.memory_space<hbm>> -> memref<128xi32, #tpu.memory_space<hbm>>
        %dma_wait3A_98 = tpu.memref_slice %arg4[%multiple_of3A_81] : memref<655360xi32, #tpu.memory_space<hbm>> -> memref<128xi32, #tpu.memory_space<hbm>>
        tpu.wait_dma2 semaphore(%run_scoped3A : memref<!tpu.dma_semaphore, #tpu.memory_space<semaphore_mem>>) src(%dma_wait3A_98 : memref<128xi32, #tpu.memory_space<hbm>>) dst(%arg15 : memref<128xi32, #tpu.memory_space<vmem>>)
        tpu.yield
      }) : () -> ()
      %scan3A_82 = arith.constant 0 : i32
      %scan3A_83 = arith.constant 4 : i32
      %scan3A_84 = arith.addi %scan3A_82, %scan3A_83 : i32
      %scan3A_85 = arith.constant 1 : i32
      scf.for %scan3A_95 = %scan3A_82 to %scan3A_84 step %scan3A_85  : i32 {
        %mul3A_96 = arith.constant 16 : i32
        %mul3A_97 = arith.muli %scan3A_95, %mul3A_96 : i32
        %add3A_98 = arith.constant 0 : i32
        %add3A_99 = arith.addi %add3A_98, %mul3A_97 : i32
        %get3A = arith.index_cast %add3A_99 : i32 to index
        %get3A_100 = tpu.vector_load %arg15[%get3A] {strides = array<i32>} : memref<128xi32, #tpu.memory_space<vmem>>, vector<16xi32>,
        %gather3A = tpu.vector_load_idx %arg11[%get3A_100] : memref<10240xi32, #tpu.memory_space<vmem>>[vector<16xi32>], vector<16xi32>,
        %swap3A = arith.index_cast %add3A_99 : i32 to index
        %swap3A_101 = tpu.vector_load %arg19[%swap3A] {strides = array<i32>} : memref<64xi32, #tpu.memory_space<vmem>>, vector<16xi32>,
        tpu.vector_store %arg19[%swap3A], %gather3A {strides = array<i32>} : memref<64xi32, #tpu.memory_space<vmem>>, vector<16xi32>,
        %add3A_102 = arith.constant 64 : i32
        %add3A_103 = arith.addi %add3A_102, %add3A_99 : i32
        %get3A_104 = arith.index_cast %add3A_103 : i32 to index
        %get3A_105 = tpu.vector_load %arg15[%get3A_104] {strides = array<i32>} : memref<128xi32, #tpu.memory_space<vmem>>, vector<16xi32>,
        %swap3A_106 = arith.index_cast %add3A_99 : i32 to index
        %swap3A_107 = tpu.vector_load %arg17[%swap3A_106] {strides = array<i32>} : memref<64xi32, #tpu.memory_space<vmem>>, vector<16xi32>,
        tpu.vector_store %arg17[%swap3A_106], %get3A_105 {strides = array<i32>} : memref<64xi32, #tpu.memory_space<vmem>>, vector<16xi32>,
        %broadcast_in_dim3A = arith.constant 1.000000e+00 : f32
        %broadcast_in_dim3A_108 = vector.broadcast %broadcast_in_dim3A : f32 to vector<16xf32>
        tpu.vector_store_idx %arg12[%get3A_105], %broadcast_in_dim3A_108 {add = true} : memref<10240xf32, #tpu.memory_space<vmem>>[vector<16xi32>], vector<16xf32>,
      }
      %scan3A_86 = arith.constant 4 : i32
      %dma_start3A_87 = arith.constant 0 : i32
      %dma_start3A_88 = arith.constant 0 : i32
      %dma_start3A_89 = tpu.memref_slice %arg2[%dma_start3A_87, %dma_start3A_88] : memref<20215x128xf32, #tpu.memory_space<hbm>> -> memref<20215x128xf32, #tpu.memory_space<hbm>>
      tpu.enqueue_indirect_dma source(%dma_start3A_89 : memref<20215x128xf32, #tpu.memory_space<hbm>>) target(%arg22 : memref<64x128xf32, #tpu.memory_space<vmem>>) offsets(%arg19 : memref<64xi32, #tpu.memory_space<vmem>>) semaphore(%arg24 : memref<!tpu.dma_semaphore, #tpu.memory_space<semaphore_mem>>)
      %dma_wait3A = arith.constant 0 : i32
      %dma_wait3A_90 = arith.constant 0 : i32
      %dma_wait3A_91 = tpu.memref_slice %arg2[%dma_wait3A, %dma_wait3A_90] : memref<20215x128xf32, #tpu.memory_space<hbm>> -> memref<20215x128xf32, #tpu.memory_space<hbm>>
      tpu.wait_indirect_dma semaphore(%arg23 : memref<!tpu.dma_semaphore, #tpu.memory_space<semaphore_mem>>) src(%dma_wait3A_91 : memref<20215x128xf32, #tpu.memory_space<hbm>>) dst(%arg21 : memref<64x128xf32, #tpu.memory_space<vmem>>)
      "tpu.region"() ({
        %run_scoped3A = tpu.sem_alloc : memref<!tpu.dma_semaphore, #tpu.memory_space<semaphore_mem>>
        %dma_start3A_95 = arith.constant 0 : i32
        %dma_start3A_96 = arith.constant 0 : i32
        %dma_start3A_97 = tpu.memref_slice %arg10[%dma_start3A_95, %dma_start3A_96] : memref<10240x128xf32, #tpu.memory_space<vmem_shared>> -> memref<10240x128xf32, #tpu.memory_space<vmem_shared>>
        tpu.enqueue_indirect_dma source(%arg21 : memref<64x128xf32, #tpu.memory_space<vmem>>) target(%dma_start3A_97 : memref<10240x128xf32, #tpu.memory_space<vmem_shared>>) offsets(%arg16 : memref<64xi32, #tpu.memory_space<vmem>>) semaphore(%run_scoped3A : memref<!tpu.dma_semaphore, #tpu.memory_space<semaphore_mem>>) {add = true}
        %dma_wait3A_98 = arith.constant 0 : i32
        %dma_wait3A_99 = arith.constant 0 : i32
        %dma_wait3A_100 = tpu.memref_slice %arg10[%dma_wait3A_98, %dma_wait3A_99] : memref<10240x128xf32, #tpu.memory_space<vmem_shared>> -> memref<10240x128xf32, #tpu.memory_space<vmem_shared>>
        tpu.wait_indirect_dma semaphore(%run_scoped3A : memref<!tpu.dma_semaphore, #tpu.memory_space<semaphore_mem>>) src(%arg21 : memref<64x128xf32, #tpu.memory_space<vmem>>) dst(%dma_wait3A_100 : memref<10240x128xf32, #tpu.memory_space<vmem_shared>>)
        tpu.yield
      }) : () -> ()
      %dma_wait3A_92 = arith.constant 0 : i32
      %dma_wait3A_93 = arith.constant 0 : i32
      %dma_wait3A_94 = tpu.memref_slice %arg2[%dma_wait3A_92, %dma_wait3A_93] : memref<20215x128xf32, #tpu.memory_space<hbm>> -> memref<20215x128xf32, #tpu.memory_space<hbm>>
      tpu.wait_indirect_dma semaphore(%arg24 : memref<!tpu.dma_semaphore, #tpu.memory_space<semaphore_mem>>) src(%dma_wait3A_94 : memref<20215x128xf32, #tpu.memory_space<hbm>>) dst(%arg22 : memref<64x128xf32, #tpu.memory_space<vmem>>)
      "tpu.region"() ({
        %run_scoped3A = tpu.sem_alloc : memref<!tpu.dma_semaphore, #tpu.memory_space<semaphore_mem>>
        %dma_start3A_95 = arith.constant 0 : i32
        %dma_start3A_96 = arith.constant 0 : i32
        %dma_start3A_97 = tpu.memref_slice %arg10[%dma_start3A_95, %dma_start3A_96] : memref<10240x128xf32, #tpu.memory_space<vmem_shared>> -> memref<10240x128xf32, #tpu.memory_space<vmem_shared>>
        tpu.enqueue_indirect_dma source(%arg22 : memref<64x128xf32, #tpu.memory_space<vmem>>) target(%dma_start3A_97 : memref<10240x128xf32, #tpu.memory_space<vmem_shared>>) offsets(%arg17 : memref<64xi32, #tpu.memory_space<vmem>>) semaphore(%run_scoped3A : memref<!tpu.dma_semaphore, #tpu.memory_space<semaphore_mem>>) {add = true}
        %dma_wait3A_98 = arith.constant 0 : i32
        %dma_wait3A_99 = arith.constant 0 : i32
        %dma_wait3A_100 = tpu.memref_slice %arg10[%dma_wait3A_98, %dma_wait3A_99] : memref<10240x128xf32, #tpu.memory_space<vmem_shared>> -> memref<10240x128xf32, #tpu.memory_space<vmem_shared>>
        tpu.wait_indirect_dma semaphore(%run_scoped3A : memref<!tpu.dma_semaphore, #tpu.memory_space<semaphore_mem>>) src(%arg22 : memref<64x128xf32, #tpu.memory_space<vmem>>) dst(%dma_wait3A_100 : memref<10240x128xf32, #tpu.memory_space<vmem_shared>>)
        tpu.yield
      }) : () -> ()
    }
    %while3A_57 = arith.constant 1 : i32
    scf.for %while3A_65 = %while3A_55 to %while3A_51 step %while3A_57  : i32 {
      %mul3A_66 = arith.muli %while3A_65, %while3A : i32
      %add3A_67 = arith.addi %while3A_48, %mul3A_66 : i32
      %mul3A_68 = arith.constant 128 : i32
      %mul3A_69 = arith.muli %add3A_67, %mul3A_68 : i32
      %add3A_70 = arith.addi %mul3A_41, %mul3A_69 : i32
      %multiple_of3A_71 = tpu.assume_multiple %add3A_70, 128 : i32
      "tpu.region"() ({
        %run_scoped3A = tpu.sem_alloc : memref<!tpu.dma_semaphore, #tpu.memory_space<semaphore_mem>>
        %dma_start3A_95 = tpu.memref_slice %arg4[%multiple_of3A_71] : memref<655360xi32, #tpu.memory_space<hbm>> -> memref<128xi32, #tpu.memory_space<hbm>>
        %dma_start3A_96 = tpu.memref_slice %arg4[%multiple_of3A_71] : memref<655360xi32, #tpu.memory_space<hbm>> -> memref<128xi32, #tpu.memory_space<hbm>>
        tpu.enqueue_dma source(%dma_start3A_96 : memref<128xi32, #tpu.memory_space<hbm>>) target(%arg14 : memref<128xi32, #tpu.memory_space<vmem>>) target_semaphore(%run_scoped3A : memref<!tpu.dma_semaphore, #tpu.memory_space<semaphore_mem>>)
        %dma_wait3A_97 = tpu.memref_slice %arg4[%multiple_of3A_71] : memref<655360xi32, #tpu.memory_space<hbm>> -> memref<128xi32, #tpu.memory_space<hbm>>
        %dma_wait3A_98 = tpu.memref_slice %arg4[%multiple_of3A_71] : memref<655360xi32, #tpu.memory_space<hbm>> -> memref<128xi32, #tpu.memory_space<hbm>>
        tpu.wait_dma2 semaphore(%run_scoped3A : memref<!tpu.dma_semaphore, #tpu.memory_space<semaphore_mem>>) src(%dma_wait3A_98 : memref<128xi32, #tpu.memory_space<hbm>>) dst(%arg14 : memref<128xi32, #tpu.memory_space<vmem>>)
        tpu.yield
      }) : () -> ()
      %scan3A_72 = arith.constant 0 : i32
      %scan3A_73 = arith.constant 4 : i32
      %scan3A_74 = arith.addi %scan3A_72, %scan3A_73 : i32
      %scan3A_75 = arith.constant 1 : i32
      scf.for %scan3A_95 = %scan3A_72 to %scan3A_74 step %scan3A_75  : i32 {
        %mul3A_96 = arith.constant 16 : i32
        %mul3A_97 = arith.muli %scan3A_95, %mul3A_96 : i32
        %add3A_98 = arith.constant 0 : i32
        %add3A_99 = arith.addi %add3A_98, %mul3A_97 : i32
        %get3A = arith.index_cast %add3A_99 : i32 to index
        %get3A_100 = tpu.vector_load %arg14[%get3A] {strides = array<i32>} : memref<128xi32, #tpu.memory_space<vmem>>, vector<16xi32>,
        %gather3A = tpu.vector_load_idx %arg11[%get3A_100] : memref<10240xi32, #tpu.memory_space<vmem>>[vector<16xi32>], vector<16xi32>,
        %swap3A = arith.index_cast %add3A_99 : i32 to index
        %swap3A_101 = tpu.vector_load %arg18[%swap3A] {strides = array<i32>} : memref<64xi32, #tpu.memory_space<vmem>>, vector<16xi32>,
        tpu.vector_store %arg18[%swap3A], %gather3A {strides = array<i32>} : memref<64xi32, #tpu.memory_space<vmem>>, vector<16xi32>,
        %add3A_102 = arith.constant 64 : i32
        %add3A_103 = arith.addi %add3A_102, %add3A_99 : i32
        %get3A_104 = arith.index_cast %add3A_103 : i32 to index
        %get3A_105 = tpu.vector_load %arg14[%get3A_104] {strides = array<i32>} : memref<128xi32, #tpu.memory_space<vmem>>, vector<16xi32>,
        %swap3A_106 = arith.index_cast %add3A_99 : i32 to index
        %swap3A_107 = tpu.vector_load %arg16[%swap3A_106] {strides = array<i32>} : memref<64xi32, #tpu.memory_space<vmem>>, vector<16xi32>,
        tpu.vector_store %arg16[%swap3A_106], %get3A_105 {strides = array<i32>} : memref<64xi32, #tpu.memory_space<vmem>>, vector<16xi32>,
        %broadcast_in_dim3A = arith.constant 1.000000e+00 : f32
        %broadcast_in_dim3A_108 = vector.broadcast %broadcast_in_dim3A : f32 to vector<16xf32>
        tpu.vector_store_idx %arg12[%get3A_105], %broadcast_in_dim3A_108 {add = true} : memref<10240xf32, #tpu.memory_space<vmem>>[vector<16xi32>], vector<16xf32>,
      }
      %scan3A_76 = arith.constant 4 : i32
      %dma_start3A = arith.constant 0 : i32
      %dma_start3A_77 = arith.constant 0 : i32
      %dma_start3A_78 = tpu.memref_slice %arg2[%dma_start3A, %dma_start3A_77] : memref<20215x128xf32, #tpu.memory_space<hbm>> -> memref<20215x128xf32, #tpu.memory_space<hbm>>
      tpu.enqueue_indirect_dma source(%dma_start3A_78 : memref<20215x128xf32, #tpu.memory_space<hbm>>) target(%arg21 : memref<64x128xf32, #tpu.memory_space<vmem>>) offsets(%arg18 : memref<64xi32, #tpu.memory_space<vmem>>) semaphore(%arg23 : memref<!tpu.dma_semaphore, #tpu.memory_space<semaphore_mem>>)
      %add3A_79 = arith.constant 128 : i32
      %add3A_80 = arith.addi %multiple_of3A_71, %add3A_79 : i32
      %multiple_of3A_81 = tpu.assume_multiple %add3A_80, 128 : i32
      "tpu.region"() ({
        %run_scoped3A = tpu.sem_alloc : memref<!tpu.dma_semaphore, #tpu.memory_space<semaphore_mem>>
        %dma_start3A_95 = tpu.memref_slice %arg4[%multiple_of3A_81] : memref<655360xi32, #tpu.memory_space<hbm>> -> memref<128xi32, #tpu.memory_space<hbm>>
        %dma_start3A_96 = tpu.memref_slice %arg4[%multiple_of3A_81] : memref<655360xi32, #tpu.memory_space<hbm>> -> memref<128xi32, #tpu.memory_space<hbm>>
        tpu.enqueue_dma source(%dma_start3A_96 : memref<128xi32, #tpu.memory_space<hbm>>) target(%arg15 : memref<128xi32, #tpu.memory_space<vmem>>) target_semaphore(%run_scoped3A : memref<!tpu.dma_semaphore, #tpu.memory_space<semaphore_mem>>)
        %dma_wait3A_97 = tpu.memref_slice %arg4[%multiple_of3A_81] : memref<655360xi32, #tpu.memory_space<hbm>> -> memref<128xi32, #tpu.memory_space<hbm>>
        %dma_wait3A_98 = tpu.memref_slice %arg4[%multiple_of3A_81] : memref<655360xi32, #tpu.memory_space<hbm>> -> memref<128xi32, #tpu.memory_space<hbm>>
        tpu.wait_dma2 semaphore(%run_scoped3A : memref<!tpu.dma_semaphore, #tpu.memory_space<semaphore_mem>>) src(%dma_wait3A_98 : memref<128xi32, #tpu.memory_space<hbm>>) dst(%arg15 : memref<128xi32, #tpu.memory_space<vmem>>)
        tpu.yield
      }) : () -> ()
      %scan3A_82 = arith.constant 0 : i32
      %scan3A_83 = arith.constant 4 : i32
      %scan3A_84 = arith.addi %scan3A_82, %scan3A_83 : i32
      %scan3A_85 = arith.constant 1 : i32
      scf.for %scan3A_95 = %scan3A_82 to %scan3A_84 step %scan3A_85  : i32 {
        %mul3A_96 = arith.constant 16 : i32
        %mul3A_97 = arith.muli %scan3A_95, %mul3A_96 : i32
        %add3A_98 = arith.constant 0 : i32
        %add3A_99 = arith.addi %add3A_98, %mul3A_97 : i32
        %get3A = arith.index_cast %add3A_99 : i32 to index
        %get3A_100 = tpu.vector_load %arg15[%get3A] {strides = array<i32>} : memref<128xi32, #tpu.memory_space<vmem>>, vector<16xi32>,
        %gather3A = tpu.vector_load_idx %arg11[%get3A_100] : memref<10240xi32, #tpu.memory_space<vmem>>[vector<16xi32>], vector<16xi32>,
        %swap3A = arith.index_cast %add3A_99 : i32 to index
        %swap3A_101 = tpu.vector_load %arg19[%swap3A] {strides = array<i32>} : memref<64xi32, #tpu.memory_space<vmem>>, vector<16xi32>,
        tpu.vector_store %arg19[%swap3A], %gather3A {strides = array<i32>} : memref<64xi32, #tpu.memory_space<vmem>>, vector<16xi32>,
        %add3A_102 = arith.constant 64 : i32
        %add3A_103 = arith.addi %add3A_102, %add3A_99 : i32
        %get3A_104 = arith.index_cast %add3A_103 : i32 to index
        %get3A_105 = tpu.vector_load %arg15[%get3A_104] {strides = array<i32>} : memref<128xi32, #tpu.memory_space<vmem>>, vector<16xi32>,
        %swap3A_106 = arith.index_cast %add3A_99 : i32 to index
        %swap3A_107 = tpu.vector_load %arg17[%swap3A_106] {strides = array<i32>} : memref<64xi32, #tpu.memory_space<vmem>>, vector<16xi32>,
        tpu.vector_store %arg17[%swap3A_106], %get3A_105 {strides = array<i32>} : memref<64xi32, #tpu.memory_space<vmem>>, vector<16xi32>,
        %broadcast_in_dim3A = arith.constant 1.000000e+00 : f32
        %broadcast_in_dim3A_108 = vector.broadcast %broadcast_in_dim3A : f32 to vector<16xf32>
        tpu.vector_store_idx %arg12[%get3A_105], %broadcast_in_dim3A_108 {add = true} : memref<10240xf32, #tpu.memory_space<vmem>>[vector<16xi32>], vector<16xf32>,
      }
      %scan3A_86 = arith.constant 4 : i32
      %dma_start3A_87 = arith.constant 0 : i32
      %dma_start3A_88 = arith.constant 0 : i32
      %dma_start3A_89 = tpu.memref_slice %arg2[%dma_start3A_87, %dma_start3A_88] : memref<20215x128xf32, #tpu.memory_space<hbm>> -> memref<20215x128xf32, #tpu.memory_space<hbm>>
      tpu.enqueue_indirect_dma source(%dma_start3A_89 : memref<20215x128xf32, #tpu.memory_space<hbm>>) target(%arg22 : memref<64x128xf32, #tpu.memory_space<vmem>>) offsets(%arg19 : memref<64xi32, #tpu.memory_space<vmem>>) semaphore(%arg24 : memref<!tpu.dma_semaphore, #tpu.memory_space<semaphore_mem>>)
      %dma_wait3A = arith.constant 0 : i32
      %dma_wait3A_90 = arith.constant 0 : i32
      %dma_wait3A_91 = tpu.memref_slice %arg2[%dma_wait3A, %dma_wait3A_90] : memref<20215x128xf32, #tpu.memory_space<hbm>> -> memref<20215x128xf32, #tpu.memory_space<hbm>>
      tpu.wait_indirect_dma semaphore(%arg23 : memref<!tpu.dma_semaphore, #tpu.memory_space<semaphore_mem>>) src(%dma_wait3A_91 : memref<20215x128xf32, #tpu.memory_space<hbm>>) dst(%arg21 : memref<64x128xf32, #tpu.memory_space<vmem>>)
      "tpu.region"() ({
        %run_scoped3A = tpu.sem_alloc : memref<!tpu.dma_semaphore, #tpu.memory_space<semaphore_mem>>
        %dma_start3A_95 = arith.constant 0 : i32
        %dma_start3A_96 = arith.constant 0 : i32
        %dma_start3A_97 = tpu.memref_slice %arg10[%dma_start3A_95, %dma_start3A_96] : memref<10240x128xf32, #tpu.memory_space<vmem_shared>> -> memref<10240x128xf32, #tpu.memory_space<vmem_shared>>
        tpu.enqueue_indirect_dma source(%arg21 : memref<64x128xf32, #tpu.memory_space<vmem>>) target(%dma_start3A_97 : memref<10240x128xf32, #tpu.memory_space<vmem_shared>>) offsets(%arg16 : memref<64xi32, #tpu.memory_space<vmem>>) semaphore(%run_scoped3A : memref<!tpu.dma_semaphore, #tpu.memory_space<semaphore_mem>>) {add = true}
        %dma_wait3A_98 = arith.constant 0 : i32
        %dma_wait3A_99 = arith.constant 0 : i32
        %dma_wait3A_100 = tpu.memref_slice %arg10[%dma_wait3A_98, %dma_wait3A_99] : memref<10240x128xf32, #tpu.memory_space<vmem_shared>> -> memref<10240x128xf32, #tpu.memory_space<vmem_shared>>
        tpu.wait_indirect_dma semaphore(%run_scoped3A : memref<!tpu.dma_semaphore, #tpu.memory_space<semaphore_mem>>) src(%arg21 : memref<64x128xf32, #tpu.memory_space<vmem>>) dst(%dma_wait3A_100 : memref<10240x128xf32, #tpu.memory_space<vmem_shared>>)
        tpu.yield
      }) : () -> ()
      %dma_wait3A_92 = arith.constant 0 : i32
      %dma_wait3A_93 = arith.constant 0 : i32
      %dma_wait3A_94 = tpu.memref_slice %arg2[%dma_wait3A_92, %dma_wait3A_93] : memref<20215x128xf32, #tpu.memory_space<hbm>> -> memref<20215x128xf32, #tpu.memory_space<hbm>>
      tpu.wait_indirect_dma semaphore(%arg24 : memref<!tpu.dma_semaphore, #tpu.memory_space<semaphore_mem>>) src(%dma_wait3A_94 : memref<20215x128xf32, #tpu.memory_space<hbm>>) dst(%arg22 : memref<64x128xf32, #tpu.memory_space<vmem>>)
      "tpu.region"() ({
        %run_scoped3A = tpu.sem_alloc : memref<!tpu.dma_semaphore, #tpu.memory_space<semaphore_mem>>
        %dma_start3A_95 = arith.constant 0 : i32
        %dma_start3A_96 = arith.constant 0 : i32
        %dma_start3A_97 = tpu.memref_slice %arg10[%dma_start3A_95, %dma_start3A_96] : memref<10240x128xf32, #tpu.memory_space<vmem_shared>> -> memref<10240x128xf32, #tpu.memory_space<vmem_shared>>
        tpu.enqueue_indirect_dma source(%arg22 : memref<64x128xf32, #tpu.memory_space<vmem>>) target(%dma_start3A_97 : memref<10240x128xf32, #tpu.memory_space<vmem_shared>>) offsets(%arg17 : memref<64xi32, #tpu.memory_space<vmem>>) semaphore(%run_scoped3A : memref<!tpu.dma_semaphore, #tpu.memory_space<semaphore_mem>>) {add = true}
        %dma_wait3A_98 = arith.constant 0 : i32
        %dma_wait3A_99 = arith.constant 0 : i32
        %dma_wait3A_100 = tpu.memref_slice %arg10[%dma_wait3A_98, %dma_wait3A_99] : memref<10240x128xf32, #tpu.memory_space<vmem_shared>> -> memref<10240x128xf32, #tpu.memory_space<vmem_shared>>
        tpu.wait_indirect_dma semaphore(%run_scoped3A : memref<!tpu.dma_semaphore, #tpu.memory_space<semaphore_mem>>) src(%arg22 : memref<64x128xf32, #tpu.memory_space<vmem>>) dst(%dma_wait3A_100 : memref<10240x128xf32, #tpu.memory_space<vmem_shared>>)
        tpu.yield
      }) : () -> ()
    }
    %barrier3A_58 = arith.constant 0 : index
    tpu.barrier barrier_id(%barrier3A_58)
    %mul3A_59 = arith.constant 10240 : i32
    %mul3A_60 = arith.muli %add3A, %mul3A_59 : i32
    %multiple_of3A_61 = tpu.assume_multiple %mul3A_60, 128 : i32
    "tpu.region"() ({
      %run_scoped3A = tpu.sem_alloc : memref<!tpu.dma_semaphore, #tpu.memory_space<semaphore_mem>>
      %dma_start3A = tpu.memref_slice %arg8[%multiple_of3A_61] : memref<327680xf32, #tpu.memory_space<hbm>> -> memref<10240xf32, #tpu.memory_space<hbm>>
      %dma_start3A_65 = tpu.memref_slice %arg8[%multiple_of3A_61] : memref<327680xf32, #tpu.memory_space<hbm>> -> memref<10240xf32, #tpu.memory_space<hbm>>
      tpu.enqueue_dma source(%arg12 : memref<10240xf32, #tpu.memory_space<vmem>>) target(%dma_start3A_65 : memref<10240xf32, #tpu.memory_space<hbm>>) target_semaphore(%run_scoped3A : memref<!tpu.dma_semaphore, #tpu.memory_space<semaphore_mem>>)
      %dma_wait3A = tpu.memref_slice %arg8[%multiple_of3A_61] : memref<327680xf32, #tpu.memory_space<hbm>> -> memref<10240xf32, #tpu.memory_space<hbm>>
      %dma_wait3A_66 = tpu.memref_slice %arg8[%multiple_of3A_61] : memref<327680xf32, #tpu.memory_space<hbm>> -> memref<10240xf32, #tpu.memory_space<hbm>>
      tpu.wait_dma2 semaphore(%run_scoped3A : memref<!tpu.dma_semaphore, #tpu.memory_space<semaphore_mem>>) src(%arg12 : memref<10240xf32, #tpu.memory_space<vmem>>) dst(%dma_wait3A_66 : memref<10240xf32, #tpu.memory_space<hbm>>)
      tpu.yield
    }) : () -> ()
    %mul3A_62 = arith.constant 640 : i32
    %mul3A_63 = arith.muli %add3A, %mul3A_62 : i32
    %multiple_of3A_64 = tpu.assume_multiple %mul3A_63, 128 : i32
    "tpu.region"() ({
      %run_scoped3A = tpu.sem_alloc : memref<!tpu.dma_semaphore, #tpu.memory_space<semaphore_mem>>
      %dma_start3A = tpu.memref_slice %arg9[%multiple_of3A_64] : memref<20480xf32, #tpu.memory_space<hbm>> -> memref<640xf32, #tpu.memory_space<hbm>>
      %dma_start3A_65 = tpu.memref_slice %arg9[%multiple_of3A_64] : memref<20480xf32, #tpu.memory_space<hbm>> -> memref<640xf32, #tpu.memory_space<hbm>>
      tpu.enqueue_dma source(%arg13 : memref<640xf32, #tpu.memory_space<vmem>>) target(%dma_start3A_65 : memref<640xf32, #tpu.memory_space<hbm>>) target_semaphore(%run_scoped3A : memref<!tpu.dma_semaphore, #tpu.memory_space<semaphore_mem>>)
      %dma_wait3A = tpu.memref_slice %arg9[%multiple_of3A_64] : memref<20480xf32, #tpu.memory_space<hbm>> -> memref<640xf32, #tpu.memory_space<hbm>>
      %dma_wait3A_66 = tpu.memref_slice %arg9[%multiple_of3A_64] : memref<20480xf32, #tpu.memory_space<hbm>> -> memref<640xf32, #tpu.memory_space<hbm>>
      tpu.wait_dma2 semaphore(%run_scoped3A : memref<!tpu.dma_semaphore, #tpu.memory_space<semaphore_mem>>) src(%arg13 : memref<640xf32, #tpu.memory_space<vmem>>) dst(%dma_wait3A_66 : memref<640xf32, #tpu.memory_space<hbm>>)
      tpu.yield
    }) : () -> ()
    "tpu.region"() ({
      %run_scoped3A = tpu.sem_alloc : memref<!tpu.dma_semaphore, #tpu.memory_space<semaphore_mem>>
      %dma_start3A = arith.constant 0 : i32
      %dma_start3A_65 = tpu.memref_slice %arg7[%arg0, %multiple_of3A, %dma_start3A] : memref<2x10240x128xf32, #tpu.memory_space<hbm>> -> memref<1x640x128xf32, #tpu.memory_space<hbm>>
      %dma_start3A_66 = tpu.memref_squeeze %dma_start3A_65 : memref<1x640x128xf32, #tpu.memory_space<hbm>> -> memref<640x128xf32, #tpu.memory_space<hbm>>
      %dma_start3A_67 = arith.constant 0 : i32
      %dma_start3A_68 = tpu.memref_slice %arg10[%multiple_of3A, %dma_start3A_67] : memref<10240x128xf32, #tpu.memory_space<vmem_shared>> -> memref<640x128xf32, #tpu.memory_space<vmem_shared>>
      tpu.enqueue_dma source(%dma_start3A_68 : memref<640x128xf32, #tpu.memory_space<vmem_shared>>) target(%dma_start3A_66 : memref<640x128xf32, #tpu.memory_space<hbm>>) target_semaphore(%run_scoped3A : memref<!tpu.dma_semaphore, #tpu.memory_space<semaphore_mem>>)
      %dma_wait3A = arith.constant 0 : i32
      %dma_wait3A_69 = tpu.memref_slice %arg7[%arg0, %multiple_of3A, %dma_wait3A] : memref<2x10240x128xf32, #tpu.memory_space<hbm>> -> memref<1x640x128xf32, #tpu.memory_space<hbm>>
      %dma_wait3A_70 = tpu.memref_squeeze %dma_wait3A_69 : memref<1x640x128xf32, #tpu.memory_space<hbm>> -> memref<640x128xf32, #tpu.memory_space<hbm>>
      %dma_wait3A_71 = arith.constant 0 : i32
      %dma_wait3A_72 = tpu.memref_slice %arg10[%multiple_of3A, %dma_wait3A_71] : memref<10240x128xf32, #tpu.memory_space<vmem_shared>> -> memref<640x128xf32, #tpu.memory_space<vmem_shared>>
      tpu.wait_dma2 semaphore(%run_scoped3A : memref<!tpu.dma_semaphore, #tpu.memory_space<semaphore_mem>>) src(%dma_wait3A_72 : memref<640x128xf32, #tpu.memory_space<vmem_shared>>) dst(%dma_wait3A_70 : memref<640x128xf32, #tpu.memory_space<hbm>>)
      tpu.yield
    }) : () -> ()
    return
  }
}

#map = affine_map<(d0, d1) -> (0, 0)>
#map1 = affine_map<(d0, d1) -> (0)>
module attributes {stable_mosaic.version = 14 : i64} {
  func.func @_pool_kernel(%arg0: i32, %arg1: i32, %arg2: memref<10240x128xf32, #tpu.memory_space<hbm>>, %arg3: memref<10240xi32, #tpu.memory_space<hbm>>, %arg4: memref<20480xf32, #tpu.memory_space<hbm>>, %arg5: memref<256xf32, #tpu.memory_space<hbm>>, %arg6: memref<16xf32, #tpu.memory_space<hbm>>, %arg7: memref<512xf32, #tpu.memory_space<hbm>>, %arg8: memref<20480xf32, #tpu.memory_space<vmem>>, %arg9: memref<656xf32, #tpu.memory_space<vmem>>, %arg10: memref<10240xi32, #tpu.memory_space<vmem>>, %arg11: memref<64x128xf32, #tpu.memory_space<vmem>>, %arg12: memref<16x128xf32, #tpu.memory_space<vmem>>, %arg13: memref<16x128xf32, #tpu.memory_space<vmem>>, %arg14: memref<256xf32, #tpu.memory_space<vmem>>, %arg15: memref<16xf32, #tpu.memory_space<vmem>>, %arg16: memref<16xf32, #tpu.memory_space<vmem>>, %arg17: memref<!tpu.dma_semaphore, #tpu.memory_space<semaphore_mem>>) attributes {dimension_semantics = [#tpu.dimension_semantics<core_parallel>, #tpu.dimension_semantics<subcore_parallel>], iteration_bounds = array<i64: 2, 16>, scalar_prefetch = 0 : i64, scratch_operands = 10 : i64, tpu.core_type = #tpu.core_type<sc_vector_subcore>, window_params = [{transform_indices = #map}, {transform_indices = #map1}, {transform_indices = #map1}, {transform_indices = #map1}, {transform_indices = #map1}, {transform_indices = #map1}]} {
    %mul3A = arith.constant 16 : i32
    %mul3A_0 = arith.muli %arg0, %mul3A : i32
    %add3A = arith.addi %mul3A_0, %arg1 : i32
    %mul3A_1 = arith.constant 16 : i32
    %mul3A_2 = arith.muli %add3A, %mul3A_1 : i32
    "tpu.region"() ({
      %run_scoped3A = tpu.sem_alloc : memref<!tpu.dma_semaphore, #tpu.memory_space<semaphore_mem>>
      tpu.enqueue_dma source(%arg4 : memref<20480xf32, #tpu.memory_space<hbm>>) target(%arg8 : memref<20480xf32, #tpu.memory_space<vmem>>) target_semaphore(%run_scoped3A : memref<!tpu.dma_semaphore, #tpu.memory_space<semaphore_mem>>)
      tpu.wait_dma2 semaphore(%run_scoped3A : memref<!tpu.dma_semaphore, #tpu.memory_space<semaphore_mem>>) src(%arg4 : memref<20480xf32, #tpu.memory_space<hbm>>) dst(%arg8 : memref<20480xf32, #tpu.memory_space<vmem>>)
      tpu.yield
    }) : () -> ()
    %scan3A = arith.constant 0 : i32
    %scan3A_3 = arith.constant 40 : i32
    %scan3A_4 = arith.addi %scan3A, %scan3A_3 : i32
    %scan3A_5 = arith.constant 1 : i32
    scf.for %scan3A_2732 = %scan3A to %scan3A_4 step %scan3A_5  : i32 {
      %mul3A_2733 = arith.constant 16 : i32
      %mul3A_2734 = arith.muli %scan3A_2732, %mul3A_2733 : i32
      %add3A_2735 = arith.constant 0 : i32
      %add3A_2736 = arith.addi %add3A_2735, %mul3A_2734 : i32
      %broadcast_in_dim3A_2737 = arith.constant 0.000000e+00 : f32
      %broadcast_in_dim3A_2738 = vector.broadcast %broadcast_in_dim3A_2737 : f32 to vector<16xf32>
      %add3A_2739 = arith.constant 0 : i32
      %add3A_2740 = arith.addi %add3A_2739, %add3A_2736 : i32
      %get3A_2741 = arith.index_cast %add3A_2740 : i32 to index
      %get3A_2742 = tpu.vector_load %arg8[%get3A_2741] {strides = array<i32>} : memref<20480xf32, #tpu.memory_space<vmem>>, vector<16xf32>,
      %add3A_2743 = arith.addf %broadcast_in_dim3A_2738, %get3A_2742 : vector<16xf32>
      %add3A_2744 = arith.constant 640 : i32
      %add3A_2745 = arith.addi %add3A_2744, %add3A_2736 : i32
      %get3A_2746 = arith.index_cast %add3A_2745 : i32 to index
      %get3A_2747 = tpu.vector_load %arg8[%get3A_2746] {strides = array<i32>} : memref<20480xf32, #tpu.memory_space<vmem>>, vector<16xf32>,
      %add3A_2748 = arith.addf %add3A_2743, %get3A_2747 : vector<16xf32>
      %add3A_2749 = arith.constant 1280 : i32
      %add3A_2750 = arith.addi %add3A_2749, %add3A_2736 : i32
      %get3A_2751 = arith.index_cast %add3A_2750 : i32 to index
      %get3A_2752 = tpu.vector_load %arg8[%get3A_2751] {strides = array<i32>} : memref<20480xf32, #tpu.memory_space<vmem>>, vector<16xf32>,
      %add3A_2753 = arith.addf %add3A_2748, %get3A_2752 : vector<16xf32>
      %add3A_2754 = arith.constant 1920 : i32
      %add3A_2755 = arith.addi %add3A_2754, %add3A_2736 : i32
      %get3A_2756 = arith.index_cast %add3A_2755 : i32 to index
      %get3A_2757 = tpu.vector_load %arg8[%get3A_2756] {strides = array<i32>} : memref<20480xf32, #tpu.memory_space<vmem>>, vector<16xf32>,
      %add3A_2758 = arith.addf %add3A_2753, %get3A_2757 : vector<16xf32>
      %add3A_2759 = arith.constant 2560 : i32
      %add3A_2760 = arith.addi %add3A_2759, %add3A_2736 : i32
      %get3A_2761 = arith.index_cast %add3A_2760 : i32 to index
      %get3A_2762 = tpu.vector_load %arg8[%get3A_2761] {strides = array<i32>} : memref<20480xf32, #tpu.memory_space<vmem>>, vector<16xf32>,
      %add3A_2763 = arith.addf %add3A_2758, %get3A_2762 : vector<16xf32>
      %add3A_2764 = arith.constant 3200 : i32
      %add3A_2765 = arith.addi %add3A_2764, %add3A_2736 : i32
      %get3A_2766 = arith.index_cast %add3A_2765 : i32 to index
      %get3A_2767 = tpu.vector_load %arg8[%get3A_2766] {strides = array<i32>} : memref<20480xf32, #tpu.memory_space<vmem>>, vector<16xf32>,
      %add3A_2768 = arith.addf %add3A_2763, %get3A_2767 : vector<16xf32>
      %add3A_2769 = arith.constant 3840 : i32
      %add3A_2770 = arith.addi %add3A_2769, %add3A_2736 : i32
      %get3A_2771 = arith.index_cast %add3A_2770 : i32 to index
      %get3A_2772 = tpu.vector_load %arg8[%get3A_2771] {strides = array<i32>} : memref<20480xf32, #tpu.memory_space<vmem>>, vector<16xf32>,
      %add3A_2773 = arith.addf %add3A_2768, %get3A_2772 : vector<16xf32>
      %add3A_2774 = arith.constant 4480 : i32
      %add3A_2775 = arith.addi %add3A_2774, %add3A_2736 : i32
      %get3A_2776 = arith.index_cast %add3A_2775 : i32 to index
      %get3A_2777 = tpu.vector_load %arg8[%get3A_2776] {strides = array<i32>} : memref<20480xf32, #tpu.memory_space<vmem>>, vector<16xf32>,
      %add3A_2778 = arith.addf %add3A_2773, %get3A_2777 : vector<16xf32>
      %add3A_2779 = arith.constant 5120 : i32
      %add3A_2780 = arith.addi %add3A_2779, %add3A_2736 : i32
      %get3A_2781 = arith.index_cast %add3A_2780 : i32 to index
      %get3A_2782 = tpu.vector_load %arg8[%get3A_2781] {strides = array<i32>} : memref<20480xf32, #tpu.memory_space<vmem>>, vector<16xf32>,
      %add3A_2783 = arith.addf %add3A_2778, %get3A_2782 : vector<16xf32>
      %add3A_2784 = arith.constant 5760 : i32
      %add3A_2785 = arith.addi %add3A_2784, %add3A_2736 : i32
      %get3A_2786 = arith.index_cast %add3A_2785 : i32 to index
      %get3A_2787 = tpu.vector_load %arg8[%get3A_2786] {strides = array<i32>} : memref<20480xf32, #tpu.memory_space<vmem>>, vector<16xf32>,
      %add3A_2788 = arith.addf %add3A_2783, %get3A_2787 : vector<16xf32>
      %add3A_2789 = arith.constant 6400 : i32
      %add3A_2790 = arith.addi %add3A_2789, %add3A_2736 : i32
      %get3A_2791 = arith.index_cast %add3A_2790 : i32 to index
      %get3A_2792 = tpu.vector_load %arg8[%get3A_2791] {strides = array<i32>} : memref<20480xf32, #tpu.memory_space<vmem>>, vector<16xf32>,
      %add3A_2793 = arith.addf %add3A_2788, %get3A_2792 : vector<16xf32>
      %add3A_2794 = arith.constant 7040 : i32
      %add3A_2795 = arith.addi %add3A_2794, %add3A_2736 : i32
      %get3A_2796 = arith.index_cast %add3A_2795 : i32 to index
      %get3A_2797 = tpu.vector_load %arg8[%get3A_2796] {strides = array<i32>} : memref<20480xf32, #tpu.memory_space<vmem>>, vector<16xf32>,
      %add3A_2798 = arith.addf %add3A_2793, %get3A_2797 : vector<16xf32>
      %add3A_2799 = arith.constant 7680 : i32
      %add3A_2800 = arith.addi %add3A_2799, %add3A_2736 : i32
      %get3A_2801 = arith.index_cast %add3A_2800 : i32 to index
      %get3A_2802 = tpu.vector_load %arg8[%get3A_2801] {strides = array<i32>} : memref<20480xf32, #tpu.memory_space<vmem>>, vector<16xf32>,
      %add3A_2803 = arith.addf %add3A_2798, %get3A_2802 : vector<16xf32>
      %add3A_2804 = arith.constant 8320 : i32
      %add3A_2805 = arith.addi %add3A_2804, %add3A_2736 : i32
      %get3A_2806 = arith.index_cast %add3A_2805 : i32 to index
      %get3A_2807 = tpu.vector_load %arg8[%get3A_2806] {strides = array<i32>} : memref<20480xf32, #tpu.memory_space<vmem>>, vector<16xf32>,
      %add3A_2808 = arith.addf %add3A_2803, %get3A_2807 : vector<16xf32>
      %add3A_2809 = arith.constant 8960 : i32
      %add3A_2810 = arith.addi %add3A_2809, %add3A_2736 : i32
      %get3A_2811 = arith.index_cast %add3A_2810 : i32 to index
      %get3A_2812 = tpu.vector_load %arg8[%get3A_2811] {strides = array<i32>} : memref<20480xf32, #tpu.memory_space<vmem>>, vector<16xf32>,
      %add3A_2813 = arith.addf %add3A_2808, %get3A_2812 : vector<16xf32>
      %add3A_2814 = arith.constant 9600 : i32
      %add3A_2815 = arith.addi %add3A_2814, %add3A_2736 : i32
      %get3A_2816 = arith.index_cast %add3A_2815 : i32 to index
      %get3A_2817 = tpu.vector_load %arg8[%get3A_2816] {strides = array<i32>} : memref<20480xf32, #tpu.memory_space<vmem>>, vector<16xf32>,
      %add3A_2818 = arith.addf %add3A_2813, %get3A_2817 : vector<16xf32>
      %add3A_2819 = arith.constant 10240 : i32
      %add3A_2820 = arith.addi %add3A_2819, %add3A_2736 : i32
      %get3A_2821 = arith.index_cast %add3A_2820 : i32 to index
      %get3A_2822 = tpu.vector_load %arg8[%get3A_2821] {strides = array<i32>} : memref<20480xf32, #tpu.memory_space<vmem>>, vector<16xf32>,
      %add3A_2823 = arith.addf %add3A_2818, %get3A_2822 : vector<16xf32>
      %add3A_2824 = arith.constant 10880 : i32
      %add3A_2825 = arith.addi %add3A_2824, %add3A_2736 : i32
      %get3A_2826 = arith.index_cast %add3A_2825 : i32 to index
      %get3A_2827 = tpu.vector_load %arg8[%get3A_2826] {strides = array<i32>} : memref<20480xf32, #tpu.memory_space<vmem>>, vector<16xf32>,
      %add3A_2828 = arith.addf %add3A_2823, %get3A_2827 : vector<16xf32>
      %add3A_2829 = arith.constant 11520 : i32
      %add3A_2830 = arith.addi %add3A_2829, %add3A_2736 : i32
      %get3A_2831 = arith.index_cast %add3A_2830 : i32 to index
      %get3A_2832 = tpu.vector_load %arg8[%get3A_2831] {strides = array<i32>} : memref<20480xf32, #tpu.memory_space<vmem>>, vector<16xf32>,
      %add3A_2833 = arith.addf %add3A_2828, %get3A_2832 : vector<16xf32>
      %add3A_2834 = arith.constant 12160 : i32
      %add3A_2835 = arith.addi %add3A_2834, %add3A_2736 : i32
      %get3A_2836 = arith.index_cast %add3A_2835 : i32 to index
      %get3A_2837 = tpu.vector_load %arg8[%get3A_2836] {strides = array<i32>} : memref<20480xf32, #tpu.memory_space<vmem>>, vector<16xf32>,
      %add3A_2838 = arith.addf %add3A_2833, %get3A_2837 : vector<16xf32>
      %add3A_2839 = arith.constant 12800 : i32
      %add3A_2840 = arith.addi %add3A_2839, %add3A_2736 : i32
      %get3A_2841 = arith.index_cast %add3A_2840 : i32 to index
      %get3A_2842 = tpu.vector_load %arg8[%get3A_2841] {strides = array<i32>} : memref<20480xf32, #tpu.memory_space<vmem>>, vector<16xf32>,
      %add3A_2843 = arith.addf %add3A_2838, %get3A_2842 : vector<16xf32>
      %add3A_2844 = arith.constant 13440 : i32
      %add3A_2845 = arith.addi %add3A_2844, %add3A_2736 : i32
      %get3A_2846 = arith.index_cast %add3A_2845 : i32 to index
      %get3A_2847 = tpu.vector_load %arg8[%get3A_2846] {strides = array<i32>} : memref<20480xf32, #tpu.memory_space<vmem>>, vector<16xf32>,
      %add3A_2848 = arith.addf %add3A_2843, %get3A_2847 : vector<16xf32>
      %add3A_2849 = arith.constant 14080 : i32
      %add3A_2850 = arith.addi %add3A_2849, %add3A_2736 : i32
      %get3A_2851 = arith.index_cast %add3A_2850 : i32 to index
      %get3A_2852 = tpu.vector_load %arg8[%get3A_2851] {strides = array<i32>} : memref<20480xf32, #tpu.memory_space<vmem>>, vector<16xf32>,
      %add3A_2853 = arith.addf %add3A_2848, %get3A_2852 : vector<16xf32>
      %add3A_2854 = arith.constant 14720 : i32
      %add3A_2855 = arith.addi %add3A_2854, %add3A_2736 : i32
      %get3A_2856 = arith.index_cast %add3A_2855 : i32 to index
      %get3A_2857 = tpu.vector_load %arg8[%get3A_2856] {strides = array<i32>} : memref<20480xf32, #tpu.memory_space<vmem>>, vector<16xf32>,
      %add3A_2858 = arith.addf %add3A_2853, %get3A_2857 : vector<16xf32>
      %add3A_2859 = arith.constant 15360 : i32
      %add3A_2860 = arith.addi %add3A_2859, %add3A_2736 : i32
      %get3A_2861 = arith.index_cast %add3A_2860 : i32 to index
      %get3A_2862 = tpu.vector_load %arg8[%get3A_2861] {strides = array<i32>} : memref<20480xf32, #tpu.memory_space<vmem>>, vector<16xf32>,
      %add3A_2863 = arith.addf %add3A_2858, %get3A_2862 : vector<16xf32>
      %add3A_2864 = arith.constant 16000 : i32
      %add3A_2865 = arith.addi %add3A_2864, %add3A_2736 : i32
      %get3A_2866 = arith.index_cast %add3A_2865 : i32 to index
      %get3A_2867 = tpu.vector_load %arg8[%get3A_2866] {strides = array<i32>} : memref<20480xf32, #tpu.memory_space<vmem>>, vector<16xf32>,
      %add3A_2868 = arith.addf %add3A_2863, %get3A_2867 : vector<16xf32>
      %add3A_2869 = arith.constant 16640 : i32
      %add3A_2870 = arith.addi %add3A_2869, %add3A_2736 : i32
      %get3A_2871 = arith.index_cast %add3A_2870 : i32 to index
      %get3A_2872 = tpu.vector_load %arg8[%get3A_2871] {strides = array<i32>} : memref<20480xf32, #tpu.memory_space<vmem>>, vector<16xf32>,
      %add3A_2873 = arith.addf %add3A_2868, %get3A_2872 : vector<16xf32>
      %add3A_2874 = arith.constant 17280 : i32
      %add3A_2875 = arith.addi %add3A_2874, %add3A_2736 : i32
      %get3A_2876 = arith.index_cast %add3A_2875 : i32 to index
      %get3A_2877 = tpu.vector_load %arg8[%get3A_2876] {strides = array<i32>} : memref<20480xf32, #tpu.memory_space<vmem>>, vector<16xf32>,
      %add3A_2878 = arith.addf %add3A_2873, %get3A_2877 : vector<16xf32>
      %add3A_2879 = arith.constant 17920 : i32
      %add3A_2880 = arith.addi %add3A_2879, %add3A_2736 : i32
      %get3A_2881 = arith.index_cast %add3A_2880 : i32 to index
      %get3A_2882 = tpu.vector_load %arg8[%get3A_2881] {strides = array<i32>} : memref<20480xf32, #tpu.memory_space<vmem>>, vector<16xf32>,
      %add3A_2883 = arith.addf %add3A_2878, %get3A_2882 : vector<16xf32>
      %add3A_2884 = arith.constant 18560 : i32
      %add3A_2885 = arith.addi %add3A_2884, %add3A_2736 : i32
      %get3A_2886 = arith.index_cast %add3A_2885 : i32 to index
      %get3A_2887 = tpu.vector_load %arg8[%get3A_2886] {strides = array<i32>} : memref<20480xf32, #tpu.memory_space<vmem>>, vector<16xf32>,
      %add3A_2888 = arith.addf %add3A_2883, %get3A_2887 : vector<16xf32>
      %add3A_2889 = arith.constant 19200 : i32
      %add3A_2890 = arith.addi %add3A_2889, %add3A_2736 : i32
      %get3A_2891 = arith.index_cast %add3A_2890 : i32 to index
      %get3A_2892 = tpu.vector_load %arg8[%get3A_2891] {strides = array<i32>} : memref<20480xf32, #tpu.memory_space<vmem>>, vector<16xf32>,
      %add3A_2893 = arith.addf %add3A_2888, %get3A_2892 : vector<16xf32>
      %add3A_2894 = arith.constant 19840 : i32
      %add3A_2895 = arith.addi %add3A_2894, %add3A_2736 : i32
      %get3A_2896 = arith.index_cast %add3A_2895 : i32 to index
      %get3A_2897 = tpu.vector_load %arg8[%get3A_2896] {strides = array<i32>} : memref<20480xf32, #tpu.memory_space<vmem>>, vector<16xf32>,
      %add3A_2898 = arith.addf %add3A_2893, %get3A_2897 : vector<16xf32>
      %swap3A_2899 = arith.index_cast %add3A_2736 : i32 to index
      %swap3A_2900 = tpu.vector_load %arg9[%swap3A_2899] {strides = array<i32>} : memref<656xf32, #tpu.memory_space<vmem>>, vector<16xf32>,
      tpu.vector_store %arg9[%swap3A_2899], %add3A_2898 {strides = array<i32>} : memref<656xf32, #tpu.memory_space<vmem>>, vector<16xf32>,
    }
    %scan3A_6 = arith.constant 40 : i32
    %broadcast_in_dim3A = arith.constant 0.000000e+00 : f32
    %broadcast_in_dim3A_7 = vector.broadcast %broadcast_in_dim3A : f32 to vector<16xf32>
    %swap3A = arith.constant 640 : index
    %swap3A_8 = tpu.vector_load %arg9[%swap3A] {strides = array<i32>} : memref<656xf32, #tpu.memory_space<vmem>>, vector<16xf32>,
    tpu.vector_store %arg9[%swap3A], %broadcast_in_dim3A_7 {strides = array<i32>} : memref<656xf32, #tpu.memory_space<vmem>>, vector<16xf32>,
    "tpu.region"() ({
      %run_scoped3A = tpu.sem_alloc : memref<!tpu.dma_semaphore, #tpu.memory_space<semaphore_mem>>
      tpu.enqueue_dma source(%arg3 : memref<10240xi32, #tpu.memory_space<hbm>>) target(%arg10 : memref<10240xi32, #tpu.memory_space<vmem>>) target_semaphore(%run_scoped3A : memref<!tpu.dma_semaphore, #tpu.memory_space<semaphore_mem>>)
      tpu.wait_dma2 semaphore(%run_scoped3A : memref<!tpu.dma_semaphore, #tpu.memory_space<semaphore_mem>>) src(%arg3 : memref<10240xi32, #tpu.memory_space<hbm>>) dst(%arg10 : memref<10240xi32, #tpu.memory_space<vmem>>)
      tpu.yield
    }) : () -> ()
    "tpu.region"() ({
      %run_scoped3A = tpu.sem_alloc : memref<!tpu.dma_semaphore, #tpu.memory_space<semaphore_mem>>
      tpu.enqueue_dma source(%arg5 : memref<256xf32, #tpu.memory_space<hbm>>) target(%arg14 : memref<256xf32, #tpu.memory_space<vmem>>) target_semaphore(%run_scoped3A : memref<!tpu.dma_semaphore, #tpu.memory_space<semaphore_mem>>)
      tpu.wait_dma2 semaphore(%run_scoped3A : memref<!tpu.dma_semaphore, #tpu.memory_space<semaphore_mem>>) src(%arg5 : memref<256xf32, #tpu.memory_space<hbm>>) dst(%arg14 : memref<256xf32, #tpu.memory_space<vmem>>)
      tpu.yield
    }) : () -> ()
    "tpu.region"() ({
      %run_scoped3A = tpu.sem_alloc : memref<!tpu.dma_semaphore, #tpu.memory_space<semaphore_mem>>
      tpu.enqueue_dma source(%arg6 : memref<16xf32, #tpu.memory_space<hbm>>) target(%arg15 : memref<16xf32, #tpu.memory_space<vmem>>) target_semaphore(%run_scoped3A : memref<!tpu.dma_semaphore, #tpu.memory_space<semaphore_mem>>)
      tpu.wait_dma2 semaphore(%run_scoped3A : memref<!tpu.dma_semaphore, #tpu.memory_space<semaphore_mem>>) src(%arg6 : memref<16xf32, #tpu.memory_space<hbm>>) dst(%arg15 : memref<16xf32, #tpu.memory_space<vmem>>)
      tpu.yield
    }) : () -> ()
    %scan3A_9 = arith.constant 0 : i32
    %scan3A_10 = arith.constant 16 : i32
    %scan3A_11 = arith.addi %scan3A_9, %scan3A_10 : i32
    %scan3A_12 = arith.constant 1 : i32
    scf.for %scan3A_2732 = %scan3A_9 to %scan3A_11 step %scan3A_12  : i32 {
      %mul3A_2733 = arith.constant 1 : i32
      %mul3A_2734 = arith.muli %scan3A_2732, %mul3A_2733 : i32
      %add3A_2735 = arith.constant 0 : i32
      %add3A_2736 = arith.addi %add3A_2735, %mul3A_2734 : i32
      %scan3A_2737 = arith.constant 0 : i32
      %scan3A_2738 = arith.constant 8 : i32
      %scan3A_2739 = arith.addi %scan3A_2737, %scan3A_2738 : i32
      %scan3A_2740 = arith.constant 1 : i32
      scf.for %scan3A_2742 = %scan3A_2737 to %scan3A_2739 step %scan3A_2740  : i32 {
        %mul3A_2743 = arith.constant 16 : i32
        %mul3A_2744 = arith.muli %scan3A_2742, %mul3A_2743 : i32
        %add3A_2745 = arith.constant 0 : i32
        %add3A_2746 = arith.addi %add3A_2745, %mul3A_2744 : i32
        %broadcast_in_dim3A_2747 = arith.constant 0.000000e+00 : f32
        %broadcast_in_dim3A_2748 = vector.broadcast %broadcast_in_dim3A_2747 : f32 to vector<16xf32>
        %swap3A_2749 = arith.index_cast %add3A_2736 : i32 to index
        %swap3A_2750 = arith.index_cast %add3A_2746 : i32 to index
        %swap3A_2751 = tpu.vector_load %arg12[%swap3A_2749, %swap3A_2750] {strides = array<i32>} : memref<16x128xf32, #tpu.memory_space<vmem>>, vector<16xf32>,
        tpu.vector_store %arg12[%swap3A_2749, %swap3A_2750], %broadcast_in_dim3A_2748 {strides = array<i32>} : memref<16x128xf32, #tpu.memory_space<vmem>>, vector<16xf32>,
        %broadcast_in_dim3A_2752 = arith.constant 0.000000e+00 : f32
        %broadcast_in_dim3A_2753 = vector.broadcast %broadcast_in_dim3A_2752 : f32 to vector<16xf32>
        %swap3A_2754 = arith.index_cast %add3A_2736 : i32 to index
        %swap3A_2755 = arith.index_cast %add3A_2746 : i32 to index
        %swap3A_2756 = tpu.vector_load %arg13[%swap3A_2754, %swap3A_2755] {strides = array<i32>} : memref<16x128xf32, #tpu.memory_space<vmem>>, vector<16xf32>,
        tpu.vector_store %arg13[%swap3A_2754, %swap3A_2755], %broadcast_in_dim3A_2753 {strides = array<i32>} : memref<16x128xf32, #tpu.memory_space<vmem>>, vector<16xf32>,
      }
      %scan3A_2741 = arith.constant 8 : i32
    }
    %scan3A_13 = arith.constant 16 : i32
    %while3A = arith.constant 0 : i32
    %while3A_14 = arith.constant 0.000000e+00 : f32
    %while3A_15 = arith.subi %mul3A_2, %while3A : i32
    %while3A_16 = arith.addi %while3A, %while3A_15 : i32
    %while3A_17 = arith.constant 1 : i32
    %while3A_18 = arith.divsi %while3A_15, %while3A_17 : i32
    %while3A_19 = arith.muli %while3A_18, %while3A_17 : i32
    %while3A_20 = arith.addi %while3A, %while3A_19 : i32
    %while3A_21 = arith.constant 1 : i32
    %while3A_22 = scf.for %while3A_2732 = %while3A to %while3A_20 step %while3A_21 iter_args(%while3A_2733 = %while3A_14) -> (f32)  : i32 {
      %get3A_2734 = arith.index_cast %while3A_2732 : i32 to index
      %get3A_2735 = tpu.vector_load %arg9[%get3A_2734] {strides = array<i32>} : memref<656xf32, #tpu.memory_space<vmem>>, vector<16xf32>,
      %slice3A_2736 = vector.extract_strided_slice %get3A_2735 {offsets = [0], sizes = [1], strides = [1]} : vector<16xf32> to vector<1xf32>
      %squeeze3A_2737 = vector.extract %slice3A_2736[0] : f32 from vector<1xf32>
      %add3A_2738 = arith.addf %while3A_2733, %squeeze3A_2737 : f32
      scf.yield %add3A_2738 : f32
    }
    %while3A_23 = arith.constant 1 : i32
    %while3A_24 = scf.for %while3A_2732 = %while3A_20 to %while3A_16 step %while3A_23 iter_args(%while3A_2733 = %while3A_22) -> (f32)  : i32 {
      %get3A_2734 = arith.index_cast %while3A_2732 : i32 to index
      %get3A_2735 = tpu.vector_load %arg9[%get3A_2734] {strides = array<i32>} : memref<656xf32, #tpu.memory_space<vmem>>, vector<16xf32>,
      %slice3A_2736 = vector.extract_strided_slice %get3A_2735 {offsets = [0], sizes = [1], strides = [1]} : vector<16xf32> to vector<1xf32>
      %squeeze3A_2737 = vector.extract %slice3A_2736[0] : f32 from vector<1xf32>
      %add3A_2738 = arith.addf %while3A_2733, %squeeze3A_2737 : f32
      scf.yield %add3A_2738 : f32
    }
    %add3A_25 = arith.constant 0 : i32
    %add3A_26 = arith.addi %mul3A_2, %add3A_25 : i32
    %get3A = arith.index_cast %add3A_26 : i32 to index
    %get3A_27 = tpu.vector_load %arg9[%get3A] {strides = array<i32>} : memref<656xf32, #tpu.memory_space<vmem>>, vector<16xf32>,
    %slice3A = vector.extract_strided_slice %get3A_27 {offsets = [0], sizes = [1], strides = [1]} : vector<16xf32> to vector<1xf32>
    %squeeze3A = vector.extract %slice3A[0] : f32 from vector<1xf32>
    %add3A_28 = arith.constant 1 : i32
    %add3A_29 = arith.addi %mul3A_2, %add3A_28 : i32
    %get3A_30 = arith.index_cast %add3A_29 : i32 to index
    %get3A_31 = tpu.vector_load %arg9[%get3A_30] {strides = array<i32>} : memref<656xf32, #tpu.memory_space<vmem>>, vector<16xf32>,
    %slice3A_32 = vector.extract_strided_slice %get3A_31 {offsets = [0], sizes = [1], strides = [1]} : vector<16xf32> to vector<1xf32>
    %squeeze3A_33 = vector.extract %slice3A_32[0] : f32 from vector<1xf32>
    %add3A_34 = arith.constant 2 : i32
    %add3A_35 = arith.addi %mul3A_2, %add3A_34 : i32
    %get3A_36 = arith.index_cast %add3A_35 : i32 to index
    %get3A_37 = tpu.vector_load %arg9[%get3A_36] {strides = array<i32>} : memref<656xf32, #tpu.memory_space<vmem>>, vector<16xf32>,
    %slice3A_38 = vector.extract_strided_slice %get3A_37 {offsets = [0], sizes = [1], strides = [1]} : vector<16xf32> to vector<1xf32>
    %squeeze3A_39 = vector.extract %slice3A_38[0] : f32 from vector<1xf32>
    %add3A_40 = arith.constant 3 : i32
    %add3A_41 = arith.addi %mul3A_2, %add3A_40 : i32
    %get3A_42 = arith.index_cast %add3A_41 : i32 to index
    %get3A_43 = tpu.vector_load %arg9[%get3A_42] {strides = array<i32>} : memref<656xf32, #tpu.memory_space<vmem>>, vector<16xf32>,
    %slice3A_44 = vector.extract_strided_slice %get3A_43 {offsets = [0], sizes = [1], strides = [1]} : vector<16xf32> to vector<1xf32>
    %squeeze3A_45 = vector.extract %slice3A_44[0] : f32 from vector<1xf32>
    %add3A_46 = arith.constant 4 : i32
    %add3A_47 = arith.addi %mul3A_2, %add3A_46 : i32
    %get3A_48 = arith.index_cast %add3A_47 : i32 to index
    %get3A_49 = tpu.vector_load %arg9[%get3A_48] {strides = array<i32>} : memref<656xf32, #tpu.memory_space<vmem>>, vector<16xf32>,
    %slice3A_50 = vector.extract_strided_slice %get3A_49 {offsets = [0], sizes = [1], strides = [1]} : vector<16xf32> to vector<1xf32>
    %squeeze3A_51 = vector.extract %slice3A_50[0] : f32 from vector<1xf32>
    %add3A_52 = arith.constant 5 : i32
    %add3A_53 = arith.addi %mul3A_2, %add3A_52 : i32
    %get3A_54 = arith.index_cast %add3A_53 : i32 to index
    %get3A_55 = tpu.vector_load %arg9[%get3A_54] {strides = array<i32>} : memref<656xf32, #tpu.memory_space<vmem>>, vector<16xf32>,
    %slice3A_56 = vector.extract_strided_slice %get3A_55 {offsets = [0], sizes = [1], strides = [1]} : vector<16xf32> to vector<1xf32>
    %squeeze3A_57 = vector.extract %slice3A_56[0] : f32 from vector<1xf32>
    %add3A_58 = arith.constant 6 : i32
    %add3A_59 = arith.addi %mul3A_2, %add3A_58 : i32
    %get3A_60 = arith.index_cast %add3A_59 : i32 to index
    %get3A_61 = tpu.vector_load %arg9[%get3A_60] {strides = array<i32>} : memref<656xf32, #tpu.memory_space<vmem>>, vector<16xf32>,
    %slice3A_62 = vector.extract_strided_slice %get3A_61 {offsets = [0], sizes = [1], strides = [1]} : vector<16xf32> to vector<1xf32>
    %squeeze3A_63 = vector.extract %slice3A_62[0] : f32 from vector<1xf32>
    %add3A_64 = arith.constant 7 : i32
    %add3A_65 = arith.addi %mul3A_2, %add3A_64 : i32
    %get3A_66 = arith.index_cast %add3A_65 : i32 to index
    %get3A_67 = tpu.vector_load %arg9[%get3A_66] {strides = array<i32>} : memref<656xf32, #tpu.memory_space<vmem>>, vector<16xf32>,
    %slice3A_68 = vector.extract_strided_slice %get3A_67 {offsets = [0], sizes = [1], strides = [1]} : vector<16xf32> to vector<1xf32>
    %squeeze3A_69 = vector.extract %slice3A_68[0] : f32 from vector<1xf32>
    %add3A_70 = arith.constant 8 : i32
    %add3A_71 = arith.addi %mul3A_2, %add3A_70 : i32
    %get3A_72 = arith.index_cast %add3A_71 : i32 to index
    %get3A_73 = tpu.vector_load %arg9[%get3A_72] {strides = array<i32>} : memref<656xf32, #tpu.memory_space<vmem>>, vector<16xf32>,
    %slice3A_74 = vector.extract_strided_slice %get3A_73 {offsets = [0], sizes = [1], strides = [1]} : vector<16xf32> to vector<1xf32>
    %squeeze3A_75 = vector.extract %slice3A_74[0] : f32 from vector<1xf32>
    %add3A_76 = arith.constant 9 : i32
    %add3A_77 = arith.addi %mul3A_2, %add3A_76 : i32
    %get3A_78 = arith.index_cast %add3A_77 : i32 to index
    %get3A_79 = tpu.vector_load %arg9[%get3A_78] {strides = array<i32>} : memref<656xf32, #tpu.memory_space<vmem>>, vector<16xf32>,
    %slice3A_80 = vector.extract_strided_slice %get3A_79 {offsets = [0], sizes = [1], strides = [1]} : vector<16xf32> to vector<1xf32>
    %squeeze3A_81 = vector.extract %slice3A_80[0] : f32 from vector<1xf32>
    %add3A_82 = arith.constant 10 : i32
    %add3A_83 = arith.addi %mul3A_2, %add3A_82 : i32
    %get3A_84 = arith.index_cast %add3A_83 : i32 to index
    %get3A_85 = tpu.vector_load %arg9[%get3A_84] {strides = array<i32>} : memref<656xf32, #tpu.memory_space<vmem>>, vector<16xf32>,
    %slice3A_86 = vector.extract_strided_slice %get3A_85 {offsets = [0], sizes = [1], strides = [1]} : vector<16xf32> to vector<1xf32>
    %squeeze3A_87 = vector.extract %slice3A_86[0] : f32 from vector<1xf32>
    %add3A_88 = arith.constant 11 : i32
    %add3A_89 = arith.addi %mul3A_2, %add3A_88 : i32
    %get3A_90 = arith.index_cast %add3A_89 : i32 to index
    %get3A_91 = tpu.vector_load %arg9[%get3A_90] {strides = array<i32>} : memref<656xf32, #tpu.memory_space<vmem>>, vector<16xf32>,
    %slice3A_92 = vector.extract_strided_slice %get3A_91 {offsets = [0], sizes = [1], strides = [1]} : vector<16xf32> to vector<1xf32>
    %squeeze3A_93 = vector.extract %slice3A_92[0] : f32 from vector<1xf32>
    %add3A_94 = arith.constant 12 : i32
    %add3A_95 = arith.addi %mul3A_2, %add3A_94 : i32
    %get3A_96 = arith.index_cast %add3A_95 : i32 to index
    %get3A_97 = tpu.vector_load %arg9[%get3A_96] {strides = array<i32>} : memref<656xf32, #tpu.memory_space<vmem>>, vector<16xf32>,
    %slice3A_98 = vector.extract_strided_slice %get3A_97 {offsets = [0], sizes = [1], strides = [1]} : vector<16xf32> to vector<1xf32>
    %squeeze3A_99 = vector.extract %slice3A_98[0] : f32 from vector<1xf32>
    %add3A_100 = arith.constant 13 : i32
    %add3A_101 = arith.addi %mul3A_2, %add3A_100 : i32
    %get3A_102 = arith.index_cast %add3A_101 : i32 to index
    %get3A_103 = tpu.vector_load %arg9[%get3A_102] {strides = array<i32>} : memref<656xf32, #tpu.memory_space<vmem>>, vector<16xf32>,
    %slice3A_104 = vector.extract_strided_slice %get3A_103 {offsets = [0], sizes = [1], strides = [1]} : vector<16xf32> to vector<1xf32>
    %squeeze3A_105 = vector.extract %slice3A_104[0] : f32 from vector<1xf32>
    %add3A_106 = arith.constant 14 : i32
    %add3A_107 = arith.addi %mul3A_2, %add3A_106 : i32
    %get3A_108 = arith.index_cast %add3A_107 : i32 to index
    %get3A_109 = tpu.vector_load %arg9[%get3A_108] {strides = array<i32>} : memref<656xf32, #tpu.memory_space<vmem>>, vector<16xf32>,
    %slice3A_110 = vector.extract_strided_slice %get3A_109 {offsets = [0], sizes = [1], strides = [1]} : vector<16xf32> to vector<1xf32>
    %squeeze3A_111 = vector.extract %slice3A_110[0] : f32 from vector<1xf32>
    %add3A_112 = arith.constant 15 : i32
    %add3A_113 = arith.addi %mul3A_2, %add3A_112 : i32
    %get3A_114 = arith.index_cast %add3A_113 : i32 to index
    %get3A_115 = tpu.vector_load %arg9[%get3A_114] {strides = array<i32>} : memref<656xf32, #tpu.memory_space<vmem>>, vector<16xf32>,
    %slice3A_116 = vector.extract_strided_slice %get3A_115 {offsets = [0], sizes = [1], strides = [1]} : vector<16xf32> to vector<1xf32>
    %squeeze3A_117 = vector.extract %slice3A_116[0] : f32 from vector<1xf32>
    %add3A_118 = arith.addf %squeeze3A, %squeeze3A_33 : f32
    %add3A_119 = arith.addf %add3A_118, %squeeze3A_39 : f32
    %add3A_120 = arith.addf %add3A_119, %squeeze3A_45 : f32
    %add3A_121 = arith.addf %add3A_120, %squeeze3A_51 : f32
    %add3A_122 = arith.addf %add3A_121, %squeeze3A_57 : f32
    %add3A_123 = arith.addf %add3A_122, %squeeze3A_63 : f32
    %add3A_124 = arith.addf %add3A_123, %squeeze3A_69 : f32
    %add3A_125 = arith.addf %add3A_124, %squeeze3A_75 : f32
    %add3A_126 = arith.addf %add3A_125, %squeeze3A_81 : f32
    %add3A_127 = arith.addf %add3A_126, %squeeze3A_87 : f32
    %add3A_128 = arith.addf %add3A_127, %squeeze3A_93 : f32
    %add3A_129 = arith.addf %add3A_128, %squeeze3A_99 : f32
    %add3A_130 = arith.addf %add3A_129, %squeeze3A_105 : f32
    %add3A_131 = arith.addf %add3A_130, %squeeze3A_111 : f32
    %add3A_132 = arith.addf %add3A_131, %squeeze3A_117 : f32
    %convert_element_type3A = arith.fptosi %while3A_24 : f32 to i32
    %convert_element_type3A_133 = arith.fptosi %add3A_132 : f32 to i32
    %add3A_134 = arith.addi %convert_element_type3A, %convert_element_type3A_133 : i32
    %jit3A = arith.constant 64 : i32
    %div3A = arith.divsi %convert_element_type3A, %jit3A : i32
    %sign3A = arith.constant 0 : i32
    %sign3A_135 = arith.cmpi sgt, %convert_element_type3A, %sign3A : i32
    %sign3A_136 = arith.extui %sign3A_135 : i1 to i32
    %sign3A_137 = arith.constant 0 : i32
    %sign3A_138 = arith.cmpi slt, %convert_element_type3A, %sign3A_137 : i32
    %sign3A_139 = arith.extui %sign3A_138 : i1 to i32
    %sign3A_140 = arith.subi %sign3A_136, %sign3A_139 : i32
    %sign3A_141 = arith.constant 0 : i32
    %sign3A_142 = arith.cmpi sgt, %jit3A, %sign3A_141 : i32
    %sign3A_143 = arith.extui %sign3A_142 : i1 to i32
    %sign3A_144 = arith.constant 0 : i32
    %sign3A_145 = arith.cmpi slt, %jit3A, %sign3A_144 : i32
    %sign3A_146 = arith.extui %sign3A_145 : i1 to i32
    %sign3A_147 = arith.subi %sign3A_143, %sign3A_146 : i32
    %ne3A = arith.cmpi ne, %sign3A_140, %sign3A_147 : i32
    %rem3A = arith.remsi %convert_element_type3A, %jit3A : i32
    %ne3A_148 = arith.constant 0 : i32
    %ne3A_149 = arith.cmpi ne, %rem3A, %ne3A_148 : i32
    %and3A = arith.andi %ne3A, %ne3A_149 : i1
    %sub3A = arith.constant 1 : i32
    %sub3A_150 = arith.subi %div3A, %sub3A : i32
    %select_n3A = arith.select %and3A, %sub3A_150, %div3A : i32
    %gt3A = arith.constant 0 : i32
    %gt3A_151 = arith.cmpi sgt, %convert_element_type3A_133, %gt3A : i32
    %add3A_152 = arith.constant 63 : i32
    %add3A_153 = arith.addi %add3A_134, %add3A_152 : i32
    %jit3A_154 = arith.constant 64 : i32
    %div3A_155 = arith.divsi %add3A_153, %jit3A_154 : i32
    %sign3A_156 = arith.constant 0 : i32
    %sign3A_157 = arith.cmpi sgt, %add3A_153, %sign3A_156 : i32
    %sign3A_158 = arith.extui %sign3A_157 : i1 to i32
    %sign3A_159 = arith.constant 0 : i32
    %sign3A_160 = arith.cmpi slt, %add3A_153, %sign3A_159 : i32
    %sign3A_161 = arith.extui %sign3A_160 : i1 to i32
    %sign3A_162 = arith.subi %sign3A_158, %sign3A_161 : i32
    %sign3A_163 = arith.constant 0 : i32
    %sign3A_164 = arith.cmpi sgt, %jit3A_154, %sign3A_163 : i32
    %sign3A_165 = arith.extui %sign3A_164 : i1 to i32
    %sign3A_166 = arith.constant 0 : i32
    %sign3A_167 = arith.cmpi slt, %jit3A_154, %sign3A_166 : i32
    %sign3A_168 = arith.extui %sign3A_167 : i1 to i32
    %sign3A_169 = arith.subi %sign3A_165, %sign3A_168 : i32
    %ne3A_170 = arith.cmpi ne, %sign3A_162, %sign3A_169 : i32
    %rem3A_171 = arith.remsi %add3A_153, %jit3A_154 : i32
    %ne3A_172 = arith.constant 0 : i32
    %ne3A_173 = arith.cmpi ne, %rem3A_171, %ne3A_172 : i32
    %and3A_174 = arith.andi %ne3A_170, %ne3A_173 : i1
    %sub3A_175 = arith.constant 1 : i32
    %sub3A_176 = arith.subi %div3A_155, %sub3A_175 : i32
    %select_n3A_177 = arith.select %and3A_174, %sub3A_176, %div3A_155 : i32
    %sub3A_178 = arith.subi %select_n3A_177, %select_n3A : i32
    %jit3A_179 = arith.constant 0 : i32
    %select_n3A_180 = arith.select %gt3A_151, %sub3A_178, %jit3A_179 : i32
    %while3A_181 = arith.constant 0 : i32
    %while3A_182 = arith.constant 0 : i32
    %while3A_183 = arith.subi %select_n3A_180, %while3A_182 : i32
    %while3A_184 = arith.addi %while3A_182, %while3A_183 : i32
    %while3A_185 = arith.constant 1 : i32
    %while3A_186 = arith.divsi %while3A_183, %while3A_185 : i32
    %while3A_187 = arith.muli %while3A_186, %while3A_185 : i32
    %while3A_188 = arith.addi %while3A_182, %while3A_187 : i32
    %while3A_189 = arith.constant 1 : i32
    scf.for %while3A_2732 = %while3A_182 to %while3A_188 step %while3A_189  : i32 {
      %add3A_2733 = arith.addi %select_n3A, %while3A_2732 : i32
      %mul3A_2734 = arith.constant 64 : i32
      %mul3A_2735 = arith.muli %add3A_2733, %mul3A_2734 : i32
      %multiple_of3A = tpu.assume_multiple %mul3A_2735, 64 : i32
      "tpu.region"() ({
        %run_scoped3A = tpu.sem_alloc : memref<!tpu.dma_semaphore, #tpu.memory_space<semaphore_mem>>
        %dma_start3A = arith.constant 0 : i32
        %dma_start3A_2746 = tpu.memref_slice %arg2[%multiple_of3A, %dma_start3A] : memref<10240x128xf32, #tpu.memory_space<hbm>> -> memref<64x128xf32, #tpu.memory_space<hbm>>
        %dma_start3A_2747 = arith.constant 0 : i32
        %dma_start3A_2748 = tpu.memref_slice %arg2[%multiple_of3A, %dma_start3A_2747] : memref<10240x128xf32, #tpu.memory_space<hbm>> -> memref<64x128xf32, #tpu.memory_space<hbm>>
        tpu.enqueue_dma source(%dma_start3A_2748 : memref<64x128xf32, #tpu.memory_space<hbm>>) target(%arg11 : memref<64x128xf32, #tpu.memory_space<vmem>>) target_semaphore(%run_scoped3A : memref<!tpu.dma_semaphore, #tpu.memory_space<semaphore_mem>>)
        %dma_wait3A = arith.constant 0 : i32
        %dma_wait3A_2749 = tpu.memref_slice %arg2[%multiple_of3A, %dma_wait3A] : memref<10240x128xf32, #tpu.memory_space<hbm>> -> memref<64x128xf32, #tpu.memory_space<hbm>>
        %dma_wait3A_2750 = arith.constant 0 : i32
        %dma_wait3A_2751 = tpu.memref_slice %arg2[%multiple_of3A, %dma_wait3A_2750] : memref<10240x128xf32, #tpu.memory_space<hbm>> -> memref<64x128xf32, #tpu.memory_space<hbm>>
        tpu.wait_dma2 semaphore(%run_scoped3A : memref<!tpu.dma_semaphore, #tpu.memory_space<semaphore_mem>>) src(%dma_wait3A_2751 : memref<64x128xf32, #tpu.memory_space<hbm>>) dst(%arg11 : memref<64x128xf32, #tpu.memory_space<vmem>>)
        tpu.yield
      }) : () -> ()
      %sub3A_2736 = arith.subi %convert_element_type3A, %multiple_of3A : i32
      %max3A_2737 = arith.constant 0 : i32
      %max3A_2738 = arith.maxsi %sub3A_2736, %max3A_2737 : i32
      %sub3A_2739 = arith.subi %add3A_134, %multiple_of3A : i32
      %min3A = arith.constant 64 : i32
      %min3A_2740 = arith.minsi %sub3A_2739, %min3A : i32
      %scan3A_2741 = arith.constant 0 : i32
      %scan3A_2742 = arith.constant 64 : i32
      %scan3A_2743 = arith.addi %scan3A_2741, %scan3A_2742 : i32
      %scan3A_2744 = arith.constant 1 : i32
      scf.for %scan3A_2746 = %scan3A_2741 to %scan3A_2743 step %scan3A_2744  : i32 {
        %mul3A_2747 = arith.constant 1 : i32
        %mul3A_2748 = arith.muli %scan3A_2746, %mul3A_2747 : i32
        %add3A_2749 = arith.constant 0 : i32
        %add3A_2750 = arith.addi %add3A_2749, %mul3A_2748 : i32
        %ge3A = arith.cmpi sge, %add3A_2750, %max3A_2738 : i32
        %lt3A = arith.cmpi slt, %add3A_2750, %min3A_2740 : i32
        %and3A_2751 = arith.andi %ge3A, %lt3A : i1
        %convert_element_type3A_2752 = arith.extui %and3A_2751 : i1 to i32
        %cond3A = arith.constant 0 : i32
        %cond3A_2753 = arith.cmpi ne, %convert_element_type3A_2752, %cond3A : i32
        scf.if %cond3A_2753 {
          %add3A_2754 = arith.addi %multiple_of3A, %add3A_2750 : i32
          %get3A_2755 = arith.index_cast %add3A_2754 : i32 to index
          %get3A_2756 = tpu.vector_load %arg10[%get3A_2755] {strides = array<i32>} : memref<10240xi32, #tpu.memory_space<vmem>>, vector<16xi32>,
          %slice3A_2757 = vector.extract_strided_slice %get3A_2756 {offsets = [0], sizes = [1], strides = [1]} : vector<16xi32> to vector<1xi32>
          %squeeze3A_2758 = vector.extract %slice3A_2757[0] : i32 from vector<1xi32>
          %sub3A_2759 = arith.subi %squeeze3A_2758, %mul3A_2 : i32
          %scan3A_2760 = arith.constant 0 : i32
          %scan3A_2761 = arith.constant 8 : i32
          %scan3A_2762 = arith.addi %scan3A_2760, %scan3A_2761 : i32
          %scan3A_2763 = arith.constant 1 : i32
          scf.for %scan3A_2765 = %scan3A_2760 to %scan3A_2762 step %scan3A_2763  : i32 {
            %mul3A_2766 = arith.constant 16 : i32
            %mul3A_2767 = arith.muli %scan3A_2765, %mul3A_2766 : i32
            %add3A_2768 = arith.constant 0 : i32
            %add3A_2769 = arith.addi %add3A_2768, %mul3A_2767 : i32
            %get3A_2770 = arith.index_cast %add3A_2750 : i32 to index
            %get3A_2771 = arith.index_cast %add3A_2769 : i32 to index
            %get3A_2772 = tpu.vector_load %arg11[%get3A_2770, %get3A_2771] {strides = array<i32>} : memref<64x128xf32, #tpu.memory_space<vmem>>, vector<16xf32>,
            %get3A_2773 = arith.index_cast %sub3A_2759 : i32 to index
            %get3A_2774 = arith.index_cast %add3A_2769 : i32 to index
            %get3A_2775 = tpu.vector_load %arg12[%get3A_2773, %get3A_2774] {strides = array<i32>} : memref<16x128xf32, #tpu.memory_space<vmem>>, vector<16xf32>,
            %max3A_2776 = arith.maximumf %get3A_2775, %get3A_2772 : vector<16xf32>
            %swap3A_2777 = arith.index_cast %sub3A_2759 : i32 to index
            %swap3A_2778 = arith.index_cast %add3A_2769 : i32 to index
            %swap3A_2779 = tpu.vector_load %arg12[%swap3A_2777, %swap3A_2778] {strides = array<i32>} : memref<16x128xf32, #tpu.memory_space<vmem>>, vector<16xf32>,
            tpu.vector_store %arg12[%swap3A_2777, %swap3A_2778], %max3A_2776 {strides = array<i32>} : memref<16x128xf32, #tpu.memory_space<vmem>>, vector<16xf32>,
            %get3A_2780 = arith.index_cast %sub3A_2759 : i32 to index
            %get3A_2781 = arith.index_cast %add3A_2769 : i32 to index
            %get3A_2782 = tpu.vector_load %arg13[%get3A_2780, %get3A_2781] {strides = array<i32>} : memref<16x128xf32, #tpu.memory_space<vmem>>, vector<16xf32>,
            %add3A_2783 = arith.addf %get3A_2782, %get3A_2772 : vector<16xf32>
            %swap3A_2784 = arith.index_cast %sub3A_2759 : i32 to index
            %swap3A_2785 = arith.index_cast %add3A_2769 : i32 to index
            %swap3A_2786 = tpu.vector_load %arg13[%swap3A_2784, %swap3A_2785] {strides = array<i32>} : memref<16x128xf32, #tpu.memory_space<vmem>>, vector<16xf32>,
            tpu.vector_store %arg13[%swap3A_2784, %swap3A_2785], %add3A_2783 {strides = array<i32>} : memref<16x128xf32, #tpu.memory_space<vmem>>, vector<16xf32>,
          }
          %scan3A_2764 = arith.constant 8 : i32
        } else {
        }
      }
      %scan3A_2745 = arith.constant 64 : i32
    }
    %while3A_190 = arith.constant 1 : i32
    scf.for %while3A_2732 = %while3A_188 to %while3A_184 step %while3A_190  : i32 {
      %add3A_2733 = arith.addi %select_n3A, %while3A_2732 : i32
      %mul3A_2734 = arith.constant 64 : i32
      %mul3A_2735 = arith.muli %add3A_2733, %mul3A_2734 : i32
      %multiple_of3A = tpu.assume_multiple %mul3A_2735, 64 : i32
      "tpu.region"() ({
        %run_scoped3A = tpu.sem_alloc : memref<!tpu.dma_semaphore, #tpu.memory_space<semaphore_mem>>
        %dma_start3A = arith.constant 0 : i32
        %dma_start3A_2746 = tpu.memref_slice %arg2[%multiple_of3A, %dma_start3A] : memref<10240x128xf32, #tpu.memory_space<hbm>> -> memref<64x128xf32, #tpu.memory_space<hbm>>
        %dma_start3A_2747 = arith.constant 0 : i32
        %dma_start3A_2748 = tpu.memref_slice %arg2[%multiple_of3A, %dma_start3A_2747] : memref<10240x128xf32, #tpu.memory_space<hbm>> -> memref<64x128xf32, #tpu.memory_space<hbm>>
        tpu.enqueue_dma source(%dma_start3A_2748 : memref<64x128xf32, #tpu.memory_space<hbm>>) target(%arg11 : memref<64x128xf32, #tpu.memory_space<vmem>>) target_semaphore(%run_scoped3A : memref<!tpu.dma_semaphore, #tpu.memory_space<semaphore_mem>>)
        %dma_wait3A = arith.constant 0 : i32
        %dma_wait3A_2749 = tpu.memref_slice %arg2[%multiple_of3A, %dma_wait3A] : memref<10240x128xf32, #tpu.memory_space<hbm>> -> memref<64x128xf32, #tpu.memory_space<hbm>>
        %dma_wait3A_2750 = arith.constant 0 : i32
        %dma_wait3A_2751 = tpu.memref_slice %arg2[%multiple_of3A, %dma_wait3A_2750] : memref<10240x128xf32, #tpu.memory_space<hbm>> -> memref<64x128xf32, #tpu.memory_space<hbm>>
        tpu.wait_dma2 semaphore(%run_scoped3A : memref<!tpu.dma_semaphore, #tpu.memory_space<semaphore_mem>>) src(%dma_wait3A_2751 : memref<64x128xf32, #tpu.memory_space<hbm>>) dst(%arg11 : memref<64x128xf32, #tpu.memory_space<vmem>>)
        tpu.yield
      }) : () -> ()
      %sub3A_2736 = arith.subi %convert_element_type3A, %multiple_of3A : i32
      %max3A_2737 = arith.constant 0 : i32
      %max3A_2738 = arith.maxsi %sub3A_2736, %max3A_2737 : i32
      %sub3A_2739 = arith.subi %add3A_134, %multiple_of3A : i32
      %min3A = arith.constant 64 : i32
      %min3A_2740 = arith.minsi %sub3A_2739, %min3A : i32
      %scan3A_2741 = arith.constant 0 : i32
      %scan3A_2742 = arith.constant 64 : i32
      %scan3A_2743 = arith.addi %scan3A_2741, %scan3A_2742 : i32
      %scan3A_2744 = arith.constant 1 : i32
      scf.for %scan3A_2746 = %scan3A_2741 to %scan3A_2743 step %scan3A_2744  : i32 {
        %mul3A_2747 = arith.constant 1 : i32
        %mul3A_2748 = arith.muli %scan3A_2746, %mul3A_2747 : i32
        %add3A_2749 = arith.constant 0 : i32
        %add3A_2750 = arith.addi %add3A_2749, %mul3A_2748 : i32
        %ge3A = arith.cmpi sge, %add3A_2750, %max3A_2738 : i32
        %lt3A = arith.cmpi slt, %add3A_2750, %min3A_2740 : i32
        %and3A_2751 = arith.andi %ge3A, %lt3A : i1
        %convert_element_type3A_2752 = arith.extui %and3A_2751 : i1 to i32
        %cond3A = arith.constant 0 : i32
        %cond3A_2753 = arith.cmpi ne, %convert_element_type3A_2752, %cond3A : i32
        scf.if %cond3A_2753 {
          %add3A_2754 = arith.addi %multiple_of3A, %add3A_2750 : i32
          %get3A_2755 = arith.index_cast %add3A_2754 : i32 to index
          %get3A_2756 = tpu.vector_load %arg10[%get3A_2755] {strides = array<i32>} : memref<10240xi32, #tpu.memory_space<vmem>>, vector<16xi32>,
          %slice3A_2757 = vector.extract_strided_slice %get3A_2756 {offsets = [0], sizes = [1], strides = [1]} : vector<16xi32> to vector<1xi32>
          %squeeze3A_2758 = vector.extract %slice3A_2757[0] : i32 from vector<1xi32>
          %sub3A_2759 = arith.subi %squeeze3A_2758, %mul3A_2 : i32
          %scan3A_2760 = arith.constant 0 : i32
          %scan3A_2761 = arith.constant 8 : i32
          %scan3A_2762 = arith.addi %scan3A_2760, %scan3A_2761 : i32
          %scan3A_2763 = arith.constant 1 : i32
          scf.for %scan3A_2765 = %scan3A_2760 to %scan3A_2762 step %scan3A_2763  : i32 {
            %mul3A_2766 = arith.constant 16 : i32
            %mul3A_2767 = arith.muli %scan3A_2765, %mul3A_2766 : i32
            %add3A_2768 = arith.constant 0 : i32
            %add3A_2769 = arith.addi %add3A_2768, %mul3A_2767 : i32
            %get3A_2770 = arith.index_cast %add3A_2750 : i32 to index
            %get3A_2771 = arith.index_cast %add3A_2769 : i32 to index
            %get3A_2772 = tpu.vector_load %arg11[%get3A_2770, %get3A_2771] {strides = array<i32>} : memref<64x128xf32, #tpu.memory_space<vmem>>, vector<16xf32>,
            %get3A_2773 = arith.index_cast %sub3A_2759 : i32 to index
            %get3A_2774 = arith.index_cast %add3A_2769 : i32 to index
            %get3A_2775 = tpu.vector_load %arg12[%get3A_2773, %get3A_2774] {strides = array<i32>} : memref<16x128xf32, #tpu.memory_space<vmem>>, vector<16xf32>,
            %max3A_2776 = arith.maximumf %get3A_2775, %get3A_2772 : vector<16xf32>
            %swap3A_2777 = arith.index_cast %sub3A_2759 : i32 to index
            %swap3A_2778 = arith.index_cast %add3A_2769 : i32 to index
            %swap3A_2779 = tpu.vector_load %arg12[%swap3A_2777, %swap3A_2778] {strides = array<i32>} : memref<16x128xf32, #tpu.memory_space<vmem>>, vector<16xf32>,
            tpu.vector_store %arg12[%swap3A_2777, %swap3A_2778], %max3A_2776 {strides = array<i32>} : memref<16x128xf32, #tpu.memory_space<vmem>>, vector<16xf32>,
            %get3A_2780 = arith.index_cast %sub3A_2759 : i32 to index
            %get3A_2781 = arith.index_cast %add3A_2769 : i32 to index
            %get3A_2782 = tpu.vector_load %arg13[%get3A_2780, %get3A_2781] {strides = array<i32>} : memref<16x128xf32, #tpu.memory_space<vmem>>, vector<16xf32>,
            %add3A_2783 = arith.addf %get3A_2782, %get3A_2772 : vector<16xf32>
            %swap3A_2784 = arith.index_cast %sub3A_2759 : i32 to index
            %swap3A_2785 = arith.index_cast %add3A_2769 : i32 to index
            %swap3A_2786 = tpu.vector_load %arg13[%swap3A_2784, %swap3A_2785] {strides = array<i32>} : memref<16x128xf32, #tpu.memory_space<vmem>>, vector<16xf32>,
            tpu.vector_store %arg13[%swap3A_2784, %swap3A_2785], %add3A_2783 {strides = array<i32>} : memref<16x128xf32, #tpu.memory_space<vmem>>, vector<16xf32>,
          }
          %scan3A_2764 = arith.constant 8 : i32
        } else {
        }
      }
      %scan3A_2745 = arith.constant 64 : i32
    }
    %iota3A = tpu.iota {dimensions = array<i32: 0>} : vector<16xi32>
    %get3A_191 = arith.constant 0 : index
    %get3A_192 = tpu.vector_load %arg15[%get3A_191] {strides = array<i32>} : memref<16xf32, #tpu.memory_space<vmem>>, vector<16xf32>,
    %slice3A_193 = vector.extract_strided_slice %get3A_192 {offsets = [0], sizes = [1], strides = [1]} : vector<16xf32> to vector<1xf32>
    %squeeze3A_194 = vector.extract %slice3A_193[0] : f32 from vector<1xf32>
    %broadcast_in_dim3A_195 = arith.constant 0.000000e+00 : f32
    %broadcast_in_dim3A_196 = vector.broadcast %broadcast_in_dim3A_195 : f32 to vector<16xf32>
    %max3A = arith.constant 1.000000e+00 : f32
    %max3A_197 = arith.maximumf %squeeze3A, %max3A : f32
    %broadcast_in_dim3A_198 = arith.constant 0.000000e+00 : f32
    %broadcast_in_dim3A_199 = vector.broadcast %broadcast_in_dim3A_198 : f32 to vector<16xf32>
    %get3A_200 = arith.constant 0 : i32
    %get3A_201 = arith.index_cast %get3A_200 : i32 to index
    %get3A_202 = arith.constant 0 : index
    %get3A_203 = tpu.vector_load %arg12[%get3A_201, %get3A_202] {strides = array<i32>} : memref<16x128xf32, #tpu.memory_space<vmem>>, vector<16xf32>,
    %get3A_204 = arith.constant 0 : index
    %get3A_205 = tpu.vector_load %arg14[%get3A_204] {strides = array<i32>} : memref<256xf32, #tpu.memory_space<vmem>>, vector<16xf32>,
    %mul3A_206 = arith.mulf %get3A_203, %get3A_205 : vector<16xf32>
    %add3A_207 = arith.addf %broadcast_in_dim3A_199, %mul3A_206 : vector<16xf32>
    %get3A_208 = arith.constant 0 : i32
    %get3A_209 = arith.index_cast %get3A_208 : i32 to index
    %get3A_210 = arith.constant 0 : index
    %get3A_211 = tpu.vector_load %arg13[%get3A_209, %get3A_210] {strides = array<i32>} : memref<16x128xf32, #tpu.memory_space<vmem>>, vector<16xf32>,
    %get3A_212 = arith.constant 128 : index
    %get3A_213 = tpu.vector_load %arg14[%get3A_212] {strides = array<i32>} : memref<256xf32, #tpu.memory_space<vmem>>, vector<16xf32>,
    %div3A_214 = vector.broadcast %max3A_197 : f32 to vector<16xf32>
    %div3A_215 = arith.divf %get3A_213, %div3A_214 : vector<16xf32>
    %mul3A_216 = arith.mulf %get3A_211, %div3A_215 : vector<16xf32>
    %add3A_217 = arith.addf %add3A_207, %mul3A_216 : vector<16xf32>
    %get3A_218 = arith.constant 0 : i32
    %get3A_219 = arith.index_cast %get3A_218 : i32 to index
    %get3A_220 = arith.constant 16 : index
    %get3A_221 = tpu.vector_load %arg12[%get3A_219, %get3A_220] {strides = array<i32>} : memref<16x128xf32, #tpu.memory_space<vmem>>, vector<16xf32>,
    %get3A_222 = arith.constant 16 : index
    %get3A_223 = tpu.vector_load %arg14[%get3A_222] {strides = array<i32>} : memref<256xf32, #tpu.memory_space<vmem>>, vector<16xf32>,
    %mul3A_224 = arith.mulf %get3A_221, %get3A_223 : vector<16xf32>
    %add3A_225 = arith.addf %add3A_217, %mul3A_224 : vector<16xf32>
    %get3A_226 = arith.constant 0 : i32
    %get3A_227 = arith.index_cast %get3A_226 : i32 to index
    %get3A_228 = arith.constant 16 : index
    %get3A_229 = tpu.vector_load %arg13[%get3A_227, %get3A_228] {strides = array<i32>} : memref<16x128xf32, #tpu.memory_space<vmem>>, vector<16xf32>,
    %get3A_230 = arith.constant 144 : index
    %get3A_231 = tpu.vector_load %arg14[%get3A_230] {strides = array<i32>} : memref<256xf32, #tpu.memory_space<vmem>>, vector<16xf32>,
    %div3A_232 = vector.broadcast %max3A_197 : f32 to vector<16xf32>
    %div3A_233 = arith.divf %get3A_231, %div3A_232 : vector<16xf32>
    %mul3A_234 = arith.mulf %get3A_229, %div3A_233 : vector<16xf32>
    %add3A_235 = arith.addf %add3A_225, %mul3A_234 : vector<16xf32>
    %get3A_236 = arith.constant 0 : i32
    %get3A_237 = arith.index_cast %get3A_236 : i32 to index
    %get3A_238 = arith.constant 32 : index
    %get3A_239 = tpu.vector_load %arg12[%get3A_237, %get3A_238] {strides = array<i32>} : memref<16x128xf32, #tpu.memory_space<vmem>>, vector<16xf32>,
    %get3A_240 = arith.constant 32 : index
    %get3A_241 = tpu.vector_load %arg14[%get3A_240] {strides = array<i32>} : memref<256xf32, #tpu.memory_space<vmem>>, vector<16xf32>,
    %mul3A_242 = arith.mulf %get3A_239, %get3A_241 : vector<16xf32>
    %add3A_243 = arith.addf %add3A_235, %mul3A_242 : vector<16xf32>
    %get3A_244 = arith.constant 0 : i32
    %get3A_245 = arith.index_cast %get3A_244 : i32 to index
    %get3A_246 = arith.constant 32 : index
    %get3A_247 = tpu.vector_load %arg13[%get3A_245, %get3A_246] {strides = array<i32>} : memref<16x128xf32, #tpu.memory_space<vmem>>, vector<16xf32>,
    %get3A_248 = arith.constant 160 : index
    %get3A_249 = tpu.vector_load %arg14[%get3A_248] {strides = array<i32>} : memref<256xf32, #tpu.memory_space<vmem>>, vector<16xf32>,
    %div3A_250 = vector.broadcast %max3A_197 : f32 to vector<16xf32>
    %div3A_251 = arith.divf %get3A_249, %div3A_250 : vector<16xf32>
    %mul3A_252 = arith.mulf %get3A_247, %div3A_251 : vector<16xf32>
    %add3A_253 = arith.addf %add3A_243, %mul3A_252 : vector<16xf32>
    %get3A_254 = arith.constant 0 : i32
    %get3A_255 = arith.index_cast %get3A_254 : i32 to index
    %get3A_256 = arith.constant 48 : index
    %get3A_257 = tpu.vector_load %arg12[%get3A_255, %get3A_256] {strides = array<i32>} : memref<16x128xf32, #tpu.memory_space<vmem>>, vector<16xf32>,
    %get3A_258 = arith.constant 48 : index
    %get3A_259 = tpu.vector_load %arg14[%get3A_258] {strides = array<i32>} : memref<256xf32, #tpu.memory_space<vmem>>, vector<16xf32>,
    %mul3A_260 = arith.mulf %get3A_257, %get3A_259 : vector<16xf32>
    %add3A_261 = arith.addf %add3A_253, %mul3A_260 : vector<16xf32>
    %get3A_262 = arith.constant 0 : i32
    %get3A_263 = arith.index_cast %get3A_262 : i32 to index
    %get3A_264 = arith.constant 48 : index
    %get3A_265 = tpu.vector_load %arg13[%get3A_263, %get3A_264] {strides = array<i32>} : memref<16x128xf32, #tpu.memory_space<vmem>>, vector<16xf32>,
    %get3A_266 = arith.constant 176 : index
    %get3A_267 = tpu.vector_load %arg14[%get3A_266] {strides = array<i32>} : memref<256xf32, #tpu.memory_space<vmem>>, vector<16xf32>,
    %div3A_268 = vector.broadcast %max3A_197 : f32 to vector<16xf32>
    %div3A_269 = arith.divf %get3A_267, %div3A_268 : vector<16xf32>
    %mul3A_270 = arith.mulf %get3A_265, %div3A_269 : vector<16xf32>
    %add3A_271 = arith.addf %add3A_261, %mul3A_270 : vector<16xf32>
    %get3A_272 = arith.constant 0 : i32
    %get3A_273 = arith.index_cast %get3A_272 : i32 to index
    %get3A_274 = arith.constant 64 : index
    %get3A_275 = tpu.vector_load %arg12[%get3A_273, %get3A_274] {strides = array<i32>} : memref<16x128xf32, #tpu.memory_space<vmem>>, vector<16xf32>,
    %get3A_276 = arith.constant 64 : index
    %get3A_277 = tpu.vector_load %arg14[%get3A_276] {strides = array<i32>} : memref<256xf32, #tpu.memory_space<vmem>>, vector<16xf32>,
    %mul3A_278 = arith.mulf %get3A_275, %get3A_277 : vector<16xf32>
    %add3A_279 = arith.addf %add3A_271, %mul3A_278 : vector<16xf32>
    %get3A_280 = arith.constant 0 : i32
    %get3A_281 = arith.index_cast %get3A_280 : i32 to index
    %get3A_282 = arith.constant 64 : index
    %get3A_283 = tpu.vector_load %arg13[%get3A_281, %get3A_282] {strides = array<i32>} : memref<16x128xf32, #tpu.memory_space<vmem>>, vector<16xf32>,
    %get3A_284 = arith.constant 192 : index
    %get3A_285 = tpu.vector_load %arg14[%get3A_284] {strides = array<i32>} : memref<256xf32, #tpu.memory_space<vmem>>, vector<16xf32>,
    %div3A_286 = vector.broadcast %max3A_197 : f32 to vector<16xf32>
    %div3A_287 = arith.divf %get3A_285, %div3A_286 : vector<16xf32>
    %mul3A_288 = arith.mulf %get3A_283, %div3A_287 : vector<16xf32>
    %add3A_289 = arith.addf %add3A_279, %mul3A_288 : vector<16xf32>
    %get3A_290 = arith.constant 0 : i32
    %get3A_291 = arith.index_cast %get3A_290 : i32 to index
    %get3A_292 = arith.constant 80 : index
    %get3A_293 = tpu.vector_load %arg12[%get3A_291, %get3A_292] {strides = array<i32>} : memref<16x128xf32, #tpu.memory_space<vmem>>, vector<16xf32>,
    %get3A_294 = arith.constant 80 : index
    %get3A_295 = tpu.vector_load %arg14[%get3A_294] {strides = array<i32>} : memref<256xf32, #tpu.memory_space<vmem>>, vector<16xf32>,
    %mul3A_296 = arith.mulf %get3A_293, %get3A_295 : vector<16xf32>
    %add3A_297 = arith.addf %add3A_289, %mul3A_296 : vector<16xf32>
    %get3A_298 = arith.constant 0 : i32
    %get3A_299 = arith.index_cast %get3A_298 : i32 to index
    %get3A_300 = arith.constant 80 : index
    %get3A_301 = tpu.vector_load %arg13[%get3A_299, %get3A_300] {strides = array<i32>} : memref<16x128xf32, #tpu.memory_space<vmem>>, vector<16xf32>,
    %get3A_302 = arith.constant 208 : index
    %get3A_303 = tpu.vector_load %arg14[%get3A_302] {strides = array<i32>} : memref<256xf32, #tpu.memory_space<vmem>>, vector<16xf32>,
    %div3A_304 = vector.broadcast %max3A_197 : f32 to vector<16xf32>
    %div3A_305 = arith.divf %get3A_303, %div3A_304 : vector<16xf32>
    %mul3A_306 = arith.mulf %get3A_301, %div3A_305 : vector<16xf32>
    %add3A_307 = arith.addf %add3A_297, %mul3A_306 : vector<16xf32>
    %get3A_308 = arith.constant 0 : i32
    %get3A_309 = arith.index_cast %get3A_308 : i32 to index
    %get3A_310 = arith.constant 96 : index
    %get3A_311 = tpu.vector_load %arg12[%get3A_309, %get3A_310] {strides = array<i32>} : memref<16x128xf32, #tpu.memory_space<vmem>>, vector<16xf32>,
    %get3A_312 = arith.constant 96 : index
    %get3A_313 = tpu.vector_load %arg14[%get3A_312] {strides = array<i32>} : memref<256xf32, #tpu.memory_space<vmem>>, vector<16xf32>,
    %mul3A_314 = arith.mulf %get3A_311, %get3A_313 : vector<16xf32>
    %add3A_315 = arith.addf %add3A_307, %mul3A_314 : vector<16xf32>
    %get3A_316 = arith.constant 0 : i32
    %get3A_317 = arith.index_cast %get3A_316 : i32 to index
    %get3A_318 = arith.constant 96 : index
    %get3A_319 = tpu.vector_load %arg13[%get3A_317, %get3A_318] {strides = array<i32>} : memref<16x128xf32, #tpu.memory_space<vmem>>, vector<16xf32>,
    %get3A_320 = arith.constant 224 : index
    %get3A_321 = tpu.vector_load %arg14[%get3A_320] {strides = array<i32>} : memref<256xf32, #tpu.memory_space<vmem>>, vector<16xf32>,
    %div3A_322 = vector.broadcast %max3A_197 : f32 to vector<16xf32>
    %div3A_323 = arith.divf %get3A_321, %div3A_322 : vector<16xf32>
    %mul3A_324 = arith.mulf %get3A_319, %div3A_323 : vector<16xf32>
    %add3A_325 = arith.addf %add3A_315, %mul3A_324 : vector<16xf32>
    %get3A_326 = arith.constant 0 : i32
    %get3A_327 = arith.index_cast %get3A_326 : i32 to index
    %get3A_328 = arith.constant 112 : index
    %get3A_329 = tpu.vector_load %arg12[%get3A_327, %get3A_328] {strides = array<i32>} : memref<16x128xf32, #tpu.memory_space<vmem>>, vector<16xf32>,
    %get3A_330 = arith.constant 112 : index
    %get3A_331 = tpu.vector_load %arg14[%get3A_330] {strides = array<i32>} : memref<256xf32, #tpu.memory_space<vmem>>, vector<16xf32>,
    %mul3A_332 = arith.mulf %get3A_329, %get3A_331 : vector<16xf32>
    %add3A_333 = arith.addf %add3A_325, %mul3A_332 : vector<16xf32>
    %get3A_334 = arith.constant 0 : i32
    %get3A_335 = arith.index_cast %get3A_334 : i32 to index
    %get3A_336 = arith.constant 112 : index
    %get3A_337 = tpu.vector_load %arg13[%get3A_335, %get3A_336] {strides = array<i32>} : memref<16x128xf32, #tpu.memory_space<vmem>>, vector<16xf32>,
    %get3A_338 = arith.constant 240 : index
    %get3A_339 = tpu.vector_load %arg14[%get3A_338] {strides = array<i32>} : memref<256xf32, #tpu.memory_space<vmem>>, vector<16xf32>,
    %div3A_340 = vector.broadcast %max3A_197 : f32 to vector<16xf32>
    %div3A_341 = arith.divf %get3A_339, %div3A_340 : vector<16xf32>
    %mul3A_342 = arith.mulf %get3A_337, %div3A_341 : vector<16xf32>
    %add3A_343 = arith.addf %add3A_333, %mul3A_342 : vector<16xf32>
    %reduce_sum3A = arith.constant true
    %reduce_sum3A_344 = vector.broadcast %reduce_sum3A : i1 to vector<16xi1>
    %reduce_sum3A_345 = tpu.scan <sum>, %add3A_343 masked %reduce_sum3A_344 : vector<16xf32>, vector<16xi1> -> vector<16xf32>
    %reduce_sum3A_346 = vector.extract %reduce_sum3A_345[15] : f32 from vector<16xf32>
    %add3A_347 = arith.addf %reduce_sum3A_346, %squeeze3A_194 : f32
    %eq3A = arith.constant 0 : i32
    %eq3A_348 = vector.broadcast %eq3A : i32 to vector<16xi32>
    %eq3A_349 = arith.cmpi eq, %iota3A, %eq3A_348 : vector<16xi32>
    %broadcast_in_dim3A_350 = vector.broadcast %add3A_347 : f32 to vector<16xf32>
    %select_n3A_351 = arith.select %eq3A_349, %broadcast_in_dim3A_350, %broadcast_in_dim3A_196 : vector<16xi1>, vector<16xf32>
    %max3A_352 = arith.constant 1.000000e+00 : f32
    %max3A_353 = arith.maximumf %squeeze3A_33, %max3A_352 : f32
    %broadcast_in_dim3A_354 = arith.constant 0.000000e+00 : f32
    %broadcast_in_dim3A_355 = vector.broadcast %broadcast_in_dim3A_354 : f32 to vector<16xf32>
    %get3A_356 = arith.constant 1 : i32
    %get3A_357 = arith.index_cast %get3A_356 : i32 to index
    %get3A_358 = arith.constant 0 : index
    %get3A_359 = tpu.vector_load %arg12[%get3A_357, %get3A_358] {strides = array<i32>} : memref<16x128xf32, #tpu.memory_space<vmem>>, vector<16xf32>,
    %get3A_360 = arith.constant 0 : index
    %get3A_361 = tpu.vector_load %arg14[%get3A_360] {strides = array<i32>} : memref<256xf32, #tpu.memory_space<vmem>>, vector<16xf32>,
    %mul3A_362 = arith.mulf %get3A_359, %get3A_361 : vector<16xf32>
    %add3A_363 = arith.addf %broadcast_in_dim3A_355, %mul3A_362 : vector<16xf32>
    %get3A_364 = arith.constant 1 : i32
    %get3A_365 = arith.index_cast %get3A_364 : i32 to index
    %get3A_366 = arith.constant 0 : index
    %get3A_367 = tpu.vector_load %arg13[%get3A_365, %get3A_366] {strides = array<i32>} : memref<16x128xf32, #tpu.memory_space<vmem>>, vector<16xf32>,
    %get3A_368 = arith.constant 128 : index
    %get3A_369 = tpu.vector_load %arg14[%get3A_368] {strides = array<i32>} : memref<256xf32, #tpu.memory_space<vmem>>, vector<16xf32>,
    %div3A_370 = vector.broadcast %max3A_353 : f32 to vector<16xf32>
    %div3A_371 = arith.divf %get3A_369, %div3A_370 : vector<16xf32>
    %mul3A_372 = arith.mulf %get3A_367, %div3A_371 : vector<16xf32>
    %add3A_373 = arith.addf %add3A_363, %mul3A_372 : vector<16xf32>
    %get3A_374 = arith.constant 1 : i32
    %get3A_375 = arith.index_cast %get3A_374 : i32 to index
    %get3A_376 = arith.constant 16 : index
    %get3A_377 = tpu.vector_load %arg12[%get3A_375, %get3A_376] {strides = array<i32>} : memref<16x128xf32, #tpu.memory_space<vmem>>, vector<16xf32>,
    %get3A_378 = arith.constant 16 : index
    %get3A_379 = tpu.vector_load %arg14[%get3A_378] {strides = array<i32>} : memref<256xf32, #tpu.memory_space<vmem>>, vector<16xf32>,
    %mul3A_380 = arith.mulf %get3A_377, %get3A_379 : vector<16xf32>
    %add3A_381 = arith.addf %add3A_373, %mul3A_380 : vector<16xf32>
    %get3A_382 = arith.constant 1 : i32
    %get3A_383 = arith.index_cast %get3A_382 : i32 to index
    %get3A_384 = arith.constant 16 : index
    %get3A_385 = tpu.vector_load %arg13[%get3A_383, %get3A_384] {strides = array<i32>} : memref<16x128xf32, #tpu.memory_space<vmem>>, vector<16xf32>,
    %get3A_386 = arith.constant 144 : index
    %get3A_387 = tpu.vector_load %arg14[%get3A_386] {strides = array<i32>} : memref<256xf32, #tpu.memory_space<vmem>>, vector<16xf32>,
    %div3A_388 = vector.broadcast %max3A_353 : f32 to vector<16xf32>
    %div3A_389 = arith.divf %get3A_387, %div3A_388 : vector<16xf32>
    %mul3A_390 = arith.mulf %get3A_385, %div3A_389 : vector<16xf32>
    %add3A_391 = arith.addf %add3A_381, %mul3A_390 : vector<16xf32>
    %get3A_392 = arith.constant 1 : i32
    %get3A_393 = arith.index_cast %get3A_392 : i32 to index
    %get3A_394 = arith.constant 32 : index
    %get3A_395 = tpu.vector_load %arg12[%get3A_393, %get3A_394] {strides = array<i32>} : memref<16x128xf32, #tpu.memory_space<vmem>>, vector<16xf32>,
    %get3A_396 = arith.constant 32 : index
    %get3A_397 = tpu.vector_load %arg14[%get3A_396] {strides = array<i32>} : memref<256xf32, #tpu.memory_space<vmem>>, vector<16xf32>,
    %mul3A_398 = arith.mulf %get3A_395, %get3A_397 : vector<16xf32>
    %add3A_399 = arith.addf %add3A_391, %mul3A_398 : vector<16xf32>
    %get3A_400 = arith.constant 1 : i32
    %get3A_401 = arith.index_cast %get3A_400 : i32 to index
    %get3A_402 = arith.constant 32 : index
    %get3A_403 = tpu.vector_load %arg13[%get3A_401, %get3A_402] {strides = array<i32>} : memref<16x128xf32, #tpu.memory_space<vmem>>, vector<16xf32>,
    %get3A_404 = arith.constant 160 : index
    %get3A_405 = tpu.vector_load %arg14[%get3A_404] {strides = array<i32>} : memref<256xf32, #tpu.memory_space<vmem>>, vector<16xf32>,
    %div3A_406 = vector.broadcast %max3A_353 : f32 to vector<16xf32>
    %div3A_407 = arith.divf %get3A_405, %div3A_406 : vector<16xf32>
    %mul3A_408 = arith.mulf %get3A_403, %div3A_407 : vector<16xf32>
    %add3A_409 = arith.addf %add3A_399, %mul3A_408 : vector<16xf32>
    %get3A_410 = arith.constant 1 : i32
    %get3A_411 = arith.index_cast %get3A_410 : i32 to index
    %get3A_412 = arith.constant 48 : index
    %get3A_413 = tpu.vector_load %arg12[%get3A_411, %get3A_412] {strides = array<i32>} : memref<16x128xf32, #tpu.memory_space<vmem>>, vector<16xf32>,
    %get3A_414 = arith.constant 48 : index
    %get3A_415 = tpu.vector_load %arg14[%get3A_414] {strides = array<i32>} : memref<256xf32, #tpu.memory_space<vmem>>, vector<16xf32>,
    %mul3A_416 = arith.mulf %get3A_413, %get3A_415 : vector<16xf32>
    %add3A_417 = arith.addf %add3A_409, %mul3A_416 : vector<16xf32>
    %get3A_418 = arith.constant 1 : i32
    %get3A_419 = arith.index_cast %get3A_418 : i32 to index
    %get3A_420 = arith.constant 48 : index
    %get3A_421 = tpu.vector_load %arg13[%get3A_419, %get3A_420] {strides = array<i32>} : memref<16x128xf32, #tpu.memory_space<vmem>>, vector<16xf32>,
    %get3A_422 = arith.constant 176 : index
    %get3A_423 = tpu.vector_load %arg14[%get3A_422] {strides = array<i32>} : memref<256xf32, #tpu.memory_space<vmem>>, vector<16xf32>,
    %div3A_424 = vector.broadcast %max3A_353 : f32 to vector<16xf32>
    %div3A_425 = arith.divf %get3A_423, %div3A_424 : vector<16xf32>
    %mul3A_426 = arith.mulf %get3A_421, %div3A_425 : vector<16xf32>
    %add3A_427 = arith.addf %add3A_417, %mul3A_426 : vector<16xf32>
    %get3A_428 = arith.constant 1 : i32
    %get3A_429 = arith.index_cast %get3A_428 : i32 to index
    %get3A_430 = arith.constant 64 : index
    %get3A_431 = tpu.vector_load %arg12[%get3A_429, %get3A_430] {strides = array<i32>} : memref<16x128xf32, #tpu.memory_space<vmem>>, vector<16xf32>,
    %get3A_432 = arith.constant 64 : index
    %get3A_433 = tpu.vector_load %arg14[%get3A_432] {strides = array<i32>} : memref<256xf32, #tpu.memory_space<vmem>>, vector<16xf32>,
    %mul3A_434 = arith.mulf %get3A_431, %get3A_433 : vector<16xf32>
    %add3A_435 = arith.addf %add3A_427, %mul3A_434 : vector<16xf32>
    %get3A_436 = arith.constant 1 : i32
    %get3A_437 = arith.index_cast %get3A_436 : i32 to index
    %get3A_438 = arith.constant 64 : index
    %get3A_439 = tpu.vector_load %arg13[%get3A_437, %get3A_438] {strides = array<i32>} : memref<16x128xf32, #tpu.memory_space<vmem>>, vector<16xf32>,
    %get3A_440 = arith.constant 192 : index
    %get3A_441 = tpu.vector_load %arg14[%get3A_440] {strides = array<i32>} : memref<256xf32, #tpu.memory_space<vmem>>, vector<16xf32>,
    %div3A_442 = vector.broadcast %max3A_353 : f32 to vector<16xf32>
    %div3A_443 = arith.divf %get3A_441, %div3A_442 : vector<16xf32>
    %mul3A_444 = arith.mulf %get3A_439, %div3A_443 : vector<16xf32>
    %add3A_445 = arith.addf %add3A_435, %mul3A_444 : vector<16xf32>
    %get3A_446 = arith.constant 1 : i32
    %get3A_447 = arith.index_cast %get3A_446 : i32 to index
    %get3A_448 = arith.constant 80 : index
    %get3A_449 = tpu.vector_load %arg12[%get3A_447, %get3A_448] {strides = array<i32>} : memref<16x128xf32, #tpu.memory_space<vmem>>, vector<16xf32>,
    %get3A_450 = arith.constant 80 : index
    %get3A_451 = tpu.vector_load %arg14[%get3A_450] {strides = array<i32>} : memref<256xf32, #tpu.memory_space<vmem>>, vector<16xf32>,
    %mul3A_452 = arith.mulf %get3A_449, %get3A_451 : vector<16xf32>
    %add3A_453 = arith.addf %add3A_445, %mul3A_452 : vector<16xf32>
    %get3A_454 = arith.constant 1 : i32
    %get3A_455 = arith.index_cast %get3A_454 : i32 to index
    %get3A_456 = arith.constant 80 : index
    %get3A_457 = tpu.vector_load %arg13[%get3A_455, %get3A_456] {strides = array<i32>} : memref<16x128xf32, #tpu.memory_space<vmem>>, vector<16xf32>,
    %get3A_458 = arith.constant 208 : index
    %get3A_459 = tpu.vector_load %arg14[%get3A_458] {strides = array<i32>} : memref<256xf32, #tpu.memory_space<vmem>>, vector<16xf32>,
    %div3A_460 = vector.broadcast %max3A_353 : f32 to vector<16xf32>
    %div3A_461 = arith.divf %get3A_459, %div3A_460 : vector<16xf32>
    %mul3A_462 = arith.mulf %get3A_457, %div3A_461 : vector<16xf32>
    %add3A_463 = arith.addf %add3A_453, %mul3A_462 : vector<16xf32>
    %get3A_464 = arith.constant 1 : i32
    %get3A_465 = arith.index_cast %get3A_464 : i32 to index
    %get3A_466 = arith.constant 96 : index
    %get3A_467 = tpu.vector_load %arg12[%get3A_465, %get3A_466] {strides = array<i32>} : memref<16x128xf32, #tpu.memory_space<vmem>>, vector<16xf32>,
    %get3A_468 = arith.constant 96 : index
    %get3A_469 = tpu.vector_load %arg14[%get3A_468] {strides = array<i32>} : memref<256xf32, #tpu.memory_space<vmem>>, vector<16xf32>,
    %mul3A_470 = arith.mulf %get3A_467, %get3A_469 : vector<16xf32>
    %add3A_471 = arith.addf %add3A_463, %mul3A_470 : vector<16xf32>
    %get3A_472 = arith.constant 1 : i32
    %get3A_473 = arith.index_cast %get3A_472 : i32 to index
    %get3A_474 = arith.constant 96 : index
    %get3A_475 = tpu.vector_load %arg13[%get3A_473, %get3A_474] {strides = array<i32>} : memref<16x128xf32, #tpu.memory_space<vmem>>, vector<16xf32>,
    %get3A_476 = arith.constant 224 : index
    %get3A_477 = tpu.vector_load %arg14[%get3A_476] {strides = array<i32>} : memref<256xf32, #tpu.memory_space<vmem>>, vector<16xf32>,
    %div3A_478 = vector.broadcast %max3A_353 : f32 to vector<16xf32>
    %div3A_479 = arith.divf %get3A_477, %div3A_478 : vector<16xf32>
    %mul3A_480 = arith.mulf %get3A_475, %div3A_479 : vector<16xf32>
    %add3A_481 = arith.addf %add3A_471, %mul3A_480 : vector<16xf32>
    %get3A_482 = arith.constant 1 : i32
    %get3A_483 = arith.index_cast %get3A_482 : i32 to index
    %get3A_484 = arith.constant 112 : index
    %get3A_485 = tpu.vector_load %arg12[%get3A_483, %get3A_484] {strides = array<i32>} : memref<16x128xf32, #tpu.memory_space<vmem>>, vector<16xf32>,
    %get3A_486 = arith.constant 112 : index
    %get3A_487 = tpu.vector_load %arg14[%get3A_486] {strides = array<i32>} : memref<256xf32, #tpu.memory_space<vmem>>, vector<16xf32>,
    %mul3A_488 = arith.mulf %get3A_485, %get3A_487 : vector<16xf32>
    %add3A_489 = arith.addf %add3A_481, %mul3A_488 : vector<16xf32>
    %get3A_490 = arith.constant 1 : i32
    %get3A_491 = arith.index_cast %get3A_490 : i32 to index
    %get3A_492 = arith.constant 112 : index
    %get3A_493 = tpu.vector_load %arg13[%get3A_491, %get3A_492] {strides = array<i32>} : memref<16x128xf32, #tpu.memory_space<vmem>>, vector<16xf32>,
    %get3A_494 = arith.constant 240 : index
    %get3A_495 = tpu.vector_load %arg14[%get3A_494] {strides = array<i32>} : memref<256xf32, #tpu.memory_space<vmem>>, vector<16xf32>,
    %div3A_496 = vector.broadcast %max3A_353 : f32 to vector<16xf32>
    %div3A_497 = arith.divf %get3A_495, %div3A_496 : vector<16xf32>
    %mul3A_498 = arith.mulf %get3A_493, %div3A_497 : vector<16xf32>
    %add3A_499 = arith.addf %add3A_489, %mul3A_498 : vector<16xf32>
    %reduce_sum3A_500 = arith.constant true
    %reduce_sum3A_501 = vector.broadcast %reduce_sum3A_500 : i1 to vector<16xi1>
    %reduce_sum3A_502 = tpu.scan <sum>, %add3A_499 masked %reduce_sum3A_501 : vector<16xf32>, vector<16xi1> -> vector<16xf32>
    %reduce_sum3A_503 = vector.extract %reduce_sum3A_502[15] : f32 from vector<16xf32>
    %add3A_504 = arith.addf %reduce_sum3A_503, %squeeze3A_194 : f32
    %eq3A_505 = arith.constant 1 : i32
    %eq3A_506 = vector.broadcast %eq3A_505 : i32 to vector<16xi32>
    %eq3A_507 = arith.cmpi eq, %iota3A, %eq3A_506 : vector<16xi32>
    %broadcast_in_dim3A_508 = vector.broadcast %add3A_504 : f32 to vector<16xf32>
    %select_n3A_509 = arith.select %eq3A_507, %broadcast_in_dim3A_508, %select_n3A_351 : vector<16xi1>, vector<16xf32>
    %max3A_510 = arith.constant 1.000000e+00 : f32
    %max3A_511 = arith.maximumf %squeeze3A_39, %max3A_510 : f32
    %broadcast_in_dim3A_512 = arith.constant 0.000000e+00 : f32
    %broadcast_in_dim3A_513 = vector.broadcast %broadcast_in_dim3A_512 : f32 to vector<16xf32>
    %get3A_514 = arith.constant 2 : i32
    %get3A_515 = arith.index_cast %get3A_514 : i32 to index
    %get3A_516 = arith.constant 0 : index
    %get3A_517 = tpu.vector_load %arg12[%get3A_515, %get3A_516] {strides = array<i32>} : memref<16x128xf32, #tpu.memory_space<vmem>>, vector<16xf32>,
    %get3A_518 = arith.constant 0 : index
    %get3A_519 = tpu.vector_load %arg14[%get3A_518] {strides = array<i32>} : memref<256xf32, #tpu.memory_space<vmem>>, vector<16xf32>,
    %mul3A_520 = arith.mulf %get3A_517, %get3A_519 : vector<16xf32>
    %add3A_521 = arith.addf %broadcast_in_dim3A_513, %mul3A_520 : vector<16xf32>
    %get3A_522 = arith.constant 2 : i32
    %get3A_523 = arith.index_cast %get3A_522 : i32 to index
    %get3A_524 = arith.constant 0 : index
    %get3A_525 = tpu.vector_load %arg13[%get3A_523, %get3A_524] {strides = array<i32>} : memref<16x128xf32, #tpu.memory_space<vmem>>, vector<16xf32>,
    %get3A_526 = arith.constant 128 : index
    %get3A_527 = tpu.vector_load %arg14[%get3A_526] {strides = array<i32>} : memref<256xf32, #tpu.memory_space<vmem>>, vector<16xf32>,
    %div3A_528 = vector.broadcast %max3A_511 : f32 to vector<16xf32>
    %div3A_529 = arith.divf %get3A_527, %div3A_528 : vector<16xf32>
    %mul3A_530 = arith.mulf %get3A_525, %div3A_529 : vector<16xf32>
    %add3A_531 = arith.addf %add3A_521, %mul3A_530 : vector<16xf32>
    %get3A_532 = arith.constant 2 : i32
    %get3A_533 = arith.index_cast %get3A_532 : i32 to index
    %get3A_534 = arith.constant 16 : index
    %get3A_535 = tpu.vector_load %arg12[%get3A_533, %get3A_534] {strides = array<i32>} : memref<16x128xf32, #tpu.memory_space<vmem>>, vector<16xf32>,
    %get3A_536 = arith.constant 16 : index
    %get3A_537 = tpu.vector_load %arg14[%get3A_536] {strides = array<i32>} : memref<256xf32, #tpu.memory_space<vmem>>, vector<16xf32>,
    %mul3A_538 = arith.mulf %get3A_535, %get3A_537 : vector<16xf32>
    %add3A_539 = arith.addf %add3A_531, %mul3A_538 : vector<16xf32>
    %get3A_540 = arith.constant 2 : i32
    %get3A_541 = arith.index_cast %get3A_540 : i32 to index
    %get3A_542 = arith.constant 16 : index
    %get3A_543 = tpu.vector_load %arg13[%get3A_541, %get3A_542] {strides = array<i32>} : memref<16x128xf32, #tpu.memory_space<vmem>>, vector<16xf32>,
    %get3A_544 = arith.constant 144 : index
    %get3A_545 = tpu.vector_load %arg14[%get3A_544] {strides = array<i32>} : memref<256xf32, #tpu.memory_space<vmem>>, vector<16xf32>,
    %div3A_546 = vector.broadcast %max3A_511 : f32 to vector<16xf32>
    %div3A_547 = arith.divf %get3A_545, %div3A_546 : vector<16xf32>
    %mul3A_548 = arith.mulf %get3A_543, %div3A_547 : vector<16xf32>
    %add3A_549 = arith.addf %add3A_539, %mul3A_548 : vector<16xf32>
    %get3A_550 = arith.constant 2 : i32
    %get3A_551 = arith.index_cast %get3A_550 : i32 to index
    %get3A_552 = arith.constant 32 : index
    %get3A_553 = tpu.vector_load %arg12[%get3A_551, %get3A_552] {strides = array<i32>} : memref<16x128xf32, #tpu.memory_space<vmem>>, vector<16xf32>,
    %get3A_554 = arith.constant 32 : index
    %get3A_555 = tpu.vector_load %arg14[%get3A_554] {strides = array<i32>} : memref<256xf32, #tpu.memory_space<vmem>>, vector<16xf32>,
    %mul3A_556 = arith.mulf %get3A_553, %get3A_555 : vector<16xf32>
    %add3A_557 = arith.addf %add3A_549, %mul3A_556 : vector<16xf32>
    %get3A_558 = arith.constant 2 : i32
    %get3A_559 = arith.index_cast %get3A_558 : i32 to index
    %get3A_560 = arith.constant 32 : index
    %get3A_561 = tpu.vector_load %arg13[%get3A_559, %get3A_560] {strides = array<i32>} : memref<16x128xf32, #tpu.memory_space<vmem>>, vector<16xf32>,
    %get3A_562 = arith.constant 160 : index
    %get3A_563 = tpu.vector_load %arg14[%get3A_562] {strides = array<i32>} : memref<256xf32, #tpu.memory_space<vmem>>, vector<16xf32>,
    %div3A_564 = vector.broadcast %max3A_511 : f32 to vector<16xf32>
    %div3A_565 = arith.divf %get3A_563, %div3A_564 : vector<16xf32>
    %mul3A_566 = arith.mulf %get3A_561, %div3A_565 : vector<16xf32>
    %add3A_567 = arith.addf %add3A_557, %mul3A_566 : vector<16xf32>
    %get3A_568 = arith.constant 2 : i32
    %get3A_569 = arith.index_cast %get3A_568 : i32 to index
    %get3A_570 = arith.constant 48 : index
    %get3A_571 = tpu.vector_load %arg12[%get3A_569, %get3A_570] {strides = array<i32>} : memref<16x128xf32, #tpu.memory_space<vmem>>, vector<16xf32>,
    %get3A_572 = arith.constant 48 : index
    %get3A_573 = tpu.vector_load %arg14[%get3A_572] {strides = array<i32>} : memref<256xf32, #tpu.memory_space<vmem>>, vector<16xf32>,
    %mul3A_574 = arith.mulf %get3A_571, %get3A_573 : vector<16xf32>
    %add3A_575 = arith.addf %add3A_567, %mul3A_574 : vector<16xf32>
    %get3A_576 = arith.constant 2 : i32
    %get3A_577 = arith.index_cast %get3A_576 : i32 to index
    %get3A_578 = arith.constant 48 : index
    %get3A_579 = tpu.vector_load %arg13[%get3A_577, %get3A_578] {strides = array<i32>} : memref<16x128xf32, #tpu.memory_space<vmem>>, vector<16xf32>,
    %get3A_580 = arith.constant 176 : index
    %get3A_581 = tpu.vector_load %arg14[%get3A_580] {strides = array<i32>} : memref<256xf32, #tpu.memory_space<vmem>>, vector<16xf32>,
    %div3A_582 = vector.broadcast %max3A_511 : f32 to vector<16xf32>
    %div3A_583 = arith.divf %get3A_581, %div3A_582 : vector<16xf32>
    %mul3A_584 = arith.mulf %get3A_579, %div3A_583 : vector<16xf32>
    %add3A_585 = arith.addf %add3A_575, %mul3A_584 : vector<16xf32>
    %get3A_586 = arith.constant 2 : i32
    %get3A_587 = arith.index_cast %get3A_586 : i32 to index
    %get3A_588 = arith.constant 64 : index
    %get3A_589 = tpu.vector_load %arg12[%get3A_587, %get3A_588] {strides = array<i32>} : memref<16x128xf32, #tpu.memory_space<vmem>>, vector<16xf32>,
    %get3A_590 = arith.constant 64 : index
    %get3A_591 = tpu.vector_load %arg14[%get3A_590] {strides = array<i32>} : memref<256xf32, #tpu.memory_space<vmem>>, vector<16xf32>,
    %mul3A_592 = arith.mulf %get3A_589, %get3A_591 : vector<16xf32>
    %add3A_593 = arith.addf %add3A_585, %mul3A_592 : vector<16xf32>
    %get3A_594 = arith.constant 2 : i32
    %get3A_595 = arith.index_cast %get3A_594 : i32 to index
    %get3A_596 = arith.constant 64 : index
    %get3A_597 = tpu.vector_load %arg13[%get3A_595, %get3A_596] {strides = array<i32>} : memref<16x128xf32, #tpu.memory_space<vmem>>, vector<16xf32>,
    %get3A_598 = arith.constant 192 : index
    %get3A_599 = tpu.vector_load %arg14[%get3A_598] {strides = array<i32>} : memref<256xf32, #tpu.memory_space<vmem>>, vector<16xf32>,
    %div3A_600 = vector.broadcast %max3A_511 : f32 to vector<16xf32>
    %div3A_601 = arith.divf %get3A_599, %div3A_600 : vector<16xf32>
    %mul3A_602 = arith.mulf %get3A_597, %div3A_601 : vector<16xf32>
    %add3A_603 = arith.addf %add3A_593, %mul3A_602 : vector<16xf32>
    %get3A_604 = arith.constant 2 : i32
    %get3A_605 = arith.index_cast %get3A_604 : i32 to index
    %get3A_606 = arith.constant 80 : index
    %get3A_607 = tpu.vector_load %arg12[%get3A_605, %get3A_606] {strides = array<i32>} : memref<16x128xf32, #tpu.memory_space<vmem>>, vector<16xf32>,
    %get3A_608 = arith.constant 80 : index
    %get3A_609 = tpu.vector_load %arg14[%get3A_608] {strides = array<i32>} : memref<256xf32, #tpu.memory_space<vmem>>, vector<16xf32>,
    %mul3A_610 = arith.mulf %get3A_607, %get3A_609 : vector<16xf32>
    %add3A_611 = arith.addf %add3A_603, %mul3A_610 : vector<16xf32>
    %get3A_612 = arith.constant 2 : i32
    %get3A_613 = arith.index_cast %get3A_612 : i32 to index
    %get3A_614 = arith.constant 80 : index
    %get3A_615 = tpu.vector_load %arg13[%get3A_613, %get3A_614] {strides = array<i32>} : memref<16x128xf32, #tpu.memory_space<vmem>>, vector<16xf32>,
    %get3A_616 = arith.constant 208 : index
    %get3A_617 = tpu.vector_load %arg14[%get3A_616] {strides = array<i32>} : memref<256xf32, #tpu.memory_space<vmem>>, vector<16xf32>,
    %div3A_618 = vector.broadcast %max3A_511 : f32 to vector<16xf32>
    %div3A_619 = arith.divf %get3A_617, %div3A_618 : vector<16xf32>
    %mul3A_620 = arith.mulf %get3A_615, %div3A_619 : vector<16xf32>
    %add3A_621 = arith.addf %add3A_611, %mul3A_620 : vector<16xf32>
    %get3A_622 = arith.constant 2 : i32
    %get3A_623 = arith.index_cast %get3A_622 : i32 to index
    %get3A_624 = arith.constant 96 : index
    %get3A_625 = tpu.vector_load %arg12[%get3A_623, %get3A_624] {strides = array<i32>} : memref<16x128xf32, #tpu.memory_space<vmem>>, vector<16xf32>,
    %get3A_626 = arith.constant 96 : index
    %get3A_627 = tpu.vector_load %arg14[%get3A_626] {strides = array<i32>} : memref<256xf32, #tpu.memory_space<vmem>>, vector<16xf32>,
    %mul3A_628 = arith.mulf %get3A_625, %get3A_627 : vector<16xf32>
    %add3A_629 = arith.addf %add3A_621, %mul3A_628 : vector<16xf32>
    %get3A_630 = arith.constant 2 : i32
    %get3A_631 = arith.index_cast %get3A_630 : i32 to index
    %get3A_632 = arith.constant 96 : index
    %get3A_633 = tpu.vector_load %arg13[%get3A_631, %get3A_632] {strides = array<i32>} : memref<16x128xf32, #tpu.memory_space<vmem>>, vector<16xf32>,
    %get3A_634 = arith.constant 224 : index
    %get3A_635 = tpu.vector_load %arg14[%get3A_634] {strides = array<i32>} : memref<256xf32, #tpu.memory_space<vmem>>, vector<16xf32>,
    %div3A_636 = vector.broadcast %max3A_511 : f32 to vector<16xf32>
    %div3A_637 = arith.divf %get3A_635, %div3A_636 : vector<16xf32>
    %mul3A_638 = arith.mulf %get3A_633, %div3A_637 : vector<16xf32>
    %add3A_639 = arith.addf %add3A_629, %mul3A_638 : vector<16xf32>
    %get3A_640 = arith.constant 2 : i32
    %get3A_641 = arith.index_cast %get3A_640 : i32 to index
    %get3A_642 = arith.constant 112 : index
    %get3A_643 = tpu.vector_load %arg12[%get3A_641, %get3A_642] {strides = array<i32>} : memref<16x128xf32, #tpu.memory_space<vmem>>, vector<16xf32>,
    %get3A_644 = arith.constant 112 : index
    %get3A_645 = tpu.vector_load %arg14[%get3A_644] {strides = array<i32>} : memref<256xf32, #tpu.memory_space<vmem>>, vector<16xf32>,
    %mul3A_646 = arith.mulf %get3A_643, %get3A_645 : vector<16xf32>
    %add3A_647 = arith.addf %add3A_639, %mul3A_646 : vector<16xf32>
    %get3A_648 = arith.constant 2 : i32
    %get3A_649 = arith.index_cast %get3A_648 : i32 to index
    %get3A_650 = arith.constant 112 : index
    %get3A_651 = tpu.vector_load %arg13[%get3A_649, %get3A_650] {strides = array<i32>} : memref<16x128xf32, #tpu.memory_space<vmem>>, vector<16xf32>,
    %get3A_652 = arith.constant 240 : index
    %get3A_653 = tpu.vector_load %arg14[%get3A_652] {strides = array<i32>} : memref<256xf32, #tpu.memory_space<vmem>>, vector<16xf32>,
    %div3A_654 = vector.broadcast %max3A_511 : f32 to vector<16xf32>
    %div3A_655 = arith.divf %get3A_653, %div3A_654 : vector<16xf32>
    %mul3A_656 = arith.mulf %get3A_651, %div3A_655 : vector<16xf32>
    %add3A_657 = arith.addf %add3A_647, %mul3A_656 : vector<16xf32>
    %reduce_sum3A_658 = arith.constant true
    %reduce_sum3A_659 = vector.broadcast %reduce_sum3A_658 : i1 to vector<16xi1>
    %reduce_sum3A_660 = tpu.scan <sum>, %add3A_657 masked %reduce_sum3A_659 : vector<16xf32>, vector<16xi1> -> vector<16xf32>
    %reduce_sum3A_661 = vector.extract %reduce_sum3A_660[15] : f32 from vector<16xf32>
    %add3A_662 = arith.addf %reduce_sum3A_661, %squeeze3A_194 : f32
    %eq3A_663 = arith.constant 2 : i32
    %eq3A_664 = vector.broadcast %eq3A_663 : i32 to vector<16xi32>
    %eq3A_665 = arith.cmpi eq, %iota3A, %eq3A_664 : vector<16xi32>
    %broadcast_in_dim3A_666 = vector.broadcast %add3A_662 : f32 to vector<16xf32>
    %select_n3A_667 = arith.select %eq3A_665, %broadcast_in_dim3A_666, %select_n3A_509 : vector<16xi1>, vector<16xf32>
    %max3A_668 = arith.constant 1.000000e+00 : f32
    %max3A_669 = arith.maximumf %squeeze3A_45, %max3A_668 : f32
    %broadcast_in_dim3A_670 = arith.constant 0.000000e+00 : f32
    %broadcast_in_dim3A_671 = vector.broadcast %broadcast_in_dim3A_670 : f32 to vector<16xf32>
    %get3A_672 = arith.constant 3 : i32
    %get3A_673 = arith.index_cast %get3A_672 : i32 to index
    %get3A_674 = arith.constant 0 : index
    %get3A_675 = tpu.vector_load %arg12[%get3A_673, %get3A_674] {strides = array<i32>} : memref<16x128xf32, #tpu.memory_space<vmem>>, vector<16xf32>,
    %get3A_676 = arith.constant 0 : index
    %get3A_677 = tpu.vector_load %arg14[%get3A_676] {strides = array<i32>} : memref<256xf32, #tpu.memory_space<vmem>>, vector<16xf32>,
    %mul3A_678 = arith.mulf %get3A_675, %get3A_677 : vector<16xf32>
    %add3A_679 = arith.addf %broadcast_in_dim3A_671, %mul3A_678 : vector<16xf32>
    %get3A_680 = arith.constant 3 : i32
    %get3A_681 = arith.index_cast %get3A_680 : i32 to index
    %get3A_682 = arith.constant 0 : index
    %get3A_683 = tpu.vector_load %arg13[%get3A_681, %get3A_682] {strides = array<i32>} : memref<16x128xf32, #tpu.memory_space<vmem>>, vector<16xf32>,
    %get3A_684 = arith.constant 128 : index
    %get3A_685 = tpu.vector_load %arg14[%get3A_684] {strides = array<i32>} : memref<256xf32, #tpu.memory_space<vmem>>, vector<16xf32>,
    %div3A_686 = vector.broadcast %max3A_669 : f32 to vector<16xf32>
    %div3A_687 = arith.divf %get3A_685, %div3A_686 : vector<16xf32>
    %mul3A_688 = arith.mulf %get3A_683, %div3A_687 : vector<16xf32>
    %add3A_689 = arith.addf %add3A_679, %mul3A_688 : vector<16xf32>
    %get3A_690 = arith.constant 3 : i32
    %get3A_691 = arith.index_cast %get3A_690 : i32 to index
    %get3A_692 = arith.constant 16 : index
    %get3A_693 = tpu.vector_load %arg12[%get3A_691, %get3A_692] {strides = array<i32>} : memref<16x128xf32, #tpu.memory_space<vmem>>, vector<16xf32>,
    %get3A_694 = arith.constant 16 : index
    %get3A_695 = tpu.vector_load %arg14[%get3A_694] {strides = array<i32>} : memref<256xf32, #tpu.memory_space<vmem>>, vector<16xf32>,
    %mul3A_696 = arith.mulf %get3A_693, %get3A_695 : vector<16xf32>
    %add3A_697 = arith.addf %add3A_689, %mul3A_696 : vector<16xf32>
    %get3A_698 = arith.constant 3 : i32
    %get3A_699 = arith.index_cast %get3A_698 : i32 to index
    %get3A_700 = arith.constant 16 : index
    %get3A_701 = tpu.vector_load %arg13[%get3A_699, %get3A_700] {strides = array<i32>} : memref<16x128xf32, #tpu.memory_space<vmem>>, vector<16xf32>,
    %get3A_702 = arith.constant 144 : index
    %get3A_703 = tpu.vector_load %arg14[%get3A_702] {strides = array<i32>} : memref<256xf32, #tpu.memory_space<vmem>>, vector<16xf32>,
    %div3A_704 = vector.broadcast %max3A_669 : f32 to vector<16xf32>
    %div3A_705 = arith.divf %get3A_703, %div3A_704 : vector<16xf32>
    %mul3A_706 = arith.mulf %get3A_701, %div3A_705 : vector<16xf32>
    %add3A_707 = arith.addf %add3A_697, %mul3A_706 : vector<16xf32>
    %get3A_708 = arith.constant 3 : i32
    %get3A_709 = arith.index_cast %get3A_708 : i32 to index
    %get3A_710 = arith.constant 32 : index
    %get3A_711 = tpu.vector_load %arg12[%get3A_709, %get3A_710] {strides = array<i32>} : memref<16x128xf32, #tpu.memory_space<vmem>>, vector<16xf32>,
    %get3A_712 = arith.constant 32 : index
    %get3A_713 = tpu.vector_load %arg14[%get3A_712] {strides = array<i32>} : memref<256xf32, #tpu.memory_space<vmem>>, vector<16xf32>,
    %mul3A_714 = arith.mulf %get3A_711, %get3A_713 : vector<16xf32>
    %add3A_715 = arith.addf %add3A_707, %mul3A_714 : vector<16xf32>
    %get3A_716 = arith.constant 3 : i32
    %get3A_717 = arith.index_cast %get3A_716 : i32 to index
    %get3A_718 = arith.constant 32 : index
    %get3A_719 = tpu.vector_load %arg13[%get3A_717, %get3A_718] {strides = array<i32>} : memref<16x128xf32, #tpu.memory_space<vmem>>, vector<16xf32>,
    %get3A_720 = arith.constant 160 : index
    %get3A_721 = tpu.vector_load %arg14[%get3A_720] {strides = array<i32>} : memref<256xf32, #tpu.memory_space<vmem>>, vector<16xf32>,
    %div3A_722 = vector.broadcast %max3A_669 : f32 to vector<16xf32>
    %div3A_723 = arith.divf %get3A_721, %div3A_722 : vector<16xf32>
    %mul3A_724 = arith.mulf %get3A_719, %div3A_723 : vector<16xf32>
    %add3A_725 = arith.addf %add3A_715, %mul3A_724 : vector<16xf32>
    %get3A_726 = arith.constant 3 : i32
    %get3A_727 = arith.index_cast %get3A_726 : i32 to index
    %get3A_728 = arith.constant 48 : index
    %get3A_729 = tpu.vector_load %arg12[%get3A_727, %get3A_728] {strides = array<i32>} : memref<16x128xf32, #tpu.memory_space<vmem>>, vector<16xf32>,
    %get3A_730 = arith.constant 48 : index
    %get3A_731 = tpu.vector_load %arg14[%get3A_730] {strides = array<i32>} : memref<256xf32, #tpu.memory_space<vmem>>, vector<16xf32>,
    %mul3A_732 = arith.mulf %get3A_729, %get3A_731 : vector<16xf32>
    %add3A_733 = arith.addf %add3A_725, %mul3A_732 : vector<16xf32>
    %get3A_734 = arith.constant 3 : i32
    %get3A_735 = arith.index_cast %get3A_734 : i32 to index
    %get3A_736 = arith.constant 48 : index
    %get3A_737 = tpu.vector_load %arg13[%get3A_735, %get3A_736] {strides = array<i32>} : memref<16x128xf32, #tpu.memory_space<vmem>>, vector<16xf32>,
    %get3A_738 = arith.constant 176 : index
    %get3A_739 = tpu.vector_load %arg14[%get3A_738] {strides = array<i32>} : memref<256xf32, #tpu.memory_space<vmem>>, vector<16xf32>,
    %div3A_740 = vector.broadcast %max3A_669 : f32 to vector<16xf32>
    %div3A_741 = arith.divf %get3A_739, %div3A_740 : vector<16xf32>
    %mul3A_742 = arith.mulf %get3A_737, %div3A_741 : vector<16xf32>
    %add3A_743 = arith.addf %add3A_733, %mul3A_742 : vector<16xf32>
    %get3A_744 = arith.constant 3 : i32
    %get3A_745 = arith.index_cast %get3A_744 : i32 to index
    %get3A_746 = arith.constant 64 : index
    %get3A_747 = tpu.vector_load %arg12[%get3A_745, %get3A_746] {strides = array<i32>} : memref<16x128xf32, #tpu.memory_space<vmem>>, vector<16xf32>,
    %get3A_748 = arith.constant 64 : index
    %get3A_749 = tpu.vector_load %arg14[%get3A_748] {strides = array<i32>} : memref<256xf32, #tpu.memory_space<vmem>>, vector<16xf32>,
    %mul3A_750 = arith.mulf %get3A_747, %get3A_749 : vector<16xf32>
    %add3A_751 = arith.addf %add3A_743, %mul3A_750 : vector<16xf32>
    %get3A_752 = arith.constant 3 : i32
    %get3A_753 = arith.index_cast %get3A_752 : i32 to index
    %get3A_754 = arith.constant 64 : index
    %get3A_755 = tpu.vector_load %arg13[%get3A_753, %get3A_754] {strides = array<i32>} : memref<16x128xf32, #tpu.memory_space<vmem>>, vector<16xf32>,
    %get3A_756 = arith.constant 192 : index
    %get3A_757 = tpu.vector_load %arg14[%get3A_756] {strides = array<i32>} : memref<256xf32, #tpu.memory_space<vmem>>, vector<16xf32>,
    %div3A_758 = vector.broadcast %max3A_669 : f32 to vector<16xf32>
    %div3A_759 = arith.divf %get3A_757, %div3A_758 : vector<16xf32>
    %mul3A_760 = arith.mulf %get3A_755, %div3A_759 : vector<16xf32>
    %add3A_761 = arith.addf %add3A_751, %mul3A_760 : vector<16xf32>
    %get3A_762 = arith.constant 3 : i32
    %get3A_763 = arith.index_cast %get3A_762 : i32 to index
    %get3A_764 = arith.constant 80 : index
    %get3A_765 = tpu.vector_load %arg12[%get3A_763, %get3A_764] {strides = array<i32>} : memref<16x128xf32, #tpu.memory_space<vmem>>, vector<16xf32>,
    %get3A_766 = arith.constant 80 : index
    %get3A_767 = tpu.vector_load %arg14[%get3A_766] {strides = array<i32>} : memref<256xf32, #tpu.memory_space<vmem>>, vector<16xf32>,
    %mul3A_768 = arith.mulf %get3A_765, %get3A_767 : vector<16xf32>
    %add3A_769 = arith.addf %add3A_761, %mul3A_768 : vector<16xf32>
    %get3A_770 = arith.constant 3 : i32
    %get3A_771 = arith.index_cast %get3A_770 : i32 to index
    %get3A_772 = arith.constant 80 : index
    %get3A_773 = tpu.vector_load %arg13[%get3A_771, %get3A_772] {strides = array<i32>} : memref<16x128xf32, #tpu.memory_space<vmem>>, vector<16xf32>,
    %get3A_774 = arith.constant 208 : index
    %get3A_775 = tpu.vector_load %arg14[%get3A_774] {strides = array<i32>} : memref<256xf32, #tpu.memory_space<vmem>>, vector<16xf32>,
    %div3A_776 = vector.broadcast %max3A_669 : f32 to vector<16xf32>
    %div3A_777 = arith.divf %get3A_775, %div3A_776 : vector<16xf32>
    %mul3A_778 = arith.mulf %get3A_773, %div3A_777 : vector<16xf32>
    %add3A_779 = arith.addf %add3A_769, %mul3A_778 : vector<16xf32>
    %get3A_780 = arith.constant 3 : i32
    %get3A_781 = arith.index_cast %get3A_780 : i32 to index
    %get3A_782 = arith.constant 96 : index
    %get3A_783 = tpu.vector_load %arg12[%get3A_781, %get3A_782] {strides = array<i32>} : memref<16x128xf32, #tpu.memory_space<vmem>>, vector<16xf32>,
    %get3A_784 = arith.constant 96 : index
    %get3A_785 = tpu.vector_load %arg14[%get3A_784] {strides = array<i32>} : memref<256xf32, #tpu.memory_space<vmem>>, vector<16xf32>,
    %mul3A_786 = arith.mulf %get3A_783, %get3A_785 : vector<16xf32>
    %add3A_787 = arith.addf %add3A_779, %mul3A_786 : vector<16xf32>
    %get3A_788 = arith.constant 3 : i32
    %get3A_789 = arith.index_cast %get3A_788 : i32 to index
    %get3A_790 = arith.constant 96 : index
    %get3A_791 = tpu.vector_load %arg13[%get3A_789, %get3A_790] {strides = array<i32>} : memref<16x128xf32, #tpu.memory_space<vmem>>, vector<16xf32>,
    %get3A_792 = arith.constant 224 : index
    %get3A_793 = tpu.vector_load %arg14[%get3A_792] {strides = array<i32>} : memref<256xf32, #tpu.memory_space<vmem>>, vector<16xf32>,
    %div3A_794 = vector.broadcast %max3A_669 : f32 to vector<16xf32>
    %div3A_795 = arith.divf %get3A_793, %div3A_794 : vector<16xf32>
    %mul3A_796 = arith.mulf %get3A_791, %div3A_795 : vector<16xf32>
    %add3A_797 = arith.addf %add3A_787, %mul3A_796 : vector<16xf32>
    %get3A_798 = arith.constant 3 : i32
    %get3A_799 = arith.index_cast %get3A_798 : i32 to index
    %get3A_800 = arith.constant 112 : index
    %get3A_801 = tpu.vector_load %arg12[%get3A_799, %get3A_800] {strides = array<i32>} : memref<16x128xf32, #tpu.memory_space<vmem>>, vector<16xf32>,
    %get3A_802 = arith.constant 112 : index
    %get3A_803 = tpu.vector_load %arg14[%get3A_802] {strides = array<i32>} : memref<256xf32, #tpu.memory_space<vmem>>, vector<16xf32>,
    %mul3A_804 = arith.mulf %get3A_801, %get3A_803 : vector<16xf32>
    %add3A_805 = arith.addf %add3A_797, %mul3A_804 : vector<16xf32>
    %get3A_806 = arith.constant 3 : i32
    %get3A_807 = arith.index_cast %get3A_806 : i32 to index
    %get3A_808 = arith.constant 112 : index
    %get3A_809 = tpu.vector_load %arg13[%get3A_807, %get3A_808] {strides = array<i32>} : memref<16x128xf32, #tpu.memory_space<vmem>>, vector<16xf32>,
    %get3A_810 = arith.constant 240 : index
    %get3A_811 = tpu.vector_load %arg14[%get3A_810] {strides = array<i32>} : memref<256xf32, #tpu.memory_space<vmem>>, vector<16xf32>,
    %div3A_812 = vector.broadcast %max3A_669 : f32 to vector<16xf32>
    %div3A_813 = arith.divf %get3A_811, %div3A_812 : vector<16xf32>
    %mul3A_814 = arith.mulf %get3A_809, %div3A_813 : vector<16xf32>
    %add3A_815 = arith.addf %add3A_805, %mul3A_814 : vector<16xf32>
    %reduce_sum3A_816 = arith.constant true
    %reduce_sum3A_817 = vector.broadcast %reduce_sum3A_816 : i1 to vector<16xi1>
    %reduce_sum3A_818 = tpu.scan <sum>, %add3A_815 masked %reduce_sum3A_817 : vector<16xf32>, vector<16xi1> -> vector<16xf32>
    %reduce_sum3A_819 = vector.extract %reduce_sum3A_818[15] : f32 from vector<16xf32>
    %add3A_820 = arith.addf %reduce_sum3A_819, %squeeze3A_194 : f32
    %eq3A_821 = arith.constant 3 : i32
    %eq3A_822 = vector.broadcast %eq3A_821 : i32 to vector<16xi32>
    %eq3A_823 = arith.cmpi eq, %iota3A, %eq3A_822 : vector<16xi32>
    %broadcast_in_dim3A_824 = vector.broadcast %add3A_820 : f32 to vector<16xf32>
    %select_n3A_825 = arith.select %eq3A_823, %broadcast_in_dim3A_824, %select_n3A_667 : vector<16xi1>, vector<16xf32>
    %max3A_826 = arith.constant 1.000000e+00 : f32
    %max3A_827 = arith.maximumf %squeeze3A_51, %max3A_826 : f32
    %broadcast_in_dim3A_828 = arith.constant 0.000000e+00 : f32
    %broadcast_in_dim3A_829 = vector.broadcast %broadcast_in_dim3A_828 : f32 to vector<16xf32>
    %get3A_830 = arith.constant 4 : i32
    %get3A_831 = arith.index_cast %get3A_830 : i32 to index
    %get3A_832 = arith.constant 0 : index
    %get3A_833 = tpu.vector_load %arg12[%get3A_831, %get3A_832] {strides = array<i32>} : memref<16x128xf32, #tpu.memory_space<vmem>>, vector<16xf32>,
    %get3A_834 = arith.constant 0 : index
    %get3A_835 = tpu.vector_load %arg14[%get3A_834] {strides = array<i32>} : memref<256xf32, #tpu.memory_space<vmem>>, vector<16xf32>,
    %mul3A_836 = arith.mulf %get3A_833, %get3A_835 : vector<16xf32>
    %add3A_837 = arith.addf %broadcast_in_dim3A_829, %mul3A_836 : vector<16xf32>
    %get3A_838 = arith.constant 4 : i32
    %get3A_839 = arith.index_cast %get3A_838 : i32 to index
    %get3A_840 = arith.constant 0 : index
    %get3A_841 = tpu.vector_load %arg13[%get3A_839, %get3A_840] {strides = array<i32>} : memref<16x128xf32, #tpu.memory_space<vmem>>, vector<16xf32>,
    %get3A_842 = arith.constant 128 : index
    %get3A_843 = tpu.vector_load %arg14[%get3A_842] {strides = array<i32>} : memref<256xf32, #tpu.memory_space<vmem>>, vector<16xf32>,
    %div3A_844 = vector.broadcast %max3A_827 : f32 to vector<16xf32>
    %div3A_845 = arith.divf %get3A_843, %div3A_844 : vector<16xf32>
    %mul3A_846 = arith.mulf %get3A_841, %div3A_845 : vector<16xf32>
    %add3A_847 = arith.addf %add3A_837, %mul3A_846 : vector<16xf32>
    %get3A_848 = arith.constant 4 : i32
    %get3A_849 = arith.index_cast %get3A_848 : i32 to index
    %get3A_850 = arith.constant 16 : index
    %get3A_851 = tpu.vector_load %arg12[%get3A_849, %get3A_850] {strides = array<i32>} : memref<16x128xf32, #tpu.memory_space<vmem>>, vector<16xf32>,
    %get3A_852 = arith.constant 16 : index
    %get3A_853 = tpu.vector_load %arg14[%get3A_852] {strides = array<i32>} : memref<256xf32, #tpu.memory_space<vmem>>, vector<16xf32>,
    %mul3A_854 = arith.mulf %get3A_851, %get3A_853 : vector<16xf32>
    %add3A_855 = arith.addf %add3A_847, %mul3A_854 : vector<16xf32>
    %get3A_856 = arith.constant 4 : i32
    %get3A_857 = arith.index_cast %get3A_856 : i32 to index
    %get3A_858 = arith.constant 16 : index
    %get3A_859 = tpu.vector_load %arg13[%get3A_857, %get3A_858] {strides = array<i32>} : memref<16x128xf32, #tpu.memory_space<vmem>>, vector<16xf32>,
    %get3A_860 = arith.constant 144 : index
    %get3A_861 = tpu.vector_load %arg14[%get3A_860] {strides = array<i32>} : memref<256xf32, #tpu.memory_space<vmem>>, vector<16xf32>,
    %div3A_862 = vector.broadcast %max3A_827 : f32 to vector<16xf32>
    %div3A_863 = arith.divf %get3A_861, %div3A_862 : vector<16xf32>
    %mul3A_864 = arith.mulf %get3A_859, %div3A_863 : vector<16xf32>
    %add3A_865 = arith.addf %add3A_855, %mul3A_864 : vector<16xf32>
    %get3A_866 = arith.constant 4 : i32
    %get3A_867 = arith.index_cast %get3A_866 : i32 to index
    %get3A_868 = arith.constant 32 : index
    %get3A_869 = tpu.vector_load %arg12[%get3A_867, %get3A_868] {strides = array<i32>} : memref<16x128xf32, #tpu.memory_space<vmem>>, vector<16xf32>,
    %get3A_870 = arith.constant 32 : index
    %get3A_871 = tpu.vector_load %arg14[%get3A_870] {strides = array<i32>} : memref<256xf32, #tpu.memory_space<vmem>>, vector<16xf32>,
    %mul3A_872 = arith.mulf %get3A_869, %get3A_871 : vector<16xf32>
    %add3A_873 = arith.addf %add3A_865, %mul3A_872 : vector<16xf32>
    %get3A_874 = arith.constant 4 : i32
    %get3A_875 = arith.index_cast %get3A_874 : i32 to index
    %get3A_876 = arith.constant 32 : index
    %get3A_877 = tpu.vector_load %arg13[%get3A_875, %get3A_876] {strides = array<i32>} : memref<16x128xf32, #tpu.memory_space<vmem>>, vector<16xf32>,
    %get3A_878 = arith.constant 160 : index
    %get3A_879 = tpu.vector_load %arg14[%get3A_878] {strides = array<i32>} : memref<256xf32, #tpu.memory_space<vmem>>, vector<16xf32>,
    %div3A_880 = vector.broadcast %max3A_827 : f32 to vector<16xf32>
    %div3A_881 = arith.divf %get3A_879, %div3A_880 : vector<16xf32>
    %mul3A_882 = arith.mulf %get3A_877, %div3A_881 : vector<16xf32>
    %add3A_883 = arith.addf %add3A_873, %mul3A_882 : vector<16xf32>
    %get3A_884 = arith.constant 4 : i32
    %get3A_885 = arith.index_cast %get3A_884 : i32 to index
    %get3A_886 = arith.constant 48 : index
    %get3A_887 = tpu.vector_load %arg12[%get3A_885, %get3A_886] {strides = array<i32>} : memref<16x128xf32, #tpu.memory_space<vmem>>, vector<16xf32>,
    %get3A_888 = arith.constant 48 : index
    %get3A_889 = tpu.vector_load %arg14[%get3A_888] {strides = array<i32>} : memref<256xf32, #tpu.memory_space<vmem>>, vector<16xf32>,
    %mul3A_890 = arith.mulf %get3A_887, %get3A_889 : vector<16xf32>
    %add3A_891 = arith.addf %add3A_883, %mul3A_890 : vector<16xf32>
    %get3A_892 = arith.constant 4 : i32
    %get3A_893 = arith.index_cast %get3A_892 : i32 to index
    %get3A_894 = arith.constant 48 : index
    %get3A_895 = tpu.vector_load %arg13[%get3A_893, %get3A_894] {strides = array<i32>} : memref<16x128xf32, #tpu.memory_space<vmem>>, vector<16xf32>,
    %get3A_896 = arith.constant 176 : index
    %get3A_897 = tpu.vector_load %arg14[%get3A_896] {strides = array<i32>} : memref<256xf32, #tpu.memory_space<vmem>>, vector<16xf32>,
    %div3A_898 = vector.broadcast %max3A_827 : f32 to vector<16xf32>
    %div3A_899 = arith.divf %get3A_897, %div3A_898 : vector<16xf32>
    %mul3A_900 = arith.mulf %get3A_895, %div3A_899 : vector<16xf32>
    %add3A_901 = arith.addf %add3A_891, %mul3A_900 : vector<16xf32>
    %get3A_902 = arith.constant 4 : i32
    %get3A_903 = arith.index_cast %get3A_902 : i32 to index
    %get3A_904 = arith.constant 64 : index
    %get3A_905 = tpu.vector_load %arg12[%get3A_903, %get3A_904] {strides = array<i32>} : memref<16x128xf32, #tpu.memory_space<vmem>>, vector<16xf32>,
    %get3A_906 = arith.constant 64 : index
    %get3A_907 = tpu.vector_load %arg14[%get3A_906] {strides = array<i32>} : memref<256xf32, #tpu.memory_space<vmem>>, vector<16xf32>,
    %mul3A_908 = arith.mulf %get3A_905, %get3A_907 : vector<16xf32>
    %add3A_909 = arith.addf %add3A_901, %mul3A_908 : vector<16xf32>
    %get3A_910 = arith.constant 4 : i32
    %get3A_911 = arith.index_cast %get3A_910 : i32 to index
    %get3A_912 = arith.constant 64 : index
    %get3A_913 = tpu.vector_load %arg13[%get3A_911, %get3A_912] {strides = array<i32>} : memref<16x128xf32, #tpu.memory_space<vmem>>, vector<16xf32>,
    %get3A_914 = arith.constant 192 : index
    %get3A_915 = tpu.vector_load %arg14[%get3A_914] {strides = array<i32>} : memref<256xf32, #tpu.memory_space<vmem>>, vector<16xf32>,
    %div3A_916 = vector.broadcast %max3A_827 : f32 to vector<16xf32>
    %div3A_917 = arith.divf %get3A_915, %div3A_916 : vector<16xf32>
    %mul3A_918 = arith.mulf %get3A_913, %div3A_917 : vector<16xf32>
    %add3A_919 = arith.addf %add3A_909, %mul3A_918 : vector<16xf32>
    %get3A_920 = arith.constant 4 : i32
    %get3A_921 = arith.index_cast %get3A_920 : i32 to index
    %get3A_922 = arith.constant 80 : index
    %get3A_923 = tpu.vector_load %arg12[%get3A_921, %get3A_922] {strides = array<i32>} : memref<16x128xf32, #tpu.memory_space<vmem>>, vector<16xf32>,
    %get3A_924 = arith.constant 80 : index
    %get3A_925 = tpu.vector_load %arg14[%get3A_924] {strides = array<i32>} : memref<256xf32, #tpu.memory_space<vmem>>, vector<16xf32>,
    %mul3A_926 = arith.mulf %get3A_923, %get3A_925 : vector<16xf32>
    %add3A_927 = arith.addf %add3A_919, %mul3A_926 : vector<16xf32>
    %get3A_928 = arith.constant 4 : i32
    %get3A_929 = arith.index_cast %get3A_928 : i32 to index
    %get3A_930 = arith.constant 80 : index
    %get3A_931 = tpu.vector_load %arg13[%get3A_929, %get3A_930] {strides = array<i32>} : memref<16x128xf32, #tpu.memory_space<vmem>>, vector<16xf32>,
    %get3A_932 = arith.constant 208 : index
    %get3A_933 = tpu.vector_load %arg14[%get3A_932] {strides = array<i32>} : memref<256xf32, #tpu.memory_space<vmem>>, vector<16xf32>,
    %div3A_934 = vector.broadcast %max3A_827 : f32 to vector<16xf32>
    %div3A_935 = arith.divf %get3A_933, %div3A_934 : vector<16xf32>
    %mul3A_936 = arith.mulf %get3A_931, %div3A_935 : vector<16xf32>
    %add3A_937 = arith.addf %add3A_927, %mul3A_936 : vector<16xf32>
    %get3A_938 = arith.constant 4 : i32
    %get3A_939 = arith.index_cast %get3A_938 : i32 to index
    %get3A_940 = arith.constant 96 : index
    %get3A_941 = tpu.vector_load %arg12[%get3A_939, %get3A_940] {strides = array<i32>} : memref<16x128xf32, #tpu.memory_space<vmem>>, vector<16xf32>,
    %get3A_942 = arith.constant 96 : index
    %get3A_943 = tpu.vector_load %arg14[%get3A_942] {strides = array<i32>} : memref<256xf32, #tpu.memory_space<vmem>>, vector<16xf32>,
    %mul3A_944 = arith.mulf %get3A_941, %get3A_943 : vector<16xf32>
    %add3A_945 = arith.addf %add3A_937, %mul3A_944 : vector<16xf32>
    %get3A_946 = arith.constant 4 : i32
    %get3A_947 = arith.index_cast %get3A_946 : i32 to index
    %get3A_948 = arith.constant 96 : index
    %get3A_949 = tpu.vector_load %arg13[%get3A_947, %get3A_948] {strides = array<i32>} : memref<16x128xf32, #tpu.memory_space<vmem>>, vector<16xf32>,
    %get3A_950 = arith.constant 224 : index
    %get3A_951 = tpu.vector_load %arg14[%get3A_950] {strides = array<i32>} : memref<256xf32, #tpu.memory_space<vmem>>, vector<16xf32>,
    %div3A_952 = vector.broadcast %max3A_827 : f32 to vector<16xf32>
    %div3A_953 = arith.divf %get3A_951, %div3A_952 : vector<16xf32>
    %mul3A_954 = arith.mulf %get3A_949, %div3A_953 : vector<16xf32>
    %add3A_955 = arith.addf %add3A_945, %mul3A_954 : vector<16xf32>
    %get3A_956 = arith.constant 4 : i32
    %get3A_957 = arith.index_cast %get3A_956 : i32 to index
    %get3A_958 = arith.constant 112 : index
    %get3A_959 = tpu.vector_load %arg12[%get3A_957, %get3A_958] {strides = array<i32>} : memref<16x128xf32, #tpu.memory_space<vmem>>, vector<16xf32>,
    %get3A_960 = arith.constant 112 : index
    %get3A_961 = tpu.vector_load %arg14[%get3A_960] {strides = array<i32>} : memref<256xf32, #tpu.memory_space<vmem>>, vector<16xf32>,
    %mul3A_962 = arith.mulf %get3A_959, %get3A_961 : vector<16xf32>
    %add3A_963 = arith.addf %add3A_955, %mul3A_962 : vector<16xf32>
    %get3A_964 = arith.constant 4 : i32
    %get3A_965 = arith.index_cast %get3A_964 : i32 to index
    %get3A_966 = arith.constant 112 : index
    %get3A_967 = tpu.vector_load %arg13[%get3A_965, %get3A_966] {strides = array<i32>} : memref<16x128xf32, #tpu.memory_space<vmem>>, vector<16xf32>,
    %get3A_968 = arith.constant 240 : index
    %get3A_969 = tpu.vector_load %arg14[%get3A_968] {strides = array<i32>} : memref<256xf32, #tpu.memory_space<vmem>>, vector<16xf32>,
    %div3A_970 = vector.broadcast %max3A_827 : f32 to vector<16xf32>
    %div3A_971 = arith.divf %get3A_969, %div3A_970 : vector<16xf32>
    %mul3A_972 = arith.mulf %get3A_967, %div3A_971 : vector<16xf32>
    %add3A_973 = arith.addf %add3A_963, %mul3A_972 : vector<16xf32>
    %reduce_sum3A_974 = arith.constant true
    %reduce_sum3A_975 = vector.broadcast %reduce_sum3A_974 : i1 to vector<16xi1>
    %reduce_sum3A_976 = tpu.scan <sum>, %add3A_973 masked %reduce_sum3A_975 : vector<16xf32>, vector<16xi1> -> vector<16xf32>
    %reduce_sum3A_977 = vector.extract %reduce_sum3A_976[15] : f32 from vector<16xf32>
    %add3A_978 = arith.addf %reduce_sum3A_977, %squeeze3A_194 : f32
    %eq3A_979 = arith.constant 4 : i32
    %eq3A_980 = vector.broadcast %eq3A_979 : i32 to vector<16xi32>
    %eq3A_981 = arith.cmpi eq, %iota3A, %eq3A_980 : vector<16xi32>
    %broadcast_in_dim3A_982 = vector.broadcast %add3A_978 : f32 to vector<16xf32>
    %select_n3A_983 = arith.select %eq3A_981, %broadcast_in_dim3A_982, %select_n3A_825 : vector<16xi1>, vector<16xf32>
    %max3A_984 = arith.constant 1.000000e+00 : f32
    %max3A_985 = arith.maximumf %squeeze3A_57, %max3A_984 : f32
    %broadcast_in_dim3A_986 = arith.constant 0.000000e+00 : f32
    %broadcast_in_dim3A_987 = vector.broadcast %broadcast_in_dim3A_986 : f32 to vector<16xf32>
    %get3A_988 = arith.constant 5 : i32
    %get3A_989 = arith.index_cast %get3A_988 : i32 to index
    %get3A_990 = arith.constant 0 : index
    %get3A_991 = tpu.vector_load %arg12[%get3A_989, %get3A_990] {strides = array<i32>} : memref<16x128xf32, #tpu.memory_space<vmem>>, vector<16xf32>,
    %get3A_992 = arith.constant 0 : index
    %get3A_993 = tpu.vector_load %arg14[%get3A_992] {strides = array<i32>} : memref<256xf32, #tpu.memory_space<vmem>>, vector<16xf32>,
    %mul3A_994 = arith.mulf %get3A_991, %get3A_993 : vector<16xf32>
    %add3A_995 = arith.addf %broadcast_in_dim3A_987, %mul3A_994 : vector<16xf32>
    %get3A_996 = arith.constant 5 : i32
    %get3A_997 = arith.index_cast %get3A_996 : i32 to index
    %get3A_998 = arith.constant 0 : index
    %get3A_999 = tpu.vector_load %arg13[%get3A_997, %get3A_998] {strides = array<i32>} : memref<16x128xf32, #tpu.memory_space<vmem>>, vector<16xf32>,
    %get3A_1000 = arith.constant 128 : index
    %get3A_1001 = tpu.vector_load %arg14[%get3A_1000] {strides = array<i32>} : memref<256xf32, #tpu.memory_space<vmem>>, vector<16xf32>,
    %div3A_1002 = vector.broadcast %max3A_985 : f32 to vector<16xf32>
    %div3A_1003 = arith.divf %get3A_1001, %div3A_1002 : vector<16xf32>
    %mul3A_1004 = arith.mulf %get3A_999, %div3A_1003 : vector<16xf32>
    %add3A_1005 = arith.addf %add3A_995, %mul3A_1004 : vector<16xf32>
    %get3A_1006 = arith.constant 5 : i32
    %get3A_1007 = arith.index_cast %get3A_1006 : i32 to index
    %get3A_1008 = arith.constant 16 : index
    %get3A_1009 = tpu.vector_load %arg12[%get3A_1007, %get3A_1008] {strides = array<i32>} : memref<16x128xf32, #tpu.memory_space<vmem>>, vector<16xf32>,
    %get3A_1010 = arith.constant 16 : index
    %get3A_1011 = tpu.vector_load %arg14[%get3A_1010] {strides = array<i32>} : memref<256xf32, #tpu.memory_space<vmem>>, vector<16xf32>,
    %mul3A_1012 = arith.mulf %get3A_1009, %get3A_1011 : vector<16xf32>
    %add3A_1013 = arith.addf %add3A_1005, %mul3A_1012 : vector<16xf32>
    %get3A_1014 = arith.constant 5 : i32
    %get3A_1015 = arith.index_cast %get3A_1014 : i32 to index
    %get3A_1016 = arith.constant 16 : index
    %get3A_1017 = tpu.vector_load %arg13[%get3A_1015, %get3A_1016] {strides = array<i32>} : memref<16x128xf32, #tpu.memory_space<vmem>>, vector<16xf32>,
    %get3A_1018 = arith.constant 144 : index
    %get3A_1019 = tpu.vector_load %arg14[%get3A_1018] {strides = array<i32>} : memref<256xf32, #tpu.memory_space<vmem>>, vector<16xf32>,
    %div3A_1020 = vector.broadcast %max3A_985 : f32 to vector<16xf32>
    %div3A_1021 = arith.divf %get3A_1019, %div3A_1020 : vector<16xf32>
    %mul3A_1022 = arith.mulf %get3A_1017, %div3A_1021 : vector<16xf32>
    %add3A_1023 = arith.addf %add3A_1013, %mul3A_1022 : vector<16xf32>
    %get3A_1024 = arith.constant 5 : i32
    %get3A_1025 = arith.index_cast %get3A_1024 : i32 to index
    %get3A_1026 = arith.constant 32 : index
    %get3A_1027 = tpu.vector_load %arg12[%get3A_1025, %get3A_1026] {strides = array<i32>} : memref<16x128xf32, #tpu.memory_space<vmem>>, vector<16xf32>,
    %get3A_1028 = arith.constant 32 : index
    %get3A_1029 = tpu.vector_load %arg14[%get3A_1028] {strides = array<i32>} : memref<256xf32, #tpu.memory_space<vmem>>, vector<16xf32>,
    %mul3A_1030 = arith.mulf %get3A_1027, %get3A_1029 : vector<16xf32>
    %add3A_1031 = arith.addf %add3A_1023, %mul3A_1030 : vector<16xf32>
    %get3A_1032 = arith.constant 5 : i32
    %get3A_1033 = arith.index_cast %get3A_1032 : i32 to index
    %get3A_1034 = arith.constant 32 : index
    %get3A_1035 = tpu.vector_load %arg13[%get3A_1033, %get3A_1034] {strides = array<i32>} : memref<16x128xf32, #tpu.memory_space<vmem>>, vector<16xf32>,
    %get3A_1036 = arith.constant 160 : index
    %get3A_1037 = tpu.vector_load %arg14[%get3A_1036] {strides = array<i32>} : memref<256xf32, #tpu.memory_space<vmem>>, vector<16xf32>,
    %div3A_1038 = vector.broadcast %max3A_985 : f32 to vector<16xf32>
    %div3A_1039 = arith.divf %get3A_1037, %div3A_1038 : vector<16xf32>
    %mul3A_1040 = arith.mulf %get3A_1035, %div3A_1039 : vector<16xf32>
    %add3A_1041 = arith.addf %add3A_1031, %mul3A_1040 : vector<16xf32>
    %get3A_1042 = arith.constant 5 : i32
    %get3A_1043 = arith.index_cast %get3A_1042 : i32 to index
    %get3A_1044 = arith.constant 48 : index
    %get3A_1045 = tpu.vector_load %arg12[%get3A_1043, %get3A_1044] {strides = array<i32>} : memref<16x128xf32, #tpu.memory_space<vmem>>, vector<16xf32>,
    %get3A_1046 = arith.constant 48 : index
    %get3A_1047 = tpu.vector_load %arg14[%get3A_1046] {strides = array<i32>} : memref<256xf32, #tpu.memory_space<vmem>>, vector<16xf32>,
    %mul3A_1048 = arith.mulf %get3A_1045, %get3A_1047 : vector<16xf32>
    %add3A_1049 = arith.addf %add3A_1041, %mul3A_1048 : vector<16xf32>
    %get3A_1050 = arith.constant 5 : i32
    %get3A_1051 = arith.index_cast %get3A_1050 : i32 to index
    %get3A_1052 = arith.constant 48 : index
    %get3A_1053 = tpu.vector_load %arg13[%get3A_1051, %get3A_1052] {strides = array<i32>} : memref<16x128xf32, #tpu.memory_space<vmem>>, vector<16xf32>,
    %get3A_1054 = arith.constant 176 : index
    %get3A_1055 = tpu.vector_load %arg14[%get3A_1054] {strides = array<i32>} : memref<256xf32, #tpu.memory_space<vmem>>, vector<16xf32>,
    %div3A_1056 = vector.broadcast %max3A_985 : f32 to vector<16xf32>
    %div3A_1057 = arith.divf %get3A_1055, %div3A_1056 : vector<16xf32>
    %mul3A_1058 = arith.mulf %get3A_1053, %div3A_1057 : vector<16xf32>
    %add3A_1059 = arith.addf %add3A_1049, %mul3A_1058 : vector<16xf32>
    %get3A_1060 = arith.constant 5 : i32
    %get3A_1061 = arith.index_cast %get3A_1060 : i32 to index
    %get3A_1062 = arith.constant 64 : index
    %get3A_1063 = tpu.vector_load %arg12[%get3A_1061, %get3A_1062] {strides = array<i32>} : memref<16x128xf32, #tpu.memory_space<vmem>>, vector<16xf32>,
    %get3A_1064 = arith.constant 64 : index
    %get3A_1065 = tpu.vector_load %arg14[%get3A_1064] {strides = array<i32>} : memref<256xf32, #tpu.memory_space<vmem>>, vector<16xf32>,
    %mul3A_1066 = arith.mulf %get3A_1063, %get3A_1065 : vector<16xf32>
    %add3A_1067 = arith.addf %add3A_1059, %mul3A_1066 : vector<16xf32>
    %get3A_1068 = arith.constant 5 : i32
    %get3A_1069 = arith.index_cast %get3A_1068 : i32 to index
    %get3A_1070 = arith.constant 64 : index
    %get3A_1071 = tpu.vector_load %arg13[%get3A_1069, %get3A_1070] {strides = array<i32>} : memref<16x128xf32, #tpu.memory_space<vmem>>, vector<16xf32>,
    %get3A_1072 = arith.constant 192 : index
    %get3A_1073 = tpu.vector_load %arg14[%get3A_1072] {strides = array<i32>} : memref<256xf32, #tpu.memory_space<vmem>>, vector<16xf32>,
    %div3A_1074 = vector.broadcast %max3A_985 : f32 to vector<16xf32>
    %div3A_1075 = arith.divf %get3A_1073, %div3A_1074 : vector<16xf32>
    %mul3A_1076 = arith.mulf %get3A_1071, %div3A_1075 : vector<16xf32>
    %add3A_1077 = arith.addf %add3A_1067, %mul3A_1076 : vector<16xf32>
    %get3A_1078 = arith.constant 5 : i32
    %get3A_1079 = arith.index_cast %get3A_1078 : i32 to index
    %get3A_1080 = arith.constant 80 : index
    %get3A_1081 = tpu.vector_load %arg12[%get3A_1079, %get3A_1080] {strides = array<i32>} : memref<16x128xf32, #tpu.memory_space<vmem>>, vector<16xf32>,
    %get3A_1082 = arith.constant 80 : index
    %get3A_1083 = tpu.vector_load %arg14[%get3A_1082] {strides = array<i32>} : memref<256xf32, #tpu.memory_space<vmem>>, vector<16xf32>,
    %mul3A_1084 = arith.mulf %get3A_1081, %get3A_1083 : vector<16xf32>
    %add3A_1085 = arith.addf %add3A_1077, %mul3A_1084 : vector<16xf32>
    %get3A_1086 = arith.constant 5 : i32
    %get3A_1087 = arith.index_cast %get3A_1086 : i32 to index
    %get3A_1088 = arith.constant 80 : index
    %get3A_1089 = tpu.vector_load %arg13[%get3A_1087, %get3A_1088] {strides = array<i32>} : memref<16x128xf32, #tpu.memory_space<vmem>>, vector<16xf32>,
    %get3A_1090 = arith.constant 208 : index
    %get3A_1091 = tpu.vector_load %arg14[%get3A_1090] {strides = array<i32>} : memref<256xf32, #tpu.memory_space<vmem>>, vector<16xf32>,
    %div3A_1092 = vector.broadcast %max3A_985 : f32 to vector<16xf32>
    %div3A_1093 = arith.divf %get3A_1091, %div3A_1092 : vector<16xf32>
    %mul3A_1094 = arith.mulf %get3A_1089, %div3A_1093 : vector<16xf32>
    %add3A_1095 = arith.addf %add3A_1085, %mul3A_1094 : vector<16xf32>
    %get3A_1096 = arith.constant 5 : i32
    %get3A_1097 = arith.index_cast %get3A_1096 : i32 to index
    %get3A_1098 = arith.constant 96 : index
    %get3A_1099 = tpu.vector_load %arg12[%get3A_1097, %get3A_1098] {strides = array<i32>} : memref<16x128xf32, #tpu.memory_space<vmem>>, vector<16xf32>,
    %get3A_1100 = arith.constant 96 : index
    %get3A_1101 = tpu.vector_load %arg14[%get3A_1100] {strides = array<i32>} : memref<256xf32, #tpu.memory_space<vmem>>, vector<16xf32>,
    %mul3A_1102 = arith.mulf %get3A_1099, %get3A_1101 : vector<16xf32>
    %add3A_1103 = arith.addf %add3A_1095, %mul3A_1102 : vector<16xf32>
    %get3A_1104 = arith.constant 5 : i32
    %get3A_1105 = arith.index_cast %get3A_1104 : i32 to index
    %get3A_1106 = arith.constant 96 : index
    %get3A_1107 = tpu.vector_load %arg13[%get3A_1105, %get3A_1106] {strides = array<i32>} : memref<16x128xf32, #tpu.memory_space<vmem>>, vector<16xf32>,
    %get3A_1108 = arith.constant 224 : index
    %get3A_1109 = tpu.vector_load %arg14[%get3A_1108] {strides = array<i32>} : memref<256xf32, #tpu.memory_space<vmem>>, vector<16xf32>,
    %div3A_1110 = vector.broadcast %max3A_985 : f32 to vector<16xf32>
    %div3A_1111 = arith.divf %get3A_1109, %div3A_1110 : vector<16xf32>
    %mul3A_1112 = arith.mulf %get3A_1107, %div3A_1111 : vector<16xf32>
    %add3A_1113 = arith.addf %add3A_1103, %mul3A_1112 : vector<16xf32>
    %get3A_1114 = arith.constant 5 : i32
    %get3A_1115 = arith.index_cast %get3A_1114 : i32 to index
    %get3A_1116 = arith.constant 112 : index
    %get3A_1117 = tpu.vector_load %arg12[%get3A_1115, %get3A_1116] {strides = array<i32>} : memref<16x128xf32, #tpu.memory_space<vmem>>, vector<16xf32>,
    %get3A_1118 = arith.constant 112 : index
    %get3A_1119 = tpu.vector_load %arg14[%get3A_1118] {strides = array<i32>} : memref<256xf32, #tpu.memory_space<vmem>>, vector<16xf32>,
    %mul3A_1120 = arith.mulf %get3A_1117, %get3A_1119 : vector<16xf32>
    %add3A_1121 = arith.addf %add3A_1113, %mul3A_1120 : vector<16xf32>
    %get3A_1122 = arith.constant 5 : i32
    %get3A_1123 = arith.index_cast %get3A_1122 : i32 to index
    %get3A_1124 = arith.constant 112 : index
    %get3A_1125 = tpu.vector_load %arg13[%get3A_1123, %get3A_1124] {strides = array<i32>} : memref<16x128xf32, #tpu.memory_space<vmem>>, vector<16xf32>,
    %get3A_1126 = arith.constant 240 : index
    %get3A_1127 = tpu.vector_load %arg14[%get3A_1126] {strides = array<i32>} : memref<256xf32, #tpu.memory_space<vmem>>, vector<16xf32>,
    %div3A_1128 = vector.broadcast %max3A_985 : f32 to vector<16xf32>
    %div3A_1129 = arith.divf %get3A_1127, %div3A_1128 : vector<16xf32>
    %mul3A_1130 = arith.mulf %get3A_1125, %div3A_1129 : vector<16xf32>
    %add3A_1131 = arith.addf %add3A_1121, %mul3A_1130 : vector<16xf32>
    %reduce_sum3A_1132 = arith.constant true
    %reduce_sum3A_1133 = vector.broadcast %reduce_sum3A_1132 : i1 to vector<16xi1>
    %reduce_sum3A_1134 = tpu.scan <sum>, %add3A_1131 masked %reduce_sum3A_1133 : vector<16xf32>, vector<16xi1> -> vector<16xf32>
    %reduce_sum3A_1135 = vector.extract %reduce_sum3A_1134[15] : f32 from vector<16xf32>
    %add3A_1136 = arith.addf %reduce_sum3A_1135, %squeeze3A_194 : f32
    %eq3A_1137 = arith.constant 5 : i32
    %eq3A_1138 = vector.broadcast %eq3A_1137 : i32 to vector<16xi32>
    %eq3A_1139 = arith.cmpi eq, %iota3A, %eq3A_1138 : vector<16xi32>
    %broadcast_in_dim3A_1140 = vector.broadcast %add3A_1136 : f32 to vector<16xf32>
    %select_n3A_1141 = arith.select %eq3A_1139, %broadcast_in_dim3A_1140, %select_n3A_983 : vector<16xi1>, vector<16xf32>
    %max3A_1142 = arith.constant 1.000000e+00 : f32
    %max3A_1143 = arith.maximumf %squeeze3A_63, %max3A_1142 : f32
    %broadcast_in_dim3A_1144 = arith.constant 0.000000e+00 : f32
    %broadcast_in_dim3A_1145 = vector.broadcast %broadcast_in_dim3A_1144 : f32 to vector<16xf32>
    %get3A_1146 = arith.constant 6 : i32
    %get3A_1147 = arith.index_cast %get3A_1146 : i32 to index
    %get3A_1148 = arith.constant 0 : index
    %get3A_1149 = tpu.vector_load %arg12[%get3A_1147, %get3A_1148] {strides = array<i32>} : memref<16x128xf32, #tpu.memory_space<vmem>>, vector<16xf32>,
    %get3A_1150 = arith.constant 0 : index
    %get3A_1151 = tpu.vector_load %arg14[%get3A_1150] {strides = array<i32>} : memref<256xf32, #tpu.memory_space<vmem>>, vector<16xf32>,
    %mul3A_1152 = arith.mulf %get3A_1149, %get3A_1151 : vector<16xf32>
    %add3A_1153 = arith.addf %broadcast_in_dim3A_1145, %mul3A_1152 : vector<16xf32>
    %get3A_1154 = arith.constant 6 : i32
    %get3A_1155 = arith.index_cast %get3A_1154 : i32 to index
    %get3A_1156 = arith.constant 0 : index
    %get3A_1157 = tpu.vector_load %arg13[%get3A_1155, %get3A_1156] {strides = array<i32>} : memref<16x128xf32, #tpu.memory_space<vmem>>, vector<16xf32>,
    %get3A_1158 = arith.constant 128 : index
    %get3A_1159 = tpu.vector_load %arg14[%get3A_1158] {strides = array<i32>} : memref<256xf32, #tpu.memory_space<vmem>>, vector<16xf32>,
    %div3A_1160 = vector.broadcast %max3A_1143 : f32 to vector<16xf32>
    %div3A_1161 = arith.divf %get3A_1159, %div3A_1160 : vector<16xf32>
    %mul3A_1162 = arith.mulf %get3A_1157, %div3A_1161 : vector<16xf32>
    %add3A_1163 = arith.addf %add3A_1153, %mul3A_1162 : vector<16xf32>
    %get3A_1164 = arith.constant 6 : i32
    %get3A_1165 = arith.index_cast %get3A_1164 : i32 to index
    %get3A_1166 = arith.constant 16 : index
    %get3A_1167 = tpu.vector_load %arg12[%get3A_1165, %get3A_1166] {strides = array<i32>} : memref<16x128xf32, #tpu.memory_space<vmem>>, vector<16xf32>,
    %get3A_1168 = arith.constant 16 : index
    %get3A_1169 = tpu.vector_load %arg14[%get3A_1168] {strides = array<i32>} : memref<256xf32, #tpu.memory_space<vmem>>, vector<16xf32>,
    %mul3A_1170 = arith.mulf %get3A_1167, %get3A_1169 : vector<16xf32>
    %add3A_1171 = arith.addf %add3A_1163, %mul3A_1170 : vector<16xf32>
    %get3A_1172 = arith.constant 6 : i32
    %get3A_1173 = arith.index_cast %get3A_1172 : i32 to index
    %get3A_1174 = arith.constant 16 : index
    %get3A_1175 = tpu.vector_load %arg13[%get3A_1173, %get3A_1174] {strides = array<i32>} : memref<16x128xf32, #tpu.memory_space<vmem>>, vector<16xf32>,
    %get3A_1176 = arith.constant 144 : index
    %get3A_1177 = tpu.vector_load %arg14[%get3A_1176] {strides = array<i32>} : memref<256xf32, #tpu.memory_space<vmem>>, vector<16xf32>,
    %div3A_1178 = vector.broadcast %max3A_1143 : f32 to vector<16xf32>
    %div3A_1179 = arith.divf %get3A_1177, %div3A_1178 : vector<16xf32>
    %mul3A_1180 = arith.mulf %get3A_1175, %div3A_1179 : vector<16xf32>
    %add3A_1181 = arith.addf %add3A_1171, %mul3A_1180 : vector<16xf32>
    %get3A_1182 = arith.constant 6 : i32
    %get3A_1183 = arith.index_cast %get3A_1182 : i32 to index
    %get3A_1184 = arith.constant 32 : index
    %get3A_1185 = tpu.vector_load %arg12[%get3A_1183, %get3A_1184] {strides = array<i32>} : memref<16x128xf32, #tpu.memory_space<vmem>>, vector<16xf32>,
    %get3A_1186 = arith.constant 32 : index
    %get3A_1187 = tpu.vector_load %arg14[%get3A_1186] {strides = array<i32>} : memref<256xf32, #tpu.memory_space<vmem>>, vector<16xf32>,
    %mul3A_1188 = arith.mulf %get3A_1185, %get3A_1187 : vector<16xf32>
    %add3A_1189 = arith.addf %add3A_1181, %mul3A_1188 : vector<16xf32>
    %get3A_1190 = arith.constant 6 : i32
    %get3A_1191 = arith.index_cast %get3A_1190 : i32 to index
    %get3A_1192 = arith.constant 32 : index
    %get3A_1193 = tpu.vector_load %arg13[%get3A_1191, %get3A_1192] {strides = array<i32>} : memref<16x128xf32, #tpu.memory_space<vmem>>, vector<16xf32>,
    %get3A_1194 = arith.constant 160 : index
    %get3A_1195 = tpu.vector_load %arg14[%get3A_1194] {strides = array<i32>} : memref<256xf32, #tpu.memory_space<vmem>>, vector<16xf32>,
    %div3A_1196 = vector.broadcast %max3A_1143 : f32 to vector<16xf32>
    %div3A_1197 = arith.divf %get3A_1195, %div3A_1196 : vector<16xf32>
    %mul3A_1198 = arith.mulf %get3A_1193, %div3A_1197 : vector<16xf32>
    %add3A_1199 = arith.addf %add3A_1189, %mul3A_1198 : vector<16xf32>
    %get3A_1200 = arith.constant 6 : i32
    %get3A_1201 = arith.index_cast %get3A_1200 : i32 to index
    %get3A_1202 = arith.constant 48 : index
    %get3A_1203 = tpu.vector_load %arg12[%get3A_1201, %get3A_1202] {strides = array<i32>} : memref<16x128xf32, #tpu.memory_space<vmem>>, vector<16xf32>,
    %get3A_1204 = arith.constant 48 : index
    %get3A_1205 = tpu.vector_load %arg14[%get3A_1204] {strides = array<i32>} : memref<256xf32, #tpu.memory_space<vmem>>, vector<16xf32>,
    %mul3A_1206 = arith.mulf %get3A_1203, %get3A_1205 : vector<16xf32>
    %add3A_1207 = arith.addf %add3A_1199, %mul3A_1206 : vector<16xf32>
    %get3A_1208 = arith.constant 6 : i32
    %get3A_1209 = arith.index_cast %get3A_1208 : i32 to index
    %get3A_1210 = arith.constant 48 : index
    %get3A_1211 = tpu.vector_load %arg13[%get3A_1209, %get3A_1210] {strides = array<i32>} : memref<16x128xf32, #tpu.memory_space<vmem>>, vector<16xf32>,
    %get3A_1212 = arith.constant 176 : index
    %get3A_1213 = tpu.vector_load %arg14[%get3A_1212] {strides = array<i32>} : memref<256xf32, #tpu.memory_space<vmem>>, vector<16xf32>,
    %div3A_1214 = vector.broadcast %max3A_1143 : f32 to vector<16xf32>
    %div3A_1215 = arith.divf %get3A_1213, %div3A_1214 : vector<16xf32>
    %mul3A_1216 = arith.mulf %get3A_1211, %div3A_1215 : vector<16xf32>
    %add3A_1217 = arith.addf %add3A_1207, %mul3A_1216 : vector<16xf32>
    %get3A_1218 = arith.constant 6 : i32
    %get3A_1219 = arith.index_cast %get3A_1218 : i32 to index
    %get3A_1220 = arith.constant 64 : index
    %get3A_1221 = tpu.vector_load %arg12[%get3A_1219, %get3A_1220] {strides = array<i32>} : memref<16x128xf32, #tpu.memory_space<vmem>>, vector<16xf32>,
    %get3A_1222 = arith.constant 64 : index
    %get3A_1223 = tpu.vector_load %arg14[%get3A_1222] {strides = array<i32>} : memref<256xf32, #tpu.memory_space<vmem>>, vector<16xf32>,
    %mul3A_1224 = arith.mulf %get3A_1221, %get3A_1223 : vector<16xf32>
    %add3A_1225 = arith.addf %add3A_1217, %mul3A_1224 : vector<16xf32>
    %get3A_1226 = arith.constant 6 : i32
    %get3A_1227 = arith.index_cast %get3A_1226 : i32 to index
    %get3A_1228 = arith.constant 64 : index
    %get3A_1229 = tpu.vector_load %arg13[%get3A_1227, %get3A_1228] {strides = array<i32>} : memref<16x128xf32, #tpu.memory_space<vmem>>, vector<16xf32>,
    %get3A_1230 = arith.constant 192 : index
    %get3A_1231 = tpu.vector_load %arg14[%get3A_1230] {strides = array<i32>} : memref<256xf32, #tpu.memory_space<vmem>>, vector<16xf32>,
    %div3A_1232 = vector.broadcast %max3A_1143 : f32 to vector<16xf32>
    %div3A_1233 = arith.divf %get3A_1231, %div3A_1232 : vector<16xf32>
    %mul3A_1234 = arith.mulf %get3A_1229, %div3A_1233 : vector<16xf32>
    %add3A_1235 = arith.addf %add3A_1225, %mul3A_1234 : vector<16xf32>
    %get3A_1236 = arith.constant 6 : i32
    %get3A_1237 = arith.index_cast %get3A_1236 : i32 to index
    %get3A_1238 = arith.constant 80 : index
    %get3A_1239 = tpu.vector_load %arg12[%get3A_1237, %get3A_1238] {strides = array<i32>} : memref<16x128xf32, #tpu.memory_space<vmem>>, vector<16xf32>,
    %get3A_1240 = arith.constant 80 : index
    %get3A_1241 = tpu.vector_load %arg14[%get3A_1240] {strides = array<i32>} : memref<256xf32, #tpu.memory_space<vmem>>, vector<16xf32>,
    %mul3A_1242 = arith.mulf %get3A_1239, %get3A_1241 : vector<16xf32>
    %add3A_1243 = arith.addf %add3A_1235, %mul3A_1242 : vector<16xf32>
    %get3A_1244 = arith.constant 6 : i32
    %get3A_1245 = arith.index_cast %get3A_1244 : i32 to index
    %get3A_1246 = arith.constant 80 : index
    %get3A_1247 = tpu.vector_load %arg13[%get3A_1245, %get3A_1246] {strides = array<i32>} : memref<16x128xf32, #tpu.memory_space<vmem>>, vector<16xf32>,
    %get3A_1248 = arith.constant 208 : index
    %get3A_1249 = tpu.vector_load %arg14[%get3A_1248] {strides = array<i32>} : memref<256xf32, #tpu.memory_space<vmem>>, vector<16xf32>,
    %div3A_1250 = vector.broadcast %max3A_1143 : f32 to vector<16xf32>
    %div3A_1251 = arith.divf %get3A_1249, %div3A_1250 : vector<16xf32>
    %mul3A_1252 = arith.mulf %get3A_1247, %div3A_1251 : vector<16xf32>
    %add3A_1253 = arith.addf %add3A_1243, %mul3A_1252 : vector<16xf32>
    %get3A_1254 = arith.constant 6 : i32
    %get3A_1255 = arith.index_cast %get3A_1254 : i32 to index
    %get3A_1256 = arith.constant 96 : index
    %get3A_1257 = tpu.vector_load %arg12[%get3A_1255, %get3A_1256] {strides = array<i32>} : memref<16x128xf32, #tpu.memory_space<vmem>>, vector<16xf32>,
    %get3A_1258 = arith.constant 96 : index
    %get3A_1259 = tpu.vector_load %arg14[%get3A_1258] {strides = array<i32>} : memref<256xf32, #tpu.memory_space<vmem>>, vector<16xf32>,
    %mul3A_1260 = arith.mulf %get3A_1257, %get3A_1259 : vector<16xf32>
    %add3A_1261 = arith.addf %add3A_1253, %mul3A_1260 : vector<16xf32>
    %get3A_1262 = arith.constant 6 : i32
    %get3A_1263 = arith.index_cast %get3A_1262 : i32 to index
    %get3A_1264 = arith.constant 96 : index
    %get3A_1265 = tpu.vector_load %arg13[%get3A_1263, %get3A_1264] {strides = array<i32>} : memref<16x128xf32, #tpu.memory_space<vmem>>, vector<16xf32>,
    %get3A_1266 = arith.constant 224 : index
    %get3A_1267 = tpu.vector_load %arg14[%get3A_1266] {strides = array<i32>} : memref<256xf32, #tpu.memory_space<vmem>>, vector<16xf32>,
    %div3A_1268 = vector.broadcast %max3A_1143 : f32 to vector<16xf32>
    %div3A_1269 = arith.divf %get3A_1267, %div3A_1268 : vector<16xf32>
    %mul3A_1270 = arith.mulf %get3A_1265, %div3A_1269 : vector<16xf32>
    %add3A_1271 = arith.addf %add3A_1261, %mul3A_1270 : vector<16xf32>
    %get3A_1272 = arith.constant 6 : i32
    %get3A_1273 = arith.index_cast %get3A_1272 : i32 to index
    %get3A_1274 = arith.constant 112 : index
    %get3A_1275 = tpu.vector_load %arg12[%get3A_1273, %get3A_1274] {strides = array<i32>} : memref<16x128xf32, #tpu.memory_space<vmem>>, vector<16xf32>,
    %get3A_1276 = arith.constant 112 : index
    %get3A_1277 = tpu.vector_load %arg14[%get3A_1276] {strides = array<i32>} : memref<256xf32, #tpu.memory_space<vmem>>, vector<16xf32>,
    %mul3A_1278 = arith.mulf %get3A_1275, %get3A_1277 : vector<16xf32>
    %add3A_1279 = arith.addf %add3A_1271, %mul3A_1278 : vector<16xf32>
    %get3A_1280 = arith.constant 6 : i32
    %get3A_1281 = arith.index_cast %get3A_1280 : i32 to index
    %get3A_1282 = arith.constant 112 : index
    %get3A_1283 = tpu.vector_load %arg13[%get3A_1281, %get3A_1282] {strides = array<i32>} : memref<16x128xf32, #tpu.memory_space<vmem>>, vector<16xf32>,
    %get3A_1284 = arith.constant 240 : index
    %get3A_1285 = tpu.vector_load %arg14[%get3A_1284] {strides = array<i32>} : memref<256xf32, #tpu.memory_space<vmem>>, vector<16xf32>,
    %div3A_1286 = vector.broadcast %max3A_1143 : f32 to vector<16xf32>
    %div3A_1287 = arith.divf %get3A_1285, %div3A_1286 : vector<16xf32>
    %mul3A_1288 = arith.mulf %get3A_1283, %div3A_1287 : vector<16xf32>
    %add3A_1289 = arith.addf %add3A_1279, %mul3A_1288 : vector<16xf32>
    %reduce_sum3A_1290 = arith.constant true
    %reduce_sum3A_1291 = vector.broadcast %reduce_sum3A_1290 : i1 to vector<16xi1>
    %reduce_sum3A_1292 = tpu.scan <sum>, %add3A_1289 masked %reduce_sum3A_1291 : vector<16xf32>, vector<16xi1> -> vector<16xf32>
    %reduce_sum3A_1293 = vector.extract %reduce_sum3A_1292[15] : f32 from vector<16xf32>
    %add3A_1294 = arith.addf %reduce_sum3A_1293, %squeeze3A_194 : f32
    %eq3A_1295 = arith.constant 6 : i32
    %eq3A_1296 = vector.broadcast %eq3A_1295 : i32 to vector<16xi32>
    %eq3A_1297 = arith.cmpi eq, %iota3A, %eq3A_1296 : vector<16xi32>
    %broadcast_in_dim3A_1298 = vector.broadcast %add3A_1294 : f32 to vector<16xf32>
    %select_n3A_1299 = arith.select %eq3A_1297, %broadcast_in_dim3A_1298, %select_n3A_1141 : vector<16xi1>, vector<16xf32>
    %max3A_1300 = arith.constant 1.000000e+00 : f32
    %max3A_1301 = arith.maximumf %squeeze3A_69, %max3A_1300 : f32
    %broadcast_in_dim3A_1302 = arith.constant 0.000000e+00 : f32
    %broadcast_in_dim3A_1303 = vector.broadcast %broadcast_in_dim3A_1302 : f32 to vector<16xf32>
    %get3A_1304 = arith.constant 7 : i32
    %get3A_1305 = arith.index_cast %get3A_1304 : i32 to index
    %get3A_1306 = arith.constant 0 : index
    %get3A_1307 = tpu.vector_load %arg12[%get3A_1305, %get3A_1306] {strides = array<i32>} : memref<16x128xf32, #tpu.memory_space<vmem>>, vector<16xf32>,
    %get3A_1308 = arith.constant 0 : index
    %get3A_1309 = tpu.vector_load %arg14[%get3A_1308] {strides = array<i32>} : memref<256xf32, #tpu.memory_space<vmem>>, vector<16xf32>,
    %mul3A_1310 = arith.mulf %get3A_1307, %get3A_1309 : vector<16xf32>
    %add3A_1311 = arith.addf %broadcast_in_dim3A_1303, %mul3A_1310 : vector<16xf32>
    %get3A_1312 = arith.constant 7 : i32
    %get3A_1313 = arith.index_cast %get3A_1312 : i32 to index
    %get3A_1314 = arith.constant 0 : index
    %get3A_1315 = tpu.vector_load %arg13[%get3A_1313, %get3A_1314] {strides = array<i32>} : memref<16x128xf32, #tpu.memory_space<vmem>>, vector<16xf32>,
    %get3A_1316 = arith.constant 128 : index
    %get3A_1317 = tpu.vector_load %arg14[%get3A_1316] {strides = array<i32>} : memref<256xf32, #tpu.memory_space<vmem>>, vector<16xf32>,
    %div3A_1318 = vector.broadcast %max3A_1301 : f32 to vector<16xf32>
    %div3A_1319 = arith.divf %get3A_1317, %div3A_1318 : vector<16xf32>
    %mul3A_1320 = arith.mulf %get3A_1315, %div3A_1319 : vector<16xf32>
    %add3A_1321 = arith.addf %add3A_1311, %mul3A_1320 : vector<16xf32>
    %get3A_1322 = arith.constant 7 : i32
    %get3A_1323 = arith.index_cast %get3A_1322 : i32 to index
    %get3A_1324 = arith.constant 16 : index
    %get3A_1325 = tpu.vector_load %arg12[%get3A_1323, %get3A_1324] {strides = array<i32>} : memref<16x128xf32, #tpu.memory_space<vmem>>, vector<16xf32>,
    %get3A_1326 = arith.constant 16 : index
    %get3A_1327 = tpu.vector_load %arg14[%get3A_1326] {strides = array<i32>} : memref<256xf32, #tpu.memory_space<vmem>>, vector<16xf32>,
    %mul3A_1328 = arith.mulf %get3A_1325, %get3A_1327 : vector<16xf32>
    %add3A_1329 = arith.addf %add3A_1321, %mul3A_1328 : vector<16xf32>
    %get3A_1330 = arith.constant 7 : i32
    %get3A_1331 = arith.index_cast %get3A_1330 : i32 to index
    %get3A_1332 = arith.constant 16 : index
    %get3A_1333 = tpu.vector_load %arg13[%get3A_1331, %get3A_1332] {strides = array<i32>} : memref<16x128xf32, #tpu.memory_space<vmem>>, vector<16xf32>,
    %get3A_1334 = arith.constant 144 : index
    %get3A_1335 = tpu.vector_load %arg14[%get3A_1334] {strides = array<i32>} : memref<256xf32, #tpu.memory_space<vmem>>, vector<16xf32>,
    %div3A_1336 = vector.broadcast %max3A_1301 : f32 to vector<16xf32>
    %div3A_1337 = arith.divf %get3A_1335, %div3A_1336 : vector<16xf32>
    %mul3A_1338 = arith.mulf %get3A_1333, %div3A_1337 : vector<16xf32>
    %add3A_1339 = arith.addf %add3A_1329, %mul3A_1338 : vector<16xf32>
    %get3A_1340 = arith.constant 7 : i32
    %get3A_1341 = arith.index_cast %get3A_1340 : i32 to index
    %get3A_1342 = arith.constant 32 : index
    %get3A_1343 = tpu.vector_load %arg12[%get3A_1341, %get3A_1342] {strides = array<i32>} : memref<16x128xf32, #tpu.memory_space<vmem>>, vector<16xf32>,
    %get3A_1344 = arith.constant 32 : index
    %get3A_1345 = tpu.vector_load %arg14[%get3A_1344] {strides = array<i32>} : memref<256xf32, #tpu.memory_space<vmem>>, vector<16xf32>,
    %mul3A_1346 = arith.mulf %get3A_1343, %get3A_1345 : vector<16xf32>
    %add3A_1347 = arith.addf %add3A_1339, %mul3A_1346 : vector<16xf32>
    %get3A_1348 = arith.constant 7 : i32
    %get3A_1349 = arith.index_cast %get3A_1348 : i32 to index
    %get3A_1350 = arith.constant 32 : index
    %get3A_1351 = tpu.vector_load %arg13[%get3A_1349, %get3A_1350] {strides = array<i32>} : memref<16x128xf32, #tpu.memory_space<vmem>>, vector<16xf32>,
    %get3A_1352 = arith.constant 160 : index
    %get3A_1353 = tpu.vector_load %arg14[%get3A_1352] {strides = array<i32>} : memref<256xf32, #tpu.memory_space<vmem>>, vector<16xf32>,
    %div3A_1354 = vector.broadcast %max3A_1301 : f32 to vector<16xf32>
    %div3A_1355 = arith.divf %get3A_1353, %div3A_1354 : vector<16xf32>
    %mul3A_1356 = arith.mulf %get3A_1351, %div3A_1355 : vector<16xf32>
    %add3A_1357 = arith.addf %add3A_1347, %mul3A_1356 : vector<16xf32>
    %get3A_1358 = arith.constant 7 : i32
    %get3A_1359 = arith.index_cast %get3A_1358 : i32 to index
    %get3A_1360 = arith.constant 48 : index
    %get3A_1361 = tpu.vector_load %arg12[%get3A_1359, %get3A_1360] {strides = array<i32>} : memref<16x128xf32, #tpu.memory_space<vmem>>, vector<16xf32>,
    %get3A_1362 = arith.constant 48 : index
    %get3A_1363 = tpu.vector_load %arg14[%get3A_1362] {strides = array<i32>} : memref<256xf32, #tpu.memory_space<vmem>>, vector<16xf32>,
    %mul3A_1364 = arith.mulf %get3A_1361, %get3A_1363 : vector<16xf32>
    %add3A_1365 = arith.addf %add3A_1357, %mul3A_1364 : vector<16xf32>
    %get3A_1366 = arith.constant 7 : i32
    %get3A_1367 = arith.index_cast %get3A_1366 : i32 to index
    %get3A_1368 = arith.constant 48 : index
    %get3A_1369 = tpu.vector_load %arg13[%get3A_1367, %get3A_1368] {strides = array<i32>} : memref<16x128xf32, #tpu.memory_space<vmem>>, vector<16xf32>,
    %get3A_1370 = arith.constant 176 : index
    %get3A_1371 = tpu.vector_load %arg14[%get3A_1370] {strides = array<i32>} : memref<256xf32, #tpu.memory_space<vmem>>, vector<16xf32>,
    %div3A_1372 = vector.broadcast %max3A_1301 : f32 to vector<16xf32>
    %div3A_1373 = arith.divf %get3A_1371, %div3A_1372 : vector<16xf32>
    %mul3A_1374 = arith.mulf %get3A_1369, %div3A_1373 : vector<16xf32>
    %add3A_1375 = arith.addf %add3A_1365, %mul3A_1374 : vector<16xf32>
    %get3A_1376 = arith.constant 7 : i32
    %get3A_1377 = arith.index_cast %get3A_1376 : i32 to index
    %get3A_1378 = arith.constant 64 : index
    %get3A_1379 = tpu.vector_load %arg12[%get3A_1377, %get3A_1378] {strides = array<i32>} : memref<16x128xf32, #tpu.memory_space<vmem>>, vector<16xf32>,
    %get3A_1380 = arith.constant 64 : index
    %get3A_1381 = tpu.vector_load %arg14[%get3A_1380] {strides = array<i32>} : memref<256xf32, #tpu.memory_space<vmem>>, vector<16xf32>,
    %mul3A_1382 = arith.mulf %get3A_1379, %get3A_1381 : vector<16xf32>
    %add3A_1383 = arith.addf %add3A_1375, %mul3A_1382 : vector<16xf32>
    %get3A_1384 = arith.constant 7 : i32
    %get3A_1385 = arith.index_cast %get3A_1384 : i32 to index
    %get3A_1386 = arith.constant 64 : index
    %get3A_1387 = tpu.vector_load %arg13[%get3A_1385, %get3A_1386] {strides = array<i32>} : memref<16x128xf32, #tpu.memory_space<vmem>>, vector<16xf32>,
    %get3A_1388 = arith.constant 192 : index
    %get3A_1389 = tpu.vector_load %arg14[%get3A_1388] {strides = array<i32>} : memref<256xf32, #tpu.memory_space<vmem>>, vector<16xf32>,
    %div3A_1390 = vector.broadcast %max3A_1301 : f32 to vector<16xf32>
    %div3A_1391 = arith.divf %get3A_1389, %div3A_1390 : vector<16xf32>
    %mul3A_1392 = arith.mulf %get3A_1387, %div3A_1391 : vector<16xf32>
    %add3A_1393 = arith.addf %add3A_1383, %mul3A_1392 : vector<16xf32>
    %get3A_1394 = arith.constant 7 : i32
    %get3A_1395 = arith.index_cast %get3A_1394 : i32 to index
    %get3A_1396 = arith.constant 80 : index
    %get3A_1397 = tpu.vector_load %arg12[%get3A_1395, %get3A_1396] {strides = array<i32>} : memref<16x128xf32, #tpu.memory_space<vmem>>, vector<16xf32>,
    %get3A_1398 = arith.constant 80 : index
    %get3A_1399 = tpu.vector_load %arg14[%get3A_1398] {strides = array<i32>} : memref<256xf32, #tpu.memory_space<vmem>>, vector<16xf32>,
    %mul3A_1400 = arith.mulf %get3A_1397, %get3A_1399 : vector<16xf32>
    %add3A_1401 = arith.addf %add3A_1393, %mul3A_1400 : vector<16xf32>
    %get3A_1402 = arith.constant 7 : i32
    %get3A_1403 = arith.index_cast %get3A_1402 : i32 to index
    %get3A_1404 = arith.constant 80 : index
    %get3A_1405 = tpu.vector_load %arg13[%get3A_1403, %get3A_1404] {strides = array<i32>} : memref<16x128xf32, #tpu.memory_space<vmem>>, vector<16xf32>,
    %get3A_1406 = arith.constant 208 : index
    %get3A_1407 = tpu.vector_load %arg14[%get3A_1406] {strides = array<i32>} : memref<256xf32, #tpu.memory_space<vmem>>, vector<16xf32>,
    %div3A_1408 = vector.broadcast %max3A_1301 : f32 to vector<16xf32>
    %div3A_1409 = arith.divf %get3A_1407, %div3A_1408 : vector<16xf32>
    %mul3A_1410 = arith.mulf %get3A_1405, %div3A_1409 : vector<16xf32>
    %add3A_1411 = arith.addf %add3A_1401, %mul3A_1410 : vector<16xf32>
    %get3A_1412 = arith.constant 7 : i32
    %get3A_1413 = arith.index_cast %get3A_1412 : i32 to index
    %get3A_1414 = arith.constant 96 : index
    %get3A_1415 = tpu.vector_load %arg12[%get3A_1413, %get3A_1414] {strides = array<i32>} : memref<16x128xf32, #tpu.memory_space<vmem>>, vector<16xf32>,
    %get3A_1416 = arith.constant 96 : index
    %get3A_1417 = tpu.vector_load %arg14[%get3A_1416] {strides = array<i32>} : memref<256xf32, #tpu.memory_space<vmem>>, vector<16xf32>,
    %mul3A_1418 = arith.mulf %get3A_1415, %get3A_1417 : vector<16xf32>
    %add3A_1419 = arith.addf %add3A_1411, %mul3A_1418 : vector<16xf32>
    %get3A_1420 = arith.constant 7 : i32
    %get3A_1421 = arith.index_cast %get3A_1420 : i32 to index
    %get3A_1422 = arith.constant 96 : index
    %get3A_1423 = tpu.vector_load %arg13[%get3A_1421, %get3A_1422] {strides = array<i32>} : memref<16x128xf32, #tpu.memory_space<vmem>>, vector<16xf32>,
    %get3A_1424 = arith.constant 224 : index
    %get3A_1425 = tpu.vector_load %arg14[%get3A_1424] {strides = array<i32>} : memref<256xf32, #tpu.memory_space<vmem>>, vector<16xf32>,
    %div3A_1426 = vector.broadcast %max3A_1301 : f32 to vector<16xf32>
    %div3A_1427 = arith.divf %get3A_1425, %div3A_1426 : vector<16xf32>
    %mul3A_1428 = arith.mulf %get3A_1423, %div3A_1427 : vector<16xf32>
    %add3A_1429 = arith.addf %add3A_1419, %mul3A_1428 : vector<16xf32>
    %get3A_1430 = arith.constant 7 : i32
    %get3A_1431 = arith.index_cast %get3A_1430 : i32 to index
    %get3A_1432 = arith.constant 112 : index
    %get3A_1433 = tpu.vector_load %arg12[%get3A_1431, %get3A_1432] {strides = array<i32>} : memref<16x128xf32, #tpu.memory_space<vmem>>, vector<16xf32>,
    %get3A_1434 = arith.constant 112 : index
    %get3A_1435 = tpu.vector_load %arg14[%get3A_1434] {strides = array<i32>} : memref<256xf32, #tpu.memory_space<vmem>>, vector<16xf32>,
    %mul3A_1436 = arith.mulf %get3A_1433, %get3A_1435 : vector<16xf32>
    %add3A_1437 = arith.addf %add3A_1429, %mul3A_1436 : vector<16xf32>
    %get3A_1438 = arith.constant 7 : i32
    %get3A_1439 = arith.index_cast %get3A_1438 : i32 to index
    %get3A_1440 = arith.constant 112 : index
    %get3A_1441 = tpu.vector_load %arg13[%get3A_1439, %get3A_1440] {strides = array<i32>} : memref<16x128xf32, #tpu.memory_space<vmem>>, vector<16xf32>,
    %get3A_1442 = arith.constant 240 : index
    %get3A_1443 = tpu.vector_load %arg14[%get3A_1442] {strides = array<i32>} : memref<256xf32, #tpu.memory_space<vmem>>, vector<16xf32>,
    %div3A_1444 = vector.broadcast %max3A_1301 : f32 to vector<16xf32>
    %div3A_1445 = arith.divf %get3A_1443, %div3A_1444 : vector<16xf32>
    %mul3A_1446 = arith.mulf %get3A_1441, %div3A_1445 : vector<16xf32>
    %add3A_1447 = arith.addf %add3A_1437, %mul3A_1446 : vector<16xf32>
    %reduce_sum3A_1448 = arith.constant true
    %reduce_sum3A_1449 = vector.broadcast %reduce_sum3A_1448 : i1 to vector<16xi1>
    %reduce_sum3A_1450 = tpu.scan <sum>, %add3A_1447 masked %reduce_sum3A_1449 : vector<16xf32>, vector<16xi1> -> vector<16xf32>
    %reduce_sum3A_1451 = vector.extract %reduce_sum3A_1450[15] : f32 from vector<16xf32>
    %add3A_1452 = arith.addf %reduce_sum3A_1451, %squeeze3A_194 : f32
    %eq3A_1453 = arith.constant 7 : i32
    %eq3A_1454 = vector.broadcast %eq3A_1453 : i32 to vector<16xi32>
    %eq3A_1455 = arith.cmpi eq, %iota3A, %eq3A_1454 : vector<16xi32>
    %broadcast_in_dim3A_1456 = vector.broadcast %add3A_1452 : f32 to vector<16xf32>
    %select_n3A_1457 = arith.select %eq3A_1455, %broadcast_in_dim3A_1456, %select_n3A_1299 : vector<16xi1>, vector<16xf32>
    %max3A_1458 = arith.constant 1.000000e+00 : f32
    %max3A_1459 = arith.maximumf %squeeze3A_75, %max3A_1458 : f32
    %broadcast_in_dim3A_1460 = arith.constant 0.000000e+00 : f32
    %broadcast_in_dim3A_1461 = vector.broadcast %broadcast_in_dim3A_1460 : f32 to vector<16xf32>
    %get3A_1462 = arith.constant 8 : i32
    %get3A_1463 = arith.index_cast %get3A_1462 : i32 to index
    %get3A_1464 = arith.constant 0 : index
    %get3A_1465 = tpu.vector_load %arg12[%get3A_1463, %get3A_1464] {strides = array<i32>} : memref<16x128xf32, #tpu.memory_space<vmem>>, vector<16xf32>,
    %get3A_1466 = arith.constant 0 : index
    %get3A_1467 = tpu.vector_load %arg14[%get3A_1466] {strides = array<i32>} : memref<256xf32, #tpu.memory_space<vmem>>, vector<16xf32>,
    %mul3A_1468 = arith.mulf %get3A_1465, %get3A_1467 : vector<16xf32>
    %add3A_1469 = arith.addf %broadcast_in_dim3A_1461, %mul3A_1468 : vector<16xf32>
    %get3A_1470 = arith.constant 8 : i32
    %get3A_1471 = arith.index_cast %get3A_1470 : i32 to index
    %get3A_1472 = arith.constant 0 : index
    %get3A_1473 = tpu.vector_load %arg13[%get3A_1471, %get3A_1472] {strides = array<i32>} : memref<16x128xf32, #tpu.memory_space<vmem>>, vector<16xf32>,
    %get3A_1474 = arith.constant 128 : index
    %get3A_1475 = tpu.vector_load %arg14[%get3A_1474] {strides = array<i32>} : memref<256xf32, #tpu.memory_space<vmem>>, vector<16xf32>,
    %div3A_1476 = vector.broadcast %max3A_1459 : f32 to vector<16xf32>
    %div3A_1477 = arith.divf %get3A_1475, %div3A_1476 : vector<16xf32>
    %mul3A_1478 = arith.mulf %get3A_1473, %div3A_1477 : vector<16xf32>
    %add3A_1479 = arith.addf %add3A_1469, %mul3A_1478 : vector<16xf32>
    %get3A_1480 = arith.constant 8 : i32
    %get3A_1481 = arith.index_cast %get3A_1480 : i32 to index
    %get3A_1482 = arith.constant 16 : index
    %get3A_1483 = tpu.vector_load %arg12[%get3A_1481, %get3A_1482] {strides = array<i32>} : memref<16x128xf32, #tpu.memory_space<vmem>>, vector<16xf32>,
    %get3A_1484 = arith.constant 16 : index
    %get3A_1485 = tpu.vector_load %arg14[%get3A_1484] {strides = array<i32>} : memref<256xf32, #tpu.memory_space<vmem>>, vector<16xf32>,
    %mul3A_1486 = arith.mulf %get3A_1483, %get3A_1485 : vector<16xf32>
    %add3A_1487 = arith.addf %add3A_1479, %mul3A_1486 : vector<16xf32>
    %get3A_1488 = arith.constant 8 : i32
    %get3A_1489 = arith.index_cast %get3A_1488 : i32 to index
    %get3A_1490 = arith.constant 16 : index
    %get3A_1491 = tpu.vector_load %arg13[%get3A_1489, %get3A_1490] {strides = array<i32>} : memref<16x128xf32, #tpu.memory_space<vmem>>, vector<16xf32>,
    %get3A_1492 = arith.constant 144 : index
    %get3A_1493 = tpu.vector_load %arg14[%get3A_1492] {strides = array<i32>} : memref<256xf32, #tpu.memory_space<vmem>>, vector<16xf32>,
    %div3A_1494 = vector.broadcast %max3A_1459 : f32 to vector<16xf32>
    %div3A_1495 = arith.divf %get3A_1493, %div3A_1494 : vector<16xf32>
    %mul3A_1496 = arith.mulf %get3A_1491, %div3A_1495 : vector<16xf32>
    %add3A_1497 = arith.addf %add3A_1487, %mul3A_1496 : vector<16xf32>
    %get3A_1498 = arith.constant 8 : i32
    %get3A_1499 = arith.index_cast %get3A_1498 : i32 to index
    %get3A_1500 = arith.constant 32 : index
    %get3A_1501 = tpu.vector_load %arg12[%get3A_1499, %get3A_1500] {strides = array<i32>} : memref<16x128xf32, #tpu.memory_space<vmem>>, vector<16xf32>,
    %get3A_1502 = arith.constant 32 : index
    %get3A_1503 = tpu.vector_load %arg14[%get3A_1502] {strides = array<i32>} : memref<256xf32, #tpu.memory_space<vmem>>, vector<16xf32>,
    %mul3A_1504 = arith.mulf %get3A_1501, %get3A_1503 : vector<16xf32>
    %add3A_1505 = arith.addf %add3A_1497, %mul3A_1504 : vector<16xf32>
    %get3A_1506 = arith.constant 8 : i32
    %get3A_1507 = arith.index_cast %get3A_1506 : i32 to index
    %get3A_1508 = arith.constant 32 : index
    %get3A_1509 = tpu.vector_load %arg13[%get3A_1507, %get3A_1508] {strides = array<i32>} : memref<16x128xf32, #tpu.memory_space<vmem>>, vector<16xf32>,
    %get3A_1510 = arith.constant 160 : index
    %get3A_1511 = tpu.vector_load %arg14[%get3A_1510] {strides = array<i32>} : memref<256xf32, #tpu.memory_space<vmem>>, vector<16xf32>,
    %div3A_1512 = vector.broadcast %max3A_1459 : f32 to vector<16xf32>
    %div3A_1513 = arith.divf %get3A_1511, %div3A_1512 : vector<16xf32>
    %mul3A_1514 = arith.mulf %get3A_1509, %div3A_1513 : vector<16xf32>
    %add3A_1515 = arith.addf %add3A_1505, %mul3A_1514 : vector<16xf32>
    %get3A_1516 = arith.constant 8 : i32
    %get3A_1517 = arith.index_cast %get3A_1516 : i32 to index
    %get3A_1518 = arith.constant 48 : index
    %get3A_1519 = tpu.vector_load %arg12[%get3A_1517, %get3A_1518] {strides = array<i32>} : memref<16x128xf32, #tpu.memory_space<vmem>>, vector<16xf32>,
    %get3A_1520 = arith.constant 48 : index
    %get3A_1521 = tpu.vector_load %arg14[%get3A_1520] {strides = array<i32>} : memref<256xf32, #tpu.memory_space<vmem>>, vector<16xf32>,
    %mul3A_1522 = arith.mulf %get3A_1519, %get3A_1521 : vector<16xf32>
    %add3A_1523 = arith.addf %add3A_1515, %mul3A_1522 : vector<16xf32>
    %get3A_1524 = arith.constant 8 : i32
    %get3A_1525 = arith.index_cast %get3A_1524 : i32 to index
    %get3A_1526 = arith.constant 48 : index
    %get3A_1527 = tpu.vector_load %arg13[%get3A_1525, %get3A_1526] {strides = array<i32>} : memref<16x128xf32, #tpu.memory_space<vmem>>, vector<16xf32>,
    %get3A_1528 = arith.constant 176 : index
    %get3A_1529 = tpu.vector_load %arg14[%get3A_1528] {strides = array<i32>} : memref<256xf32, #tpu.memory_space<vmem>>, vector<16xf32>,
    %div3A_1530 = vector.broadcast %max3A_1459 : f32 to vector<16xf32>
    %div3A_1531 = arith.divf %get3A_1529, %div3A_1530 : vector<16xf32>
    %mul3A_1532 = arith.mulf %get3A_1527, %div3A_1531 : vector<16xf32>
    %add3A_1533 = arith.addf %add3A_1523, %mul3A_1532 : vector<16xf32>
    %get3A_1534 = arith.constant 8 : i32
    %get3A_1535 = arith.index_cast %get3A_1534 : i32 to index
    %get3A_1536 = arith.constant 64 : index
    %get3A_1537 = tpu.vector_load %arg12[%get3A_1535, %get3A_1536] {strides = array<i32>} : memref<16x128xf32, #tpu.memory_space<vmem>>, vector<16xf32>,
    %get3A_1538 = arith.constant 64 : index
    %get3A_1539 = tpu.vector_load %arg14[%get3A_1538] {strides = array<i32>} : memref<256xf32, #tpu.memory_space<vmem>>, vector<16xf32>,
    %mul3A_1540 = arith.mulf %get3A_1537, %get3A_1539 : vector<16xf32>
    %add3A_1541 = arith.addf %add3A_1533, %mul3A_1540 : vector<16xf32>
    %get3A_1542 = arith.constant 8 : i32
    %get3A_1543 = arith.index_cast %get3A_1542 : i32 to index
    %get3A_1544 = arith.constant 64 : index
    %get3A_1545 = tpu.vector_load %arg13[%get3A_1543, %get3A_1544] {strides = array<i32>} : memref<16x128xf32, #tpu.memory_space<vmem>>, vector<16xf32>,
    %get3A_1546 = arith.constant 192 : index
    %get3A_1547 = tpu.vector_load %arg14[%get3A_1546] {strides = array<i32>} : memref<256xf32, #tpu.memory_space<vmem>>, vector<16xf32>,
    %div3A_1548 = vector.broadcast %max3A_1459 : f32 to vector<16xf32>
    %div3A_1549 = arith.divf %get3A_1547, %div3A_1548 : vector<16xf32>
    %mul3A_1550 = arith.mulf %get3A_1545, %div3A_1549 : vector<16xf32>
    %add3A_1551 = arith.addf %add3A_1541, %mul3A_1550 : vector<16xf32>
    %get3A_1552 = arith.constant 8 : i32
    %get3A_1553 = arith.index_cast %get3A_1552 : i32 to index
    %get3A_1554 = arith.constant 80 : index
    %get3A_1555 = tpu.vector_load %arg12[%get3A_1553, %get3A_1554] {strides = array<i32>} : memref<16x128xf32, #tpu.memory_space<vmem>>, vector<16xf32>,
    %get3A_1556 = arith.constant 80 : index
    %get3A_1557 = tpu.vector_load %arg14[%get3A_1556] {strides = array<i32>} : memref<256xf32, #tpu.memory_space<vmem>>, vector<16xf32>,
    %mul3A_1558 = arith.mulf %get3A_1555, %get3A_1557 : vector<16xf32>
    %add3A_1559 = arith.addf %add3A_1551, %mul3A_1558 : vector<16xf32>
    %get3A_1560 = arith.constant 8 : i32
    %get3A_1561 = arith.index_cast %get3A_1560 : i32 to index
    %get3A_1562 = arith.constant 80 : index
    %get3A_1563 = tpu.vector_load %arg13[%get3A_1561, %get3A_1562] {strides = array<i32>} : memref<16x128xf32, #tpu.memory_space<vmem>>, vector<16xf32>,
    %get3A_1564 = arith.constant 208 : index
    %get3A_1565 = tpu.vector_load %arg14[%get3A_1564] {strides = array<i32>} : memref<256xf32, #tpu.memory_space<vmem>>, vector<16xf32>,
    %div3A_1566 = vector.broadcast %max3A_1459 : f32 to vector<16xf32>
    %div3A_1567 = arith.divf %get3A_1565, %div3A_1566 : vector<16xf32>
    %mul3A_1568 = arith.mulf %get3A_1563, %div3A_1567 : vector<16xf32>
    %add3A_1569 = arith.addf %add3A_1559, %mul3A_1568 : vector<16xf32>
    %get3A_1570 = arith.constant 8 : i32
    %get3A_1571 = arith.index_cast %get3A_1570 : i32 to index
    %get3A_1572 = arith.constant 96 : index
    %get3A_1573 = tpu.vector_load %arg12[%get3A_1571, %get3A_1572] {strides = array<i32>} : memref<16x128xf32, #tpu.memory_space<vmem>>, vector<16xf32>,
    %get3A_1574 = arith.constant 96 : index
    %get3A_1575 = tpu.vector_load %arg14[%get3A_1574] {strides = array<i32>} : memref<256xf32, #tpu.memory_space<vmem>>, vector<16xf32>,
    %mul3A_1576 = arith.mulf %get3A_1573, %get3A_1575 : vector<16xf32>
    %add3A_1577 = arith.addf %add3A_1569, %mul3A_1576 : vector<16xf32>
    %get3A_1578 = arith.constant 8 : i32
    %get3A_1579 = arith.index_cast %get3A_1578 : i32 to index
    %get3A_1580 = arith.constant 96 : index
    %get3A_1581 = tpu.vector_load %arg13[%get3A_1579, %get3A_1580] {strides = array<i32>} : memref<16x128xf32, #tpu.memory_space<vmem>>, vector<16xf32>,
    %get3A_1582 = arith.constant 224 : index
    %get3A_1583 = tpu.vector_load %arg14[%get3A_1582] {strides = array<i32>} : memref<256xf32, #tpu.memory_space<vmem>>, vector<16xf32>,
    %div3A_1584 = vector.broadcast %max3A_1459 : f32 to vector<16xf32>
    %div3A_1585 = arith.divf %get3A_1583, %div3A_1584 : vector<16xf32>
    %mul3A_1586 = arith.mulf %get3A_1581, %div3A_1585 : vector<16xf32>
    %add3A_1587 = arith.addf %add3A_1577, %mul3A_1586 : vector<16xf32>
    %get3A_1588 = arith.constant 8 : i32
    %get3A_1589 = arith.index_cast %get3A_1588 : i32 to index
    %get3A_1590 = arith.constant 112 : index
    %get3A_1591 = tpu.vector_load %arg12[%get3A_1589, %get3A_1590] {strides = array<i32>} : memref<16x128xf32, #tpu.memory_space<vmem>>, vector<16xf32>,
    %get3A_1592 = arith.constant 112 : index
    %get3A_1593 = tpu.vector_load %arg14[%get3A_1592] {strides = array<i32>} : memref<256xf32, #tpu.memory_space<vmem>>, vector<16xf32>,
    %mul3A_1594 = arith.mulf %get3A_1591, %get3A_1593 : vector<16xf32>
    %add3A_1595 = arith.addf %add3A_1587, %mul3A_1594 : vector<16xf32>
    %get3A_1596 = arith.constant 8 : i32
    %get3A_1597 = arith.index_cast %get3A_1596 : i32 to index
    %get3A_1598 = arith.constant 112 : index
    %get3A_1599 = tpu.vector_load %arg13[%get3A_1597, %get3A_1598] {strides = array<i32>} : memref<16x128xf32, #tpu.memory_space<vmem>>, vector<16xf32>,
    %get3A_1600 = arith.constant 240 : index
    %get3A_1601 = tpu.vector_load %arg14[%get3A_1600] {strides = array<i32>} : memref<256xf32, #tpu.memory_space<vmem>>, vector<16xf32>,
    %div3A_1602 = vector.broadcast %max3A_1459 : f32 to vector<16xf32>
    %div3A_1603 = arith.divf %get3A_1601, %div3A_1602 : vector<16xf32>
    %mul3A_1604 = arith.mulf %get3A_1599, %div3A_1603 : vector<16xf32>
    %add3A_1605 = arith.addf %add3A_1595, %mul3A_1604 : vector<16xf32>
    %reduce_sum3A_1606 = arith.constant true
    %reduce_sum3A_1607 = vector.broadcast %reduce_sum3A_1606 : i1 to vector<16xi1>
    %reduce_sum3A_1608 = tpu.scan <sum>, %add3A_1605 masked %reduce_sum3A_1607 : vector<16xf32>, vector<16xi1> -> vector<16xf32>
    %reduce_sum3A_1609 = vector.extract %reduce_sum3A_1608[15] : f32 from vector<16xf32>
    %add3A_1610 = arith.addf %reduce_sum3A_1609, %squeeze3A_194 : f32
    %eq3A_1611 = arith.constant 8 : i32
    %eq3A_1612 = vector.broadcast %eq3A_1611 : i32 to vector<16xi32>
    %eq3A_1613 = arith.cmpi eq, %iota3A, %eq3A_1612 : vector<16xi32>
    %broadcast_in_dim3A_1614 = vector.broadcast %add3A_1610 : f32 to vector<16xf32>
    %select_n3A_1615 = arith.select %eq3A_1613, %broadcast_in_dim3A_1614, %select_n3A_1457 : vector<16xi1>, vector<16xf32>
    %max3A_1616 = arith.constant 1.000000e+00 : f32
    %max3A_1617 = arith.maximumf %squeeze3A_81, %max3A_1616 : f32
    %broadcast_in_dim3A_1618 = arith.constant 0.000000e+00 : f32
    %broadcast_in_dim3A_1619 = vector.broadcast %broadcast_in_dim3A_1618 : f32 to vector<16xf32>
    %get3A_1620 = arith.constant 9 : i32
    %get3A_1621 = arith.index_cast %get3A_1620 : i32 to index
    %get3A_1622 = arith.constant 0 : index
    %get3A_1623 = tpu.vector_load %arg12[%get3A_1621, %get3A_1622] {strides = array<i32>} : memref<16x128xf32, #tpu.memory_space<vmem>>, vector<16xf32>,
    %get3A_1624 = arith.constant 0 : index
    %get3A_1625 = tpu.vector_load %arg14[%get3A_1624] {strides = array<i32>} : memref<256xf32, #tpu.memory_space<vmem>>, vector<16xf32>,
    %mul3A_1626 = arith.mulf %get3A_1623, %get3A_1625 : vector<16xf32>
    %add3A_1627 = arith.addf %broadcast_in_dim3A_1619, %mul3A_1626 : vector<16xf32>
    %get3A_1628 = arith.constant 9 : i32
    %get3A_1629 = arith.index_cast %get3A_1628 : i32 to index
    %get3A_1630 = arith.constant 0 : index
    %get3A_1631 = tpu.vector_load %arg13[%get3A_1629, %get3A_1630] {strides = array<i32>} : memref<16x128xf32, #tpu.memory_space<vmem>>, vector<16xf32>,
    %get3A_1632 = arith.constant 128 : index
    %get3A_1633 = tpu.vector_load %arg14[%get3A_1632] {strides = array<i32>} : memref<256xf32, #tpu.memory_space<vmem>>, vector<16xf32>,
    %div3A_1634 = vector.broadcast %max3A_1617 : f32 to vector<16xf32>
    %div3A_1635 = arith.divf %get3A_1633, %div3A_1634 : vector<16xf32>
    %mul3A_1636 = arith.mulf %get3A_1631, %div3A_1635 : vector<16xf32>
    %add3A_1637 = arith.addf %add3A_1627, %mul3A_1636 : vector<16xf32>
    %get3A_1638 = arith.constant 9 : i32
    %get3A_1639 = arith.index_cast %get3A_1638 : i32 to index
    %get3A_1640 = arith.constant 16 : index
    %get3A_1641 = tpu.vector_load %arg12[%get3A_1639, %get3A_1640] {strides = array<i32>} : memref<16x128xf32, #tpu.memory_space<vmem>>, vector<16xf32>,
    %get3A_1642 = arith.constant 16 : index
    %get3A_1643 = tpu.vector_load %arg14[%get3A_1642] {strides = array<i32>} : memref<256xf32, #tpu.memory_space<vmem>>, vector<16xf32>,
    %mul3A_1644 = arith.mulf %get3A_1641, %get3A_1643 : vector<16xf32>
    %add3A_1645 = arith.addf %add3A_1637, %mul3A_1644 : vector<16xf32>
    %get3A_1646 = arith.constant 9 : i32
    %get3A_1647 = arith.index_cast %get3A_1646 : i32 to index
    %get3A_1648 = arith.constant 16 : index
    %get3A_1649 = tpu.vector_load %arg13[%get3A_1647, %get3A_1648] {strides = array<i32>} : memref<16x128xf32, #tpu.memory_space<vmem>>, vector<16xf32>,
    %get3A_1650 = arith.constant 144 : index
    %get3A_1651 = tpu.vector_load %arg14[%get3A_1650] {strides = array<i32>} : memref<256xf32, #tpu.memory_space<vmem>>, vector<16xf32>,
    %div3A_1652 = vector.broadcast %max3A_1617 : f32 to vector<16xf32>
    %div3A_1653 = arith.divf %get3A_1651, %div3A_1652 : vector<16xf32>
    %mul3A_1654 = arith.mulf %get3A_1649, %div3A_1653 : vector<16xf32>
    %add3A_1655 = arith.addf %add3A_1645, %mul3A_1654 : vector<16xf32>
    %get3A_1656 = arith.constant 9 : i32
    %get3A_1657 = arith.index_cast %get3A_1656 : i32 to index
    %get3A_1658 = arith.constant 32 : index
    %get3A_1659 = tpu.vector_load %arg12[%get3A_1657, %get3A_1658] {strides = array<i32>} : memref<16x128xf32, #tpu.memory_space<vmem>>, vector<16xf32>,
    %get3A_1660 = arith.constant 32 : index
    %get3A_1661 = tpu.vector_load %arg14[%get3A_1660] {strides = array<i32>} : memref<256xf32, #tpu.memory_space<vmem>>, vector<16xf32>,
    %mul3A_1662 = arith.mulf %get3A_1659, %get3A_1661 : vector<16xf32>
    %add3A_1663 = arith.addf %add3A_1655, %mul3A_1662 : vector<16xf32>
    %get3A_1664 = arith.constant 9 : i32
    %get3A_1665 = arith.index_cast %get3A_1664 : i32 to index
    %get3A_1666 = arith.constant 32 : index
    %get3A_1667 = tpu.vector_load %arg13[%get3A_1665, %get3A_1666] {strides = array<i32>} : memref<16x128xf32, #tpu.memory_space<vmem>>, vector<16xf32>,
    %get3A_1668 = arith.constant 160 : index
    %get3A_1669 = tpu.vector_load %arg14[%get3A_1668] {strides = array<i32>} : memref<256xf32, #tpu.memory_space<vmem>>, vector<16xf32>,
    %div3A_1670 = vector.broadcast %max3A_1617 : f32 to vector<16xf32>
    %div3A_1671 = arith.divf %get3A_1669, %div3A_1670 : vector<16xf32>
    %mul3A_1672 = arith.mulf %get3A_1667, %div3A_1671 : vector<16xf32>
    %add3A_1673 = arith.addf %add3A_1663, %mul3A_1672 : vector<16xf32>
    %get3A_1674 = arith.constant 9 : i32
    %get3A_1675 = arith.index_cast %get3A_1674 : i32 to index
    %get3A_1676 = arith.constant 48 : index
    %get3A_1677 = tpu.vector_load %arg12[%get3A_1675, %get3A_1676] {strides = array<i32>} : memref<16x128xf32, #tpu.memory_space<vmem>>, vector<16xf32>,
    %get3A_1678 = arith.constant 48 : index
    %get3A_1679 = tpu.vector_load %arg14[%get3A_1678] {strides = array<i32>} : memref<256xf32, #tpu.memory_space<vmem>>, vector<16xf32>,
    %mul3A_1680 = arith.mulf %get3A_1677, %get3A_1679 : vector<16xf32>
    %add3A_1681 = arith.addf %add3A_1673, %mul3A_1680 : vector<16xf32>
    %get3A_1682 = arith.constant 9 : i32
    %get3A_1683 = arith.index_cast %get3A_1682 : i32 to index
    %get3A_1684 = arith.constant 48 : index
    %get3A_1685 = tpu.vector_load %arg13[%get3A_1683, %get3A_1684] {strides = array<i32>} : memref<16x128xf32, #tpu.memory_space<vmem>>, vector<16xf32>,
    %get3A_1686 = arith.constant 176 : index
    %get3A_1687 = tpu.vector_load %arg14[%get3A_1686] {strides = array<i32>} : memref<256xf32, #tpu.memory_space<vmem>>, vector<16xf32>,
    %div3A_1688 = vector.broadcast %max3A_1617 : f32 to vector<16xf32>
    %div3A_1689 = arith.divf %get3A_1687, %div3A_1688 : vector<16xf32>
    %mul3A_1690 = arith.mulf %get3A_1685, %div3A_1689 : vector<16xf32>
    %add3A_1691 = arith.addf %add3A_1681, %mul3A_1690 : vector<16xf32>
    %get3A_1692 = arith.constant 9 : i32
    %get3A_1693 = arith.index_cast %get3A_1692 : i32 to index
    %get3A_1694 = arith.constant 64 : index
    %get3A_1695 = tpu.vector_load %arg12[%get3A_1693, %get3A_1694] {strides = array<i32>} : memref<16x128xf32, #tpu.memory_space<vmem>>, vector<16xf32>,
    %get3A_1696 = arith.constant 64 : index
    %get3A_1697 = tpu.vector_load %arg14[%get3A_1696] {strides = array<i32>} : memref<256xf32, #tpu.memory_space<vmem>>, vector<16xf32>,
    %mul3A_1698 = arith.mulf %get3A_1695, %get3A_1697 : vector<16xf32>
    %add3A_1699 = arith.addf %add3A_1691, %mul3A_1698 : vector<16xf32>
    %get3A_1700 = arith.constant 9 : i32
    %get3A_1701 = arith.index_cast %get3A_1700 : i32 to index
    %get3A_1702 = arith.constant 64 : index
    %get3A_1703 = tpu.vector_load %arg13[%get3A_1701, %get3A_1702] {strides = array<i32>} : memref<16x128xf32, #tpu.memory_space<vmem>>, vector<16xf32>,
    %get3A_1704 = arith.constant 192 : index
    %get3A_1705 = tpu.vector_load %arg14[%get3A_1704] {strides = array<i32>} : memref<256xf32, #tpu.memory_space<vmem>>, vector<16xf32>,
    %div3A_1706 = vector.broadcast %max3A_1617 : f32 to vector<16xf32>
    %div3A_1707 = arith.divf %get3A_1705, %div3A_1706 : vector<16xf32>
    %mul3A_1708 = arith.mulf %get3A_1703, %div3A_1707 : vector<16xf32>
    %add3A_1709 = arith.addf %add3A_1699, %mul3A_1708 : vector<16xf32>
    %get3A_1710 = arith.constant 9 : i32
    %get3A_1711 = arith.index_cast %get3A_1710 : i32 to index
    %get3A_1712 = arith.constant 80 : index
    %get3A_1713 = tpu.vector_load %arg12[%get3A_1711, %get3A_1712] {strides = array<i32>} : memref<16x128xf32, #tpu.memory_space<vmem>>, vector<16xf32>,
    %get3A_1714 = arith.constant 80 : index
    %get3A_1715 = tpu.vector_load %arg14[%get3A_1714] {strides = array<i32>} : memref<256xf32, #tpu.memory_space<vmem>>, vector<16xf32>,
    %mul3A_1716 = arith.mulf %get3A_1713, %get3A_1715 : vector<16xf32>
    %add3A_1717 = arith.addf %add3A_1709, %mul3A_1716 : vector<16xf32>
    %get3A_1718 = arith.constant 9 : i32
    %get3A_1719 = arith.index_cast %get3A_1718 : i32 to index
    %get3A_1720 = arith.constant 80 : index
    %get3A_1721 = tpu.vector_load %arg13[%get3A_1719, %get3A_1720] {strides = array<i32>} : memref<16x128xf32, #tpu.memory_space<vmem>>, vector<16xf32>,
    %get3A_1722 = arith.constant 208 : index
    %get3A_1723 = tpu.vector_load %arg14[%get3A_1722] {strides = array<i32>} : memref<256xf32, #tpu.memory_space<vmem>>, vector<16xf32>,
    %div3A_1724 = vector.broadcast %max3A_1617 : f32 to vector<16xf32>
    %div3A_1725 = arith.divf %get3A_1723, %div3A_1724 : vector<16xf32>
    %mul3A_1726 = arith.mulf %get3A_1721, %div3A_1725 : vector<16xf32>
    %add3A_1727 = arith.addf %add3A_1717, %mul3A_1726 : vector<16xf32>
    %get3A_1728 = arith.constant 9 : i32
    %get3A_1729 = arith.index_cast %get3A_1728 : i32 to index
    %get3A_1730 = arith.constant 96 : index
    %get3A_1731 = tpu.vector_load %arg12[%get3A_1729, %get3A_1730] {strides = array<i32>} : memref<16x128xf32, #tpu.memory_space<vmem>>, vector<16xf32>,
    %get3A_1732 = arith.constant 96 : index
    %get3A_1733 = tpu.vector_load %arg14[%get3A_1732] {strides = array<i32>} : memref<256xf32, #tpu.memory_space<vmem>>, vector<16xf32>,
    %mul3A_1734 = arith.mulf %get3A_1731, %get3A_1733 : vector<16xf32>
    %add3A_1735 = arith.addf %add3A_1727, %mul3A_1734 : vector<16xf32>
    %get3A_1736 = arith.constant 9 : i32
    %get3A_1737 = arith.index_cast %get3A_1736 : i32 to index
    %get3A_1738 = arith.constant 96 : index
    %get3A_1739 = tpu.vector_load %arg13[%get3A_1737, %get3A_1738] {strides = array<i32>} : memref<16x128xf32, #tpu.memory_space<vmem>>, vector<16xf32>,
    %get3A_1740 = arith.constant 224 : index
    %get3A_1741 = tpu.vector_load %arg14[%get3A_1740] {strides = array<i32>} : memref<256xf32, #tpu.memory_space<vmem>>, vector<16xf32>,
    %div3A_1742 = vector.broadcast %max3A_1617 : f32 to vector<16xf32>
    %div3A_1743 = arith.divf %get3A_1741, %div3A_1742 : vector<16xf32>
    %mul3A_1744 = arith.mulf %get3A_1739, %div3A_1743 : vector<16xf32>
    %add3A_1745 = arith.addf %add3A_1735, %mul3A_1744 : vector<16xf32>
    %get3A_1746 = arith.constant 9 : i32
    %get3A_1747 = arith.index_cast %get3A_1746 : i32 to index
    %get3A_1748 = arith.constant 112 : index
    %get3A_1749 = tpu.vector_load %arg12[%get3A_1747, %get3A_1748] {strides = array<i32>} : memref<16x128xf32, #tpu.memory_space<vmem>>, vector<16xf32>,
    %get3A_1750 = arith.constant 112 : index
    %get3A_1751 = tpu.vector_load %arg14[%get3A_1750] {strides = array<i32>} : memref<256xf32, #tpu.memory_space<vmem>>, vector<16xf32>,
    %mul3A_1752 = arith.mulf %get3A_1749, %get3A_1751 : vector<16xf32>
    %add3A_1753 = arith.addf %add3A_1745, %mul3A_1752 : vector<16xf32>
    %get3A_1754 = arith.constant 9 : i32
    %get3A_1755 = arith.index_cast %get3A_1754 : i32 to index
    %get3A_1756 = arith.constant 112 : index
    %get3A_1757 = tpu.vector_load %arg13[%get3A_1755, %get3A_1756] {strides = array<i32>} : memref<16x128xf32, #tpu.memory_space<vmem>>, vector<16xf32>,
    %get3A_1758 = arith.constant 240 : index
    %get3A_1759 = tpu.vector_load %arg14[%get3A_1758] {strides = array<i32>} : memref<256xf32, #tpu.memory_space<vmem>>, vector<16xf32>,
    %div3A_1760 = vector.broadcast %max3A_1617 : f32 to vector<16xf32>
    %div3A_1761 = arith.divf %get3A_1759, %div3A_1760 : vector<16xf32>
    %mul3A_1762 = arith.mulf %get3A_1757, %div3A_1761 : vector<16xf32>
    %add3A_1763 = arith.addf %add3A_1753, %mul3A_1762 : vector<16xf32>
    %reduce_sum3A_1764 = arith.constant true
    %reduce_sum3A_1765 = vector.broadcast %reduce_sum3A_1764 : i1 to vector<16xi1>
    %reduce_sum3A_1766 = tpu.scan <sum>, %add3A_1763 masked %reduce_sum3A_1765 : vector<16xf32>, vector<16xi1> -> vector<16xf32>
    %reduce_sum3A_1767 = vector.extract %reduce_sum3A_1766[15] : f32 from vector<16xf32>
    %add3A_1768 = arith.addf %reduce_sum3A_1767, %squeeze3A_194 : f32
    %eq3A_1769 = arith.constant 9 : i32
    %eq3A_1770 = vector.broadcast %eq3A_1769 : i32 to vector<16xi32>
    %eq3A_1771 = arith.cmpi eq, %iota3A, %eq3A_1770 : vector<16xi32>
    %broadcast_in_dim3A_1772 = vector.broadcast %add3A_1768 : f32 to vector<16xf32>
    %select_n3A_1773 = arith.select %eq3A_1771, %broadcast_in_dim3A_1772, %select_n3A_1615 : vector<16xi1>, vector<16xf32>
    %max3A_1774 = arith.constant 1.000000e+00 : f32
    %max3A_1775 = arith.maximumf %squeeze3A_87, %max3A_1774 : f32
    %broadcast_in_dim3A_1776 = arith.constant 0.000000e+00 : f32
    %broadcast_in_dim3A_1777 = vector.broadcast %broadcast_in_dim3A_1776 : f32 to vector<16xf32>
    %get3A_1778 = arith.constant 10 : i32
    %get3A_1779 = arith.index_cast %get3A_1778 : i32 to index
    %get3A_1780 = arith.constant 0 : index
    %get3A_1781 = tpu.vector_load %arg12[%get3A_1779, %get3A_1780] {strides = array<i32>} : memref<16x128xf32, #tpu.memory_space<vmem>>, vector<16xf32>,
    %get3A_1782 = arith.constant 0 : index
    %get3A_1783 = tpu.vector_load %arg14[%get3A_1782] {strides = array<i32>} : memref<256xf32, #tpu.memory_space<vmem>>, vector<16xf32>,
    %mul3A_1784 = arith.mulf %get3A_1781, %get3A_1783 : vector<16xf32>
    %add3A_1785 = arith.addf %broadcast_in_dim3A_1777, %mul3A_1784 : vector<16xf32>
    %get3A_1786 = arith.constant 10 : i32
    %get3A_1787 = arith.index_cast %get3A_1786 : i32 to index
    %get3A_1788 = arith.constant 0 : index
    %get3A_1789 = tpu.vector_load %arg13[%get3A_1787, %get3A_1788] {strides = array<i32>} : memref<16x128xf32, #tpu.memory_space<vmem>>, vector<16xf32>,
    %get3A_1790 = arith.constant 128 : index
    %get3A_1791 = tpu.vector_load %arg14[%get3A_1790] {strides = array<i32>} : memref<256xf32, #tpu.memory_space<vmem>>, vector<16xf32>,
    %div3A_1792 = vector.broadcast %max3A_1775 : f32 to vector<16xf32>
    %div3A_1793 = arith.divf %get3A_1791, %div3A_1792 : vector<16xf32>
    %mul3A_1794 = arith.mulf %get3A_1789, %div3A_1793 : vector<16xf32>
    %add3A_1795 = arith.addf %add3A_1785, %mul3A_1794 : vector<16xf32>
    %get3A_1796 = arith.constant 10 : i32
    %get3A_1797 = arith.index_cast %get3A_1796 : i32 to index
    %get3A_1798 = arith.constant 16 : index
    %get3A_1799 = tpu.vector_load %arg12[%get3A_1797, %get3A_1798] {strides = array<i32>} : memref<16x128xf32, #tpu.memory_space<vmem>>, vector<16xf32>,
    %get3A_1800 = arith.constant 16 : index
    %get3A_1801 = tpu.vector_load %arg14[%get3A_1800] {strides = array<i32>} : memref<256xf32, #tpu.memory_space<vmem>>, vector<16xf32>,
    %mul3A_1802 = arith.mulf %get3A_1799, %get3A_1801 : vector<16xf32>
    %add3A_1803 = arith.addf %add3A_1795, %mul3A_1802 : vector<16xf32>
    %get3A_1804 = arith.constant 10 : i32
    %get3A_1805 = arith.index_cast %get3A_1804 : i32 to index
    %get3A_1806 = arith.constant 16 : index
    %get3A_1807 = tpu.vector_load %arg13[%get3A_1805, %get3A_1806] {strides = array<i32>} : memref<16x128xf32, #tpu.memory_space<vmem>>, vector<16xf32>,
    %get3A_1808 = arith.constant 144 : index
    %get3A_1809 = tpu.vector_load %arg14[%get3A_1808] {strides = array<i32>} : memref<256xf32, #tpu.memory_space<vmem>>, vector<16xf32>,
    %div3A_1810 = vector.broadcast %max3A_1775 : f32 to vector<16xf32>
    %div3A_1811 = arith.divf %get3A_1809, %div3A_1810 : vector<16xf32>
    %mul3A_1812 = arith.mulf %get3A_1807, %div3A_1811 : vector<16xf32>
    %add3A_1813 = arith.addf %add3A_1803, %mul3A_1812 : vector<16xf32>
    %get3A_1814 = arith.constant 10 : i32
    %get3A_1815 = arith.index_cast %get3A_1814 : i32 to index
    %get3A_1816 = arith.constant 32 : index
    %get3A_1817 = tpu.vector_load %arg12[%get3A_1815, %get3A_1816] {strides = array<i32>} : memref<16x128xf32, #tpu.memory_space<vmem>>, vector<16xf32>,
    %get3A_1818 = arith.constant 32 : index
    %get3A_1819 = tpu.vector_load %arg14[%get3A_1818] {strides = array<i32>} : memref<256xf32, #tpu.memory_space<vmem>>, vector<16xf32>,
    %mul3A_1820 = arith.mulf %get3A_1817, %get3A_1819 : vector<16xf32>
    %add3A_1821 = arith.addf %add3A_1813, %mul3A_1820 : vector<16xf32>
    %get3A_1822 = arith.constant 10 : i32
    %get3A_1823 = arith.index_cast %get3A_1822 : i32 to index
    %get3A_1824 = arith.constant 32 : index
    %get3A_1825 = tpu.vector_load %arg13[%get3A_1823, %get3A_1824] {strides = array<i32>} : memref<16x128xf32, #tpu.memory_space<vmem>>, vector<16xf32>,
    %get3A_1826 = arith.constant 160 : index
    %get3A_1827 = tpu.vector_load %arg14[%get3A_1826] {strides = array<i32>} : memref<256xf32, #tpu.memory_space<vmem>>, vector<16xf32>,
    %div3A_1828 = vector.broadcast %max3A_1775 : f32 to vector<16xf32>
    %div3A_1829 = arith.divf %get3A_1827, %div3A_1828 : vector<16xf32>
    %mul3A_1830 = arith.mulf %get3A_1825, %div3A_1829 : vector<16xf32>
    %add3A_1831 = arith.addf %add3A_1821, %mul3A_1830 : vector<16xf32>
    %get3A_1832 = arith.constant 10 : i32
    %get3A_1833 = arith.index_cast %get3A_1832 : i32 to index
    %get3A_1834 = arith.constant 48 : index
    %get3A_1835 = tpu.vector_load %arg12[%get3A_1833, %get3A_1834] {strides = array<i32>} : memref<16x128xf32, #tpu.memory_space<vmem>>, vector<16xf32>,
    %get3A_1836 = arith.constant 48 : index
    %get3A_1837 = tpu.vector_load %arg14[%get3A_1836] {strides = array<i32>} : memref<256xf32, #tpu.memory_space<vmem>>, vector<16xf32>,
    %mul3A_1838 = arith.mulf %get3A_1835, %get3A_1837 : vector<16xf32>
    %add3A_1839 = arith.addf %add3A_1831, %mul3A_1838 : vector<16xf32>
    %get3A_1840 = arith.constant 10 : i32
    %get3A_1841 = arith.index_cast %get3A_1840 : i32 to index
    %get3A_1842 = arith.constant 48 : index
    %get3A_1843 = tpu.vector_load %arg13[%get3A_1841, %get3A_1842] {strides = array<i32>} : memref<16x128xf32, #tpu.memory_space<vmem>>, vector<16xf32>,
    %get3A_1844 = arith.constant 176 : index
    %get3A_1845 = tpu.vector_load %arg14[%get3A_1844] {strides = array<i32>} : memref<256xf32, #tpu.memory_space<vmem>>, vector<16xf32>,
    %div3A_1846 = vector.broadcast %max3A_1775 : f32 to vector<16xf32>
    %div3A_1847 = arith.divf %get3A_1845, %div3A_1846 : vector<16xf32>
    %mul3A_1848 = arith.mulf %get3A_1843, %div3A_1847 : vector<16xf32>
    %add3A_1849 = arith.addf %add3A_1839, %mul3A_1848 : vector<16xf32>
    %get3A_1850 = arith.constant 10 : i32
    %get3A_1851 = arith.index_cast %get3A_1850 : i32 to index
    %get3A_1852 = arith.constant 64 : index
    %get3A_1853 = tpu.vector_load %arg12[%get3A_1851, %get3A_1852] {strides = array<i32>} : memref<16x128xf32, #tpu.memory_space<vmem>>, vector<16xf32>,
    %get3A_1854 = arith.constant 64 : index
    %get3A_1855 = tpu.vector_load %arg14[%get3A_1854] {strides = array<i32>} : memref<256xf32, #tpu.memory_space<vmem>>, vector<16xf32>,
    %mul3A_1856 = arith.mulf %get3A_1853, %get3A_1855 : vector<16xf32>
    %add3A_1857 = arith.addf %add3A_1849, %mul3A_1856 : vector<16xf32>
    %get3A_1858 = arith.constant 10 : i32
    %get3A_1859 = arith.index_cast %get3A_1858 : i32 to index
    %get3A_1860 = arith.constant 64 : index
    %get3A_1861 = tpu.vector_load %arg13[%get3A_1859, %get3A_1860] {strides = array<i32>} : memref<16x128xf32, #tpu.memory_space<vmem>>, vector<16xf32>,
    %get3A_1862 = arith.constant 192 : index
    %get3A_1863 = tpu.vector_load %arg14[%get3A_1862] {strides = array<i32>} : memref<256xf32, #tpu.memory_space<vmem>>, vector<16xf32>,
    %div3A_1864 = vector.broadcast %max3A_1775 : f32 to vector<16xf32>
    %div3A_1865 = arith.divf %get3A_1863, %div3A_1864 : vector<16xf32>
    %mul3A_1866 = arith.mulf %get3A_1861, %div3A_1865 : vector<16xf32>
    %add3A_1867 = arith.addf %add3A_1857, %mul3A_1866 : vector<16xf32>
    %get3A_1868 = arith.constant 10 : i32
    %get3A_1869 = arith.index_cast %get3A_1868 : i32 to index
    %get3A_1870 = arith.constant 80 : index
    %get3A_1871 = tpu.vector_load %arg12[%get3A_1869, %get3A_1870] {strides = array<i32>} : memref<16x128xf32, #tpu.memory_space<vmem>>, vector<16xf32>,
    %get3A_1872 = arith.constant 80 : index
    %get3A_1873 = tpu.vector_load %arg14[%get3A_1872] {strides = array<i32>} : memref<256xf32, #tpu.memory_space<vmem>>, vector<16xf32>,
    %mul3A_1874 = arith.mulf %get3A_1871, %get3A_1873 : vector<16xf32>
    %add3A_1875 = arith.addf %add3A_1867, %mul3A_1874 : vector<16xf32>
    %get3A_1876 = arith.constant 10 : i32
    %get3A_1877 = arith.index_cast %get3A_1876 : i32 to index
    %get3A_1878 = arith.constant 80 : index
    %get3A_1879 = tpu.vector_load %arg13[%get3A_1877, %get3A_1878] {strides = array<i32>} : memref<16x128xf32, #tpu.memory_space<vmem>>, vector<16xf32>,
    %get3A_1880 = arith.constant 208 : index
    %get3A_1881 = tpu.vector_load %arg14[%get3A_1880] {strides = array<i32>} : memref<256xf32, #tpu.memory_space<vmem>>, vector<16xf32>,
    %div3A_1882 = vector.broadcast %max3A_1775 : f32 to vector<16xf32>
    %div3A_1883 = arith.divf %get3A_1881, %div3A_1882 : vector<16xf32>
    %mul3A_1884 = arith.mulf %get3A_1879, %div3A_1883 : vector<16xf32>
    %add3A_1885 = arith.addf %add3A_1875, %mul3A_1884 : vector<16xf32>
    %get3A_1886 = arith.constant 10 : i32
    %get3A_1887 = arith.index_cast %get3A_1886 : i32 to index
    %get3A_1888 = arith.constant 96 : index
    %get3A_1889 = tpu.vector_load %arg12[%get3A_1887, %get3A_1888] {strides = array<i32>} : memref<16x128xf32, #tpu.memory_space<vmem>>, vector<16xf32>,
    %get3A_1890 = arith.constant 96 : index
    %get3A_1891 = tpu.vector_load %arg14[%get3A_1890] {strides = array<i32>} : memref<256xf32, #tpu.memory_space<vmem>>, vector<16xf32>,
    %mul3A_1892 = arith.mulf %get3A_1889, %get3A_1891 : vector<16xf32>
    %add3A_1893 = arith.addf %add3A_1885, %mul3A_1892 : vector<16xf32>
    %get3A_1894 = arith.constant 10 : i32
    %get3A_1895 = arith.index_cast %get3A_1894 : i32 to index
    %get3A_1896 = arith.constant 96 : index
    %get3A_1897 = tpu.vector_load %arg13[%get3A_1895, %get3A_1896] {strides = array<i32>} : memref<16x128xf32, #tpu.memory_space<vmem>>, vector<16xf32>,
    %get3A_1898 = arith.constant 224 : index
    %get3A_1899 = tpu.vector_load %arg14[%get3A_1898] {strides = array<i32>} : memref<256xf32, #tpu.memory_space<vmem>>, vector<16xf32>,
    %div3A_1900 = vector.broadcast %max3A_1775 : f32 to vector<16xf32>
    %div3A_1901 = arith.divf %get3A_1899, %div3A_1900 : vector<16xf32>
    %mul3A_1902 = arith.mulf %get3A_1897, %div3A_1901 : vector<16xf32>
    %add3A_1903 = arith.addf %add3A_1893, %mul3A_1902 : vector<16xf32>
    %get3A_1904 = arith.constant 10 : i32
    %get3A_1905 = arith.index_cast %get3A_1904 : i32 to index
    %get3A_1906 = arith.constant 112 : index
    %get3A_1907 = tpu.vector_load %arg12[%get3A_1905, %get3A_1906] {strides = array<i32>} : memref<16x128xf32, #tpu.memory_space<vmem>>, vector<16xf32>,
    %get3A_1908 = arith.constant 112 : index
    %get3A_1909 = tpu.vector_load %arg14[%get3A_1908] {strides = array<i32>} : memref<256xf32, #tpu.memory_space<vmem>>, vector<16xf32>,
    %mul3A_1910 = arith.mulf %get3A_1907, %get3A_1909 : vector<16xf32>
    %add3A_1911 = arith.addf %add3A_1903, %mul3A_1910 : vector<16xf32>
    %get3A_1912 = arith.constant 10 : i32
    %get3A_1913 = arith.index_cast %get3A_1912 : i32 to index
    %get3A_1914 = arith.constant 112 : index
    %get3A_1915 = tpu.vector_load %arg13[%get3A_1913, %get3A_1914] {strides = array<i32>} : memref<16x128xf32, #tpu.memory_space<vmem>>, vector<16xf32>,
    %get3A_1916 = arith.constant 240 : index
    %get3A_1917 = tpu.vector_load %arg14[%get3A_1916] {strides = array<i32>} : memref<256xf32, #tpu.memory_space<vmem>>, vector<16xf32>,
    %div3A_1918 = vector.broadcast %max3A_1775 : f32 to vector<16xf32>
    %div3A_1919 = arith.divf %get3A_1917, %div3A_1918 : vector<16xf32>
    %mul3A_1920 = arith.mulf %get3A_1915, %div3A_1919 : vector<16xf32>
    %add3A_1921 = arith.addf %add3A_1911, %mul3A_1920 : vector<16xf32>
    %reduce_sum3A_1922 = arith.constant true
    %reduce_sum3A_1923 = vector.broadcast %reduce_sum3A_1922 : i1 to vector<16xi1>
    %reduce_sum3A_1924 = tpu.scan <sum>, %add3A_1921 masked %reduce_sum3A_1923 : vector<16xf32>, vector<16xi1> -> vector<16xf32>
    %reduce_sum3A_1925 = vector.extract %reduce_sum3A_1924[15] : f32 from vector<16xf32>
    %add3A_1926 = arith.addf %reduce_sum3A_1925, %squeeze3A_194 : f32
    %eq3A_1927 = arith.constant 10 : i32
    %eq3A_1928 = vector.broadcast %eq3A_1927 : i32 to vector<16xi32>
    %eq3A_1929 = arith.cmpi eq, %iota3A, %eq3A_1928 : vector<16xi32>
    %broadcast_in_dim3A_1930 = vector.broadcast %add3A_1926 : f32 to vector<16xf32>
    %select_n3A_1931 = arith.select %eq3A_1929, %broadcast_in_dim3A_1930, %select_n3A_1773 : vector<16xi1>, vector<16xf32>
    %max3A_1932 = arith.constant 1.000000e+00 : f32
    %max3A_1933 = arith.maximumf %squeeze3A_93, %max3A_1932 : f32
    %broadcast_in_dim3A_1934 = arith.constant 0.000000e+00 : f32
    %broadcast_in_dim3A_1935 = vector.broadcast %broadcast_in_dim3A_1934 : f32 to vector<16xf32>
    %get3A_1936 = arith.constant 11 : i32
    %get3A_1937 = arith.index_cast %get3A_1936 : i32 to index
    %get3A_1938 = arith.constant 0 : index
    %get3A_1939 = tpu.vector_load %arg12[%get3A_1937, %get3A_1938] {strides = array<i32>} : memref<16x128xf32, #tpu.memory_space<vmem>>, vector<16xf32>,
    %get3A_1940 = arith.constant 0 : index
    %get3A_1941 = tpu.vector_load %arg14[%get3A_1940] {strides = array<i32>} : memref<256xf32, #tpu.memory_space<vmem>>, vector<16xf32>,
    %mul3A_1942 = arith.mulf %get3A_1939, %get3A_1941 : vector<16xf32>
    %add3A_1943 = arith.addf %broadcast_in_dim3A_1935, %mul3A_1942 : vector<16xf32>
    %get3A_1944 = arith.constant 11 : i32
    %get3A_1945 = arith.index_cast %get3A_1944 : i32 to index
    %get3A_1946 = arith.constant 0 : index
    %get3A_1947 = tpu.vector_load %arg13[%get3A_1945, %get3A_1946] {strides = array<i32>} : memref<16x128xf32, #tpu.memory_space<vmem>>, vector<16xf32>,
    %get3A_1948 = arith.constant 128 : index
    %get3A_1949 = tpu.vector_load %arg14[%get3A_1948] {strides = array<i32>} : memref<256xf32, #tpu.memory_space<vmem>>, vector<16xf32>,
    %div3A_1950 = vector.broadcast %max3A_1933 : f32 to vector<16xf32>
    %div3A_1951 = arith.divf %get3A_1949, %div3A_1950 : vector<16xf32>
    %mul3A_1952 = arith.mulf %get3A_1947, %div3A_1951 : vector<16xf32>
    %add3A_1953 = arith.addf %add3A_1943, %mul3A_1952 : vector<16xf32>
    %get3A_1954 = arith.constant 11 : i32
    %get3A_1955 = arith.index_cast %get3A_1954 : i32 to index
    %get3A_1956 = arith.constant 16 : index
    %get3A_1957 = tpu.vector_load %arg12[%get3A_1955, %get3A_1956] {strides = array<i32>} : memref<16x128xf32, #tpu.memory_space<vmem>>, vector<16xf32>,
    %get3A_1958 = arith.constant 16 : index
    %get3A_1959 = tpu.vector_load %arg14[%get3A_1958] {strides = array<i32>} : memref<256xf32, #tpu.memory_space<vmem>>, vector<16xf32>,
    %mul3A_1960 = arith.mulf %get3A_1957, %get3A_1959 : vector<16xf32>
    %add3A_1961 = arith.addf %add3A_1953, %mul3A_1960 : vector<16xf32>
    %get3A_1962 = arith.constant 11 : i32
    %get3A_1963 = arith.index_cast %get3A_1962 : i32 to index
    %get3A_1964 = arith.constant 16 : index
    %get3A_1965 = tpu.vector_load %arg13[%get3A_1963, %get3A_1964] {strides = array<i32>} : memref<16x128xf32, #tpu.memory_space<vmem>>, vector<16xf32>,
    %get3A_1966 = arith.constant 144 : index
    %get3A_1967 = tpu.vector_load %arg14[%get3A_1966] {strides = array<i32>} : memref<256xf32, #tpu.memory_space<vmem>>, vector<16xf32>,
    %div3A_1968 = vector.broadcast %max3A_1933 : f32 to vector<16xf32>
    %div3A_1969 = arith.divf %get3A_1967, %div3A_1968 : vector<16xf32>
    %mul3A_1970 = arith.mulf %get3A_1965, %div3A_1969 : vector<16xf32>
    %add3A_1971 = arith.addf %add3A_1961, %mul3A_1970 : vector<16xf32>
    %get3A_1972 = arith.constant 11 : i32
    %get3A_1973 = arith.index_cast %get3A_1972 : i32 to index
    %get3A_1974 = arith.constant 32 : index
    %get3A_1975 = tpu.vector_load %arg12[%get3A_1973, %get3A_1974] {strides = array<i32>} : memref<16x128xf32, #tpu.memory_space<vmem>>, vector<16xf32>,
    %get3A_1976 = arith.constant 32 : index
    %get3A_1977 = tpu.vector_load %arg14[%get3A_1976] {strides = array<i32>} : memref<256xf32, #tpu.memory_space<vmem>>, vector<16xf32>,
    %mul3A_1978 = arith.mulf %get3A_1975, %get3A_1977 : vector<16xf32>
    %add3A_1979 = arith.addf %add3A_1971, %mul3A_1978 : vector<16xf32>
    %get3A_1980 = arith.constant 11 : i32
    %get3A_1981 = arith.index_cast %get3A_1980 : i32 to index
    %get3A_1982 = arith.constant 32 : index
    %get3A_1983 = tpu.vector_load %arg13[%get3A_1981, %get3A_1982] {strides = array<i32>} : memref<16x128xf32, #tpu.memory_space<vmem>>, vector<16xf32>,
    %get3A_1984 = arith.constant 160 : index
    %get3A_1985 = tpu.vector_load %arg14[%get3A_1984] {strides = array<i32>} : memref<256xf32, #tpu.memory_space<vmem>>, vector<16xf32>,
    %div3A_1986 = vector.broadcast %max3A_1933 : f32 to vector<16xf32>
    %div3A_1987 = arith.divf %get3A_1985, %div3A_1986 : vector<16xf32>
    %mul3A_1988 = arith.mulf %get3A_1983, %div3A_1987 : vector<16xf32>
    %add3A_1989 = arith.addf %add3A_1979, %mul3A_1988 : vector<16xf32>
    %get3A_1990 = arith.constant 11 : i32
    %get3A_1991 = arith.index_cast %get3A_1990 : i32 to index
    %get3A_1992 = arith.constant 48 : index
    %get3A_1993 = tpu.vector_load %arg12[%get3A_1991, %get3A_1992] {strides = array<i32>} : memref<16x128xf32, #tpu.memory_space<vmem>>, vector<16xf32>,
    %get3A_1994 = arith.constant 48 : index
    %get3A_1995 = tpu.vector_load %arg14[%get3A_1994] {strides = array<i32>} : memref<256xf32, #tpu.memory_space<vmem>>, vector<16xf32>,
    %mul3A_1996 = arith.mulf %get3A_1993, %get3A_1995 : vector<16xf32>
    %add3A_1997 = arith.addf %add3A_1989, %mul3A_1996 : vector<16xf32>
    %get3A_1998 = arith.constant 11 : i32
    %get3A_1999 = arith.index_cast %get3A_1998 : i32 to index
    %get3A_2000 = arith.constant 48 : index
    %get3A_2001 = tpu.vector_load %arg13[%get3A_1999, %get3A_2000] {strides = array<i32>} : memref<16x128xf32, #tpu.memory_space<vmem>>, vector<16xf32>,
    %get3A_2002 = arith.constant 176 : index
    %get3A_2003 = tpu.vector_load %arg14[%get3A_2002] {strides = array<i32>} : memref<256xf32, #tpu.memory_space<vmem>>, vector<16xf32>,
    %div3A_2004 = vector.broadcast %max3A_1933 : f32 to vector<16xf32>
    %div3A_2005 = arith.divf %get3A_2003, %div3A_2004 : vector<16xf32>
    %mul3A_2006 = arith.mulf %get3A_2001, %div3A_2005 : vector<16xf32>
    %add3A_2007 = arith.addf %add3A_1997, %mul3A_2006 : vector<16xf32>
    %get3A_2008 = arith.constant 11 : i32
    %get3A_2009 = arith.index_cast %get3A_2008 : i32 to index
    %get3A_2010 = arith.constant 64 : index
    %get3A_2011 = tpu.vector_load %arg12[%get3A_2009, %get3A_2010] {strides = array<i32>} : memref<16x128xf32, #tpu.memory_space<vmem>>, vector<16xf32>,
    %get3A_2012 = arith.constant 64 : index
    %get3A_2013 = tpu.vector_load %arg14[%get3A_2012] {strides = array<i32>} : memref<256xf32, #tpu.memory_space<vmem>>, vector<16xf32>,
    %mul3A_2014 = arith.mulf %get3A_2011, %get3A_2013 : vector<16xf32>
    %add3A_2015 = arith.addf %add3A_2007, %mul3A_2014 : vector<16xf32>
    %get3A_2016 = arith.constant 11 : i32
    %get3A_2017 = arith.index_cast %get3A_2016 : i32 to index
    %get3A_2018 = arith.constant 64 : index
    %get3A_2019 = tpu.vector_load %arg13[%get3A_2017, %get3A_2018] {strides = array<i32>} : memref<16x128xf32, #tpu.memory_space<vmem>>, vector<16xf32>,
    %get3A_2020 = arith.constant 192 : index
    %get3A_2021 = tpu.vector_load %arg14[%get3A_2020] {strides = array<i32>} : memref<256xf32, #tpu.memory_space<vmem>>, vector<16xf32>,
    %div3A_2022 = vector.broadcast %max3A_1933 : f32 to vector<16xf32>
    %div3A_2023 = arith.divf %get3A_2021, %div3A_2022 : vector<16xf32>
    %mul3A_2024 = arith.mulf %get3A_2019, %div3A_2023 : vector<16xf32>
    %add3A_2025 = arith.addf %add3A_2015, %mul3A_2024 : vector<16xf32>
    %get3A_2026 = arith.constant 11 : i32
    %get3A_2027 = arith.index_cast %get3A_2026 : i32 to index
    %get3A_2028 = arith.constant 80 : index
    %get3A_2029 = tpu.vector_load %arg12[%get3A_2027, %get3A_2028] {strides = array<i32>} : memref<16x128xf32, #tpu.memory_space<vmem>>, vector<16xf32>,
    %get3A_2030 = arith.constant 80 : index
    %get3A_2031 = tpu.vector_load %arg14[%get3A_2030] {strides = array<i32>} : memref<256xf32, #tpu.memory_space<vmem>>, vector<16xf32>,
    %mul3A_2032 = arith.mulf %get3A_2029, %get3A_2031 : vector<16xf32>
    %add3A_2033 = arith.addf %add3A_2025, %mul3A_2032 : vector<16xf32>
    %get3A_2034 = arith.constant 11 : i32
    %get3A_2035 = arith.index_cast %get3A_2034 : i32 to index
    %get3A_2036 = arith.constant 80 : index
    %get3A_2037 = tpu.vector_load %arg13[%get3A_2035, %get3A_2036] {strides = array<i32>} : memref<16x128xf32, #tpu.memory_space<vmem>>, vector<16xf32>,
    %get3A_2038 = arith.constant 208 : index
    %get3A_2039 = tpu.vector_load %arg14[%get3A_2038] {strides = array<i32>} : memref<256xf32, #tpu.memory_space<vmem>>, vector<16xf32>,
    %div3A_2040 = vector.broadcast %max3A_1933 : f32 to vector<16xf32>
    %div3A_2041 = arith.divf %get3A_2039, %div3A_2040 : vector<16xf32>
    %mul3A_2042 = arith.mulf %get3A_2037, %div3A_2041 : vector<16xf32>
    %add3A_2043 = arith.addf %add3A_2033, %mul3A_2042 : vector<16xf32>
    %get3A_2044 = arith.constant 11 : i32
    %get3A_2045 = arith.index_cast %get3A_2044 : i32 to index
    %get3A_2046 = arith.constant 96 : index
    %get3A_2047 = tpu.vector_load %arg12[%get3A_2045, %get3A_2046] {strides = array<i32>} : memref<16x128xf32, #tpu.memory_space<vmem>>, vector<16xf32>,
    %get3A_2048 = arith.constant 96 : index
    %get3A_2049 = tpu.vector_load %arg14[%get3A_2048] {strides = array<i32>} : memref<256xf32, #tpu.memory_space<vmem>>, vector<16xf32>,
    %mul3A_2050 = arith.mulf %get3A_2047, %get3A_2049 : vector<16xf32>
    %add3A_2051 = arith.addf %add3A_2043, %mul3A_2050 : vector<16xf32>
    %get3A_2052 = arith.constant 11 : i32
    %get3A_2053 = arith.index_cast %get3A_2052 : i32 to index
    %get3A_2054 = arith.constant 96 : index
    %get3A_2055 = tpu.vector_load %arg13[%get3A_2053, %get3A_2054] {strides = array<i32>} : memref<16x128xf32, #tpu.memory_space<vmem>>, vector<16xf32>,
    %get3A_2056 = arith.constant 224 : index
    %get3A_2057 = tpu.vector_load %arg14[%get3A_2056] {strides = array<i32>} : memref<256xf32, #tpu.memory_space<vmem>>, vector<16xf32>,
    %div3A_2058 = vector.broadcast %max3A_1933 : f32 to vector<16xf32>
    %div3A_2059 = arith.divf %get3A_2057, %div3A_2058 : vector<16xf32>
    %mul3A_2060 = arith.mulf %get3A_2055, %div3A_2059 : vector<16xf32>
    %add3A_2061 = arith.addf %add3A_2051, %mul3A_2060 : vector<16xf32>
    %get3A_2062 = arith.constant 11 : i32
    %get3A_2063 = arith.index_cast %get3A_2062 : i32 to index
    %get3A_2064 = arith.constant 112 : index
    %get3A_2065 = tpu.vector_load %arg12[%get3A_2063, %get3A_2064] {strides = array<i32>} : memref<16x128xf32, #tpu.memory_space<vmem>>, vector<16xf32>,
    %get3A_2066 = arith.constant 112 : index
    %get3A_2067 = tpu.vector_load %arg14[%get3A_2066] {strides = array<i32>} : memref<256xf32, #tpu.memory_space<vmem>>, vector<16xf32>,
    %mul3A_2068 = arith.mulf %get3A_2065, %get3A_2067 : vector<16xf32>
    %add3A_2069 = arith.addf %add3A_2061, %mul3A_2068 : vector<16xf32>
    %get3A_2070 = arith.constant 11 : i32
    %get3A_2071 = arith.index_cast %get3A_2070 : i32 to index
    %get3A_2072 = arith.constant 112 : index
    %get3A_2073 = tpu.vector_load %arg13[%get3A_2071, %get3A_2072] {strides = array<i32>} : memref<16x128xf32, #tpu.memory_space<vmem>>, vector<16xf32>,
    %get3A_2074 = arith.constant 240 : index
    %get3A_2075 = tpu.vector_load %arg14[%get3A_2074] {strides = array<i32>} : memref<256xf32, #tpu.memory_space<vmem>>, vector<16xf32>,
    %div3A_2076 = vector.broadcast %max3A_1933 : f32 to vector<16xf32>
    %div3A_2077 = arith.divf %get3A_2075, %div3A_2076 : vector<16xf32>
    %mul3A_2078 = arith.mulf %get3A_2073, %div3A_2077 : vector<16xf32>
    %add3A_2079 = arith.addf %add3A_2069, %mul3A_2078 : vector<16xf32>
    %reduce_sum3A_2080 = arith.constant true
    %reduce_sum3A_2081 = vector.broadcast %reduce_sum3A_2080 : i1 to vector<16xi1>
    %reduce_sum3A_2082 = tpu.scan <sum>, %add3A_2079 masked %reduce_sum3A_2081 : vector<16xf32>, vector<16xi1> -> vector<16xf32>
    %reduce_sum3A_2083 = vector.extract %reduce_sum3A_2082[15] : f32 from vector<16xf32>
    %add3A_2084 = arith.addf %reduce_sum3A_2083, %squeeze3A_194 : f32
    %eq3A_2085 = arith.constant 11 : i32
    %eq3A_2086 = vector.broadcast %eq3A_2085 : i32 to vector<16xi32>
    %eq3A_2087 = arith.cmpi eq, %iota3A, %eq3A_2086 : vector<16xi32>
    %broadcast_in_dim3A_2088 = vector.broadcast %add3A_2084 : f32 to vector<16xf32>
    %select_n3A_2089 = arith.select %eq3A_2087, %broadcast_in_dim3A_2088, %select_n3A_1931 : vector<16xi1>, vector<16xf32>
    %max3A_2090 = arith.constant 1.000000e+00 : f32
    %max3A_2091 = arith.maximumf %squeeze3A_99, %max3A_2090 : f32
    %broadcast_in_dim3A_2092 = arith.constant 0.000000e+00 : f32
    %broadcast_in_dim3A_2093 = vector.broadcast %broadcast_in_dim3A_2092 : f32 to vector<16xf32>
    %get3A_2094 = arith.constant 12 : i32
    %get3A_2095 = arith.index_cast %get3A_2094 : i32 to index
    %get3A_2096 = arith.constant 0 : index
    %get3A_2097 = tpu.vector_load %arg12[%get3A_2095, %get3A_2096] {strides = array<i32>} : memref<16x128xf32, #tpu.memory_space<vmem>>, vector<16xf32>,
    %get3A_2098 = arith.constant 0 : index
    %get3A_2099 = tpu.vector_load %arg14[%get3A_2098] {strides = array<i32>} : memref<256xf32, #tpu.memory_space<vmem>>, vector<16xf32>,
    %mul3A_2100 = arith.mulf %get3A_2097, %get3A_2099 : vector<16xf32>
    %add3A_2101 = arith.addf %broadcast_in_dim3A_2093, %mul3A_2100 : vector<16xf32>
    %get3A_2102 = arith.constant 12 : i32
    %get3A_2103 = arith.index_cast %get3A_2102 : i32 to index
    %get3A_2104 = arith.constant 0 : index
    %get3A_2105 = tpu.vector_load %arg13[%get3A_2103, %get3A_2104] {strides = array<i32>} : memref<16x128xf32, #tpu.memory_space<vmem>>, vector<16xf32>,
    %get3A_2106 = arith.constant 128 : index
    %get3A_2107 = tpu.vector_load %arg14[%get3A_2106] {strides = array<i32>} : memref<256xf32, #tpu.memory_space<vmem>>, vector<16xf32>,
    %div3A_2108 = vector.broadcast %max3A_2091 : f32 to vector<16xf32>
    %div3A_2109 = arith.divf %get3A_2107, %div3A_2108 : vector<16xf32>
    %mul3A_2110 = arith.mulf %get3A_2105, %div3A_2109 : vector<16xf32>
    %add3A_2111 = arith.addf %add3A_2101, %mul3A_2110 : vector<16xf32>
    %get3A_2112 = arith.constant 12 : i32
    %get3A_2113 = arith.index_cast %get3A_2112 : i32 to index
    %get3A_2114 = arith.constant 16 : index
    %get3A_2115 = tpu.vector_load %arg12[%get3A_2113, %get3A_2114] {strides = array<i32>} : memref<16x128xf32, #tpu.memory_space<vmem>>, vector<16xf32>,
    %get3A_2116 = arith.constant 16 : index
    %get3A_2117 = tpu.vector_load %arg14[%get3A_2116] {strides = array<i32>} : memref<256xf32, #tpu.memory_space<vmem>>, vector<16xf32>,
    %mul3A_2118 = arith.mulf %get3A_2115, %get3A_2117 : vector<16xf32>
    %add3A_2119 = arith.addf %add3A_2111, %mul3A_2118 : vector<16xf32>
    %get3A_2120 = arith.constant 12 : i32
    %get3A_2121 = arith.index_cast %get3A_2120 : i32 to index
    %get3A_2122 = arith.constant 16 : index
    %get3A_2123 = tpu.vector_load %arg13[%get3A_2121, %get3A_2122] {strides = array<i32>} : memref<16x128xf32, #tpu.memory_space<vmem>>, vector<16xf32>,
    %get3A_2124 = arith.constant 144 : index
    %get3A_2125 = tpu.vector_load %arg14[%get3A_2124] {strides = array<i32>} : memref<256xf32, #tpu.memory_space<vmem>>, vector<16xf32>,
    %div3A_2126 = vector.broadcast %max3A_2091 : f32 to vector<16xf32>
    %div3A_2127 = arith.divf %get3A_2125, %div3A_2126 : vector<16xf32>
    %mul3A_2128 = arith.mulf %get3A_2123, %div3A_2127 : vector<16xf32>
    %add3A_2129 = arith.addf %add3A_2119, %mul3A_2128 : vector<16xf32>
    %get3A_2130 = arith.constant 12 : i32
    %get3A_2131 = arith.index_cast %get3A_2130 : i32 to index
    %get3A_2132 = arith.constant 32 : index
    %get3A_2133 = tpu.vector_load %arg12[%get3A_2131, %get3A_2132] {strides = array<i32>} : memref<16x128xf32, #tpu.memory_space<vmem>>, vector<16xf32>,
    %get3A_2134 = arith.constant 32 : index
    %get3A_2135 = tpu.vector_load %arg14[%get3A_2134] {strides = array<i32>} : memref<256xf32, #tpu.memory_space<vmem>>, vector<16xf32>,
    %mul3A_2136 = arith.mulf %get3A_2133, %get3A_2135 : vector<16xf32>
    %add3A_2137 = arith.addf %add3A_2129, %mul3A_2136 : vector<16xf32>
    %get3A_2138 = arith.constant 12 : i32
    %get3A_2139 = arith.index_cast %get3A_2138 : i32 to index
    %get3A_2140 = arith.constant 32 : index
    %get3A_2141 = tpu.vector_load %arg13[%get3A_2139, %get3A_2140] {strides = array<i32>} : memref<16x128xf32, #tpu.memory_space<vmem>>, vector<16xf32>,
    %get3A_2142 = arith.constant 160 : index
    %get3A_2143 = tpu.vector_load %arg14[%get3A_2142] {strides = array<i32>} : memref<256xf32, #tpu.memory_space<vmem>>, vector<16xf32>,
    %div3A_2144 = vector.broadcast %max3A_2091 : f32 to vector<16xf32>
    %div3A_2145 = arith.divf %get3A_2143, %div3A_2144 : vector<16xf32>
    %mul3A_2146 = arith.mulf %get3A_2141, %div3A_2145 : vector<16xf32>
    %add3A_2147 = arith.addf %add3A_2137, %mul3A_2146 : vector<16xf32>
    %get3A_2148 = arith.constant 12 : i32
    %get3A_2149 = arith.index_cast %get3A_2148 : i32 to index
    %get3A_2150 = arith.constant 48 : index
    %get3A_2151 = tpu.vector_load %arg12[%get3A_2149, %get3A_2150] {strides = array<i32>} : memref<16x128xf32, #tpu.memory_space<vmem>>, vector<16xf32>,
    %get3A_2152 = arith.constant 48 : index
    %get3A_2153 = tpu.vector_load %arg14[%get3A_2152] {strides = array<i32>} : memref<256xf32, #tpu.memory_space<vmem>>, vector<16xf32>,
    %mul3A_2154 = arith.mulf %get3A_2151, %get3A_2153 : vector<16xf32>
    %add3A_2155 = arith.addf %add3A_2147, %mul3A_2154 : vector<16xf32>
    %get3A_2156 = arith.constant 12 : i32
    %get3A_2157 = arith.index_cast %get3A_2156 : i32 to index
    %get3A_2158 = arith.constant 48 : index
    %get3A_2159 = tpu.vector_load %arg13[%get3A_2157, %get3A_2158] {strides = array<i32>} : memref<16x128xf32, #tpu.memory_space<vmem>>, vector<16xf32>,
    %get3A_2160 = arith.constant 176 : index
    %get3A_2161 = tpu.vector_load %arg14[%get3A_2160] {strides = array<i32>} : memref<256xf32, #tpu.memory_space<vmem>>, vector<16xf32>,
    %div3A_2162 = vector.broadcast %max3A_2091 : f32 to vector<16xf32>
    %div3A_2163 = arith.divf %get3A_2161, %div3A_2162 : vector<16xf32>
    %mul3A_2164 = arith.mulf %get3A_2159, %div3A_2163 : vector<16xf32>
    %add3A_2165 = arith.addf %add3A_2155, %mul3A_2164 : vector<16xf32>
    %get3A_2166 = arith.constant 12 : i32
    %get3A_2167 = arith.index_cast %get3A_2166 : i32 to index
    %get3A_2168 = arith.constant 64 : index
    %get3A_2169 = tpu.vector_load %arg12[%get3A_2167, %get3A_2168] {strides = array<i32>} : memref<16x128xf32, #tpu.memory_space<vmem>>, vector<16xf32>,
    %get3A_2170 = arith.constant 64 : index
    %get3A_2171 = tpu.vector_load %arg14[%get3A_2170] {strides = array<i32>} : memref<256xf32, #tpu.memory_space<vmem>>, vector<16xf32>,
    %mul3A_2172 = arith.mulf %get3A_2169, %get3A_2171 : vector<16xf32>
    %add3A_2173 = arith.addf %add3A_2165, %mul3A_2172 : vector<16xf32>
    %get3A_2174 = arith.constant 12 : i32
    %get3A_2175 = arith.index_cast %get3A_2174 : i32 to index
    %get3A_2176 = arith.constant 64 : index
    %get3A_2177 = tpu.vector_load %arg13[%get3A_2175, %get3A_2176] {strides = array<i32>} : memref<16x128xf32, #tpu.memory_space<vmem>>, vector<16xf32>,
    %get3A_2178 = arith.constant 192 : index
    %get3A_2179 = tpu.vector_load %arg14[%get3A_2178] {strides = array<i32>} : memref<256xf32, #tpu.memory_space<vmem>>, vector<16xf32>,
    %div3A_2180 = vector.broadcast %max3A_2091 : f32 to vector<16xf32>
    %div3A_2181 = arith.divf %get3A_2179, %div3A_2180 : vector<16xf32>
    %mul3A_2182 = arith.mulf %get3A_2177, %div3A_2181 : vector<16xf32>
    %add3A_2183 = arith.addf %add3A_2173, %mul3A_2182 : vector<16xf32>
    %get3A_2184 = arith.constant 12 : i32
    %get3A_2185 = arith.index_cast %get3A_2184 : i32 to index
    %get3A_2186 = arith.constant 80 : index
    %get3A_2187 = tpu.vector_load %arg12[%get3A_2185, %get3A_2186] {strides = array<i32>} : memref<16x128xf32, #tpu.memory_space<vmem>>, vector<16xf32>,
    %get3A_2188 = arith.constant 80 : index
    %get3A_2189 = tpu.vector_load %arg14[%get3A_2188] {strides = array<i32>} : memref<256xf32, #tpu.memory_space<vmem>>, vector<16xf32>,
    %mul3A_2190 = arith.mulf %get3A_2187, %get3A_2189 : vector<16xf32>
    %add3A_2191 = arith.addf %add3A_2183, %mul3A_2190 : vector<16xf32>
    %get3A_2192 = arith.constant 12 : i32
    %get3A_2193 = arith.index_cast %get3A_2192 : i32 to index
    %get3A_2194 = arith.constant 80 : index
    %get3A_2195 = tpu.vector_load %arg13[%get3A_2193, %get3A_2194] {strides = array<i32>} : memref<16x128xf32, #tpu.memory_space<vmem>>, vector<16xf32>,
    %get3A_2196 = arith.constant 208 : index
    %get3A_2197 = tpu.vector_load %arg14[%get3A_2196] {strides = array<i32>} : memref<256xf32, #tpu.memory_space<vmem>>, vector<16xf32>,
    %div3A_2198 = vector.broadcast %max3A_2091 : f32 to vector<16xf32>
    %div3A_2199 = arith.divf %get3A_2197, %div3A_2198 : vector<16xf32>
    %mul3A_2200 = arith.mulf %get3A_2195, %div3A_2199 : vector<16xf32>
    %add3A_2201 = arith.addf %add3A_2191, %mul3A_2200 : vector<16xf32>
    %get3A_2202 = arith.constant 12 : i32
    %get3A_2203 = arith.index_cast %get3A_2202 : i32 to index
    %get3A_2204 = arith.constant 96 : index
    %get3A_2205 = tpu.vector_load %arg12[%get3A_2203, %get3A_2204] {strides = array<i32>} : memref<16x128xf32, #tpu.memory_space<vmem>>, vector<16xf32>,
    %get3A_2206 = arith.constant 96 : index
    %get3A_2207 = tpu.vector_load %arg14[%get3A_2206] {strides = array<i32>} : memref<256xf32, #tpu.memory_space<vmem>>, vector<16xf32>,
    %mul3A_2208 = arith.mulf %get3A_2205, %get3A_2207 : vector<16xf32>
    %add3A_2209 = arith.addf %add3A_2201, %mul3A_2208 : vector<16xf32>
    %get3A_2210 = arith.constant 12 : i32
    %get3A_2211 = arith.index_cast %get3A_2210 : i32 to index
    %get3A_2212 = arith.constant 96 : index
    %get3A_2213 = tpu.vector_load %arg13[%get3A_2211, %get3A_2212] {strides = array<i32>} : memref<16x128xf32, #tpu.memory_space<vmem>>, vector<16xf32>,
    %get3A_2214 = arith.constant 224 : index
    %get3A_2215 = tpu.vector_load %arg14[%get3A_2214] {strides = array<i32>} : memref<256xf32, #tpu.memory_space<vmem>>, vector<16xf32>,
    %div3A_2216 = vector.broadcast %max3A_2091 : f32 to vector<16xf32>
    %div3A_2217 = arith.divf %get3A_2215, %div3A_2216 : vector<16xf32>
    %mul3A_2218 = arith.mulf %get3A_2213, %div3A_2217 : vector<16xf32>
    %add3A_2219 = arith.addf %add3A_2209, %mul3A_2218 : vector<16xf32>
    %get3A_2220 = arith.constant 12 : i32
    %get3A_2221 = arith.index_cast %get3A_2220 : i32 to index
    %get3A_2222 = arith.constant 112 : index
    %get3A_2223 = tpu.vector_load %arg12[%get3A_2221, %get3A_2222] {strides = array<i32>} : memref<16x128xf32, #tpu.memory_space<vmem>>, vector<16xf32>,
    %get3A_2224 = arith.constant 112 : index
    %get3A_2225 = tpu.vector_load %arg14[%get3A_2224] {strides = array<i32>} : memref<256xf32, #tpu.memory_space<vmem>>, vector<16xf32>,
    %mul3A_2226 = arith.mulf %get3A_2223, %get3A_2225 : vector<16xf32>
    %add3A_2227 = arith.addf %add3A_2219, %mul3A_2226 : vector<16xf32>
    %get3A_2228 = arith.constant 12 : i32
    %get3A_2229 = arith.index_cast %get3A_2228 : i32 to index
    %get3A_2230 = arith.constant 112 : index
    %get3A_2231 = tpu.vector_load %arg13[%get3A_2229, %get3A_2230] {strides = array<i32>} : memref<16x128xf32, #tpu.memory_space<vmem>>, vector<16xf32>,
    %get3A_2232 = arith.constant 240 : index
    %get3A_2233 = tpu.vector_load %arg14[%get3A_2232] {strides = array<i32>} : memref<256xf32, #tpu.memory_space<vmem>>, vector<16xf32>,
    %div3A_2234 = vector.broadcast %max3A_2091 : f32 to vector<16xf32>
    %div3A_2235 = arith.divf %get3A_2233, %div3A_2234 : vector<16xf32>
    %mul3A_2236 = arith.mulf %get3A_2231, %div3A_2235 : vector<16xf32>
    %add3A_2237 = arith.addf %add3A_2227, %mul3A_2236 : vector<16xf32>
    %reduce_sum3A_2238 = arith.constant true
    %reduce_sum3A_2239 = vector.broadcast %reduce_sum3A_2238 : i1 to vector<16xi1>
    %reduce_sum3A_2240 = tpu.scan <sum>, %add3A_2237 masked %reduce_sum3A_2239 : vector<16xf32>, vector<16xi1> -> vector<16xf32>
    %reduce_sum3A_2241 = vector.extract %reduce_sum3A_2240[15] : f32 from vector<16xf32>
    %add3A_2242 = arith.addf %reduce_sum3A_2241, %squeeze3A_194 : f32
    %eq3A_2243 = arith.constant 12 : i32
    %eq3A_2244 = vector.broadcast %eq3A_2243 : i32 to vector<16xi32>
    %eq3A_2245 = arith.cmpi eq, %iota3A, %eq3A_2244 : vector<16xi32>
    %broadcast_in_dim3A_2246 = vector.broadcast %add3A_2242 : f32 to vector<16xf32>
    %select_n3A_2247 = arith.select %eq3A_2245, %broadcast_in_dim3A_2246, %select_n3A_2089 : vector<16xi1>, vector<16xf32>
    %max3A_2248 = arith.constant 1.000000e+00 : f32
    %max3A_2249 = arith.maximumf %squeeze3A_105, %max3A_2248 : f32
    %broadcast_in_dim3A_2250 = arith.constant 0.000000e+00 : f32
    %broadcast_in_dim3A_2251 = vector.broadcast %broadcast_in_dim3A_2250 : f32 to vector<16xf32>
    %get3A_2252 = arith.constant 13 : i32
    %get3A_2253 = arith.index_cast %get3A_2252 : i32 to index
    %get3A_2254 = arith.constant 0 : index
    %get3A_2255 = tpu.vector_load %arg12[%get3A_2253, %get3A_2254] {strides = array<i32>} : memref<16x128xf32, #tpu.memory_space<vmem>>, vector<16xf32>,
    %get3A_2256 = arith.constant 0 : index
    %get3A_2257 = tpu.vector_load %arg14[%get3A_2256] {strides = array<i32>} : memref<256xf32, #tpu.memory_space<vmem>>, vector<16xf32>,
    %mul3A_2258 = arith.mulf %get3A_2255, %get3A_2257 : vector<16xf32>
    %add3A_2259 = arith.addf %broadcast_in_dim3A_2251, %mul3A_2258 : vector<16xf32>
    %get3A_2260 = arith.constant 13 : i32
    %get3A_2261 = arith.index_cast %get3A_2260 : i32 to index
    %get3A_2262 = arith.constant 0 : index
    %get3A_2263 = tpu.vector_load %arg13[%get3A_2261, %get3A_2262] {strides = array<i32>} : memref<16x128xf32, #tpu.memory_space<vmem>>, vector<16xf32>,
    %get3A_2264 = arith.constant 128 : index
    %get3A_2265 = tpu.vector_load %arg14[%get3A_2264] {strides = array<i32>} : memref<256xf32, #tpu.memory_space<vmem>>, vector<16xf32>,
    %div3A_2266 = vector.broadcast %max3A_2249 : f32 to vector<16xf32>
    %div3A_2267 = arith.divf %get3A_2265, %div3A_2266 : vector<16xf32>
    %mul3A_2268 = arith.mulf %get3A_2263, %div3A_2267 : vector<16xf32>
    %add3A_2269 = arith.addf %add3A_2259, %mul3A_2268 : vector<16xf32>
    %get3A_2270 = arith.constant 13 : i32
    %get3A_2271 = arith.index_cast %get3A_2270 : i32 to index
    %get3A_2272 = arith.constant 16 : index
    %get3A_2273 = tpu.vector_load %arg12[%get3A_2271, %get3A_2272] {strides = array<i32>} : memref<16x128xf32, #tpu.memory_space<vmem>>, vector<16xf32>,
    %get3A_2274 = arith.constant 16 : index
    %get3A_2275 = tpu.vector_load %arg14[%get3A_2274] {strides = array<i32>} : memref<256xf32, #tpu.memory_space<vmem>>, vector<16xf32>,
    %mul3A_2276 = arith.mulf %get3A_2273, %get3A_2275 : vector<16xf32>
    %add3A_2277 = arith.addf %add3A_2269, %mul3A_2276 : vector<16xf32>
    %get3A_2278 = arith.constant 13 : i32
    %get3A_2279 = arith.index_cast %get3A_2278 : i32 to index
    %get3A_2280 = arith.constant 16 : index
    %get3A_2281 = tpu.vector_load %arg13[%get3A_2279, %get3A_2280] {strides = array<i32>} : memref<16x128xf32, #tpu.memory_space<vmem>>, vector<16xf32>,
    %get3A_2282 = arith.constant 144 : index
    %get3A_2283 = tpu.vector_load %arg14[%get3A_2282] {strides = array<i32>} : memref<256xf32, #tpu.memory_space<vmem>>, vector<16xf32>,
    %div3A_2284 = vector.broadcast %max3A_2249 : f32 to vector<16xf32>
    %div3A_2285 = arith.divf %get3A_2283, %div3A_2284 : vector<16xf32>
    %mul3A_2286 = arith.mulf %get3A_2281, %div3A_2285 : vector<16xf32>
    %add3A_2287 = arith.addf %add3A_2277, %mul3A_2286 : vector<16xf32>
    %get3A_2288 = arith.constant 13 : i32
    %get3A_2289 = arith.index_cast %get3A_2288 : i32 to index
    %get3A_2290 = arith.constant 32 : index
    %get3A_2291 = tpu.vector_load %arg12[%get3A_2289, %get3A_2290] {strides = array<i32>} : memref<16x128xf32, #tpu.memory_space<vmem>>, vector<16xf32>,
    %get3A_2292 = arith.constant 32 : index
    %get3A_2293 = tpu.vector_load %arg14[%get3A_2292] {strides = array<i32>} : memref<256xf32, #tpu.memory_space<vmem>>, vector<16xf32>,
    %mul3A_2294 = arith.mulf %get3A_2291, %get3A_2293 : vector<16xf32>
    %add3A_2295 = arith.addf %add3A_2287, %mul3A_2294 : vector<16xf32>
    %get3A_2296 = arith.constant 13 : i32
    %get3A_2297 = arith.index_cast %get3A_2296 : i32 to index
    %get3A_2298 = arith.constant 32 : index
    %get3A_2299 = tpu.vector_load %arg13[%get3A_2297, %get3A_2298] {strides = array<i32>} : memref<16x128xf32, #tpu.memory_space<vmem>>, vector<16xf32>,
    %get3A_2300 = arith.constant 160 : index
    %get3A_2301 = tpu.vector_load %arg14[%get3A_2300] {strides = array<i32>} : memref<256xf32, #tpu.memory_space<vmem>>, vector<16xf32>,
    %div3A_2302 = vector.broadcast %max3A_2249 : f32 to vector<16xf32>
    %div3A_2303 = arith.divf %get3A_2301, %div3A_2302 : vector<16xf32>
    %mul3A_2304 = arith.mulf %get3A_2299, %div3A_2303 : vector<16xf32>
    %add3A_2305 = arith.addf %add3A_2295, %mul3A_2304 : vector<16xf32>
    %get3A_2306 = arith.constant 13 : i32
    %get3A_2307 = arith.index_cast %get3A_2306 : i32 to index
    %get3A_2308 = arith.constant 48 : index
    %get3A_2309 = tpu.vector_load %arg12[%get3A_2307, %get3A_2308] {strides = array<i32>} : memref<16x128xf32, #tpu.memory_space<vmem>>, vector<16xf32>,
    %get3A_2310 = arith.constant 48 : index
    %get3A_2311 = tpu.vector_load %arg14[%get3A_2310] {strides = array<i32>} : memref<256xf32, #tpu.memory_space<vmem>>, vector<16xf32>,
    %mul3A_2312 = arith.mulf %get3A_2309, %get3A_2311 : vector<16xf32>
    %add3A_2313 = arith.addf %add3A_2305, %mul3A_2312 : vector<16xf32>
    %get3A_2314 = arith.constant 13 : i32
    %get3A_2315 = arith.index_cast %get3A_2314 : i32 to index
    %get3A_2316 = arith.constant 48 : index
    %get3A_2317 = tpu.vector_load %arg13[%get3A_2315, %get3A_2316] {strides = array<i32>} : memref<16x128xf32, #tpu.memory_space<vmem>>, vector<16xf32>,
    %get3A_2318 = arith.constant 176 : index
    %get3A_2319 = tpu.vector_load %arg14[%get3A_2318] {strides = array<i32>} : memref<256xf32, #tpu.memory_space<vmem>>, vector<16xf32>,
    %div3A_2320 = vector.broadcast %max3A_2249 : f32 to vector<16xf32>
    %div3A_2321 = arith.divf %get3A_2319, %div3A_2320 : vector<16xf32>
    %mul3A_2322 = arith.mulf %get3A_2317, %div3A_2321 : vector<16xf32>
    %add3A_2323 = arith.addf %add3A_2313, %mul3A_2322 : vector<16xf32>
    %get3A_2324 = arith.constant 13 : i32
    %get3A_2325 = arith.index_cast %get3A_2324 : i32 to index
    %get3A_2326 = arith.constant 64 : index
    %get3A_2327 = tpu.vector_load %arg12[%get3A_2325, %get3A_2326] {strides = array<i32>} : memref<16x128xf32, #tpu.memory_space<vmem>>, vector<16xf32>,
    %get3A_2328 = arith.constant 64 : index
    %get3A_2329 = tpu.vector_load %arg14[%get3A_2328] {strides = array<i32>} : memref<256xf32, #tpu.memory_space<vmem>>, vector<16xf32>,
    %mul3A_2330 = arith.mulf %get3A_2327, %get3A_2329 : vector<16xf32>
    %add3A_2331 = arith.addf %add3A_2323, %mul3A_2330 : vector<16xf32>
    %get3A_2332 = arith.constant 13 : i32
    %get3A_2333 = arith.index_cast %get3A_2332 : i32 to index
    %get3A_2334 = arith.constant 64 : index
    %get3A_2335 = tpu.vector_load %arg13[%get3A_2333, %get3A_2334] {strides = array<i32>} : memref<16x128xf32, #tpu.memory_space<vmem>>, vector<16xf32>,
    %get3A_2336 = arith.constant 192 : index
    %get3A_2337 = tpu.vector_load %arg14[%get3A_2336] {strides = array<i32>} : memref<256xf32, #tpu.memory_space<vmem>>, vector<16xf32>,
    %div3A_2338 = vector.broadcast %max3A_2249 : f32 to vector<16xf32>
    %div3A_2339 = arith.divf %get3A_2337, %div3A_2338 : vector<16xf32>
    %mul3A_2340 = arith.mulf %get3A_2335, %div3A_2339 : vector<16xf32>
    %add3A_2341 = arith.addf %add3A_2331, %mul3A_2340 : vector<16xf32>
    %get3A_2342 = arith.constant 13 : i32
    %get3A_2343 = arith.index_cast %get3A_2342 : i32 to index
    %get3A_2344 = arith.constant 80 : index
    %get3A_2345 = tpu.vector_load %arg12[%get3A_2343, %get3A_2344] {strides = array<i32>} : memref<16x128xf32, #tpu.memory_space<vmem>>, vector<16xf32>,
    %get3A_2346 = arith.constant 80 : index
    %get3A_2347 = tpu.vector_load %arg14[%get3A_2346] {strides = array<i32>} : memref<256xf32, #tpu.memory_space<vmem>>, vector<16xf32>,
    %mul3A_2348 = arith.mulf %get3A_2345, %get3A_2347 : vector<16xf32>
    %add3A_2349 = arith.addf %add3A_2341, %mul3A_2348 : vector<16xf32>
    %get3A_2350 = arith.constant 13 : i32
    %get3A_2351 = arith.index_cast %get3A_2350 : i32 to index
    %get3A_2352 = arith.constant 80 : index
    %get3A_2353 = tpu.vector_load %arg13[%get3A_2351, %get3A_2352] {strides = array<i32>} : memref<16x128xf32, #tpu.memory_space<vmem>>, vector<16xf32>,
    %get3A_2354 = arith.constant 208 : index
    %get3A_2355 = tpu.vector_load %arg14[%get3A_2354] {strides = array<i32>} : memref<256xf32, #tpu.memory_space<vmem>>, vector<16xf32>,
    %div3A_2356 = vector.broadcast %max3A_2249 : f32 to vector<16xf32>
    %div3A_2357 = arith.divf %get3A_2355, %div3A_2356 : vector<16xf32>
    %mul3A_2358 = arith.mulf %get3A_2353, %div3A_2357 : vector<16xf32>
    %add3A_2359 = arith.addf %add3A_2349, %mul3A_2358 : vector<16xf32>
    %get3A_2360 = arith.constant 13 : i32
    %get3A_2361 = arith.index_cast %get3A_2360 : i32 to index
    %get3A_2362 = arith.constant 96 : index
    %get3A_2363 = tpu.vector_load %arg12[%get3A_2361, %get3A_2362] {strides = array<i32>} : memref<16x128xf32, #tpu.memory_space<vmem>>, vector<16xf32>,
    %get3A_2364 = arith.constant 96 : index
    %get3A_2365 = tpu.vector_load %arg14[%get3A_2364] {strides = array<i32>} : memref<256xf32, #tpu.memory_space<vmem>>, vector<16xf32>,
    %mul3A_2366 = arith.mulf %get3A_2363, %get3A_2365 : vector<16xf32>
    %add3A_2367 = arith.addf %add3A_2359, %mul3A_2366 : vector<16xf32>
    %get3A_2368 = arith.constant 13 : i32
    %get3A_2369 = arith.index_cast %get3A_2368 : i32 to index
    %get3A_2370 = arith.constant 96 : index
    %get3A_2371 = tpu.vector_load %arg13[%get3A_2369, %get3A_2370] {strides = array<i32>} : memref<16x128xf32, #tpu.memory_space<vmem>>, vector<16xf32>,
    %get3A_2372 = arith.constant 224 : index
    %get3A_2373 = tpu.vector_load %arg14[%get3A_2372] {strides = array<i32>} : memref<256xf32, #tpu.memory_space<vmem>>, vector<16xf32>,
    %div3A_2374 = vector.broadcast %max3A_2249 : f32 to vector<16xf32>
    %div3A_2375 = arith.divf %get3A_2373, %div3A_2374 : vector<16xf32>
    %mul3A_2376 = arith.mulf %get3A_2371, %div3A_2375 : vector<16xf32>
    %add3A_2377 = arith.addf %add3A_2367, %mul3A_2376 : vector<16xf32>
    %get3A_2378 = arith.constant 13 : i32
    %get3A_2379 = arith.index_cast %get3A_2378 : i32 to index
    %get3A_2380 = arith.constant 112 : index
    %get3A_2381 = tpu.vector_load %arg12[%get3A_2379, %get3A_2380] {strides = array<i32>} : memref<16x128xf32, #tpu.memory_space<vmem>>, vector<16xf32>,
    %get3A_2382 = arith.constant 112 : index
    %get3A_2383 = tpu.vector_load %arg14[%get3A_2382] {strides = array<i32>} : memref<256xf32, #tpu.memory_space<vmem>>, vector<16xf32>,
    %mul3A_2384 = arith.mulf %get3A_2381, %get3A_2383 : vector<16xf32>
    %add3A_2385 = arith.addf %add3A_2377, %mul3A_2384 : vector<16xf32>
    %get3A_2386 = arith.constant 13 : i32
    %get3A_2387 = arith.index_cast %get3A_2386 : i32 to index
    %get3A_2388 = arith.constant 112 : index
    %get3A_2389 = tpu.vector_load %arg13[%get3A_2387, %get3A_2388] {strides = array<i32>} : memref<16x128xf32, #tpu.memory_space<vmem>>, vector<16xf32>,
    %get3A_2390 = arith.constant 240 : index
    %get3A_2391 = tpu.vector_load %arg14[%get3A_2390] {strides = array<i32>} : memref<256xf32, #tpu.memory_space<vmem>>, vector<16xf32>,
    %div3A_2392 = vector.broadcast %max3A_2249 : f32 to vector<16xf32>
    %div3A_2393 = arith.divf %get3A_2391, %div3A_2392 : vector<16xf32>
    %mul3A_2394 = arith.mulf %get3A_2389, %div3A_2393 : vector<16xf32>
    %add3A_2395 = arith.addf %add3A_2385, %mul3A_2394 : vector<16xf32>
    %reduce_sum3A_2396 = arith.constant true
    %reduce_sum3A_2397 = vector.broadcast %reduce_sum3A_2396 : i1 to vector<16xi1>
    %reduce_sum3A_2398 = tpu.scan <sum>, %add3A_2395 masked %reduce_sum3A_2397 : vector<16xf32>, vector<16xi1> -> vector<16xf32>
    %reduce_sum3A_2399 = vector.extract %reduce_sum3A_2398[15] : f32 from vector<16xf32>
    %add3A_2400 = arith.addf %reduce_sum3A_2399, %squeeze3A_194 : f32
    %eq3A_2401 = arith.constant 13 : i32
    %eq3A_2402 = vector.broadcast %eq3A_2401 : i32 to vector<16xi32>
    %eq3A_2403 = arith.cmpi eq, %iota3A, %eq3A_2402 : vector<16xi32>
    %broadcast_in_dim3A_2404 = vector.broadcast %add3A_2400 : f32 to vector<16xf32>
    %select_n3A_2405 = arith.select %eq3A_2403, %broadcast_in_dim3A_2404, %select_n3A_2247 : vector<16xi1>, vector<16xf32>
    %max3A_2406 = arith.constant 1.000000e+00 : f32
    %max3A_2407 = arith.maximumf %squeeze3A_111, %max3A_2406 : f32
    %broadcast_in_dim3A_2408 = arith.constant 0.000000e+00 : f32
    %broadcast_in_dim3A_2409 = vector.broadcast %broadcast_in_dim3A_2408 : f32 to vector<16xf32>
    %get3A_2410 = arith.constant 14 : i32
    %get3A_2411 = arith.index_cast %get3A_2410 : i32 to index
    %get3A_2412 = arith.constant 0 : index
    %get3A_2413 = tpu.vector_load %arg12[%get3A_2411, %get3A_2412] {strides = array<i32>} : memref<16x128xf32, #tpu.memory_space<vmem>>, vector<16xf32>,
    %get3A_2414 = arith.constant 0 : index
    %get3A_2415 = tpu.vector_load %arg14[%get3A_2414] {strides = array<i32>} : memref<256xf32, #tpu.memory_space<vmem>>, vector<16xf32>,
    %mul3A_2416 = arith.mulf %get3A_2413, %get3A_2415 : vector<16xf32>
    %add3A_2417 = arith.addf %broadcast_in_dim3A_2409, %mul3A_2416 : vector<16xf32>
    %get3A_2418 = arith.constant 14 : i32
    %get3A_2419 = arith.index_cast %get3A_2418 : i32 to index
    %get3A_2420 = arith.constant 0 : index
    %get3A_2421 = tpu.vector_load %arg13[%get3A_2419, %get3A_2420] {strides = array<i32>} : memref<16x128xf32, #tpu.memory_space<vmem>>, vector<16xf32>,
    %get3A_2422 = arith.constant 128 : index
    %get3A_2423 = tpu.vector_load %arg14[%get3A_2422] {strides = array<i32>} : memref<256xf32, #tpu.memory_space<vmem>>, vector<16xf32>,
    %div3A_2424 = vector.broadcast %max3A_2407 : f32 to vector<16xf32>
    %div3A_2425 = arith.divf %get3A_2423, %div3A_2424 : vector<16xf32>
    %mul3A_2426 = arith.mulf %get3A_2421, %div3A_2425 : vector<16xf32>
    %add3A_2427 = arith.addf %add3A_2417, %mul3A_2426 : vector<16xf32>
    %get3A_2428 = arith.constant 14 : i32
    %get3A_2429 = arith.index_cast %get3A_2428 : i32 to index
    %get3A_2430 = arith.constant 16 : index
    %get3A_2431 = tpu.vector_load %arg12[%get3A_2429, %get3A_2430] {strides = array<i32>} : memref<16x128xf32, #tpu.memory_space<vmem>>, vector<16xf32>,
    %get3A_2432 = arith.constant 16 : index
    %get3A_2433 = tpu.vector_load %arg14[%get3A_2432] {strides = array<i32>} : memref<256xf32, #tpu.memory_space<vmem>>, vector<16xf32>,
    %mul3A_2434 = arith.mulf %get3A_2431, %get3A_2433 : vector<16xf32>
    %add3A_2435 = arith.addf %add3A_2427, %mul3A_2434 : vector<16xf32>
    %get3A_2436 = arith.constant 14 : i32
    %get3A_2437 = arith.index_cast %get3A_2436 : i32 to index
    %get3A_2438 = arith.constant 16 : index
    %get3A_2439 = tpu.vector_load %arg13[%get3A_2437, %get3A_2438] {strides = array<i32>} : memref<16x128xf32, #tpu.memory_space<vmem>>, vector<16xf32>,
    %get3A_2440 = arith.constant 144 : index
    %get3A_2441 = tpu.vector_load %arg14[%get3A_2440] {strides = array<i32>} : memref<256xf32, #tpu.memory_space<vmem>>, vector<16xf32>,
    %div3A_2442 = vector.broadcast %max3A_2407 : f32 to vector<16xf32>
    %div3A_2443 = arith.divf %get3A_2441, %div3A_2442 : vector<16xf32>
    %mul3A_2444 = arith.mulf %get3A_2439, %div3A_2443 : vector<16xf32>
    %add3A_2445 = arith.addf %add3A_2435, %mul3A_2444 : vector<16xf32>
    %get3A_2446 = arith.constant 14 : i32
    %get3A_2447 = arith.index_cast %get3A_2446 : i32 to index
    %get3A_2448 = arith.constant 32 : index
    %get3A_2449 = tpu.vector_load %arg12[%get3A_2447, %get3A_2448] {strides = array<i32>} : memref<16x128xf32, #tpu.memory_space<vmem>>, vector<16xf32>,
    %get3A_2450 = arith.constant 32 : index
    %get3A_2451 = tpu.vector_load %arg14[%get3A_2450] {strides = array<i32>} : memref<256xf32, #tpu.memory_space<vmem>>, vector<16xf32>,
    %mul3A_2452 = arith.mulf %get3A_2449, %get3A_2451 : vector<16xf32>
    %add3A_2453 = arith.addf %add3A_2445, %mul3A_2452 : vector<16xf32>
    %get3A_2454 = arith.constant 14 : i32
    %get3A_2455 = arith.index_cast %get3A_2454 : i32 to index
    %get3A_2456 = arith.constant 32 : index
    %get3A_2457 = tpu.vector_load %arg13[%get3A_2455, %get3A_2456] {strides = array<i32>} : memref<16x128xf32, #tpu.memory_space<vmem>>, vector<16xf32>,
    %get3A_2458 = arith.constant 160 : index
    %get3A_2459 = tpu.vector_load %arg14[%get3A_2458] {strides = array<i32>} : memref<256xf32, #tpu.memory_space<vmem>>, vector<16xf32>,
    %div3A_2460 = vector.broadcast %max3A_2407 : f32 to vector<16xf32>
    %div3A_2461 = arith.divf %get3A_2459, %div3A_2460 : vector<16xf32>
    %mul3A_2462 = arith.mulf %get3A_2457, %div3A_2461 : vector<16xf32>
    %add3A_2463 = arith.addf %add3A_2453, %mul3A_2462 : vector<16xf32>
    %get3A_2464 = arith.constant 14 : i32
    %get3A_2465 = arith.index_cast %get3A_2464 : i32 to index
    %get3A_2466 = arith.constant 48 : index
    %get3A_2467 = tpu.vector_load %arg12[%get3A_2465, %get3A_2466] {strides = array<i32>} : memref<16x128xf32, #tpu.memory_space<vmem>>, vector<16xf32>,
    %get3A_2468 = arith.constant 48 : index
    %get3A_2469 = tpu.vector_load %arg14[%get3A_2468] {strides = array<i32>} : memref<256xf32, #tpu.memory_space<vmem>>, vector<16xf32>,
    %mul3A_2470 = arith.mulf %get3A_2467, %get3A_2469 : vector<16xf32>
    %add3A_2471 = arith.addf %add3A_2463, %mul3A_2470 : vector<16xf32>
    %get3A_2472 = arith.constant 14 : i32
    %get3A_2473 = arith.index_cast %get3A_2472 : i32 to index
    %get3A_2474 = arith.constant 48 : index
    %get3A_2475 = tpu.vector_load %arg13[%get3A_2473, %get3A_2474] {strides = array<i32>} : memref<16x128xf32, #tpu.memory_space<vmem>>, vector<16xf32>,
    %get3A_2476 = arith.constant 176 : index
    %get3A_2477 = tpu.vector_load %arg14[%get3A_2476] {strides = array<i32>} : memref<256xf32, #tpu.memory_space<vmem>>, vector<16xf32>,
    %div3A_2478 = vector.broadcast %max3A_2407 : f32 to vector<16xf32>
    %div3A_2479 = arith.divf %get3A_2477, %div3A_2478 : vector<16xf32>
    %mul3A_2480 = arith.mulf %get3A_2475, %div3A_2479 : vector<16xf32>
    %add3A_2481 = arith.addf %add3A_2471, %mul3A_2480 : vector<16xf32>
    %get3A_2482 = arith.constant 14 : i32
    %get3A_2483 = arith.index_cast %get3A_2482 : i32 to index
    %get3A_2484 = arith.constant 64 : index
    %get3A_2485 = tpu.vector_load %arg12[%get3A_2483, %get3A_2484] {strides = array<i32>} : memref<16x128xf32, #tpu.memory_space<vmem>>, vector<16xf32>,
    %get3A_2486 = arith.constant 64 : index
    %get3A_2487 = tpu.vector_load %arg14[%get3A_2486] {strides = array<i32>} : memref<256xf32, #tpu.memory_space<vmem>>, vector<16xf32>,
    %mul3A_2488 = arith.mulf %get3A_2485, %get3A_2487 : vector<16xf32>
    %add3A_2489 = arith.addf %add3A_2481, %mul3A_2488 : vector<16xf32>
    %get3A_2490 = arith.constant 14 : i32
    %get3A_2491 = arith.index_cast %get3A_2490 : i32 to index
    %get3A_2492 = arith.constant 64 : index
    %get3A_2493 = tpu.vector_load %arg13[%get3A_2491, %get3A_2492] {strides = array<i32>} : memref<16x128xf32, #tpu.memory_space<vmem>>, vector<16xf32>,
    %get3A_2494 = arith.constant 192 : index
    %get3A_2495 = tpu.vector_load %arg14[%get3A_2494] {strides = array<i32>} : memref<256xf32, #tpu.memory_space<vmem>>, vector<16xf32>,
    %div3A_2496 = vector.broadcast %max3A_2407 : f32 to vector<16xf32>
    %div3A_2497 = arith.divf %get3A_2495, %div3A_2496 : vector<16xf32>
    %mul3A_2498 = arith.mulf %get3A_2493, %div3A_2497 : vector<16xf32>
    %add3A_2499 = arith.addf %add3A_2489, %mul3A_2498 : vector<16xf32>
    %get3A_2500 = arith.constant 14 : i32
    %get3A_2501 = arith.index_cast %get3A_2500 : i32 to index
    %get3A_2502 = arith.constant 80 : index
    %get3A_2503 = tpu.vector_load %arg12[%get3A_2501, %get3A_2502] {strides = array<i32>} : memref<16x128xf32, #tpu.memory_space<vmem>>, vector<16xf32>,
    %get3A_2504 = arith.constant 80 : index
    %get3A_2505 = tpu.vector_load %arg14[%get3A_2504] {strides = array<i32>} : memref<256xf32, #tpu.memory_space<vmem>>, vector<16xf32>,
    %mul3A_2506 = arith.mulf %get3A_2503, %get3A_2505 : vector<16xf32>
    %add3A_2507 = arith.addf %add3A_2499, %mul3A_2506 : vector<16xf32>
    %get3A_2508 = arith.constant 14 : i32
    %get3A_2509 = arith.index_cast %get3A_2508 : i32 to index
    %get3A_2510 = arith.constant 80 : index
    %get3A_2511 = tpu.vector_load %arg13[%get3A_2509, %get3A_2510] {strides = array<i32>} : memref<16x128xf32, #tpu.memory_space<vmem>>, vector<16xf32>,
    %get3A_2512 = arith.constant 208 : index
    %get3A_2513 = tpu.vector_load %arg14[%get3A_2512] {strides = array<i32>} : memref<256xf32, #tpu.memory_space<vmem>>, vector<16xf32>,
    %div3A_2514 = vector.broadcast %max3A_2407 : f32 to vector<16xf32>
    %div3A_2515 = arith.divf %get3A_2513, %div3A_2514 : vector<16xf32>
    %mul3A_2516 = arith.mulf %get3A_2511, %div3A_2515 : vector<16xf32>
    %add3A_2517 = arith.addf %add3A_2507, %mul3A_2516 : vector<16xf32>
    %get3A_2518 = arith.constant 14 : i32
    %get3A_2519 = arith.index_cast %get3A_2518 : i32 to index
    %get3A_2520 = arith.constant 96 : index
    %get3A_2521 = tpu.vector_load %arg12[%get3A_2519, %get3A_2520] {strides = array<i32>} : memref<16x128xf32, #tpu.memory_space<vmem>>, vector<16xf32>,
    %get3A_2522 = arith.constant 96 : index
    %get3A_2523 = tpu.vector_load %arg14[%get3A_2522] {strides = array<i32>} : memref<256xf32, #tpu.memory_space<vmem>>, vector<16xf32>,
    %mul3A_2524 = arith.mulf %get3A_2521, %get3A_2523 : vector<16xf32>
    %add3A_2525 = arith.addf %add3A_2517, %mul3A_2524 : vector<16xf32>
    %get3A_2526 = arith.constant 14 : i32
    %get3A_2527 = arith.index_cast %get3A_2526 : i32 to index
    %get3A_2528 = arith.constant 96 : index
    %get3A_2529 = tpu.vector_load %arg13[%get3A_2527, %get3A_2528] {strides = array<i32>} : memref<16x128xf32, #tpu.memory_space<vmem>>, vector<16xf32>,
    %get3A_2530 = arith.constant 224 : index
    %get3A_2531 = tpu.vector_load %arg14[%get3A_2530] {strides = array<i32>} : memref<256xf32, #tpu.memory_space<vmem>>, vector<16xf32>,
    %div3A_2532 = vector.broadcast %max3A_2407 : f32 to vector<16xf32>
    %div3A_2533 = arith.divf %get3A_2531, %div3A_2532 : vector<16xf32>
    %mul3A_2534 = arith.mulf %get3A_2529, %div3A_2533 : vector<16xf32>
    %add3A_2535 = arith.addf %add3A_2525, %mul3A_2534 : vector<16xf32>
    %get3A_2536 = arith.constant 14 : i32
    %get3A_2537 = arith.index_cast %get3A_2536 : i32 to index
    %get3A_2538 = arith.constant 112 : index
    %get3A_2539 = tpu.vector_load %arg12[%get3A_2537, %get3A_2538] {strides = array<i32>} : memref<16x128xf32, #tpu.memory_space<vmem>>, vector<16xf32>,
    %get3A_2540 = arith.constant 112 : index
    %get3A_2541 = tpu.vector_load %arg14[%get3A_2540] {strides = array<i32>} : memref<256xf32, #tpu.memory_space<vmem>>, vector<16xf32>,
    %mul3A_2542 = arith.mulf %get3A_2539, %get3A_2541 : vector<16xf32>
    %add3A_2543 = arith.addf %add3A_2535, %mul3A_2542 : vector<16xf32>
    %get3A_2544 = arith.constant 14 : i32
    %get3A_2545 = arith.index_cast %get3A_2544 : i32 to index
    %get3A_2546 = arith.constant 112 : index
    %get3A_2547 = tpu.vector_load %arg13[%get3A_2545, %get3A_2546] {strides = array<i32>} : memref<16x128xf32, #tpu.memory_space<vmem>>, vector<16xf32>,
    %get3A_2548 = arith.constant 240 : index
    %get3A_2549 = tpu.vector_load %arg14[%get3A_2548] {strides = array<i32>} : memref<256xf32, #tpu.memory_space<vmem>>, vector<16xf32>,
    %div3A_2550 = vector.broadcast %max3A_2407 : f32 to vector<16xf32>
    %div3A_2551 = arith.divf %get3A_2549, %div3A_2550 : vector<16xf32>
    %mul3A_2552 = arith.mulf %get3A_2547, %div3A_2551 : vector<16xf32>
    %add3A_2553 = arith.addf %add3A_2543, %mul3A_2552 : vector<16xf32>
    %reduce_sum3A_2554 = arith.constant true
    %reduce_sum3A_2555 = vector.broadcast %reduce_sum3A_2554 : i1 to vector<16xi1>
    %reduce_sum3A_2556 = tpu.scan <sum>, %add3A_2553 masked %reduce_sum3A_2555 : vector<16xf32>, vector<16xi1> -> vector<16xf32>
    %reduce_sum3A_2557 = vector.extract %reduce_sum3A_2556[15] : f32 from vector<16xf32>
    %add3A_2558 = arith.addf %reduce_sum3A_2557, %squeeze3A_194 : f32
    %eq3A_2559 = arith.constant 14 : i32
    %eq3A_2560 = vector.broadcast %eq3A_2559 : i32 to vector<16xi32>
    %eq3A_2561 = arith.cmpi eq, %iota3A, %eq3A_2560 : vector<16xi32>
    %broadcast_in_dim3A_2562 = vector.broadcast %add3A_2558 : f32 to vector<16xf32>
    %select_n3A_2563 = arith.select %eq3A_2561, %broadcast_in_dim3A_2562, %select_n3A_2405 : vector<16xi1>, vector<16xf32>
    %max3A_2564 = arith.constant 1.000000e+00 : f32
    %max3A_2565 = arith.maximumf %squeeze3A_117, %max3A_2564 : f32
    %broadcast_in_dim3A_2566 = arith.constant 0.000000e+00 : f32
    %broadcast_in_dim3A_2567 = vector.broadcast %broadcast_in_dim3A_2566 : f32 to vector<16xf32>
    %get3A_2568 = arith.constant 15 : i32
    %get3A_2569 = arith.index_cast %get3A_2568 : i32 to index
    %get3A_2570 = arith.constant 0 : index
    %get3A_2571 = tpu.vector_load %arg12[%get3A_2569, %get3A_2570] {strides = array<i32>} : memref<16x128xf32, #tpu.memory_space<vmem>>, vector<16xf32>,
    %get3A_2572 = arith.constant 0 : index
    %get3A_2573 = tpu.vector_load %arg14[%get3A_2572] {strides = array<i32>} : memref<256xf32, #tpu.memory_space<vmem>>, vector<16xf32>,
    %mul3A_2574 = arith.mulf %get3A_2571, %get3A_2573 : vector<16xf32>
    %add3A_2575 = arith.addf %broadcast_in_dim3A_2567, %mul3A_2574 : vector<16xf32>
    %get3A_2576 = arith.constant 15 : i32
    %get3A_2577 = arith.index_cast %get3A_2576 : i32 to index
    %get3A_2578 = arith.constant 0 : index
    %get3A_2579 = tpu.vector_load %arg13[%get3A_2577, %get3A_2578] {strides = array<i32>} : memref<16x128xf32, #tpu.memory_space<vmem>>, vector<16xf32>,
    %get3A_2580 = arith.constant 128 : index
    %get3A_2581 = tpu.vector_load %arg14[%get3A_2580] {strides = array<i32>} : memref<256xf32, #tpu.memory_space<vmem>>, vector<16xf32>,
    %div3A_2582 = vector.broadcast %max3A_2565 : f32 to vector<16xf32>
    %div3A_2583 = arith.divf %get3A_2581, %div3A_2582 : vector<16xf32>
    %mul3A_2584 = arith.mulf %get3A_2579, %div3A_2583 : vector<16xf32>
    %add3A_2585 = arith.addf %add3A_2575, %mul3A_2584 : vector<16xf32>
    %get3A_2586 = arith.constant 15 : i32
    %get3A_2587 = arith.index_cast %get3A_2586 : i32 to index
    %get3A_2588 = arith.constant 16 : index
    %get3A_2589 = tpu.vector_load %arg12[%get3A_2587, %get3A_2588] {strides = array<i32>} : memref<16x128xf32, #tpu.memory_space<vmem>>, vector<16xf32>,
    %get3A_2590 = arith.constant 16 : index
    %get3A_2591 = tpu.vector_load %arg14[%get3A_2590] {strides = array<i32>} : memref<256xf32, #tpu.memory_space<vmem>>, vector<16xf32>,
    %mul3A_2592 = arith.mulf %get3A_2589, %get3A_2591 : vector<16xf32>
    %add3A_2593 = arith.addf %add3A_2585, %mul3A_2592 : vector<16xf32>
    %get3A_2594 = arith.constant 15 : i32
    %get3A_2595 = arith.index_cast %get3A_2594 : i32 to index
    %get3A_2596 = arith.constant 16 : index
    %get3A_2597 = tpu.vector_load %arg13[%get3A_2595, %get3A_2596] {strides = array<i32>} : memref<16x128xf32, #tpu.memory_space<vmem>>, vector<16xf32>,
    %get3A_2598 = arith.constant 144 : index
    %get3A_2599 = tpu.vector_load %arg14[%get3A_2598] {strides = array<i32>} : memref<256xf32, #tpu.memory_space<vmem>>, vector<16xf32>,
    %div3A_2600 = vector.broadcast %max3A_2565 : f32 to vector<16xf32>
    %div3A_2601 = arith.divf %get3A_2599, %div3A_2600 : vector<16xf32>
    %mul3A_2602 = arith.mulf %get3A_2597, %div3A_2601 : vector<16xf32>
    %add3A_2603 = arith.addf %add3A_2593, %mul3A_2602 : vector<16xf32>
    %get3A_2604 = arith.constant 15 : i32
    %get3A_2605 = arith.index_cast %get3A_2604 : i32 to index
    %get3A_2606 = arith.constant 32 : index
    %get3A_2607 = tpu.vector_load %arg12[%get3A_2605, %get3A_2606] {strides = array<i32>} : memref<16x128xf32, #tpu.memory_space<vmem>>, vector<16xf32>,
    %get3A_2608 = arith.constant 32 : index
    %get3A_2609 = tpu.vector_load %arg14[%get3A_2608] {strides = array<i32>} : memref<256xf32, #tpu.memory_space<vmem>>, vector<16xf32>,
    %mul3A_2610 = arith.mulf %get3A_2607, %get3A_2609 : vector<16xf32>
    %add3A_2611 = arith.addf %add3A_2603, %mul3A_2610 : vector<16xf32>
    %get3A_2612 = arith.constant 15 : i32
    %get3A_2613 = arith.index_cast %get3A_2612 : i32 to index
    %get3A_2614 = arith.constant 32 : index
    %get3A_2615 = tpu.vector_load %arg13[%get3A_2613, %get3A_2614] {strides = array<i32>} : memref<16x128xf32, #tpu.memory_space<vmem>>, vector<16xf32>,
    %get3A_2616 = arith.constant 160 : index
    %get3A_2617 = tpu.vector_load %arg14[%get3A_2616] {strides = array<i32>} : memref<256xf32, #tpu.memory_space<vmem>>, vector<16xf32>,
    %div3A_2618 = vector.broadcast %max3A_2565 : f32 to vector<16xf32>
    %div3A_2619 = arith.divf %get3A_2617, %div3A_2618 : vector<16xf32>
    %mul3A_2620 = arith.mulf %get3A_2615, %div3A_2619 : vector<16xf32>
    %add3A_2621 = arith.addf %add3A_2611, %mul3A_2620 : vector<16xf32>
    %get3A_2622 = arith.constant 15 : i32
    %get3A_2623 = arith.index_cast %get3A_2622 : i32 to index
    %get3A_2624 = arith.constant 48 : index
    %get3A_2625 = tpu.vector_load %arg12[%get3A_2623, %get3A_2624] {strides = array<i32>} : memref<16x128xf32, #tpu.memory_space<vmem>>, vector<16xf32>,
    %get3A_2626 = arith.constant 48 : index
    %get3A_2627 = tpu.vector_load %arg14[%get3A_2626] {strides = array<i32>} : memref<256xf32, #tpu.memory_space<vmem>>, vector<16xf32>,
    %mul3A_2628 = arith.mulf %get3A_2625, %get3A_2627 : vector<16xf32>
    %add3A_2629 = arith.addf %add3A_2621, %mul3A_2628 : vector<16xf32>
    %get3A_2630 = arith.constant 15 : i32
    %get3A_2631 = arith.index_cast %get3A_2630 : i32 to index
    %get3A_2632 = arith.constant 48 : index
    %get3A_2633 = tpu.vector_load %arg13[%get3A_2631, %get3A_2632] {strides = array<i32>} : memref<16x128xf32, #tpu.memory_space<vmem>>, vector<16xf32>,
    %get3A_2634 = arith.constant 176 : index
    %get3A_2635 = tpu.vector_load %arg14[%get3A_2634] {strides = array<i32>} : memref<256xf32, #tpu.memory_space<vmem>>, vector<16xf32>,
    %div3A_2636 = vector.broadcast %max3A_2565 : f32 to vector<16xf32>
    %div3A_2637 = arith.divf %get3A_2635, %div3A_2636 : vector<16xf32>
    %mul3A_2638 = arith.mulf %get3A_2633, %div3A_2637 : vector<16xf32>
    %add3A_2639 = arith.addf %add3A_2629, %mul3A_2638 : vector<16xf32>
    %get3A_2640 = arith.constant 15 : i32
    %get3A_2641 = arith.index_cast %get3A_2640 : i32 to index
    %get3A_2642 = arith.constant 64 : index
    %get3A_2643 = tpu.vector_load %arg12[%get3A_2641, %get3A_2642] {strides = array<i32>} : memref<16x128xf32, #tpu.memory_space<vmem>>, vector<16xf32>,
    %get3A_2644 = arith.constant 64 : index
    %get3A_2645 = tpu.vector_load %arg14[%get3A_2644] {strides = array<i32>} : memref<256xf32, #tpu.memory_space<vmem>>, vector<16xf32>,
    %mul3A_2646 = arith.mulf %get3A_2643, %get3A_2645 : vector<16xf32>
    %add3A_2647 = arith.addf %add3A_2639, %mul3A_2646 : vector<16xf32>
    %get3A_2648 = arith.constant 15 : i32
    %get3A_2649 = arith.index_cast %get3A_2648 : i32 to index
    %get3A_2650 = arith.constant 64 : index
    %get3A_2651 = tpu.vector_load %arg13[%get3A_2649, %get3A_2650] {strides = array<i32>} : memref<16x128xf32, #tpu.memory_space<vmem>>, vector<16xf32>,
    %get3A_2652 = arith.constant 192 : index
    %get3A_2653 = tpu.vector_load %arg14[%get3A_2652] {strides = array<i32>} : memref<256xf32, #tpu.memory_space<vmem>>, vector<16xf32>,
    %div3A_2654 = vector.broadcast %max3A_2565 : f32 to vector<16xf32>
    %div3A_2655 = arith.divf %get3A_2653, %div3A_2654 : vector<16xf32>
    %mul3A_2656 = arith.mulf %get3A_2651, %div3A_2655 : vector<16xf32>
    %add3A_2657 = arith.addf %add3A_2647, %mul3A_2656 : vector<16xf32>
    %get3A_2658 = arith.constant 15 : i32
    %get3A_2659 = arith.index_cast %get3A_2658 : i32 to index
    %get3A_2660 = arith.constant 80 : index
    %get3A_2661 = tpu.vector_load %arg12[%get3A_2659, %get3A_2660] {strides = array<i32>} : memref<16x128xf32, #tpu.memory_space<vmem>>, vector<16xf32>,
    %get3A_2662 = arith.constant 80 : index
    %get3A_2663 = tpu.vector_load %arg14[%get3A_2662] {strides = array<i32>} : memref<256xf32, #tpu.memory_space<vmem>>, vector<16xf32>,
    %mul3A_2664 = arith.mulf %get3A_2661, %get3A_2663 : vector<16xf32>
    %add3A_2665 = arith.addf %add3A_2657, %mul3A_2664 : vector<16xf32>
    %get3A_2666 = arith.constant 15 : i32
    %get3A_2667 = arith.index_cast %get3A_2666 : i32 to index
    %get3A_2668 = arith.constant 80 : index
    %get3A_2669 = tpu.vector_load %arg13[%get3A_2667, %get3A_2668] {strides = array<i32>} : memref<16x128xf32, #tpu.memory_space<vmem>>, vector<16xf32>,
    %get3A_2670 = arith.constant 208 : index
    %get3A_2671 = tpu.vector_load %arg14[%get3A_2670] {strides = array<i32>} : memref<256xf32, #tpu.memory_space<vmem>>, vector<16xf32>,
    %div3A_2672 = vector.broadcast %max3A_2565 : f32 to vector<16xf32>
    %div3A_2673 = arith.divf %get3A_2671, %div3A_2672 : vector<16xf32>
    %mul3A_2674 = arith.mulf %get3A_2669, %div3A_2673 : vector<16xf32>
    %add3A_2675 = arith.addf %add3A_2665, %mul3A_2674 : vector<16xf32>
    %get3A_2676 = arith.constant 15 : i32
    %get3A_2677 = arith.index_cast %get3A_2676 : i32 to index
    %get3A_2678 = arith.constant 96 : index
    %get3A_2679 = tpu.vector_load %arg12[%get3A_2677, %get3A_2678] {strides = array<i32>} : memref<16x128xf32, #tpu.memory_space<vmem>>, vector<16xf32>,
    %get3A_2680 = arith.constant 96 : index
    %get3A_2681 = tpu.vector_load %arg14[%get3A_2680] {strides = array<i32>} : memref<256xf32, #tpu.memory_space<vmem>>, vector<16xf32>,
    %mul3A_2682 = arith.mulf %get3A_2679, %get3A_2681 : vector<16xf32>
    %add3A_2683 = arith.addf %add3A_2675, %mul3A_2682 : vector<16xf32>
    %get3A_2684 = arith.constant 15 : i32
    %get3A_2685 = arith.index_cast %get3A_2684 : i32 to index
    %get3A_2686 = arith.constant 96 : index
    %get3A_2687 = tpu.vector_load %arg13[%get3A_2685, %get3A_2686] {strides = array<i32>} : memref<16x128xf32, #tpu.memory_space<vmem>>, vector<16xf32>,
    %get3A_2688 = arith.constant 224 : index
    %get3A_2689 = tpu.vector_load %arg14[%get3A_2688] {strides = array<i32>} : memref<256xf32, #tpu.memory_space<vmem>>, vector<16xf32>,
    %div3A_2690 = vector.broadcast %max3A_2565 : f32 to vector<16xf32>
    %div3A_2691 = arith.divf %get3A_2689, %div3A_2690 : vector<16xf32>
    %mul3A_2692 = arith.mulf %get3A_2687, %div3A_2691 : vector<16xf32>
    %add3A_2693 = arith.addf %add3A_2683, %mul3A_2692 : vector<16xf32>
    %get3A_2694 = arith.constant 15 : i32
    %get3A_2695 = arith.index_cast %get3A_2694 : i32 to index
    %get3A_2696 = arith.constant 112 : index
    %get3A_2697 = tpu.vector_load %arg12[%get3A_2695, %get3A_2696] {strides = array<i32>} : memref<16x128xf32, #tpu.memory_space<vmem>>, vector<16xf32>,
    %get3A_2698 = arith.constant 112 : index
    %get3A_2699 = tpu.vector_load %arg14[%get3A_2698] {strides = array<i32>} : memref<256xf32, #tpu.memory_space<vmem>>, vector<16xf32>,
    %mul3A_2700 = arith.mulf %get3A_2697, %get3A_2699 : vector<16xf32>
    %add3A_2701 = arith.addf %add3A_2693, %mul3A_2700 : vector<16xf32>
    %get3A_2702 = arith.constant 15 : i32
    %get3A_2703 = arith.index_cast %get3A_2702 : i32 to index
    %get3A_2704 = arith.constant 112 : index
    %get3A_2705 = tpu.vector_load %arg13[%get3A_2703, %get3A_2704] {strides = array<i32>} : memref<16x128xf32, #tpu.memory_space<vmem>>, vector<16xf32>,
    %get3A_2706 = arith.constant 240 : index
    %get3A_2707 = tpu.vector_load %arg14[%get3A_2706] {strides = array<i32>} : memref<256xf32, #tpu.memory_space<vmem>>, vector<16xf32>,
    %div3A_2708 = vector.broadcast %max3A_2565 : f32 to vector<16xf32>
    %div3A_2709 = arith.divf %get3A_2707, %div3A_2708 : vector<16xf32>
    %mul3A_2710 = arith.mulf %get3A_2705, %div3A_2709 : vector<16xf32>
    %add3A_2711 = arith.addf %add3A_2701, %mul3A_2710 : vector<16xf32>
    %reduce_sum3A_2712 = arith.constant true
    %reduce_sum3A_2713 = vector.broadcast %reduce_sum3A_2712 : i1 to vector<16xi1>
    %reduce_sum3A_2714 = tpu.scan <sum>, %add3A_2711 masked %reduce_sum3A_2713 : vector<16xf32>, vector<16xi1> -> vector<16xf32>
    %reduce_sum3A_2715 = vector.extract %reduce_sum3A_2714[15] : f32 from vector<16xf32>
    %add3A_2716 = arith.addf %reduce_sum3A_2715, %squeeze3A_194 : f32
    %eq3A_2717 = arith.constant 15 : i32
    %eq3A_2718 = vector.broadcast %eq3A_2717 : i32 to vector<16xi32>
    %eq3A_2719 = arith.cmpi eq, %iota3A, %eq3A_2718 : vector<16xi32>
    %broadcast_in_dim3A_2720 = vector.broadcast %add3A_2716 : f32 to vector<16xf32>
    %select_n3A_2721 = arith.select %eq3A_2719, %broadcast_in_dim3A_2720, %select_n3A_2563 : vector<16xi1>, vector<16xf32>
    %neg3A = arith.constant 0.000000e+00 : f32
    %neg3A_2722 = vector.broadcast %neg3A : f32 to vector<16xf32>
    %neg3A_2723 = arith.subf %neg3A_2722, %select_n3A_2721 : vector<16xf32>
    %exp3A = math.exp %neg3A_2723 : vector<16xf32>
    %add3A_2724 = arith.constant 1.000000e+00 : f32
    %add3A_2725 = vector.broadcast %add3A_2724 : f32 to vector<16xf32>
    %add3A_2726 = arith.addf %add3A_2725, %exp3A : vector<16xf32>
    %div3A_2727 = arith.constant 1.000000e+00 : f32
    %div3A_2728 = vector.broadcast %div3A_2727 : f32 to vector<16xf32>
    %div3A_2729 = arith.divf %div3A_2728, %add3A_2726 : vector<16xf32>
    %swap3A_2730 = arith.constant 0 : index
    %swap3A_2731 = tpu.vector_load %arg16[%swap3A_2730] {strides = array<i32>} : memref<16xf32, #tpu.memory_space<vmem>>, vector<16xf32>,
    tpu.vector_store %arg16[%swap3A_2730], %div3A_2729 {strides = array<i32>} : memref<16xf32, #tpu.memory_space<vmem>>, vector<16xf32>,
    "tpu.region"() ({
      %run_scoped3A = tpu.sem_alloc : memref<!tpu.dma_semaphore, #tpu.memory_space<semaphore_mem>>
      %dma_start3A = tpu.memref_slice %arg7[%mul3A_2] : memref<512xf32, #tpu.memory_space<hbm>> -> memref<16xf32, #tpu.memory_space<hbm>>
      %dma_start3A_2732 = tpu.memref_slice %arg7[%mul3A_2] : memref<512xf32, #tpu.memory_space<hbm>> -> memref<16xf32, #tpu.memory_space<hbm>>
      tpu.enqueue_dma source(%arg16 : memref<16xf32, #tpu.memory_space<vmem>>) target(%dma_start3A_2732 : memref<16xf32, #tpu.memory_space<hbm>>) target_semaphore(%run_scoped3A : memref<!tpu.dma_semaphore, #tpu.memory_space<semaphore_mem>>)
      %dma_wait3A = tpu.memref_slice %arg7[%mul3A_2] : memref<512xf32, #tpu.memory_space<hbm>> -> memref<16xf32, #tpu.memory_space<hbm>>
      %dma_wait3A_2733 = tpu.memref_slice %arg7[%mul3A_2] : memref<512xf32, #tpu.memory_space<hbm>> -> memref<16xf32, #tpu.memory_space<hbm>>
      tpu.wait_dma2 semaphore(%run_scoped3A : memref<!tpu.dma_semaphore, #tpu.memory_space<semaphore_mem>>) src(%arg16 : memref<16xf32, #tpu.memory_space<vmem>>) dst(%dma_wait3A_2733 : memref<16xf32, #tpu.memory_space<hbm>>)
      tpu.yield
    }) : () -> ()
    return
  }
}

module attributes {stable_mosaic.version = 14 : i64} {
  func.func @_tc_body(%arg0: i32, %arg1: memref<2x512x128xf32, #tpu.memory_space<vmem>>, %arg2: memref<32x512xf32, #tpu.memory_space<vmem>>, %arg3: memref<512x128xf32, #tpu.memory_space<vmem>>, %arg4: memref<128x128xf32, #tpu.memory_space<vmem>>, %arg5: memref<128x128xf32, #tpu.memory_space<vmem>>, %arg6: memref<8x128xf32, #tpu.memory_space<vmem>>, %arg7: memref<512x128xf32, #tpu.memory_space<vmem>>) attributes {dimension_semantics = [#tpu.dimension_semantics<arbitrary>], iteration_bounds = array<i64: 20>, scalar_prefetch = 0 : i64, scratch_operands = 0 : i64, tpu.core_type = #tpu.core_type<tc>, window_params = [{transform_indices = @transform_0, window_bounds = array<i64: 2, 512, 128>}, {transform_indices = @transform_1, window_bounds = array<i64: 32, 512>}, {transform_indices = @transform_2, window_bounds = array<i64: 512, 128>}, {pipeline_mode = #tpu.pipeline_mode<synchronous>, transform_indices = @transform_3, window_bounds = array<i64: 128, 128>}, {pipeline_mode = #tpu.pipeline_mode<synchronous>, transform_indices = @transform_4, window_bounds = array<i64: 128, 128>}, {pipeline_mode = #tpu.pipeline_mode<synchronous>, transform_indices = @transform_5, window_bounds = array<i64: 8, 128>}, {transform_indices = @transform_6, window_bounds = array<i64: 512, 128>}]} {
    %get3A = arith.constant 0 : index
    %get3A_0 = arith.constant 0 : index
    %get3A_1 = vector.load %arg2[%get3A, %get3A_0] : memref<32x512xf32, #tpu.memory_space<vmem>>, vector<32x512xf32>
    %reduce_sum3A = arith.constant dense<0.000000e+00> : vector<512xf32>
    %reduce_sum3A_2 = vector.multi_reduction <add>, %get3A_1, %reduce_sum3A [0] : vector<32x512xf32> to vector<512xf32>
    %reshape3A = vector.shape_cast %reduce_sum3A_2 : vector<512xf32> to vector<512x1xf32>
    %max3A = arith.constant 1.000000e+00 : f32
    %max3A_3 = vector.broadcast %max3A : f32 to vector<512x1xf32>
    %max3A_4 = arith.maximumf %reshape3A, %max3A_3 : vector<512x1xf32>
    %get3A_5 = arith.constant 0 : index
    %get3A_6 = arith.constant 0 : index
    %get3A_7 = arith.constant 0 : index
    %get3A_8 = vector.load %arg1[%get3A_5, %get3A_6, %get3A_7] : memref<2x512x128xf32, #tpu.memory_space<vmem>>, vector<1x512x128xf32>
    %get3A_9 = vector.shape_cast %get3A_8 : vector<1x512x128xf32> to vector<512x128xf32>
    %get3A_10 = arith.constant 1 : index
    %get3A_11 = arith.constant 0 : index
    %get3A_12 = arith.constant 0 : index
    %get3A_13 = vector.load %arg1[%get3A_10, %get3A_11, %get3A_12] : memref<2x512x128xf32, #tpu.memory_space<vmem>>, vector<1x512x128xf32>
    %get3A_14 = vector.shape_cast %get3A_13 : vector<1x512x128xf32> to vector<512x128xf32>
    %add3A = arith.addf %get3A_9, %get3A_14 : vector<512x128xf32>
    %div3A = vector.broadcast %max3A_4 : vector<512x1xf32> to vector<512x128xf32>
    %div3A_15 = arith.divf %add3A, %div3A : vector<512x128xf32>
    %get3A_16 = arith.constant 0 : index
    %get3A_17 = arith.constant 0 : index
    %get3A_18 = vector.load %arg4[%get3A_16, %get3A_17] : memref<128x128xf32, #tpu.memory_space<vmem>>, vector<128x128xf32>
    %dot_general3A = arith.constant dense<0.000000e+00> : vector<512x128xf32>
    %dot_general3A_19 = tpu.matmul %div3A_15, %get3A_18, %dot_general3A {dimension_numbers = #tpu.dot_dimension_numbers<[1], [0], [0], [1], [0, 0, 1, 1], [], []>, transpose_lhs_hint = false} : vector<512x128xf32>, vector<128x128xf32>, vector<512x128xf32> -> vector<512x128xf32>
    %get3A_20 = arith.constant 0 : index
    %get3A_21 = arith.constant 0 : index
    %get3A_22 = vector.load %arg3[%get3A_20, %get3A_21] : memref<512x128xf32, #tpu.memory_space<vmem>>, vector<512x128xf32>
    %get3A_23 = arith.constant 0 : index
    %get3A_24 = arith.constant 0 : index
    %get3A_25 = vector.load %arg5[%get3A_23, %get3A_24] : memref<128x128xf32, #tpu.memory_space<vmem>>, vector<128x128xf32>
    %dot_general3A_26 = arith.constant dense<0.000000e+00> : vector<512x128xf32>
    %dot_general3A_27 = tpu.matmul %get3A_22, %get3A_25, %dot_general3A_26 {dimension_numbers = #tpu.dot_dimension_numbers<[1], [0], [0], [1], [0, 0, 1, 1], [], []>, transpose_lhs_hint = false} : vector<512x128xf32>, vector<128x128xf32>, vector<512x128xf32> -> vector<512x128xf32>
    %add3A_28 = arith.addf %dot_general3A_19, %dot_general3A_27 : vector<512x128xf32>
    %get3A_29 = arith.constant 0 : index
    %get3A_30 = arith.constant 0 : index
    %get3A_31 = vector.load %arg6[%get3A_29, %get3A_30] : memref<8x128xf32, #tpu.memory_space<vmem>>, vector<1x128xf32>
    %add3A_32 = vector.broadcast %get3A_31 : vector<1x128xf32> to vector<512x128xf32>
    %add3A_33 = arith.addf %add3A_28, %add3A_32 : vector<512x128xf32>
    %max3A_34 = arith.constant 0.000000e+00 : f32
    %max3A_35 = vector.broadcast %max3A_34 : f32 to vector<512x128xf32>
    %max3A_36 = arith.maximumf %add3A_33, %max3A_35 : vector<512x128xf32>
    %swap3A = arith.constant 0 : index
    %swap3A_37 = arith.constant 0 : index
    %swap3A_38 = vector.load %arg7[%swap3A, %swap3A_37] : memref<512x128xf32, #tpu.memory_space<vmem>>, vector<512x128xf32>
    tpu.vector_store %arg7[%swap3A, %swap3A_37], %max3A_36 {strides = array<i32>} : memref<512x128xf32, #tpu.memory_space<vmem>>, vector<512x128xf32>,
    return
  }
  func.func @transform_0(%arg0: i32) -> (i32, i32, i32) {
    %c0_i32 = arith.constant 0 : i32
    %c0_i32_0 = arith.constant 0 : i32
    %c0_i32_1 = arith.constant 0 : i32
    return %c0_i32, %arg0, %c0_i32_0 : i32, i32, i32
  }
  func.func @transform_1(%arg0: i32) -> (i32, i32) {
    %c0_i32 = arith.constant 0 : i32
    %c0_i32_0 = arith.constant 0 : i32
    return %c0_i32, %arg0 : i32, i32
  }
  func.func @transform_2(%arg0: i32) -> (i32, i32) {
    %c0_i32 = arith.constant 0 : i32
    %c0_i32_0 = arith.constant 0 : i32
    return %arg0, %c0_i32 : i32, i32
  }
  func.func @transform_3(%arg0: i32) -> (i32, i32) {
    %c0_i32 = arith.constant 0 : i32
    %c0_i32_0 = arith.constant 0 : i32
    %c0_i32_1 = arith.constant 0 : i32
    return %c0_i32, %c0_i32_0 : i32, i32
  }
  func.func @transform_4(%arg0: i32) -> (i32, i32) {
    %c0_i32 = arith.constant 0 : i32
    %c0_i32_0 = arith.constant 0 : i32
    %c0_i32_1 = arith.constant 0 : i32
    return %c0_i32, %c0_i32_0 : i32, i32
  }
  func.func @transform_5(%arg0: i32) -> (i32, i32) {
    %c0_i32 = arith.constant 0 : i32
    %c0_i32_0 = arith.constant 0 : i32
    %c0_i32_1 = arith.constant 0 : i32
    return %c0_i32, %c0_i32_0 : i32, i32
  }
  func.func @transform_6(%arg0: i32) -> (i32, i32) {
    %c0_i32 = arith.constant 0 : i32
    %c0_i32_0 = arith.constant 0 : i32
    return %arg0, %c0_i32 : i32, i32
  }
}

</mosaic_0001>

<sc_bundles>
// kernel: kernel.5.cloned.1.call-start
scs
__scs_entry_jumppad:
0x0: {  	(pc) =	sbr.rel $0x88, $3  }
0x1: {  	(tag) =	ssettag $0x0;
	lr =	simm.s32 $0x1  }
0x2: {  	[smem:$0x3F98] =	sst lr;
	_ =	strace $0xD0000000  }
0x3: {  	_ = 	snop  }
0x4: {  	_ = 	snop  }
0x5: {  	_ = 	snop  }
0x6: {  	_ = 	snop  }
0x7: {  	_ = 	snop  }
__scs_overlays_trampoline_lowered:
0x8: {  	[smem:$0x3FA7] =	sst s0  }
0x9: {  	[smem:$0x3FA8] =	sst s1  }
0xa: {  	[smem:$0x3FA9] =	sst s2  }
0xb: {  	[smem:$0x3FAA] =	sst s3  }
0xc: {  	[smem:$0x3FAB] =	sst s4  }
0xd: {  	[smem:$0x3FAC] =	sst s5  }
0xe: {  	[smem:$0x3FAD] =	sst s6  }
0xf: {  	[smem:$0x3FAE] =	sst s7  }
0x10: {  	[smem:$0x3FAF] =	sst s8  }
0x11: {  	[smem:$0x3FB0] =	sst s9;
	s0 =	simm.s32 @!p0 $0x0  }
0x12: {  	s1 =	sld [smem:$0x3F96];
	s0 =	simm.s32 @p0 $0x1  }
0x13: {  	[smem:$0x3FB1] =	sst s0;
	s0 =	simm.s32 @!p1 $0x0  }
0x14: {  	s2 =	sld [smem:$0x3F95];
	s0 =	simm.s32 @p1 $0x1  }
0x15: {  	[smem:$0x3FB2] =	sst s0;
	s0 =	simm.s32 @!p2 $0x0  }
0x16: {  	s3 =	sld [smem:$0x3FDB];
	s0 =	simm.s32 @p2 $0x1  }
0x17: {  	s4 =	simm.s32 $0x1BF5;
	[smem:$0x3FB4] =	sst s0  }
0x18: {  	s0 =	sld [smem:$0x3F97];
	_ =	swait.ge [sflag:s4], $0x0  }
0x19: {  	s7 =	sld [smem:$0x3F98]  }
0x1a: {  	s8 =	sadd.s32 $0xFFFFE003, lr  }
0x1b: {  	s9 =	sadd.s32 $0xFFFFFEF7, lr;
	s5 =	simm.s32 $0xFFFFFFFF;
	p2 =	slt.u32 s8, $0xFFFFF086  }
0x1c: {  	p1 =	slt.u32 s9, $0xF7A;
	s5 =	simm.s32 @!p2 $0x0  }
0x1d: {  	s5 =	simm.s32 @p1 $0x1;
	p0 =	seq.s32 s7, s2  }
0x1e: {  	s7 =	smul.u32 @!p0 $0xF7A, s2;
	p2 =	seq.s32 @!p0 s5, $0x0  }
0x1f: {  	s9 =	smul.u32 $0xF7A, s1;
	s8 =	simm.s32 @!p0 $0x1BF5;
	p2 =	por !p2, p0  }
0x20: {  	[sflag:s8] =	ssyncset.s32 @!p0 $0xFFFFF086;
	s6 =	sadd.s32 @!p0 s3, s7;
	s7 =	simm.s32 @!p0 $0x108  }
0x21: {  	s3 =	sadd.s32 s3, s9;
	s6 =	sadd.s32 @!p0 $0x88, s6;
	s7 =	simm.s32 @p2 $0x1082  }
0x22: {  	[simem:s7], [sflag:s8] =	dma.local @!p0 [hbm:s6], $0xF7A  }
0x23: {  	s9 =	sor.u32 $0xD0000000, s2;
	s6 =	simm.s32 $0x108;
	_ =	swait.ge @!p0 [sflag:s8], $0x0  }
0x24: {  	s3 =	sadd.s32 $0x88, s3;
	s6 =	simm.s32 @!p1 $0x1082;
	[sflag:s4] =	ssyncset.s32 $0xFFFFF086  }
0x25: {  	[simem:s6], [sflag:s4] =	dma.local [hbm:s3], $0xF7A  }
0x26: {  	[smem:$0x3F98] =	sst s1;
	(tag) =	ssettag s2;
	_ =	strace s9  }
0x27: {  	s1 =	sld [smem:$0x3FA8]  }
0x28: {  	s2 =	sld [smem:$0x3FA9]  }
0x29: {  	s4 =	sld [smem:$0x3FAB]  }
0x2a: {  	p0 =	seq.s32 s5, $0x0;
	s5 =	sld [smem:$0x3FAC]  }
0x2b: {  	s6 =	sld [smem:$0x3FAD]  }
0x2c: {  	s7 =	sld [smem:$0x3FAE]  }
0x2d: {  	s3 =	simm.s32 $0x108;
	s8 =	sld [smem:$0x3FAF]  }
0x2e: {  	s3 =	simm.s32 @!p0 $0x1082;
	s9 =	sld [smem:$0x3FB0]  }
0x2f: {  	lr =	sadd.s32 s0, s3;
	s0 =	sld [smem:$0x3FA7]  }
0x30: {  	s3 =	sld [smem:$0x3FAA]  }
0x31: {  	[smem:$0x3FB3] =	sst s10  }
0x32: {  	s10 =	sld [smem:$0x3FB1];
	_ =	sdelay $0x3  }
0x33: {  	p0 =	seq.s32 s10, $0x1;
	s10 =	sld [smem:$0x3FB3];
	_ =	sdelay $0x3  }
0x34: {  	[smem:$0x3FB3] =	sst s10  }
0x35: {  	s10 =	sld [smem:$0x3FB2];
	_ =	sdelay $0x3  }
0x36: {  	p1 =	seq.s32 s10, $0x1;
	s10 =	sld [smem:$0x3FB3];
	_ =	sdelay $0x3  }
0x37: {  	[smem:$0x3FB3] =	sst s10  }
0x38: {  	s10 =	sld [smem:$0x3FB4]  }
0x39: {  	_ = 	snop;
	(pc) =	sbr.ind lr, $3  }
0x3a: {  	_ = 	snop  }
0x3b: {  	_ = 	snop  }
0x3c: {  	p2 =	seq.s32 s10, $0x1;
	s10 =	sld [smem:$0x3FB3]  }
0x3d: {  	_ =	shalt  }
0x3e: {  	_ =	shalt  }
0x3f: {  	_ =	shalt  }
0x40: {  	_ =	shalt  }
0x41: {  	_ =	shalt  }
0x42: {  	_ =	shalt  }
0x43: {  	_ =	shalt  }
0x44: {  	_ =	shalt  }
0x45: {  	_ =	shalt  }
0x46: {  	_ =	shalt  }
0x47: {  	_ =	shalt  }
0x48: {  	_ =	shalt  }
0x49: {  	_ =	shalt  }
0x4a: {  	_ =	shalt  }
0x4b: {  	_ =	shalt  }
0x4c: {  	_ =	shalt  }
0x4d: {  	_ =	shalt  }
0x4e: {  	_ =	shalt  }
0x4f: {  	_ =	shalt  }
0x50: {  	_ =	shalt  }
0x51: {  	_ =	shalt  }
0x52: {  	_ =	shalt  }
0x53: {  	_ =	shalt  }
0x54: {  	_ =	shalt  }
0x55: {  	_ =	shalt  }
0x56: {  	_ =	shalt  }
0x57: {  	_ =	shalt  }
0x58: {  	_ =	shalt  }
0x59: {  	_ =	shalt  }
0x5a: {  	_ =	shalt  }
0x5b: {  	_ =	shalt  }
0x5c: {  	_ =	shalt  }
0x5d: {  	_ =	shalt  }
0x5e: {  	_ =	shalt  }
0x5f: {  	_ =	shalt  }
0x60: {  	_ =	shalt  }
0x61: {  	_ =	shalt  }
0x62: {  	_ =	shalt  }
0x63: {  	_ =	shalt  }
0x64: {  	_ =	shalt  }
0x65: {  	_ =	shalt  }
0x66: {  	_ =	shalt  }
0x67: {  	_ =	shalt  }
0x68: {  	_ =	shalt  }
0x69: {  	_ =	shalt  }
0x6a: {  	_ =	shalt  }
0x6b: {  	_ =	shalt  }
0x6c: {  	_ =	shalt  }
0x6d: {  	_ =	shalt  }
0x6e: {  	_ =	shalt  }
0x6f: {  	_ =	shalt  }
0x70: {  	_ =	shalt  }
0x71: {  	_ =	shalt  }
0x72: {  	_ =	shalt  }
0x73: {  	_ =	shalt  }
0x74: {  	_ =	shalt  }
0x75: {  	_ =	shalt  }
0x76: {  	_ =	shalt  }
0x77: {  	_ =	shalt  }
0x78: {  	_ =	shalt  }
0x79: {  	_ =	shalt  }
0x7a: {  	_ =	shalt  }
0x7b: {  	_ =	shalt  }
0x7c: {  	_ =	shalt  }
0x7d: {  	_ =	shalt  }
0x7e: {  	_ =	shalt  }
0x7f: {  	_ =	shalt  }
0x80: {  	_ =	shalt  }
0x81: {  	_ =	shalt  }
0x82: {  	_ =	shalt  }
0x83: {  	_ =	shalt  }
0x84: {  	_ =	shalt  }
0x85: {  	_ =	shalt  }
0x86: {  	_ =	shalt  }
0x87: {  	_ =	shalt  }
.Lfunc_end0:
.L_simem_size_0:
called_computation_lowered:
.L_overlay_start_0:
0x88: {  	s2 =	sld [smem:$0x3FD9]  }
0x89: {  	s3 =	sld [smem:$0x3FFE];
	_ =	sdelay $0x1  }
0x8a: {  	s1 =	srdreg.scid  }
0x8b: {  	s0 =	sand.u32 $0x1, s1  }
0x8c: {  	s17 =	sshll.u32 s0, $0xA;
	s2 =	sadd.s32 s3, s2  }
0x8d: {  	s2 =	sadd.s32 s2, s17  }
0x8e: {  	[smem:$0x3FBF] =	sst s2  }
0x8f: {  	_ = 	snop  }
0x90: {  	s2 =	sld [smem:$0x3FC6];
	(tm) =	ssettm $0x1  }
0x91: {  	s18 =	sld [smem:$0x3FFB];
	_ =	sdelay $0x3  }
0x92: {  	_ =	strace s18  }
0x93: {  	s3 =	sld [smem:$0x3FFC];
	_ =	sdelay $0x3  }
0x94: {  	_ =	strace s3  }
0x95: {  	s3 =	sld [smem:$0x3FFD];
	_ =	sdelay $0x3  }
0x96: {  	_ =	strace s3  }
0x97: {  	_ =	strace $0x8FFFFFFF  }
0x98: {  	s19 =	sld [smem:$0x3FDB];
	_ =	sdelay $0x1  }
0x99: {  	s4 =	simm.s32 $_scs_section_size  }
0x9a: {  	s5 =	simm.s32 $_size__tile_overlayer_lowered;
	s6 =	simm.s32 $_tile_overlayer_lowered  }
0x9b: {  	s22 =	simm.s32 $0x1BFF;
	s21 =	sshll.u32 s6, $0x1;
	s3 =	sadd.s32 s4, s19  }
0x9c: {  	s7 =	simm.s32 $0x0;
	s20 =	sshll.u32 s5, $0x1;
	s5 =	sadd.s32 s21, s3  }
0x9d: {  	[timem:s7], [sflag:s22] =	dma.local [hbm:s5], s20  }
0x9e: {  	_ =	swait.ge [sflag:s22], s20  }
0x9f: {  	s4 =	ssub.s32 $0x0, s20;
	[sflag:s22] =	ssyncset.done $0x0  }
0xa0: {  	[sflag:s22] =	ssyncadd.s32 s4;
	_ =	sdelay $0x1  }
0xa1: {  	s23 =	simm.s32 $0x1B8B  }
0xa2: {  	_ =	swait.ge [sflag:s23], $0x1  }
0xa3: {  	[sflag:s23] =	ssyncset.done $0x0  }
0xa4: {  	s25 =	simm.s32 $0x1B8E;
	s24 =	sld [smem:$0x3FFE];
	[sflag:s23] =	ssyncadd.s32 $0xFFFFFFFF  }
0xa5: {  	s26 =	simm.s32 $execute0_lowered;
	[smem:$0x3FD2] =	sst s25  }
0xa6: {  	s5 =	sshll.u32 s26, $0x1;
	_ =	strace $0x80000046;
	[dreg:$0x1] =	wrdreg $0xFFFFFFFF  }
0xa7: {  	s28 =	simm.s32 $_size_execute0_lowered;
	s3 =	sadd.s32 s3, s5;
	[dreg:$0x0] =	wrdreg $0x0  }
0xa8: {  	s5 =	sshll.u32 s28, $0x1;
	[dreg:$0x2] =	wrdreg s3  }
0xa9: {  	[dreg:$0x3] =	wrdreg s5  }
0xaa: {  	[dreg:$0x4] =	wrdreg $0xC0  }
0xab: {  	_ =	task [dreg:s7], $0x5FFFF  }
0xac: {  	[dreg:$0x1] =	wrdreg $0xFFFFFFFF  }
0xad: {  	[dreg:$0x0] =	wrdreg $0x60  }
0xae: {  	[dreg:$0x2] =	wrdreg s2  }
0xaf: {  	[dreg:$0x3] =	wrdreg s24  }
0xb0: {  	[dreg:$0x4] =	wrdreg $0x0  }
0xb1: {  	[dreg:$0x5] =	wrdreg $0x9  }
0xb2: {  	_ =	task.clear_ibuf [dreg:s7], $0x6FFFF;
	_ =	strace $0x90000046  }
0xb3: {  	s29 =	simm.s32 $0x9;
	_ =	strace $0x80000048  }
0xb4: {  	_ =	swait.ge [sflag:s29], $0x1  }
0xb5: {  	[sflag:s29] =	ssyncadd.s32 $0xFFFFFFFF  }
0xb6: {  	_ =	strace $0x90000048  }
0xb7: {  	_ =	sfence  }
0xb8: {  	s30 =	sld [smem:$0x0];
	_ =	sdelay $0x2  }
0xb9: {  	s31 =	sshll.u32 s1, $0xD;
	s1 =	sshrl.u32 s1, $0x2  }
0xba: {  	s3 =	sand.u32 $0x4000, s31;
	s1 =	sadd.s32 s1, s30  }
0xbb: {  	s0 =	sor.u32 s3, s0;
	s1 =	sshll.u32 s1, $0x11  }
0xbc: {  	s0 =	sor.u32 s1, s0  }
0xbd: {  	s0 =	sadd.s32 $0x8F2B, s0  }
0xbe: {  	[sflag:s0] =	ssyncadd.remote.s32 $0x1  }
0xbf: {  	_ =	sfence.sel $0xFFFF  }
0xc0: {  	[dreg:$0x0] =	wrdreg $0xFFFFFFFF;
	(pc) =	sbr.abs _section_cstart, $3  }
0xc1: {  	[dreg:$0x1] =	wrdreg $0xFFFFFFFF  }
0xc2: {  	_ =	task.clear_ibuf [dreg:s7], $0x2FFFF;
	_ =	strace $0x9FFFFFFF  }
0xc3: {  	(tm) =	ssettm $0x7FFFFFFF  }
tec
execute0_lowered:
.L_overlay_start_1:
0x0: {  	(tag) =	ssettag $0x1  }
0x1: {  	s1 =	rddreg [dreg:$0x0]  }
0x2: {  	s0 =	rddreg [dreg:$0x1]  }
0x3: {  	s3 =	rddreg [dreg:$0x2]  }
0x4: {  	s4 =	simm.s32 $0x0;
	s2 =	srdreg.scid;
	s12 =	stileid.u32  }
0x5: {  	s2 =	sand.u32 $0x1, s2;
	s5 =	smul.u32 $0x120, s12;
	s6 =	sshll.u32 s12, $0x5  }
0x6: {  	[smem:$0x7FF] =	sst s4;
	s7 =	smul.u32 $0x14000, s12;
	s9 =	sadd.s32 $0x14E00, s0  }
0x7: {  	s10 =	sadd.s32 $0x6FA00, s0;
	p0 =	seq.s32 s2, $0x0;
	s6 =	sor.u32 $0x1200, s6  }
0x8: {  	_ =	strace $0x80000047;
	s15 =	smul.u32 $0x140000, s2;
	s8 =	sshll.u32 s2, $0x4  }
0x9: {  	[dreg:$0x4] =	wrdreg s9;
	s9 =	sadd.s32 $0x15400, s0;
	s2 =	ssub.s32 $0x2, s2  }
0xa: {  	s6 =	smov.u32 @p0 s5;
	s8 =	sor.u32 s12, s8;
	s12 =	smul.u32 $0x50000, s12  }
0xb: {  	s17 =	sshrl.u32 s2, $0x1;
	s6 =	sshll.u32 s6, $0x4;
	s16 =	smul.u32 $0x500, s8  }
0xc: {  	s5 =	sadd.s32 s7, s15;
	s11 =	smul.u32 $0x50, s8;
	s2 =	ssub.s32 s2, s17  }
0xd: {  	s24 =	smul.u32 $0x1400, s8;
	s6 =	sadd.s32 s6, s0;
	s5 =	sshrl.u32 s5, $0x3  }
0xe: {  	s18 =	sshrl.u32 s12, $0x2;
	s12 =	simm.s32 $0x90;
	s21 =	smax.u32 s2, $0x1  }
0xf: {  	s5 =	sadd.s32 s5, s0;
	s13 =	sadd.s32 s16, s0;
	s0 =	sadd.s32 s11, s0  }
0x10: {  	s7 =	sadd.s32 s18, s3;
	s12 =	simm.s32 @!p0 $0x10;
	[dreg:$0x9] =	wrdreg s21  }
0x11: {  	s11 =	smul.u32 $0x140, s8;
	[dreg:$0x5] =	wrdreg s12;
	s19 =	sadd.s32 $0x15A00, s13  }
0x12: {  	s30 =	sadd.s32 $0xE10, s6;
	s0 =	sadd.s32 $0x97A00, s0;
	[dreg:$0x6] =	wrdreg s19  }
0x13: {  	s6 =	simm.s32 $0x19300;
	s20 =	sadd.s32 $0x1FA00, s5;
	[dreg:$0x7] =	wrdreg s0  }
0x14: {  	s8 =	sadd.s32 $0xE000, s7;
	[dreg:$0x8] =	wrdreg s20;
	s22 =	sshrl.u32 s11, $0x3  }
0x15: {  	s23 =	sadd.s32 $0x40, s11;
	s26 =	sadd.s32 $0x80, s11;
	s28 =	sadd.s32 $0xC0, s11  }
0x16: {  	s17 =	sor.u32 $0x14000, s11;
	s0 =	sadd.s32 s9, s22;
	s25 =	sshrl.u32 s23, $0x3  }
0x17: {  	s29 =	sshrl.u32 s26, $0x3;
	s31 =	sshrl.u32 s28, $0x3;
	[dreg:$0xf] =	wrdreg s17  }
0x18: {  	s2 =	sshll.u32 s23, $0x4;
	s23 =	sadd.s32 $0x14040, s11;
	[dreg:$0xa] =	wrdreg s0  }
0x19: {  	s19 =	sshll.u32 s26, $0x4;
	s26 =	sadd.s32 $0x14100, s11;
	[dreg:$0x15] =	wrdreg s23  }
0x1a: {  	s20 =	sshll.u32 s28, $0x4;
	s28 =	sadd.s32 $0x2000, s7;
	[dreg:$0x18] =	wrdreg s26  }
0x1b: {  	s13 =	simm.s32 $0x14000;
	s5 =	sadd.s32 s9, s25;
	[dreg:$0x19] =	wrdreg s28  }
0x1c: {  	s14 =	sadd.s32 $0x100, s11;
	s12 =	sadd.s32 s9, s29;
	[dreg:$0xb] =	wrdreg s5  }
0x1d: {  	s16 =	sshrl.u32 s14, $0x3;
	s15 =	sadd.s32 s9, s31;
	[dreg:$0xc] =	wrdreg s12  }
0x1e: {  	s21 =	sshll.u32 s14, $0x4;
	s9 =	sadd.s32 s9, s16;
	[dreg:$0xd] =	wrdreg s15  }
0x1f: {  	s14 =	simm.s32 $0x40;
	s0 =	sadd.s32 s10, s24;
	[dreg:$0xe] =	wrdreg s9  }
0x20: {  	s17 =	simm.s32 $0x1;
	s18 =	sadd.s32 s10, s2;
	[dreg:$0x10] =	wrdreg s0  }
0x21: {  	s22 =	sadd.s32 s10, s21;
	s24 =	sadd.s32 $0x14080, s11;
	[dreg:$0x11] =	wrdreg s18  }
0x22: {  	s25 =	sadd.s32 $0x140C0, s11;
	s29 =	sadd.s32 $0x4000, s7;
	[dreg:$0x14] =	wrdreg s22  }
0x23: {  	s31 =	sadd.s32 $0x6000, s7;
	s2 =	sadd.s32 $0xA000, s7;
	[dreg:$0x16] =	wrdreg s24  }
0x24: {  	s11 =	simm.s32 $0x19600;
	s16 =	simm.s32 $0x19000;
	[dreg:$0x17] =	wrdreg s25  }
0x25: {  	s21 =	simm.s32 $0x19500;
	s23 =	simm.s32 $0x19380;
	[dreg:$0x1a] =	wrdreg s29  }
0x26: {  	s26 =	simm.s32 $0x0;
	s0 =	sadd.s32 s10, s19;
	[dreg:$0x1b] =	wrdreg s31  }
0x27: {  	s5 =	sadd.s32 $0xC000, s7;
	s9 =	sadd.s32 $0x10000, s7;
	s12 =	simm.s32 $0x3  }
0x28: {  	s15 =	simm.s32 $0x19580;
	s18 =	simm.s32 $0x19280;
	s19 =	simm.s32 $0x16800  }
0x29: {  	s22 =	simm.s32 $0x1B600;
	s24 =	simm.s32 $0x2;
	s25 =	simm.s32 $0x19400  }
0x2a: {  	[dreg:$0x12] =	wrdreg s0;
	s0 =	sadd.s32 s10, s20;
	s10 =	sadd.s32 $0x12000, s7  }
0x2b: {  	v0 =	vimm.f32 $0.0e+00;
	v1 =	vimm.f32 $1.000000000e+00;
	s20 =	simm.s32 $0x19480;
	[dreg:$0x13] =	wrdreg s0;
	s0 =	sadd.s32 $0x8000, s7  }
.LBB2_1:
0x2c: {  	s28 =	simm.s32 $0x0;
	s29 =	simm.s32 $0x200  }
.LBB2_2:
0x2d: {  	p0 =	sne.s32 s29, $0x7E00;
	[tilespmem:s28+$0x19670] =	vst v0  }
0x2e: {  	[tilespmem:s28+$0x19600] =	vst v0  }
0x2f: {  	[tilespmem:s28+$0x19610] =	vst v0  }
.Ltmp0:
0x30: {  	[tilespmem:s28+$0x19620] =	vst v0;
	(pc) =	sbr.rel @p0 .LBB2_2-.Ltmp0, $4  }
0x31: {  	[tilespmem:s28+$0x19630] =	vst v0  }
0x32: {  	[tilespmem:s28+$0x19640] =	vst v0  }
0x33: {  	[tilespmem:s28+$0x19650] =	vst v0  }
0x34: {  	[tilespmem:s28+$0x19660] =	vst v0;
	s28 =	sshra.s32 s29, $0x2;
	s29 =	sadd.s32 $0x200, s29  }
0x35: {  	[tilespmem:s28+$0x19670] =	vst v0  }
0x36: {  	[tilespmem:s28+$0x19600] =	vst v0  }
0x37: {  	[tilespmem:s28+$0x19610] =	vst v0  }
0x38: {  	[tilespmem:s28+$0x19620] =	vst v0  }
0x39: {  	[tilespmem:s28+$0x19630] =	vst v0  }
0x3a: {  	[tilespmem:s28+$0x19640] =	vst v0  }
0x3b: {  	[tilespmem:s28+$0x19650] =	vst v0  }
0x3c: {  	[tilespmem:s28+$0x19660] =	vst v0  }
0x3d: {  	[spmem:s7] =	stream.linear.scatter [tilespmem:s11], [sflag:$0x3], $0x2000, $0x38;
	[tilespmem:$0x1D600] =	vst v63  }
0x3e: {  	_ =	swait.ge [sflag:s12], $0x2000  }
0x3f: {  	[sflag:s12] =	ssyncset.done $0x0  }
0x40: {  	s28 =	rddreg [dreg:$0x19];
	[sflag:s12] =	ssyncadd.s32 $0xFFFFE000  }
0x41: {  	[spmem:s28] =	stream.linear.scatter [tilespmem:s11], [sflag:$0x3], $0x2000, $0x38;
	[tilespmem:$0x1D600] =	vst v63  }
0x42: {  	_ =	swait.ge [sflag:s12], $0x2000  }
0x43: {  	[sflag:s12] =	ssyncset.done $0x0  }
0x44: {  	s28 =	rddreg [dreg:$0x1a];
	[sflag:s12] =	ssyncadd.s32 $0xFFFFE000  }
0x45: {  	[spmem:s28] =	stream.linear.scatter [tilespmem:s11], [sflag:$0x3], $0x2000, $0x38;
	[tilespmem:$0x1D600] =	vst v63  }
0x46: {  	_ =	swait.ge [sflag:s12], $0x2000  }
0x47: {  	[sflag:s12] =	ssyncset.done $0x0  }
0x48: {  	s28 =	rddreg [dreg:$0x1b];
	[sflag:s12] =	ssyncadd.s32 $0xFFFFE000  }
0x49: {  	[spmem:s28] =	stream.linear.scatter [tilespmem:s11], [sflag:$0x3], $0x2000, $0x38;
	[tilespmem:$0x1D600] =	vst v63  }
0x4a: {  	_ =	swait.ge [sflag:s12], $0x2000  }
0x4b: {  	[sflag:s12] =	ssyncset.done $0x0  }
0x4c: {  	[sflag:s12] =	ssyncadd.s32 $0xFFFFE000  }
0x4d: {  	[spmem:s0] =	stream.linear.scatter [tilespmem:s11], [sflag:$0x3], $0x2000, $0x38;
	[tilespmem:$0x1D600] =	vst v63  }
0x4e: {  	_ =	swait.ge [sflag:s12], $0x2000  }
0x4f: {  	[sflag:s12] =	ssyncset.done $0x0  }
0x50: {  	[sflag:s12] =	ssyncadd.s32 $0xFFFFE000  }
0x51: {  	[spmem:s2] =	stream.linear.scatter [tilespmem:s11], [sflag:$0x3], $0x2000, $0x38;
	[tilespmem:$0x1D600] =	vst v63  }
0x52: {  	_ =	swait.ge [sflag:s12], $0x2000  }
0x53: {  	[sflag:s12] =	ssyncset.done $0x0  }
0x54: {  	[sflag:s12] =	ssyncadd.s32 $0xFFFFE000  }
0x55: {  	[spmem:s5] =	stream.linear.scatter [tilespmem:s11], [sflag:$0x3], $0x2000, $0x38;
	[tilespmem:$0x1D600] =	vst v63  }
0x56: {  	_ =	swait.ge [sflag:s12], $0x2000  }
0x57: {  	[sflag:s12] =	ssyncset.done $0x0  }
0x58: {  	[sflag:s12] =	ssyncadd.s32 $0xFFFFE000  }
0x59: {  	[spmem:s8] =	stream.linear.scatter [tilespmem:s11], [sflag:$0x3], $0x2000, $0x38;
	[tilespmem:$0x1D600] =	vst v63  }
0x5a: {  	_ =	swait.ge [sflag:s12], $0x2000  }
0x5b: {  	[sflag:s12] =	ssyncset.done $0x0  }
0x5c: {  	[sflag:s12] =	ssyncadd.s32 $0xFFFFE000  }
0x5d: {  	[spmem:s9] =	stream.linear.scatter [tilespmem:s11], [sflag:$0x3], $0x2000, $0x38;
	[tilespmem:$0x1D600] =	vst v63  }
0x5e: {  	_ =	swait.ge [sflag:s12], $0x2000  }
0x5f: {  	[sflag:s12] =	ssyncset.done $0x0  }
0x60: {  	[sflag:s12] =	ssyncadd.s32 $0xFFFFE000  }
0x61: {  	[spmem:s10] =	stream.linear.scatter [tilespmem:s11], [sflag:$0x3], $0x2000, $0x38;
	[tilespmem:$0x1D600] =	vst v63  }
0x62: {  	_ =	swait.ge [sflag:s12], $0x2000  }
0x63: {  	[sflag:s12] =	ssyncset.done $0x0  }
0x64: {  	s29 =	simm.s32 $0x0;
	s28 =	simm.s32 $0x40;
	[sflag:s12] =	ssyncadd.s32 $0xFFFFE000  }
.LBB2_4:
0x65: {  	p0 =	sne.s32 s28, $0x9FC0;
	[tilespmem:s29+$0x16800] =	vst v0;
	s29 =	smov.u32 s28;
	s28 =	sadd.s32 $0x40, s28  }
.Ltmp1:
0x66: {  	(pc) =	sbr.rel @p0 .LBB2_4-.Ltmp1, $2  }
0x67: {  	_ =	sdelay $0x2  }
0x68: {  	s29 =	sshra.s32 s29, $0x2  }
0x69: {  	[tilespmem:s29+$0x16800] =	vst v0  }
0x6a: {  	[tilespmem:$0x19000] =	vst v0  }
0x6b: {  	[tilespmem:$0x19010] =	vst v0  }
0x6c: {  	[tilespmem:$0x19020] =	vst v0  }
0x6d: {  	[tilespmem:$0x19030] =	vst v0  }
0x6e: {  	[tilespmem:$0x19040] =	vst v0  }
0x6f: {  	[tilespmem:$0x19050] =	vst v0  }
0x70: {  	[tilespmem:$0x19060] =	vst v0  }
0x71: {  	[tilespmem:$0x19070] =	vst v0  }
0x72: {  	[tilespmem:$0x19080] =	vst v0  }
0x73: {  	[tilespmem:$0x19090] =	vst v0  }
0x74: {  	[tilespmem:$0x190A0] =	vst v0  }
0x75: {  	[tilespmem:$0x190B0] =	vst v0  }
0x76: {  	[tilespmem:$0x190C0] =	vst v0  }
0x77: {  	[tilespmem:$0x190D0] =	vst v0  }
0x78: {  	[tilespmem:$0x190E0] =	vst v0  }
0x79: {  	[tilespmem:$0x190F0] =	vst v0  }
0x7a: {  	[tilespmem:$0x19100] =	vst v0  }
0x7b: {  	[tilespmem:$0x19110] =	vst v0  }
0x7c: {  	[tilespmem:$0x19120] =	vst v0  }
0x7d: {  	[tilespmem:$0x19130] =	vst v0  }
0x7e: {  	[tilespmem:$0x19140] =	vst v0  }
0x7f: {  	[tilespmem:$0x19150] =	vst v0  }
0x80: {  	[tilespmem:$0x19160] =	vst v0  }
0x81: {  	[tilespmem:$0x19170] =	vst v0  }
0x82: {  	[tilespmem:$0x19180] =	vst v0  }
0x83: {  	[tilespmem:$0x19190] =	vst v0  }
0x84: {  	[tilespmem:$0x191A0] =	vst v0  }
0x85: {  	[tilespmem:$0x191B0] =	vst v0  }
0x86: {  	[tilespmem:$0x191C0] =	vst v0  }
0x87: {  	[tilespmem:$0x191D0] =	vst v0  }
0x88: {  	[tilespmem:$0x191E0] =	vst v0  }
0x89: {  	[tilespmem:$0x191F0] =	vst v0  }
0x8a: {  	[tilespmem:$0x19200] =	vst v0  }
0x8b: {  	[tilespmem:$0x19210] =	vst v0  }
0x8c: {  	[tilespmem:$0x19220] =	vst v0  }
0x8d: {  	[tilespmem:$0x19230] =	vst v0  }
0x8e: {  	[tilespmem:$0x19240] =	vst v0  }
0x8f: {  	[tilespmem:$0x19250] =	vst v0  }
0x90: {  	[tilespmem:$0x19260] =	vst v0  }
0x91: {  	[tilespmem:$0x19270] =	vst v0  }
0x92: {  	[bflag:$0x0] =	sbarrier.arrive $0xFFFF  }
0x93: {  	s28 =	rddreg [dreg:$0x4]  }
0x94: {  	[tilespmem:s13], [sflag:$0x3] =	stream.linear.gather [hbm4b:s28+s4], $0x2800, $0x38;
	[tilespmem:$0x1D600] =	vst v63  }
0x95: {  	_ =	swait.ge [sflag:s12], $0x2800  }
0x96: {  	[sflag:s12] =	ssyncset.done $0x0  }
0x97: {  	s28 =	rddreg [dreg:$0xf];
	[sflag:s12] =	ssyncadd.s32 $0xFFFFD800  }
0x98: {  	[tilespmem:s11], [sflag:$0x1] =	stream.indirect.gather [hbm4b:s1+s14], $0x80, s28, s14, $0xb8;
	[tilespmem:$0x1D600] =	vst v63  }
0x99: {  	s28 =	rddreg [dreg:$0xa]  }
0x9a: {  	[tilespmem:s15], [sflag:$0x3] =	stream.linear.gather [hbm4b:s28+s4], $0x40, $0x38;
	[tilespmem:$0x1D600] =	vst v63  }
0x9b: {  	_ =	swait.ge [sflag:s12], $0x40  }
0x9c: {  	[sflag:s12] =	ssyncset.done $0x0  }
0x9d: {  	[sflag:s12] =	ssyncadd.s32 $0xFFFFFFC0  }
0x9e: {  	v2 =	vld [tilespmem:$0x19580];
	_ =	sdelay $0x7  }
0x9f: {  	[tilespmem:v2+s16+$0x0] =	vst.idx.add.f32.msk $0xffff, v1  }
0xa0: {  	v2 =	vld [tilespmem:$0x19590];
	_ =	sdelay $0x7  }
0xa1: {  	[tilespmem:v2+s16+$0x0] =	vst.idx.add.f32.msk $0xffff, v1  }
0xa2: {  	v2 =	vld [tilespmem:$0x195A0];
	_ =	sdelay $0x7  }
0xa3: {  	[tilespmem:v2+s16+$0x0] =	vst.idx.add.f32.msk $0xffff, v1  }
0xa4: {  	v2 =	vld [tilespmem:$0x195B0];
	_ =	sdelay $0x7  }
0xa5: {  	[tilespmem:v2+s16+$0x0] =	vst.idx.add.f32.msk $0xffff, v1  }
0xa6: {  	_ =	swait.ge [sflag:s17], $0x2000  }
0xa7: {  	[sflag:s17] =	ssyncset.done $0x0  }
0xa8: {  	s28 =	rddreg [dreg:$0x10];
	[sflag:s17] =	ssyncadd.s32 $0xFFFFE000  }
0xa9: {  	[hbm4b:s28+s4] =	stream.linear.scatter [tilespmem:s11], [sflag:$0x3], $0x2000, $0x38;
	[tilespmem:$0x1D600] =	vst v63  }
0xaa: {  	_ =	swait.ge [sflag:s12], $0x2000  }
0xab: {  	[sflag:s12] =	ssyncset.done $0x0  }
0xac: {  	s28 =	rddreg [dreg:$0x15];
	[sflag:s12] =	ssyncadd.s32 $0xFFFFE000  }
0xad: {  	[tilespmem:s11], [sflag:$0x1] =	stream.indirect.gather [hbm4b:s1+s14], $0x80, s28, s14, $0xb8;
	[tilespmem:$0x1D600] =	vst v63  }
0xae: {  	s28 =	rddreg [dreg:$0xb]  }
0xaf: {  	[tilespmem:s15], [sflag:$0x3] =	stream.linear.gather [hbm4b:s28+s4], $0x40, $0x38;
	[tilespmem:$0x1D600] =	vst v63  }
0xb0: {  	_ =	swait.ge [sflag:s12], $0x40  }
0xb1: {  	[sflag:s12] =	ssyncset.done $0x0  }
0xb2: {  	[sflag:s12] =	ssyncadd.s32 $0xFFFFFFC0  }
0xb3: {  	v2 =	vld [tilespmem:$0x19580];
	_ =	sdelay $0x7  }
0xb4: {  	[tilespmem:v2+s16+$0x0] =	vst.idx.add.f32.msk $0xffff, v1  }
0xb5: {  	v2 =	vld [tilespmem:$0x19590];
	_ =	sdelay $0x7  }
0xb6: {  	[tilespmem:v2+s16+$0x0] =	vst.idx.add.f32.msk $0xffff, v1  }
0xb7: {  	v2 =	vld [tilespmem:$0x195A0];
	_ =	sdelay $0x7  }
0xb8: {  	[tilespmem:v2+s16+$0x0] =	vst.idx.add.f32.msk $0xffff, v1  }
0xb9: {  	v2 =	vld [tilespmem:$0x195B0];
	_ =	sdelay $0x7  }
0xba: {  	[tilespmem:v2+s16+$0x0] =	vst.idx.add.f32.msk $0xffff, v1  }
0xbb: {  	_ =	swait.ge [sflag:s17], $0x2000  }
0xbc: {  	[sflag:s17] =	ssyncset.done $0x0  }
0xbd: {  	s28 =	rddreg [dreg:$0x11];
	[sflag:s17] =	ssyncadd.s32 $0xFFFFE000  }
0xbe: {  	[hbm4b:s28+s4] =	stream.linear.scatter [tilespmem:s11], [sflag:$0x3], $0x2000, $0x38;
	[tilespmem:$0x1D600] =	vst v63  }
0xbf: {  	_ =	swait.ge [sflag:s12], $0x2000  }
0xc0: {  	[sflag:s12] =	ssyncset.done $0x0  }
0xc1: {  	s28 =	rddreg [dreg:$0x16];
	[sflag:s12] =	ssyncadd.s32 $0xFFFFE000  }
0xc2: {  	[tilespmem:s11], [sflag:$0x1] =	stream.indirect.gather [hbm4b:s1+s14], $0x80, s28, s14, $0xb8;
	[tilespmem:$0x1D600] =	vst v63  }
0xc3: {  	s28 =	rddreg [dreg:$0xc]  }
0xc4: {  	[tilespmem:s15], [sflag:$0x3] =	stream.linear.gather [hbm4b:s28+s4], $0x40, $0x38;
	[tilespmem:$0x1D600] =	vst v63  }
0xc5: {  	_ =	swait.ge [sflag:s12], $0x40  }
0xc6: {  	[sflag:s12] =	ssyncset.done $0x0  }
0xc7: {  	[sflag:s12] =	ssyncadd.s32 $0xFFFFFFC0  }
0xc8: {  	v2 =	vld [tilespmem:$0x19580];
	_ =	sdelay $0x7  }
0xc9: {  	[tilespmem:v2+s16+$0x0] =	vst.idx.add.f32.msk $0xffff, v1  }
0xca: {  	v2 =	vld [tilespmem:$0x19590];
	_ =	sdelay $0x7  }
0xcb: {  	[tilespmem:v2+s16+$0x0] =	vst.idx.add.f32.msk $0xffff, v1  }
0xcc: {  	v2 =	vld [tilespmem:$0x195A0];
	_ =	sdelay $0x7  }
0xcd: {  	[tilespmem:v2+s16+$0x0] =	vst.idx.add.f32.msk $0xffff, v1  }
0xce: {  	v2 =	vld [tilespmem:$0x195B0];
	_ =	sdelay $0x7  }
0xcf: {  	[tilespmem:v2+s16+$0x0] =	vst.idx.add.f32.msk $0xffff, v1  }
0xd0: {  	_ =	swait.ge [sflag:s17], $0x2000  }
0xd1: {  	[sflag:s17] =	ssyncset.done $0x0  }
0xd2: {  	s28 =	rddreg [dreg:$0x12];
	[sflag:s17] =	ssyncadd.s32 $0xFFFFE000  }
0xd3: {  	[hbm4b:s28+s4] =	stream.linear.scatter [tilespmem:s11], [sflag:$0x3], $0x2000, $0x38;
	[tilespmem:$0x1D600] =	vst v63  }
0xd4: {  	_ =	swait.ge [sflag:s12], $0x2000  }
0xd5: {  	[sflag:s12] =	ssyncset.done $0x0  }
0xd6: {  	s28 =	rddreg [dreg:$0x17];
	[sflag:s12] =	ssyncadd.s32 $0xFFFFE000  }
0xd7: {  	[tilespmem:s11], [sflag:$0x1] =	stream.indirect.gather [hbm4b:s1+s14], $0x80, s28, s14, $0xb8;
	[tilespmem:$0x1D600] =	vst v63  }
0xd8: {  	s28 =	rddreg [dreg:$0xd]  }
0xd9: {  	[tilespmem:s15], [sflag:$0x3] =	stream.linear.gather [hbm4b:s28+s4], $0x40, $0x38;
	[tilespmem:$0x1D600] =	vst v63  }
0xda: {  	_ =	swait.ge [sflag:s12], $0x40  }
0xdb: {  	[sflag:s12] =	ssyncset.done $0x0  }
0xdc: {  	[sflag:s12] =	ssyncadd.s32 $0xFFFFFFC0  }
0xdd: {  	v2 =	vld [tilespmem:$0x19580];
	_ =	sdelay $0x7  }
0xde: {  	[tilespmem:v2+s16+$0x0] =	vst.idx.add.f32.msk $0xffff, v1  }
0xdf: {  	v2 =	vld [tilespmem:$0x19590];
	_ =	sdelay $0x7  }
0xe0: {  	[tilespmem:v2+s16+$0x0] =	vst.idx.add.f32.msk $0xffff, v1  }
0xe1: {  	v2 =	vld [tilespmem:$0x195A0];
	_ =	sdelay $0x7  }
0xe2: {  	[tilespmem:v2+s16+$0x0] =	vst.idx.add.f32.msk $0xffff, v1  }
0xe3: {  	v2 =	vld [tilespmem:$0x195B0];
	_ =	sdelay $0x7  }
0xe4: {  	[tilespmem:v2+s16+$0x0] =	vst.idx.add.f32.msk $0xffff, v1  }
0xe5: {  	_ =	swait.ge [sflag:s17], $0x2000  }
0xe6: {  	[sflag:s17] =	ssyncset.done $0x0  }
0xe7: {  	s28 =	rddreg [dreg:$0x13];
	[sflag:s17] =	ssyncadd.s32 $0xFFFFE000  }
0xe8: {  	[hbm4b:s28+s4] =	stream.linear.scatter [tilespmem:s11], [sflag:$0x3], $0x2000, $0x38;
	[tilespmem:$0x1D600] =	vst v63  }
0xe9: {  	_ =	swait.ge [sflag:s12], $0x2000  }
0xea: {  	[sflag:s12] =	ssyncset.done $0x0  }
0xeb: {  	s28 =	rddreg [dreg:$0x18];
	[sflag:s12] =	ssyncadd.s32 $0xFFFFE000  }
0xec: {  	[tilespmem:s11], [sflag:$0x1] =	stream.indirect.gather [hbm4b:s1+s14], $0x80, s28, s14, $0xb8;
	[tilespmem:$0x1D600] =	vst v63  }
0xed: {  	s28 =	rddreg [dreg:$0xe]  }
0xee: {  	[tilespmem:s15], [sflag:$0x3] =	stream.linear.gather [hbm4b:s28+s4], $0x40, $0x38;
	[tilespmem:$0x1D600] =	vst v63  }
0xef: {  	_ =	swait.ge [sflag:s12], $0x40  }
0xf0: {  	[sflag:s12] =	ssyncset.done $0x0  }
0xf1: {  	[sflag:s12] =	ssyncadd.s32 $0xFFFFFFC0  }
0xf2: {  	v2 =	vld [tilespmem:$0x19580];
	_ =	sdelay $0x7  }
0xf3: {  	[tilespmem:v2+s16+$0x0] =	vst.idx.add.f32.msk $0xffff, v1  }
0xf4: {  	v2 =	vld [tilespmem:$0x19590];
	_ =	sdelay $0x7  }
0xf5: {  	[tilespmem:v2+s16+$0x0] =	vst.idx.add.f32.msk $0xffff, v1  }
0xf6: {  	v2 =	vld [tilespmem:$0x195A0];
	_ =	sdelay $0x7  }
0xf7: {  	[tilespmem:v2+s16+$0x0] =	vst.idx.add.f32.msk $0xffff, v1  }
0xf8: {  	v2 =	vld [tilespmem:$0x195B0];
	_ =	sdelay $0x7  }
0xf9: {  	[tilespmem:v2+s16+$0x0] =	vst.idx.add.f32.msk $0xffff, v1  }
0xfa: {  	_ =	swait.ge [sflag:s17], $0x2000  }
0xfb: {  	[sflag:s17] =	ssyncset.done $0x0  }
0xfc: {  	s28 =	rddreg [dreg:$0x14];
	[sflag:s17] =	ssyncadd.s32 $0xFFFFE000  }
0xfd: {  	[hbm4b:s28+s4] =	stream.linear.scatter [tilespmem:s11], [sflag:$0x3], $0x2000, $0x38;
	[tilespmem:$0x1D600] =	vst v63  }
0xfe: {  	_ =	swait.ge [sflag:s12], $0x2000  }
0xff: {  	[sflag:s12] =	ssyncset.done $0x0  }
0x100: {  	s28 =	smov.u32 s30;
	s29 =	rddreg [dreg:$0x5];
	[sflag:s12] =	ssyncadd.s32 $0xFFFFE000  }
.LBB2_6:
0x101: {  	s31 =	sadd.s32 $0xFFFFFFF0, s28  }
0x102: {  	[tilespmem:s18], [sflag:$0x3] =	stream.linear.gather [hbm4b:s31+s4], $0x80, $0x38;
	[tilespmem:$0x1D600] =	vst v63  }
0x103: {  	_ =	swait.ge [sflag:s12], $0x80  }
0x104: {  	[sflag:s12] =	ssyncset.done $0x0  }
0x105: {  	[sflag:s12] =	ssyncadd.s32 $0xFFFFFF80  }
0x106: {  	v2 =	vld [tilespmem:$0x19280];
	_ =	sdelay $0x5  }
0x107: {  	v3 =	vld [tilespmem:$0x192C0];
	_ =	sdelay $0x1  }
0x108: {  	v2 =	vld.idx.msk [tilespmem:v2+s13+$0x0], $0xffff;
	_ =	sdelay $0x3  }
0x109: {  	[tilespmem:$0x19380] =	vst v3  }
0x10a: {  	[tilespmem:$0x19480] =	vst v2  }
0x10b: {  	[tilespmem:v3+s19+$0x0] =	vst.idx.add.f32.msk $0xffff, v1  }
0x10c: {  	v2 =	vld [tilespmem:$0x19290];
	_ =	sdelay $0x5  }
0x10d: {  	v3 =	vld [tilespmem:$0x192D0];
	_ =	sdelay $0x1  }
0x10e: {  	v2 =	vld.idx.msk [tilespmem:v2+s13+$0x0], $0xffff;
	_ =	sdelay $0x3  }
0x10f: {  	[tilespmem:$0x19390] =	vst v3  }
0x110: {  	[tilespmem:$0x19490] =	vst v2  }
0x111: {  	[tilespmem:v3+s19+$0x0] =	vst.idx.add.f32.msk $0xffff, v1  }
0x112: {  	v2 =	vld [tilespmem:$0x192A0];
	_ =	sdelay $0x5  }
0x113: {  	v3 =	vld [tilespmem:$0x192E0];
	_ =	sdelay $0x1  }
0x114: {  	v2 =	vld.idx.msk [tilespmem:v2+s13+$0x0], $0xffff;
	_ =	sdelay $0x3  }
0x115: {  	[tilespmem:$0x193A0] =	vst v3  }
0x116: {  	[tilespmem:$0x194A0] =	vst v2  }
0x117: {  	[tilespmem:v3+s19+$0x0] =	vst.idx.add.f32.msk $0xffff, v1  }
0x118: {  	v2 =	vld [tilespmem:$0x192B0];
	_ =	sdelay $0x5  }
0x119: {  	v3 =	vld [tilespmem:$0x192F0];
	_ =	sdelay $0x1  }
0x11a: {  	v2 =	vld.idx.msk [tilespmem:v2+s13+$0x0], $0xffff;
	_ =	sdelay $0x3  }
0x11b: {  	[tilespmem:$0x193B0] =	vst v3  }
0x11c: {  	[tilespmem:$0x194B0] =	vst v2  }
0x11d: {  	[tilespmem:v3+s19+$0x0] =	vst.idx.add.f32.msk $0xffff, v1  }
0x11e: {  	[tilespmem:s11], [sflag:$0x1] =	stream.indirect.gather [hbm4b:s1+s14], $0x80, s20, s14, $0xb8;
	[tilespmem:$0x1D600] =	vst v63  }
0x11f: {  	_ = 	snop  }
0x120: {  	[tilespmem:s6], [sflag:$0x3] =	stream.linear.gather [hbm4b:s28+s4], $0x80, $0x38;
	[tilespmem:$0x1D600] =	vst v63  }
0x121: {  	_ =	swait.ge [sflag:s12], $0x80  }
0x122: {  	[sflag:s12] =	ssyncset.done $0x0  }
0x123: {  	[sflag:s12] =	ssyncadd.s32 $0xFFFFFF80  }
0x124: {  	v2 =	vld [tilespmem:$0x19300];
	_ =	sdelay $0x5  }
0x125: {  	v3 =	vld [tilespmem:$0x19340];
	_ =	sdelay $0x1  }
0x126: {  	v2 =	vld.idx.msk [tilespmem:v2+s13+$0x0], $0xffff;
	_ =	sdelay $0x3  }
0x127: {  	[tilespmem:$0x19400] =	vst v3  }
0x128: {  	[tilespmem:$0x19500] =	vst v2  }
0x129: {  	[tilespmem:v3+s19+$0x0] =	vst.idx.add.f32.msk $0xffff, v1  }
0x12a: {  	v2 =	vld [tilespmem:$0x19310];
	_ =	sdelay $0x5  }
0x12b: {  	v3 =	vld [tilespmem:$0x19350];
	_ =	sdelay $0x1  }
0x12c: {  	v2 =	vld.idx.msk [tilespmem:v2+s13+$0x0], $0xffff;
	_ =	sdelay $0x3  }
0x12d: {  	[tilespmem:$0x19410] =	vst v3  }
0x12e: {  	[tilespmem:$0x19510] =	vst v2  }
0x12f: {  	[tilespmem:v3+s19+$0x0] =	vst.idx.add.f32.msk $0xffff, v1  }
0x130: {  	v2 =	vld [tilespmem:$0x19320];
	_ =	sdelay $0x5  }
0x131: {  	v3 =	vld [tilespmem:$0x19360];
	_ =	sdelay $0x1  }
0x132: {  	v2 =	vld.idx.msk [tilespmem:v2+s13+$0x0], $0xffff;
	_ =	sdelay $0x3  }
0x133: {  	[tilespmem:$0x19420] =	vst v3  }
0x134: {  	[tilespmem:$0x19520] =	vst v2  }
0x135: {  	[tilespmem:v3+s19+$0x0] =	vst.idx.add.f32.msk $0xffff, v1  }
0x136: {  	v2 =	vld [tilespmem:$0x19330];
	_ =	sdelay $0x5  }
0x137: {  	v3 =	vld [tilespmem:$0x19370];
	_ =	sdelay $0x1  }
0x138: {  	v2 =	vld.idx.msk [tilespmem:v2+s13+$0x0], $0xffff;
	_ =	sdelay $0x3  }
0x139: {  	[tilespmem:$0x19430] =	vst v3  }
0x13a: {  	[tilespmem:$0x19530] =	vst v2  }
0x13b: {  	[tilespmem:v3+s19+$0x0] =	vst.idx.add.f32.msk $0xffff, v1  }
0x13c: {  	[tilespmem:s22], [sflag:$0x2] =	stream.indirect.gather [hbm4b:s1+s14], $0x80, s21, s14, $0xb8;
	[tilespmem:$0x1D600] =	vst v63  }
0x13d: {  	_ =	swait.ge [sflag:s17], $0x2000  }
0x13e: {  	[sflag:s17] =	ssyncset.done $0x0  }
0x13f: {  	[sflag:s17] =	ssyncadd.s32 $0xFFFFE000  }
0x140: {  	[spmem:s3] =	stream.indirect.scatter.add.f32 [tilespmem:s11], [sflag:$0x3], $0x80, s23, s14, $0xb8;
	[tilespmem:$0x1D600] =	vst v63  }
0x141: {  	_ =	swait.ge [sflag:s12], $0x2000  }
0x142: {  	[sflag:s12] =	ssyncset.done $0x0  }
0x143: {  	[sflag:s12] =	ssyncadd.s32 $0xFFFFE000  }
0x144: {  	_ =	swait.ge [sflag:s24], $0x2000  }
0x145: {  	p0 =	sne.s32 s29, $0x1;
	[sflag:s24] =	ssyncset.done $0x0  }
.Ltmp2:
0x146: {  	[sflag:s24] =	ssyncadd.s32 $0xFFFFE000;
	(pc) =	sbr.rel @p0 .LBB2_6-.Ltmp2, $4  }
0x147: {  	[spmem:s3] =	stream.indirect.scatter.add.f32 [tilespmem:s22], [sflag:$0x3], $0x80, s25, s14, $0xb8;
	[tilespmem:$0x1D600] =	vst v63  }
0x148: {  	_ =	swait.ge [sflag:s12], $0x2000  }
0x149: {  	[sflag:s12] =	ssyncset.done $0x0  }
0x14a: {  	s29 =	sadd.s32 $0xFFFFFFFF, s29;
	s28 =	sadd.s32 $0x20, s28;
	[sflag:s12] =	ssyncadd.s32 $0xFFFFE000  }
0x14b: {  	[bflag:$0x0] =	sbarrier.arrive $0xFFFF  }
0x14c: {  	s28 =	rddreg [dreg:$0x6]  }
0x14d: {  	[hbm4b:s28+s4] =	stream.linear.scatter [tilespmem:s19], [sflag:$0x3], $0x2800, $0x38;
	[tilespmem:$0x1D600] =	vst v63  }
0x14e: {  	_ =	swait.ge [sflag:s12], $0x2800  }
0x14f: {  	[sflag:s12] =	ssyncset.done $0x0  }
0x150: {  	s31 =	rddreg [dreg:$0x7];
	[sflag:s12] =	ssyncadd.s32 $0xFFFFD800  }
0x151: {  	[hbm4b:s31+s4] =	stream.linear.scatter [tilespmem:s16], [sflag:$0x3], $0x280, $0x38;
	[tilespmem:$0x1D600] =	vst v63  }
0x152: {  	s29 =	stileid.u32;
	_ =	swait.ge [sflag:s12], $0x280  }
0x153: {  	s28 =	sshll.u32 s29, $0x6;
	s29 =	sshrl.u32 s7, $0x3;
	[sflag:s12] =	ssyncset.done $0x0  }
0x154: {  	s28 =	sor.u32 $0x1C03, s28;
	s31 =	rddreg [dreg:$0x8];
	[sflag:s12] =	ssyncadd.s32 $0xFFFFFD80  }
0x155: {  	[hbm:s31], [sflag:s28] =	dma.local [spmem:s29], $0x2800  }
0x156: {  	_ =	swait.ge [sflag:s12], $0x2800  }
0x157: {  	s26 =	sadd.s32 $0x1, s26;
	s31 =	rddreg [dreg:$0x9]  }
0x158: {  	p0 =	sne.s32 s26, s31  }
.Ltmp3:
0x159: {  	_ = 	snop;
	(pc) =	sbr.rel @p0 .LBB2_1-.Ltmp3, $3  }
0x15a: {  	_ =	sdelay $0x1  }
0x15b: {  	[sflag:s12] =	ssyncset.done $0x0  }
0x15c: {  	[sflag:s12] =	ssyncadd.s32 $0xFFFFD800  }
0x15d: {  	_ =	sfence.sel $0x180000  }
0x15e: {  	[bflag:$0x0] =	sbarrier.arrive $0xFFFF  }
0x15f: {  	_ =	strace $0x90000047  }
0x160: {  	s0 =	stileid.u32;
	[bflag:$0x2] =	sbarrier.arrive $0xFFFF  }
0x161: {  	p0 =	sne.s32 s0, $0x0;
	s0 =	rddreg [dreg:$0x3]  }
0x162: {  	s0 =	sadd.s32 @!p0 $0x100000, s0  }
0x163: {  	[sflag:s0] =	ssyncadd.tile.s32 @!p0 $0x1;
	_ =	shalt  }
.Lfunc_end2:
_tile_overlayer_lowered:
.L_overlay_start_2:
0x164: {  	(tag) =	ssettag $0x2  }
0x165: {  	s0 =	rddreg [dreg:$0x0];
	s2 =	stileid.u32  }
0x166: {  	s1 =	rddreg [dreg:$0x1];
	p0 =	sne.s32 s2, $0x0  }
0x167: {  	s3 =	rddreg [dreg:$0x2];
	[bflag:$0x3] =	sbarrier.arrive $0xFFFF;
	s2 =	simm.s32 @!p0 $0x1C03  }
0x168: {  	[timem:s3], [sflag:s2] =	dma.local @!p0 [hbm:s0], s1  }
0x169: {  	s0 =	simm.s32 @!p0 $0x3  }
0x16a: {  	_ =	swait.ge @!p0 [sflag:s0], s1  }
0x16b: {  	s1 =	ssub.s32 @!p0 $0x0, s1;
	[sflag:s0] =	ssyncset.done @!p0 $0x0  }
0x16c: {  	[sflag:s0] =	ssyncadd.s32 @!p0 s1  }
0x16d: {  	[bflag:$0x3] =	sbarrier.arrive $0xFFFF  }
0x16e: {  	_ =	shalt  }

// kernel: kernel.8.cloned.1.call-start
scs
__scs_entry_jumppad:
0x0: {  	(pc) =	sbr.rel $0x88, $3  }
0x1: {  	(tag) =	ssettag $0x0;
	lr =	simm.s32 $0x1  }
0x2: {  	[smem:$0x3F98] =	sst lr;
	_ =	strace $0xD0000000  }
0x3: {  	_ = 	snop  }
0x4: {  	_ = 	snop  }
0x5: {  	_ = 	snop  }
0x6: {  	_ = 	snop  }
0x7: {  	_ = 	snop  }
__scs_overlays_trampoline_lowered:
0x8: {  	[smem:$0x3FA7] =	sst s0  }
0x9: {  	[smem:$0x3FA8] =	sst s1  }
0xa: {  	[smem:$0x3FA9] =	sst s2  }
0xb: {  	[smem:$0x3FAA] =	sst s3  }
0xc: {  	[smem:$0x3FAB] =	sst s4  }
0xd: {  	[smem:$0x3FAC] =	sst s5  }
0xe: {  	[smem:$0x3FAD] =	sst s6  }
0xf: {  	[smem:$0x3FAE] =	sst s7  }
0x10: {  	[smem:$0x3FAF] =	sst s8  }
0x11: {  	[smem:$0x3FB0] =	sst s9;
	s0 =	simm.s32 @!p0 $0x0  }
0x12: {  	s1 =	sld [smem:$0x3F96];
	s0 =	simm.s32 @p0 $0x1  }
0x13: {  	[smem:$0x3FB1] =	sst s0;
	s0 =	simm.s32 @!p1 $0x0  }
0x14: {  	s2 =	sld [smem:$0x3F95];
	s0 =	simm.s32 @p1 $0x1  }
0x15: {  	[smem:$0x3FB2] =	sst s0;
	s0 =	simm.s32 @!p2 $0x0  }
0x16: {  	s3 =	sld [smem:$0x3FDB];
	s0 =	simm.s32 @p2 $0x1  }
0x17: {  	s4 =	simm.s32 $0x1BF5;
	[smem:$0x3FB4] =	sst s0  }
0x18: {  	s0 =	sld [smem:$0x3F97];
	_ =	swait.ge [sflag:s4], $0x0  }
0x19: {  	s7 =	sld [smem:$0x3F98]  }
0x1a: {  	s8 =	sadd.s32 $0xFFFFE003, lr  }
0x1b: {  	s9 =	sadd.s32 $0xFFFFFEF7, lr;
	s5 =	simm.s32 $0xFFFFFFFF;
	p2 =	slt.u32 s8, $0xFFFFF086  }
0x1c: {  	p1 =	slt.u32 s9, $0xF7A;
	s5 =	simm.s32 @!p2 $0x0  }
0x1d: {  	s5 =	simm.s32 @p1 $0x1;
	p0 =	seq.s32 s7, s2  }
0x1e: {  	s7 =	smul.u32 @!p0 $0xF7A, s2;
	p2 =	seq.s32 @!p0 s5, $0x0  }
0x1f: {  	s9 =	smul.u32 $0xF7A, s1;
	s8 =	simm.s32 @!p0 $0x1BF5;
	p2 =	por !p2, p0  }
0x20: {  	[sflag:s8] =	ssyncset.s32 @!p0 $0xFFFFF086;
	s6 =	sadd.s32 @!p0 s3, s7;
	s7 =	simm.s32 @!p0 $0x108  }
0x21: {  	s3 =	sadd.s32 s3, s9;
	s6 =	sadd.s32 @!p0 $0x88, s6;
	s7 =	simm.s32 @p2 $0x1082  }
0x22: {  	[simem:s7], [sflag:s8] =	dma.local @!p0 [hbm:s6], $0xF7A  }
0x23: {  	s9 =	sor.u32 $0xD0000000, s2;
	s6 =	simm.s32 $0x108;
	_ =	swait.ge @!p0 [sflag:s8], $0x0  }
0x24: {  	s3 =	sadd.s32 $0x88, s3;
	s6 =	simm.s32 @!p1 $0x1082;
	[sflag:s4] =	ssyncset.s32 $0xFFFFF086  }
0x25: {  	[simem:s6], [sflag:s4] =	dma.local [hbm:s3], $0xF7A  }
0x26: {  	[smem:$0x3F98] =	sst s1;
	(tag) =	ssettag s2;
	_ =	strace s9  }
0x27: {  	s1 =	sld [smem:$0x3FA8]  }
0x28: {  	s2 =	sld [smem:$0x3FA9]  }
0x29: {  	s4 =	sld [smem:$0x3FAB]  }
0x2a: {  	p0 =	seq.s32 s5, $0x0;
	s5 =	sld [smem:$0x3FAC]  }
0x2b: {  	s6 =	sld [smem:$0x3FAD]  }
0x2c: {  	s7 =	sld [smem:$0x3FAE]  }
0x2d: {  	s3 =	simm.s32 $0x108;
	s8 =	sld [smem:$0x3FAF]  }
0x2e: {  	s3 =	simm.s32 @!p0 $0x1082;
	s9 =	sld [smem:$0x3FB0]  }
0x2f: {  	lr =	sadd.s32 s0, s3;
	s0 =	sld [smem:$0x3FA7]  }
0x30: {  	s3 =	sld [smem:$0x3FAA]  }
0x31: {  	[smem:$0x3FB3] =	sst s10  }
0x32: {  	s10 =	sld [smem:$0x3FB1];
	_ =	sdelay $0x3  }
0x33: {  	p0 =	seq.s32 s10, $0x1;
	s10 =	sld [smem:$0x3FB3];
	_ =	sdelay $0x3  }
0x34: {  	[smem:$0x3FB3] =	sst s10  }
0x35: {  	s10 =	sld [smem:$0x3FB2];
	_ =	sdelay $0x3  }
0x36: {  	p1 =	seq.s32 s10, $0x1;
	s10 =	sld [smem:$0x3FB3];
	_ =	sdelay $0x3  }
0x37: {  	[smem:$0x3FB3] =	sst s10  }
0x38: {  	s10 =	sld [smem:$0x3FB4]  }
0x39: {  	_ = 	snop;
	(pc) =	sbr.ind lr, $3  }
0x3a: {  	_ = 	snop  }
0x3b: {  	_ = 	snop  }
0x3c: {  	p2 =	seq.s32 s10, $0x1;
	s10 =	sld [smem:$0x3FB3]  }
0x3d: {  	_ =	shalt  }
0x3e: {  	_ =	shalt  }
0x3f: {  	_ =	shalt  }
0x40: {  	_ =	shalt  }
0x41: {  	_ =	shalt  }
0x42: {  	_ =	shalt  }
0x43: {  	_ =	shalt  }
0x44: {  	_ =	shalt  }
0x45: {  	_ =	shalt  }
0x46: {  	_ =	shalt  }
0x47: {  	_ =	shalt  }
0x48: {  	_ =	shalt  }
0x49: {  	_ =	shalt  }
0x4a: {  	_ =	shalt  }
0x4b: {  	_ =	shalt  }
0x4c: {  	_ =	shalt  }
0x4d: {  	_ =	shalt  }
0x4e: {  	_ =	shalt  }
0x4f: {  	_ =	shalt  }
0x50: {  	_ =	shalt  }
0x51: {  	_ =	shalt  }
0x52: {  	_ =	shalt  }
0x53: {  	_ =	shalt  }
0x54: {  	_ =	shalt  }
0x55: {  	_ =	shalt  }
0x56: {  	_ =	shalt  }
0x57: {  	_ =	shalt  }
0x58: {  	_ =	shalt  }
0x59: {  	_ =	shalt  }
0x5a: {  	_ =	shalt  }
0x5b: {  	_ =	shalt  }
0x5c: {  	_ =	shalt  }
0x5d: {  	_ =	shalt  }
0x5e: {  	_ =	shalt  }
0x5f: {  	_ =	shalt  }
0x60: {  	_ =	shalt  }
0x61: {  	_ =	shalt  }
0x62: {  	_ =	shalt  }
0x63: {  	_ =	shalt  }
0x64: {  	_ =	shalt  }
0x65: {  	_ =	shalt  }
0x66: {  	_ =	shalt  }
0x67: {  	_ =	shalt  }
0x68: {  	_ =	shalt  }
0x69: {  	_ =	shalt  }
0x6a: {  	_ =	shalt  }
0x6b: {  	_ =	shalt  }
0x6c: {  	_ =	shalt  }
0x6d: {  	_ =	shalt  }
0x6e: {  	_ =	shalt  }
0x6f: {  	_ =	shalt  }
0x70: {  	_ =	shalt  }
0x71: {  	_ =	shalt  }
0x72: {  	_ =	shalt  }
0x73: {  	_ =	shalt  }
0x74: {  	_ =	shalt  }
0x75: {  	_ =	shalt  }
0x76: {  	_ =	shalt  }
0x77: {  	_ =	shalt  }
0x78: {  	_ =	shalt  }
0x79: {  	_ =	shalt  }
0x7a: {  	_ =	shalt  }
0x7b: {  	_ =	shalt  }
0x7c: {  	_ =	shalt  }
0x7d: {  	_ =	shalt  }
0x7e: {  	_ =	shalt  }
0x7f: {  	_ =	shalt  }
0x80: {  	_ =	shalt  }
0x81: {  	_ =	shalt  }
0x82: {  	_ =	shalt  }
0x83: {  	_ =	shalt  }
0x84: {  	_ =	shalt  }
0x85: {  	_ =	shalt  }
0x86: {  	_ =	shalt  }
0x87: {  	_ =	shalt  }
.Lfunc_end0:
.L_simem_size_0:
called_computation.1_lowered:
.L_overlay_start_0:
0x88: {  	s2 =	sld [smem:$0x3FD9]  }
0x89: {  	s3 =	sld [smem:$0x3FFE];
	_ =	sdelay $0x1  }
0x8a: {  	s1 =	srdreg.scid  }
0x8b: {  	s0 =	sand.u32 $0x1, s1  }
0x8c: {  	s17 =	sshll.u32 s0, $0xA;
	s2 =	sadd.s32 s3, s2  }
0x8d: {  	s2 =	sadd.s32 s2, s17  }
0x8e: {  	[smem:$0x3FBF] =	sst s2  }
0x8f: {  	_ = 	snop  }
0x90: {  	s2 =	sld [smem:$0x3FC2]  }
0x91: {  	s18 =	sld [smem:$0x3FD0];
	(tm) =	ssettm $0x1  }
0x92: {  	s4 =	sld [smem:$0x3FFB];
	_ =	sdelay $0x3  }
0x93: {  	_ =	strace s4  }
0x94: {  	s4 =	sld [smem:$0x3FFC];
	_ =	sdelay $0x3  }
0x95: {  	_ =	strace s4  }
0x96: {  	s4 =	sld [smem:$0x3FFD];
	_ =	sdelay $0x3  }
0x97: {  	_ =	strace s4  }
0x98: {  	_ =	strace $0x8FFFFFFF  }
0x99: {  	s19 =	sld [smem:$0x3FDB];
	_ =	sdelay $0x1  }
0x9a: {  	s5 =	simm.s32 $_scs_section_size  }
0x9b: {  	s6 =	simm.s32 $_size__tile_overlayer_lowered;
	s7 =	simm.s32 $_tile_overlayer_lowered  }
0x9c: {  	s22 =	simm.s32 $0x1BFF;
	s21 =	sshll.u32 s7, $0x1;
	s4 =	sadd.s32 s5, s19  }
0x9d: {  	s8 =	simm.s32 $0x0;
	s20 =	sshll.u32 s6, $0x1;
	s6 =	sadd.s32 s21, s4  }
0x9e: {  	[timem:s8], [sflag:s22] =	dma.local [hbm:s6], s20  }
0x9f: {  	_ =	swait.ge [sflag:s22], s20  }
0xa0: {  	s5 =	ssub.s32 $0x0, s20;
	[sflag:s22] =	ssyncset.done $0x0  }
0xa1: {  	[sflag:s22] =	ssyncadd.s32 s5;
	_ =	sdelay $0x1  }
0xa2: {  	s23 =	simm.s32 $0x1B8B  }
0xa3: {  	_ =	swait.ge [sflag:s23], $0x1  }
0xa4: {  	[sflag:s23] =	ssyncset.done $0x0  }
0xa5: {  	s25 =	simm.s32 $0x1B8E;
	s24 =	sld [smem:$0x3FFE];
	[sflag:s23] =	ssyncadd.s32 $0xFFFFFFFF  }
0xa6: {  	s26 =	simm.s32 $execute0_lowered;
	[smem:$0x3FD2] =	sst s25  }
0xa7: {  	s6 =	sshll.u32 s26, $0x1;
	_ =	strace $0x80000049;
	[dreg:$0x1] =	wrdreg $0xFFFFFFFF  }
0xa8: {  	s28 =	simm.s32 $_size_execute0_lowered;
	s4 =	sadd.s32 s4, s6;
	[dreg:$0x0] =	wrdreg $0x0  }
0xa9: {  	s6 =	sshll.u32 s28, $0x1;
	[dreg:$0x2] =	wrdreg s4  }
0xaa: {  	[dreg:$0x3] =	wrdreg s6  }
0xab: {  	[dreg:$0x4] =	wrdreg $0xC0  }
0xac: {  	_ =	task [dreg:s8], $0x5FFFF  }
0xad: {  	[dreg:$0x1] =	wrdreg $0xFFFFFFFF  }
0xae: {  	[dreg:$0x0] =	wrdreg $0x60  }
0xaf: {  	[dreg:$0x2] =	wrdreg s24  }
0xb0: {  	[dreg:$0x3] =	wrdreg s2  }
0xb1: {  	[dreg:$0x4] =	wrdreg s18  }
0xb2: {  	[dreg:$0x5] =	wrdreg $0x9  }
0xb3: {  	_ =	task.clear_ibuf [dreg:s8], $0x6FFFF;
	_ =	strace $0x90000049  }
0xb4: {  	s29 =	simm.s32 $0x9;
	_ =	strace $0x8000004B  }
0xb5: {  	_ =	swait.ge [sflag:s29], $0x1  }
0xb6: {  	[sflag:s29] =	ssyncadd.s32 $0xFFFFFFFF  }
0xb7: {  	_ =	strace $0x9000004B  }
0xb8: {  	_ =	sfence  }
0xb9: {  	s30 =	sld [smem:$0x0];
	_ =	sdelay $0x2  }
0xba: {  	s31 =	sshll.u32 s1, $0xD;
	s1 =	sshrl.u32 s1, $0x2  }
0xbb: {  	s3 =	sand.u32 $0x4000, s31;
	s1 =	sadd.s32 s1, s30  }
0xbc: {  	s0 =	sor.u32 s3, s0;
	s1 =	sshll.u32 s1, $0x11  }
0xbd: {  	s0 =	sor.u32 s1, s0  }
0xbe: {  	s0 =	sadd.s32 $0x8F2B, s0  }
0xbf: {  	[sflag:s0] =	ssyncadd.remote.s32 $0x1  }
0xc0: {  	_ =	sfence.sel $0xFFFF  }
0xc1: {  	[dreg:$0x0] =	wrdreg $0xFFFFFFFF;
	(pc) =	sbr.abs _section_cstart, $3  }
0xc2: {  	[dreg:$0x1] =	wrdreg $0xFFFFFFFF  }
0xc3: {  	_ =	task.clear_ibuf [dreg:s8], $0x2FFFF;
	_ =	strace $0x9FFFFFFF  }
0xc4: {  	(tm) =	ssettm $0x7FFFFFFF  }
0xc5: {  	_ =	shalt  }
tec
execute0_lowered:
.L_overlay_start_1:
0x0: {  	(tag) =	ssettag $0x1  }
0x1: {  	s0 =	rddreg [dreg:$0x0]  }
0x2: {  	s1 =	rddreg [dreg:$0x2]  }
0x3: {  	s6 =	simm.s32 $0x0;
	s2 =	srdreg.scid;
	s5 =	stileid.u32  }
0x4: {  	s12 =	simm.s32 $0x1;
	s16 =	simm.s32 $0x7B00;
	[smem:$0x7FF] =	sst s6  }
0x5: {  	s4 =	sadd.s32 $0x15A00, s0;
	s2 =	sand.u32 $0x1, s2;
	s3 =	sadd.s32 $0x15400, s0  }
0x6: {  	s5 =	sshll.u32 s5, $0x4;
	s7 =	sadd.s32 $0x97A00, s0;
	s0 =	sadd.s32 $0x98400, s0  }
0x7: {  	v0 =	vimm.f32 $0.0e+00;
	_ =	strace $0x8000004A;
	s30 =	sshll.u32 s2, $0x8;
	[dreg:$0x5] =	wrdreg s7  }
.Ltmp0:
0x8: {  	vm0 =	vcmask $0x300;
	vm1 =	vcmask $0x704;
	vm2 =	vcmask $0xB08;
	s2 =	ssub.s32 $0x2, s2;
	s7 =	sor.u32 s5, s30;
	(pc) =	sbr.rel .LBB2_1-.Ltmp0, $4  }
0x9: {  	vm3 =	vcmask $0xF0C;
	vm4 =	vcmask $0x1310;
	vm5 =	vcmask $0x1714;
	[dreg:$0x4] =	wrdreg s3;
	s31 =	sshrl.u32 s2, $0x1;
	s3 =	sshrl.u32 s7, $0x3  }
0xa: {  	vm6 =	vcmask $0x1B18;
	vm7 =	vcmask $0x1F1C;
	vm8 =	vcmask $0x2320;
	[dreg:$0x6] =	wrdreg s0;
	s0 =	ssub.s32 s2, s31;
	s1 =	sadd.s32 s1, s3  }
0xb: {  	vm9 =	vcmask $0x2724;
	vm10 =	vcmask $0x2B28;
	vm11 =	vcmask $0x2F2C;
	s18 =	simm.s32 $0x0;
	s0 =	smax.u32 s0, $0x1;
	[dreg:$0x7] =	wrdreg s1  }
0xc: {  	vm12 =	vcmask $0x3330;
	vm13 =	vcmask $0x3734;
	vm14 =	vcmask $0x3B38;
	s9 =	sor.u32 $0x5000, s7;
	p0 =	seq.s32 s7, $0x0;
	[dreg:$0x8] =	wrdreg s0  }
.LBB2_20:
0xd: {  	v17 =	vld [tilespmem:$0xAC00]  }
0xe: {  	v18 =	vld [tilespmem:$0x9B00]  }
0xf: {  	v15 =	vld [tilespmem:$0xAB00]  }
0x10: {  	v19 =	vld [tilespmem:$0xA300]  }
0x11: {  	v16 =	vld [tilespmem:$0xAB80]  }
0x12: {  	v20 =	vld [tilespmem:$0x9B10]  }
0x13: {  	v13 =	vld [tilespmem:$0xAB10]  }
0x14: {  	v21 =	vld [tilespmem:$0xA310]  }
0x15: {  	v14 =	vld [tilespmem:$0xAB90]  }
0x16: {  	v22 =	vld [tilespmem:$0x9B20]  }
0x17: {  	v11 =	vld [tilespmem:$0xAB20]  }
0x18: {  	v23 =	vld [tilespmem:$0xA320]  }
0x19: {  	v12 =	vld [tilespmem:$0xABA0]  }
0x1a: {  	v24 =	vld [tilespmem:$0x9B30]  }
0x1b: {  	v9 =	vld [tilespmem:$0xAB30]  }
0x1c: {  	v25 =	vld [tilespmem:$0xA330]  }
0x1d: {  	v10 =	vld [tilespmem:$0xABB0]  }
0x1e: {  	v26 =	vld [tilespmem:$0x9B40]  }
0x1f: {  	v7 =	vld [tilespmem:$0xAB40]  }
0x20: {  	v27 =	vld [tilespmem:$0xA340]  }
0x21: {  	v8 =	vld [tilespmem:$0xABC0]  }
0x22: {  	v28 =	vld [tilespmem:$0x9B50]  }
0x23: {  	v5 =	vld [tilespmem:$0xAB50]  }
0x24: {  	v29 =	vld [tilespmem:$0xA350];
	s2 =	smax.f32 s13, $1.000000000e+00  }
0x25: {  	v6 =	vld [tilespmem:$0xABD0];
	v1 =	vmov s2  }
0x26: {  	v31 =	vld [tilespmem:$0x9B60];
	(erf) = vrcp.f32 v1  }
0x27: {  	v3 =	vld [tilespmem:$0xAB60]  }
0x28: {  	v33 =	vld [tilespmem:$0xA360]  }
0x29: {  	v4 =	vld [tilespmem:$0xABE0]  }
0x2a: {  	v34 =	vld [tilespmem:$0x9B70]  }
0x2b: {  	v35 =	vld [tilespmem:$0xA370]  }
0x2c: {  	v2 =	vld [tilespmem:$0xABF0]  }
0x2d: {  	v32 =	vld [tilespmem:$0x9B80]  }
0x2e: {  	v36 =	vld [tilespmem:$0xA380]  }
0x2f: {  	v38 =	vld [tilespmem:$0x9B90];
	v37 =	vpop (erf)  }
0x30: {  	v39 =	vld [tilespmem:$0xA390];
	v18 =	vmul.f32 v15, v18;
	v30 =	vmul.f32 v16, v37  }
0x31: {  	v40 =	vld [tilespmem:$0x9BA0]  }
0x32: {  	v41 =	vld [tilespmem:$0xA3A0];
	v18 =	vadd.f32 $0.0e+00, v18;
	v19 =	vmul.f32 v30, v19  }
0x33: {  	v42 =	vld [tilespmem:$0x9BB0]  }
0x34: {  	v43 =	vld [tilespmem:$0xA3B0];
	v49 =	vmul.f32 v13, v20;
	v50 =	vmul.f32 v14, v37;
	v18 =	vadd.f32 v19, v18  }
0x35: {  	v44 =	vld [tilespmem:$0x9BC0]  }
0x36: {  	v45 =	vld [tilespmem:$0xA3C0];
	v51 =	vmul.f32 v50, v21;
	v18 =	vadd.f32 v49, v18  }
0x37: {  	v46 =	vld [tilespmem:$0x9BD0]  }
0x38: {  	v47 =	vld [tilespmem:$0xA3D0];
	v52 =	vmul.f32 v11, v22;
	v53 =	vmul.f32 v12, v37;
	v18 =	vadd.f32 v51, v18  }
0x39: {  	s1 =	smax.f32 s1, $1.000000000e+00;
	v48 =	vld [tilespmem:$0x9BE0]  }
0x3a: {  	v55 =	vmov s1;
	v1 =	vld [tilespmem:$0xAB70];
	v54 =	vmul.f32 v53, v23;
	v18 =	vadd.f32 v52, v18  }
0x3b: {  	(erf) = vrcp.f32 v55;
	v55 =	vld [tilespmem:$0xA430]  }
0x3c: {  	v56 =	vmul.f32 v9, v24;
	v20 =	vld [tilespmem:$0xA3F0];
	v57 =	vmul.f32 v10, v37;
	v18 =	vadd.f32 v54, v18  }
0x3d: {  	v22 =	vld [tilespmem:$0x9C00]  }
0x3e: {  	v59 =	vmul.f32 v7, v26;
	v26 =	vld [tilespmem:$0xA410];
	v58 =	vmul.f32 v57, v25;
	v18 =	vadd.f32 v56, v18  }
0x3f: {  	v62 =	vmul.f32 v5, v28;
	v28 =	vld [tilespmem:$0xA450]  }
0x40: {  	v24 =	vld [tilespmem:$0xA460];
	v60 =	vmul.f32 v8, v37;
	v18 =	vadd.f32 v58, v18  }
0x41: {  	v23 =	vld [tilespmem:$0x9BF0]  }
0x42: {  	v50 =	vld [tilespmem:$0xA400];
	v61 =	vmul.f32 v60, v27;
	v18 =	vadd.f32 v59, v18  }
0x43: {  	v53 =	vld [tilespmem:$0xA420]  }
0x44: {  	v63 =	vmul.f32 v6, v37;
	v57 =	vld [tilespmem:$0xA440];
	v30 =	vpop (erf);
	v18 =	vadd.f32 v61, v18  }
0x45: {  	v60 =	vmul.f32 v32, v15;
	v32 =	vld [tilespmem:$0x9C50];
	v61 =	vmul.f32 v16, v30  }
0x46: {  	v27 =	vld [tilespmem:$0x9C60];
	v18 =	vadd.f32 v62, v18  }
0x47: {  	v21 =	vld [tilespmem:$0x9C70];
	v62 =	vmul.f32 v63, v29;
	v63 =	vadd.f32 $0.0e+00, v60;
	v58 =	vmul.f32 v36, v61  }
0x48: {  	v49 =	vld [tilespmem:$0xA3E0];
	v59 =	vmul.f32 v3, v31;
	v60 =	vmul.f32 v4, v37  }
0x49: {  	s11 =	smax.f32 s3, $1.000000000e+00;
	v51 =	vld [tilespmem:$0x9C10];
	v18 =	vadd.f32 v62, v18;
	v61 =	vadd.f32 v58, v63;
	v62 =	vmul.f32 v38, v13  }
0x4a: {  	v52 =	vld [tilespmem:$0x9C20];
	v63 =	vmul.f32 v14, v30;
	v58 =	vmov s11;
	v25 =	vmul.f32 v60, v33  }
0x4b: {  	v54 =	vld [tilespmem:$0x9C30];
	v60 =	vmul.f32 v1, v34;
	(erf) = vrcp.f32 v58  }
0x4c: {  	v56 =	vld [tilespmem:$0x9C40];
	v19 =	vadd.f32 v59, v18;
	v29 =	vadd.f32 v62, v61;
	v59 =	vmul.f32 v39, v63  }
0x4d: {  	v31 =	vld [tilespmem:$0x9CE0];
	v61 =	vmul.f32 v2, v37;
	v62 =	vmul.f32 v40, v11  }
0x4e: {  	v36 =	vld [tilespmem:$0xA490];
	v63 =	vmul.f32 v12, v30;
	v19 =	vadd.f32 v25, v19;
	v29 =	vadd.f32 v59, v29  }
0x4f: {  	v34 =	vld [tilespmem:$0x9C80];
	v40 =	vmul.f32 v61, v35  }
0x50: {  	v38 =	vld [tilespmem:$0x9CA0];
	v41 =	vmul.f32 v41, v63;
	v19 =	vadd.f32 v60, v19;
	v29 =	vadd.f32 v62, v29  }
0x51: {  	v33 =	vld [tilespmem:$0xA4D0];
	v59 =	vmul.f32 v42, v9  }
0x52: {  	v18 =	vld [tilespmem:$0xA470];
	v60 =	vmul.f32 v10, v30;
	v19 =	vadd.f32 v40, v19;
	v58 =	vadd.f32 v41, v29  }
0x53: {  	v46 =	vmul.f32 v46, v5;
	(v2sf) =	vpush v17, $0x0;
	v22 =	vmul.f32 v22, v15;
	v37 =	vld [tilespmem:$0xA480]  }
0x54: {  	v23 =	vmul.f32 v23, v1;
	v39 =	vld [tilespmem:$0xA4A0];
	v62 =	vmul.f32 v43, v60;
	(xrf2) =	vadd.scan.msk.f32 $0xffff, v19;
	v61 =	vadd.f32 v59, v58;
	v25 =	vpop (erf)  }
0x55: {  	v22 =	vadd.f32 $0.0e+00, v22;
	v32 =	vmul.f32 v32, v5;
	v35 =	vld [tilespmem:$0x9C90];
	v58 =	vmul.f32 v16, v25  }
0x56: {  	s0 =	smax.f32 s0, $1.000000000e+00;
	v63 =	vmul.f32 v44, v7;
	v42 =	vld [tilespmem:$0xA4C0];
	v60 =	vmul.f32 v8, v30;
	v19 =	vadd.f32 v62, v61  }
0x57: {  	v21 =	vmul.f32 v21, v1;
	v40 =	vld [tilespmem:$0x9CB0];
	v59 =	vmov s0;
	v61 =	vmul.f32 v50, v58  }
0x58: {  	v41 =	vld [tilespmem:$0xA4B0];
	v29 =	vmul.f32 v45, v60;
	(erf) = vrcp.f32 v59;
	v19 =	vadd.f32 v63, v19  }
0x59: {  	v43 =	vld [tilespmem:$0x9CC0];
	v62 =	vmul.f32 v51, v13;
	v63 =	vmul.f32 v14, v25;
	v22 =	vadd.f32 v61, v22  }
0x5a: {  	v34 =	vmul.f32 v34, v15;
	v45 =	vld [tilespmem:$0xA520];
	v58 =	vmul.f32 v6, v30;
	v19 =	vadd.f32 v29, v19  }
0x5b: {  	v38 =	vmul.f32 v38, v11;
	v51 =	vld [tilespmem:$0x9D00];
	v26 =	vmul.f32 v26, v63;
	v44 =	vadd.f32 v62, v22  }
0x5c: {  	v60 =	vmul.f32 v47, v58;
	v63 =	vmul.f32 v12, v25;
	v22 =	vld [tilespmem:$0x9CF0];
	v59 =	vadd.f32 v46, v19  }
0x5d: {  	v35 =	vmul.f32 v35, v13;
	v50 =	vld [tilespmem:$0x9CD0];
	v62 =	vmul.f32 v52, v11;
	v26 =	vadd.f32 v26, v44  }
0x5e: {  	v58 =	vmul.f32 v48, v3;
	v29 =	vld [tilespmem:$0xA4E0];
	v47 =	vmul.f32 v53, v63;
	v61, _, _ =	vpop (xrf2);
	v17 =	vadd.f32 v60, v59  }
0x5f: {  	v52 =	vld [tilespmem:$0x9D10];
	v59 =	vmul.f32 v4, v30;
	(v2sf) =	vpush v61, $0xF;
	v44 =	vadd.f32 v62, v26  }
0x60: {  	v19 =	vld [tilespmem:$0xA4F0];
	v61 =	vmul.f32 v54, v9;
	v62 =	vmul.f32 v10, v25;
	v17 =	vadd.f32 v58, v17  }
0x61: {  	s13 =	smax.f32 s31, $1.000000000e+00;
	v46 =	vld [tilespmem:$0xA500];
	v48 =	vmul.f32 v49, v59;
	v22 =	vmul.f32 v22, v1;
	v44 =	vadd.f32 v47, v44  }
0x62: {  	v49 =	vld [tilespmem:$0x9D20];
	v26 =	vpop (erf);
	v63 =	vmul.f32 v55, v62;
	v62 =	vmov s13;
	v55 =	vmul.f32 v2, v30  }
0x63: {  	v53 =	vld [tilespmem:$0xA510];
	v60 =	vmul.f32 v16, v26;
	v17 =	vadd.f32 v48, v17;
	(erf) = vrcp.f32 v62  }
0x64: {  	v54 =	vld [tilespmem:$0xA5C0];
	v62 =	vmul.f32 v12, v26;
	v44 =	vadd.f32 v61, v44;
	v61 =	vmul.f32 v14, v26  }
0x65: {  	v34 =	vadd.f32 $0.0e+00, v34;
	v58 =	vld [tilespmem:$0x9D40];
	v37 =	vmul.f32 v37, v60;
	v60 =	vmul.f32 v56, v7  }
0x66: {  	v47 =	vld [tilespmem:$0x9D30];
	v17 =	vadd.f32 v23, v17;
	v44 =	vadd.f32 v63, v44;
	v63 =	vmul.f32 v8, v25  }
0x67: {  	v30 =	vld [tilespmem:$0xA560];
	v59 =	vmul.f32 v36, v61;
	v49 =	vmul.f32 v49, v11;
	v34 =	vadd.f32 v37, v34  }
0x68: {  	v48 =	vld [tilespmem:$0xA550];
	v60 =	vadd.f32 v60, v44;
	v61 =	vmul.f32 v57, v63;
	v63 =	vmul.f32 v6, v25  }
0x69: {  	v56 =	vld [tilespmem:$0xA540];
	v57 =	vmul.f32 v4, v25;
	v25 =	vmul.f32 v2, v25;
	v34 =	vadd.f32 v35, v34  }
0x6a: {  	v23 =	vld [tilespmem:$0x9D70];
	v44 =	vadd.f32 v61, v60;
	v60 =	vmul.f32 v20, v55;
	v28 =	vmul.f32 v28, v63  }
0x6b: {  	v36 =	vld [tilespmem:$0x9D50];
	v61 =	vmul.f32 v40, v9;
	v63 =	vmul.f32 v27, v3;
	v35 =	vadd.f32 v59, v34  }
0x6c: {  	v37 =	vld [tilespmem:$0xA530];
	v24 =	vmul.f32 v24, v57;
	v18 =	vmul.f32 v18, v25  }
0x6d: {  	v40 =	vld [tilespmem:$0x9D90];
	v59 =	vmul.f32 v39, v62;
	v32 =	vadd.f32 v32, v44;
	v35 =	vadd.f32 v38, v35  }
0x6e: {  	v62 =	vmul.f32 v10, v26;
	v44 =	vld [tilespmem:$0x9D80];
	v17 =	vadd.f32 v60, v17;
	v60 =	vmul.f32 v51, v15  }
0x6f: {  	v20 =	vld [tilespmem:$0xA570];
	v23 =	vmul.f32 v23, v1;
	v28 =	vadd.f32 v28, v32;
	v35 =	vadd.f32 v59, v35  }
0x70: {  	v55 =	vld [tilespmem:$0x9DC0];
	v27 =	vpop (erf);
	v32 =	vadd.f32 $0.0e+00, v60;
	v60 =	vmul.f32 v50, v5;
	v59 =	vmul.f32 v41, v62  }
0x71: {  	v34 =	vld [tilespmem:$0x9D60];
	v62 =	vmul.f32 v43, v7;
	v35 =	vadd.f32 v61, v35;
	v61 =	vmul.f32 v16, v27  }
0x72: {  	v39 =	vld [tilespmem:$0xA580];
	v40 =	vmul.f32 v40, v13;
	v28 =	vadd.f32 v63, v28;
	v63 =	vmul.f32 v8, v26  }
0x73: {  	v51 =	vld [tilespmem:$0xA590];
	v44 =	vmul.f32 v44, v15;
	v35 =	vadd.f32 v59, v35;
	v41 =	vmul.f32 v46, v61  }
0x74: {  	s14 =	smax.f32 s30, $1.000000000e+00;
	v43 =	vld [tilespmem:$0x9DA0];
	v24 =	vadd.f32 v24, v28;
	v59 =	vmul.f32 v42, v63;
	v61 =	vmul.f32 v52, v13  }
0x75: {  	v46 =	vld [tilespmem:$0xA5A0];
	v63 =	vmov s14;
	v57 =	vadd.f32 v62, v35;
	v62 =	vmul.f32 v14, v27  }
0x76: {  	v52 =	vld [tilespmem:$0x9DD0];
	(erf) = vrcp.f32 v63;
	v63 =	vadd.f32 v21, v24;
	v32 =	vadd.f32 v41, v32  }
0x77: {  	v24 =	vld [tilespmem:$0x9DF0];
	v28 =	vadd.f32 v59, v57;
	v57 =	vmul.f32 v6, v26;
	v59 =	vmul.f32 v53, v62  }
0x78: {  	v42 =	vld [tilespmem:$0xA5D0];
	v32 =	vadd.f32 v61, v32;
	v61 =	vmul.f32 v31, v3;
	v62 =	vmul.f32 v4, v26  }
0x79: {  	v21 =	vld [tilespmem:$0xA5F0];
	v26 =	vmul.f32 v2, v26;
	v28 =	vadd.f32 v60, v28;
	v38 =	vmul.f32 v33, v57  }
0x7a: {  	v35 =	vld [tilespmem:$0x9DB0];
	v32 =	vadd.f32 v59, v32;
	v60 =	vmul.f32 v12, v27;
	v59 =	vmul.f32 v29, v62  }
0x7b: {  	v41 =	vld [tilespmem:$0xA5B0];
	v62 =	vmul.f32 v10, v27;
	v57 =	vmul.f32 v58, v7  }
0x7c: {  	v31 =	vld [tilespmem:$0xA5E0];
	v19 =	vmul.f32 v19, v26;
	v24 =	vmul.f32 v24, v1  }
0x7d: {  	v28 =	vadd.f32 v38, v28;
	v32 =	vadd.f32 v49, v32;
	v45 =	vmul.f32 v45, v60;
	v38 =	vld [tilespmem:$0x9E10]  }
0x7e: {  	v18 =	vadd.f32 v18, v63;
	v63 =	vmul.f32 v37, v62;
	v37 =	vld [tilespmem:$0x9E30];
	v62 =	vmul.f32 v36, v5  }
0x7f: {  	v36 =	vld [tilespmem:$0x9E50];
	v50 =	vadd.f32 v61, v28;
	v60 =	vadd.f32 v45, v32;
	v61 =	vmul.f32 v47, v9;
	v25 =	vpop (erf)  }
0x80: {  	v44 =	vadd.f32 $0.0e+00, v44;
	v53 =	vld [tilespmem:$0xA610];
	v35 =	vmul.f32 v35, v9;
	v58 =	vmul.f32 v16, v25  }
0x81: {  	s15 =	smax.f32 s29, $1.000000000e+00;
	v33 =	vld [tilespmem:$0x9DE0];
	v28 =	vadd.f32 v59, v50;
	v29 =	vadd.f32 v61, v60;
	v60 =	vmul.f32 v8, v27  }
0x82: {  	v49 =	vld [tilespmem:$0xA620];
	v59 =	vmov s15;
	v61 =	vmul.f32 v14, v25;
	v39 =	vmul.f32 v39, v58  }
0x83: {  	v45 =	vld [tilespmem:$0x9E00];
	(erf) = vrcp.f32 v59;
	v38 =	vmul.f32 v38, v13;
	v29 =	vadd.f32 v63, v29  }
0x84: {  	v47 =	vld [tilespmem:$0xA600];
	v37 =	vmul.f32 v37, v9;
	v36 =	vmul.f32 v36, v5;
	v39 =	vadd.f32 v39, v44  }
0x85: {  	v50 =	vld [tilespmem:$0x9E20];
	v32 =	vmul.f32 v56, v60;
	v63 =	vmul.f32 v6, v27;
	v29 =	vadd.f32 v57, v29  }
0x86: {  	v22 =	vadd.f32 v22, v28;
	v59 =	vmul.f32 v51, v61;
	v44 =	vld [tilespmem:$0x9E90];
	v58 =	vadd.f32 v40, v39  }
0x87: {  	v56 =	vld [tilespmem:$0xA630];
	v61 =	vmul.f32 v48, v63;
	v63 =	vmul.f32 v12, v25;
	v29 =	vadd.f32 v32, v29  }
0x88: {  	v51 =	vmul.f32 v34, v3;
	v45 =	vmul.f32 v45, v15;
	v32 =	vld [tilespmem:$0x9E70];
	v28 =	vadd.f32 v59, v58  }
0x89: {  	v34 =	vld [tilespmem:$0xA680];
	v39 =	vmul.f32 v46, v63;
	v58 =	vmul.f32 v4, v27;
	v60 =	vadd.f32 v62, v29  }
0x8a: {  	v19 =	vadd.f32 v19, v22;
	v27 =	vmul.f32 v2, v27;
	v62 =	vmul.f32 v43, v11;
	v29 =	vld [tilespmem:$0x9E60]  }
0x8b: {  	v57 =	vld [tilespmem:$0x9E40];
	v44 =	vmul.f32 v44, v13;
	v30 =	vmul.f32 v30, v58;
	v48 =	vadd.f32 v61, v60  }
0x8c: {  	v22 =	vld [tilespmem:$0xA670];
	v20 =	vmul.f32 v20, v27;
	v59 =	vadd.f32 v62, v28;
	v62 =	vmul.f32 v10, v25;
	v28 =	vpop (erf)  }
0x8d: {  	v40 =	vld [tilespmem:$0xA640];
	v32 =	vmul.f32 v32, v1;
	v26 =	vadd.f32 v51, v48;
	v60 =	vmul.f32 v16, v28  }
0x8e: {  	v46 =	vld [tilespmem:$0xA660];
	v61 =	vadd.f32 v39, v59;
	v59 =	vmul.f32 v41, v62;
	v62 =	vmul.f32 v14, v28  }
0x8f: {  	v63 =	vadd.f32 $0.0e+00, v45;
	v45 =	vld [tilespmem:$0xA6A0];
	v29 =	vmul.f32 v29, v3;
	v51 =	vmul.f32 v47, v60  }
0x90: {  	s17 =	smax.f32 s28, $1.000000000e+00;
	v43 =	vld [tilespmem:$0xA650];
	v26 =	vadd.f32 v30, v26;
	v58 =	vadd.f32 v35, v61;
	v60 =	vmul.f32 v55, v7  }
0x91: {  	v47 =	vld [tilespmem:$0x9E80];
	v55 =	vmul.f32 v8, v25;
	v61 =	vadd.f32 v51, v63;
	v63 =	vmov s17  }
0x92: {  	v48 =	vld [tilespmem:$0x9EA0];
	v30 =	vadd.f32 v59, v58;
	v58 =	vmul.f32 v53, v62;
	(erf) = vrcp.f32 v63  }
0x93: {  	v39 =	vld [tilespmem:$0x9EB0];
	v35 =	vmul.f32 v54, v55;
	v59 =	vmul.f32 v50, v11;
	v38 =	vadd.f32 v38, v61  }
0x94: {  	v41 =	vld [tilespmem:$0xA6C0];
	v62 =	vmul.f32 v6, v25;
	v23 =	vadd.f32 v23, v26;
	v30 =	vadd.f32 v60, v30  }
0x95: {  	v51 =	vld [tilespmem:$0xA690];
	v60 =	vmul.f32 v12, v28;
	v61 =	vmul.f32 v52, v5;
	v38 =	vadd.f32 v58, v38  }
0x96: {  	v53 =	vld [tilespmem:$0xA6B0];
	v20 =	vadd.f32 v20, v23;
	v47 =	vmul.f32 v47, v15;
	v30 =	vadd.f32 v35, v30  }
0x97: {  	v54 =	vld [tilespmem:$0x9EC0];
	v55 =	vmul.f32 v49, v60;
	v60 =	vmul.f32 v10, v28;
	v63 =	vadd.f32 v59, v38  }
0x98: {  	v50 =	vld [tilespmem:$0x9F00];
	v47 =	vadd.f32 $0.0e+00, v47;
	v58 =	vadd.f32 v61, v30;
	v59 =	vmul.f32 v42, v62  }
0x99: {  	v52 =	vld [tilespmem:$0x9EF0];
	v62 =	vmul.f32 v33, v3;
	v56 =	vmul.f32 v56, v60;
	v26 =	vadd.f32 v55, v63  }
0x9a: {  	v23 =	vld [tilespmem:$0xA6F0];
	v60 =	vmul.f32 v8, v28;
	v61 =	vadd.f32 v59, v58;
	v63 =	vmul.f32 v4, v25  }
0x9b: {  	v35 =	vld [tilespmem:$0x9ED0];
	v59 =	vmul.f32 v57, v7;
	v25 =	vmul.f32 v2, v25;
	v26 =	vadd.f32 v37, v26;
	v27 =	vpop (erf)  }
0x9c: {  	s19 =	smax.f32 s26, $1.000000000e+00;
	v49 =	vld [tilespmem:$0x9F20];
	v30 =	vadd.f32 v62, v61;
	v31 =	vmul.f32 v31, v63;
	v58 =	vmul.f32 v16, v27  }
0x9d: {  	v42 =	vld [tilespmem:$0xA6D0];
	v61 =	vmul.f32 v40, v60;
	v63 =	vmov s19;
	v21 =	vmul.f32 v21, v25  }
0x9e: {  	v40 =	vld [tilespmem:$0x9F10];
	v62 =	vmul.f32 v14, v27;
	v26 =	vadd.f32 v56, v26;
	v34 =	vmul.f32 v34, v58  }
0x9f: {  	v25 =	vld [tilespmem:$0x9F70];
	(erf) = vrcp.f32 v63;
	v60 =	vmul.f32 v12, v27  }
0xa0: {  	v33 =	vld [tilespmem:$0x9EE0];
	v56 =	vmul.f32 v6, v28;
	v26 =	vadd.f32 v59, v26;
	v34 =	vadd.f32 v34, v47  }
0xa1: {  	v38 =	vld [tilespmem:$0xA6E0];
	v57 =	vmul.f32 v51, v62;
	v63 =	vmul.f32 v45, v60  }
0xa2: {  	v55 =	vld [tilespmem:$0xA710];
	v58 =	vmul.f32 v43, v56;
	v26 =	vadd.f32 v61, v26;
	v34 =	vadd.f32 v44, v34  }
0xa3: {  	v37 =	vld [tilespmem:$0x9F30];
	v30 =	vadd.f32 v31, v30;
	v59 =	vmul.f32 v48, v11;
	v40 =	vmul.f32 v40, v13  }
0xa4: {  	v31 =	vld [tilespmem:$0xA700];
	v25 =	vmul.f32 v25, v1;
	v26 =	vadd.f32 v36, v26;
	v34 =	vadd.f32 v57, v34  }
0xa5: {  	v61 =	vmul.f32 v4, v28;
	v28 =	vmul.f32 v2, v28;
	v36 =	vld [tilespmem:$0x9F50]  }
0xa6: {  	v51 =	vld [tilespmem:$0x9F40];
	v26 =	vadd.f32 v58, v26;
	v62 =	vadd.f32 v59, v34;
	v59 =	vmul.f32 v10, v27  }
0xa7: {  	v48 =	vld [tilespmem:$0xA730];
	v24 =	vadd.f32 v24, v30;
	v56 =	vmul.f32 v46, v61;
	v22 =	vmul.f32 v22, v28  }
0xa8: {  	v43 =	vld [tilespmem:$0xA740];
	v58 =	vmul.f32 v39, v9;
	v45 =	vadd.f32 v29, v26;
	v61 =	vmul.f32 v53, v59  }
0xa9: {  	v47 =	vld [tilespmem:$0xA720];
	v57 =	vadd.f32 v63, v62;
	v62 =	vmul.f32 v54, v7;
	v63 =	vmul.f32 v50, v15  }
0xaa: {  	v21 =	vadd.f32 v21, v24;
	v44 =	vld [tilespmem:$0x9F60];
	v29 =	vpop (erf);
	v59 =	vmul.f32 v8, v27;
	v36 =	vmul.f32 v36, v5  }
0xab: {  	s20 =	smax.f32 s25, $1.000000000e+00;
	v39 =	vld [tilespmem:$0xA750];
	v24 =	vadd.f32 v56, v45;
	v60 =	vadd.f32 v58, v57;
	v57 =	vmul.f32 v16, v29  }
0xac: {  	v34 =	vld [tilespmem:$0xA7A0];
	v58 =	vmov s20;
	v46 =	vadd.f32 $0.0e+00, v63;
	v63 =	vmul.f32 v6, v27  }
0xad: {  	v26 =	vld [tilespmem:$0xA770];
	(erf) = vrcp.f32 v58;
	v58 =	vmul.f32 v12, v29;
	v30 =	vadd.f32 v61, v60  }
0xae: {  	v50 =	vld [tilespmem:$0x9F80];
	v24 =	vadd.f32 v32, v24;
	v31 =	vmul.f32 v31, v57;
	v60 =	vmul.f32 v41, v59  }
0xaf: {  	v53 =	vld [tilespmem:$0x9F90];
	v61 =	vmul.f32 v14, v29;
	v56 =	vmul.f32 v42, v63;
	v30 =	vadd.f32 v62, v30  }
0xb0: {  	v54 =	vld [tilespmem:$0xA790];
	v57 =	vmul.f32 v49, v11;
	v59 =	vmul.f32 v33, v3;
	v31 =	vadd.f32 v31, v46  }
0xb1: {  	v45 =	vld [tilespmem:$0xA760];
	v62 =	vmul.f32 v35, v5;
	v46 =	vmul.f32 v55, v61;
	v30 =	vadd.f32 v60, v30  }
0xb2: {  	v41 =	vld [tilespmem:$0xA780];
	v61 =	vmul.f32 v47, v58;
	v31 =	vadd.f32 v40, v31;
	v60 =	vmul.f32 v4, v27  }
0xb3: {  	v40 =	vld [tilespmem:$0x9FA0];
	v27 =	vmul.f32 v2, v27;
	v55 =	vadd.f32 v62, v30;
	v62 =	vmul.f32 v50, v15  }
0xb4: {  	v42 =	vld [tilespmem:$0x9FB0];
	v22 =	vadd.f32 v22, v24;
	v38 =	vmul.f32 v38, v60;
	v50 =	vmul.f32 v52, v1  }
0xb5: {  	v33 =	vld [tilespmem:$0xA7B0];
	v31 =	vadd.f32 v46, v31;
	v60 =	vmul.f32 v53, v13;
	v23 =	vmul.f32 v23, v27  }
0xb6: {  	s21 =	smax.f32 s24, $1.000000000e+00;
	v49 =	vld [tilespmem:$0xA7C0];
	v28 =	vadd.f32 v56, v55;
	v24 =	vpop (erf);
	v55 =	vmul.f32 v37, v9;
	v56 =	vmul.f32 v10, v29  }
0xb7: {  	v35 =	vld [tilespmem:$0x9FC0];
	v30 =	vadd.f32 $0.0e+00, v62;
	v62 =	vmov s21;
	v63 =	vmul.f32 v16, v24  }
0xb8: {  	v47 =	vld [tilespmem:$0xA7D0];
	v31 =	vadd.f32 v57, v31;
	(erf) = vrcp.f32 v62;
	v40 =	vmul.f32 v40, v11  }
0xb9: {  	v52 =	vld [tilespmem:$0x9FF0];
	v62 =	vmul.f32 v42, v9;
	v28 =	vadd.f32 v59, v28;
	v58 =	vmul.f32 v48, v56  }
0xba: {  	v46 =	vld [tilespmem:$0xA800];
	v31 =	vadd.f32 v61, v31;
	v59 =	vmul.f32 v51, v7;
	v61 =	vmul.f32 v14, v24  }
0xbb: {  	v53 =	vld [tilespmem:$0xA810];
	v56 =	vmul.f32 v12, v24;
	v48 =	vmul.f32 v44, v3  }
0xbc: {  	v37 =	vld [tilespmem:$0x9FD0];
	v41 =	vmul.f32 v41, v63;
	v63 =	vmul.f32 v8, v29;
	v38 =	vadd.f32 v38, v28  }
0xbd: {  	v42 =	vld [tilespmem:$0xA040];
	v57 =	vadd.f32 v55, v31;
	v54 =	vmul.f32 v54, v61;
	v61 =	vmul.f32 v4, v29  }
0xbe: {  	v51 =	vld [tilespmem:$0xA010];
	v30 =	vadd.f32 v41, v30;
	v43 =	vmul.f32 v43, v63;
	v63 =	vmul.f32 v10, v24  }
0xbf: {  	v32 =	vadd.f32 v58, v57;
	v38 =	vadd.f32 v50, v38;
	v50 =	vld [tilespmem:$0xA000];
	v57 =	vmul.f32 v6, v29  }
0xc0: {  	v31 =	vld [tilespmem:$0x9FE0];
	v29 =	vmul.f32 v2, v29;
	v30 =	vadd.f32 v60, v30;
	v33 =	vmul.f32 v33, v63  }
0xc1: {  	v28 =	vld [tilespmem:$0xA7F0];
	v63 =	vmul.f32 v6, v24;
	v32 =	vadd.f32 v59, v32;
	v59 =	vmul.f32 v34, v56  }
0xc2: {  	v34 =	vld [tilespmem:$0xA020];
	v60 =	vmul.f32 v39, v57;
	v23 =	vadd.f32 v23, v38;
	v30 =	vadd.f32 v54, v30  }
0xc3: {  	v41 =	vld [tilespmem:$0xA7E0];
	v39 =	vmul.f32 v45, v61;
	v56 =	vmul.f32 v35, v7;
	v32 =	vadd.f32 v43, v32  }
0xc4: {  	v38 =	vld [tilespmem:$0xA830];
	v57 =	vmul.f32 v8, v24;
	v58 =	vadd.f32 v40, v30;
	v54 =	vmul.f32 v50, v15  }
0xc5: {  	s22 =	rddreg [dreg:$0xd];
	v45 =	vld [tilespmem:$0xA840];
	v26 =	vmul.f32 v26, v29;
	v31 =	vmul.f32 v31, v3;
	v32 =	vadd.f32 v36, v32  }
0xc6: {  	s0 =	smax.f32 s22, $1.000000000e+00;
	v35 =	vld [tilespmem:$0xA060];
	v27 =	vadd.f32 v59, v58;
	v36 =	vadd.f32 $0.0e+00, v54;
	v59 =	vmul.f32 v49, v57  }
0xc7: {  	v43 =	vld [tilespmem:$0xA030];
	v30 =	vpop (erf);
	v58 =	vmov s0;
	v54 =	vmul.f32 v47, v63;
	v34 =	vmul.f32 v34, v11  }
0xc8: {  	v40 =	vld [tilespmem:$0xA820];
	v55 =	vmul.f32 v16, v30;
	(erf) = vrcp.f32 v58  }
0xc9: {  	v50 =	vld [tilespmem:$0xA860];
	v32 =	vadd.f32 v60, v32;
	v60 =	vmul.f32 v51, v13;
	v61 =	vmul.f32 v14, v30  }
0xca: {  	v57 =	vld [tilespmem:$0xA880];
	v58 =	vmul.f32 v4, v24;
	v27 =	vadd.f32 v62, v27;
	v44 =	vmul.f32 v46, v55  }
0xcb: {  	v24 =	vmul.f32 v2, v24;
	v62 =	vmul.f32 v37, v5;
	v32 =	vadd.f32 v48, v32;
	v55 =	vld [tilespmem:$0xA080]  }
0xcc: {  	v53 =	vmul.f32 v53, v61;
	v27 =	vadd.f32 v33, v27;
	v33 =	vld [tilespmem:$0xA0A0];
	v36 =	vadd.f32 v44, v36  }
0xcd: {  	v49 =	vld [tilespmem:$0xA090];
	v61 =	vmul.f32 v43, v9;
	v24 =	vmul.f32 v28, v24;
	v32 =	vadd.f32 v39, v32  }
0xce: {  	v47 =	vld [tilespmem:$0xA8C0];
	v27 =	vadd.f32 v56, v27;
	v56 =	vmul.f32 v12, v30;
	v36 =	vadd.f32 v60, v36  }
0xcf: {  	v48 =	vld [tilespmem:$0xA050];
	v60 =	vmul.f32 v41, v58;
	v25 =	vadd.f32 v25, v32;
	v58 =	vmul.f32 v8, v30  }
0xd0: {  	v51 =	vld [tilespmem:$0xA070];
	v27 =	vadd.f32 v59, v27;
	v59 =	vmul.f32 v40, v56;
	v63 =	vmul.f32 v55, v15  }
0xd1: {  	v46 =	vld [tilespmem:$0xA850];
	v56 =	vmul.f32 v52, v1;
	v36 =	vadd.f32 v53, v36;
	v33 =	vmul.f32 v33, v11  }
0xd2: {  	v40 =	vld [tilespmem:$0xA0C0];
	v25 =	vadd.f32 v26, v25;
	v27 =	vadd.f32 v62, v27;
	v62 =	vmul.f32 v10, v30;
	v29 =	vpop (erf)  }
0xd3: {  	v43 =	vld [tilespmem:$0xA0B0];
	v32 =	vadd.f32 $0.0e+00, v63;
	v34 =	vadd.f32 v34, v36;
	v53 =	vmul.f32 v16, v29  }
0xd4: {  	s23 =	rddreg [dreg:$0xc];
	v44 =	vld [tilespmem:$0xA870];
	v27 =	vadd.f32 v54, v27;
	v55 =	vmul.f32 v38, v62;
	v62 =	vmul.f32 v48, v5  }
0xd5: {  	s0 =	smax.f32 s23, $1.000000000e+00;
	v39 =	vld [tilespmem:$0xA890];
	v34 =	vadd.f32 v59, v34;
	v37 =	vmul.f32 v57, v53;
	v57 =	vmul.f32 v42, v7  }
0xd6: {  	v41 =	vld [tilespmem:$0xA8A0];
	v59 =	vmul.f32 v49, v13;
	v53 =	vmov s0;
	v27 =	vadd.f32 v31, v27  }
0xd7: {  	v52 =	vld [tilespmem:$0xA0D0];
	(erf) = vrcp.f32 v53;
	v53 =	vmul.f32 v40, v7;
	v54 =	vadd.f32 v61, v34  }
0xd8: {  	v36 =	vld [tilespmem:$0xA8B0];
	v32 =	vadd.f32 v37, v32;
	v27 =	vadd.f32 v60, v27;
	v60 =	vmul.f32 v14, v29  }
0xd9: {  	v48 =	vld [tilespmem:$0xA0F0];
	v61 =	vmul.f32 v45, v58;
	v31 =	vadd.f32 v55, v54;
	v54 =	vmul.f32 v6, v30  }
0xda: {  	v38 =	vld [tilespmem:$0xA930];
	v32 =	vadd.f32 v59, v32;
	v55 =	vmul.f32 v12, v29;
	v63 =	vmul.f32 v39, v60  }
0xdb: {  	s24 =	rddreg [dreg:$0xb];
	v49 =	vld [tilespmem:$0xA8E0];
	v59 =	vmul.f32 v35, v3;
	v27 =	vadd.f32 v56, v27;
	v31 =	vadd.f32 v57, v31  }
0xdc: {  	s0 =	smax.f32 s24, $1.000000000e+00;
	v40 =	vld [tilespmem:$0xA140];
	v60 =	vmul.f32 v43, v9;
	v34 =	vmul.f32 v46, v54;
	v32 =	vadd.f32 v63, v32  }
0xdd: {  	v56 =	vmul.f32 v41, v55;
	v57 =	vld [tilespmem:$0xA100];
	v54 =	vmov s0;
	v31 =	vadd.f32 v61, v31  }
0xde: {  	v45 =	vld [tilespmem:$0xA8D0];
	v55 =	vmul.f32 v8, v29;
	v63 =	vmul.f32 v4, v30;
	v32 =	vadd.f32 v33, v32  }
0xdf: {  	v35 =	vld [tilespmem:$0xA900];
	v30 =	vmul.f32 v2, v30;
	v61 =	vmul.f32 v10, v29;
	v42 =	vadd.f32 v62, v31  }
0xe0: {  	v37 =	vld [tilespmem:$0xA940];
	v24 =	vadd.f32 v24, v27;
	v26 =	vmul.f32 v50, v63;
	v32 =	vadd.f32 v56, v32  }
0xe1: {  	v39 =	vld [tilespmem:$0xA0E0];
	v30 =	vmul.f32 v44, v30;
	v46 =	vmul.f32 v36, v61;
	v27 =	vpop (erf);
	v58 =	vadd.f32 v34, v42  }
0xe2: {  	v62 =	vld [tilespmem:$0xA110];
	v56 =	vmul.f32 v57, v15;
	v57 =	vmul.f32 v16, v27;
	v43 =	vadd.f32 v60, v32  }
0xe3: {  	(erf) = vrcp.f32 v54;
	v61 =	vmul.f32 v6, v29;
	v42 =	vld [tilespmem:$0xA910];
	v28 =	vadd.f32 v59, v58  }
0xe4: {  	v33 =	vld [tilespmem:$0xA120];
	v63 =	vmul.f32 v14, v27;
	v35 =	vmul.f32 v35, v57;
	v32 =	vadd.f32 v46, v43  }
0xe5: {  	v31 =	vld [tilespmem:$0xA8F0];
	v60 =	vmul.f32 v52, v5;
	v26 =	vadd.f32 v26, v28;
	v28 =	vadd.f32 $0.0e+00, v56  }
0xe6: {  	v54 =	vld [tilespmem:$0xA180];
	v58 =	vmul.f32 v51, v1;
	v59 =	vmul.f32 v47, v55;
	v32 =	vadd.f32 v53, v32  }
0xe7: {  	v36 =	vld [tilespmem:$0xA920];
	v55 =	vmul.f32 v45, v61;
	v62 =	vmul.f32 v62, v13;
	v28 =	vadd.f32 v35, v28  }
0xe8: {  	v61 =	vld [tilespmem:$0xA190];
	v56 =	vmul.f32 v42, v63;
	v26 =	vadd.f32 v58, v26;
	v32 =	vadd.f32 v59, v32  }
0xe9: {  	v58 =	vmul.f32 v39, v3;
	v39 =	vld [tilespmem:$0xA170];
	v59 =	vmul.f32 v4, v29;
	v28 =	vadd.f32 v62, v28  }
0xea: {  	v50 =	vld [tilespmem:$0xA150];
	v29 =	vmul.f32 v2, v29;
	v32 =	vadd.f32 v60, v32;
	v60 =	vmul.f32 v12, v27  }
0xeb: {  	v57 =	vld [tilespmem:$0xA980];
	v33 =	vmul.f32 v33, v11;
	v62 =	vmul.f32 v54, v15  }
0xec: {  	v43 =	vld [tilespmem:$0xA130];
	v29 =	vmul.f32 v31, v29;
	v35 =	vadd.f32 v56, v28;
	v53 =	vmul.f32 v36, v60  }
0xed: {  	v54 =	vld [tilespmem:$0xA990];
	v32 =	vadd.f32 v55, v32;
	v55 =	vmul.f32 v49, v59;
	v60 =	vmul.f32 v61, v13;
	v28 =	vpop (erf)  }
0xee: {  	v52 =	vld [tilespmem:$0xA1B0];
	v39 =	vmul.f32 v39, v1;
	v33 =	vadd.f32 v33, v35;
	v63 =	vmul.f32 v16, v28  }
0xef: {  	v59 =	vld [tilespmem:$0xA1A0];
	v32 =	vadd.f32 v58, v32;
	v58 =	vmul.f32 v10, v27;
	v61 =	vmul.f32 v14, v28  }
0xf0: {  	v45 =	vld [tilespmem:$0xA950];
	v33 =	vadd.f32 v53, v33;
	v53 =	vmul.f32 v40, v7;
	v41 =	vmul.f32 v57, v63  }
0xf1: {  	v42 =	vld [tilespmem:$0xA160];
	v56 =	vadd.f32 $0.0e+00, v62;
	v57 =	vmul.f32 v43, v9;
	v62 =	vmul.f32 v38, v58  }
0xf2: {  	v47 =	vld [tilespmem:$0xA960];
	v26 =	vadd.f32 v30, v26;
	v38 =	vmul.f32 v48, v1;
	v35 =	vmul.f32 v54, v61  }
0xf3: {  	v46 =	vld [tilespmem:$0xA1C0];
	v32 =	vadd.f32 v55, v32;
	v54 =	vmul.f32 v8, v27;
	v58 =	vmul.f32 v12, v28  }
0xf4: {  	v63 =	vld [tilespmem:$0xA9A0];
	v41 =	vadd.f32 v41, v56;
	v33 =	vadd.f32 v57, v33;
	v56 =	vmul.f32 v59, v11  }
0xf5: {  	s25 =	rddreg [dreg:$0xa];
	v30 =	vld [tilespmem:$0xA970];
	v57 =	vmul.f32 v37, v54;
	v59 =	vmul.f32 v50, v5;
	v32 =	vadd.f32 v38, v32  }
0xf6: {  	s26 =	rddreg [dreg:$0x9];
	s0 =	smax.f32 s25, $1.000000000e+00;
	v49 =	vld [tilespmem:$0xA9E0];
	v54 =	vmul.f32 v42, v3;
	v41 =	vadd.f32 v60, v41;
	v33 =	vadd.f32 v62, v33  }
0xf7: {  	v55 =	vld [tilespmem:$0xA9B0];
	v60 =	vmov s0;
	s0 =	smax.f32 s26, $1.000000000e+00;
	v62 =	vmul.f32 v6, v27;
	v29 =	vadd.f32 v29, v32  }
0xf8: {  	v50 =	vld [tilespmem:$0xA1E0];
	(erf) = vrcp.f32 v60;
	v61 =	vmov s0;
	v35 =	vadd.f32 v35, v41  }
0xf9: {  	v40 =	vld [tilespmem:$0xA9C0];
	v36 =	vmul.f32 v63, v58;
	v33 =	vadd.f32 v53, v33;
	(erf) = vrcp.f32 v61  }
0xfa: {  	v37 =	vld [tilespmem:$0xA9D0];
	v63 =	vmul.f32 v52, v9;
	v52 =	vmul.f32 v10, v28;
	v35 =	vadd.f32 v56, v35  }
0xfb: {  	v58 =	vmul.f32 v8, v28;
	v41 =	vld [tilespmem:$0xA1D0];
	v34 =	vmul.f32 v45, v62;
	v33 =	vadd.f32 v57, v33  }
0xfc: {  	v53 =	vmul.f32 v55, v52;
	v55 =	vmul.f32 v4, v27;
	v56 =	vld [tilespmem:$0xA200];
	v35 =	vadd.f32 v36, v35  }
0xfd: {  	v52 =	vmul.f32 v6, v28;
	v50 =	vmul.f32 v50, v3;
	v33 =	vadd.f32 v59, v33;
	v59 =	vld [tilespmem:$0xA280]  }
0xfe: {  	v48 =	vld [tilespmem:$0xAA80];
	v27 =	vmul.f32 v2, v27;
	v57 =	vmul.f32 v46, v7;
	v35 =	vadd.f32 v63, v35  }
0xff: {  	v62 =	vld [tilespmem:$0xAA00];
	v61 =	vmul.f32 v47, v55;
	v37 =	vmul.f32 v37, v52;
	v33 =	vadd.f32 v34, v33  }
0x100: {  	v43 =	vld [tilespmem:$0xAAD0];
	v27 =	vmul.f32 v30, v27;
	v51 =	vmul.f32 v41, v5;
	v35 =	vadd.f32 v53, v35  }
0x101: {  	v63 =	vmul.f32 v40, v58;
	v60 =	vadd.f32 v54, v33;
	v42 =	vpop (erf);
	v53 =	vld [tilespmem:$0xA210];
	v54 =	vmul.f32 v56, v15  }
0x102: {  	v56 =	vld [tilespmem:$0xA290];
	v55 =	vmul.f32 v16, v42;
	v46 =	vpop (erf);
	v15 =	vmul.f32 v59, v15;
	v35 =	vadd.f32 v57, v35  }
0x103: {  	v38 =	vld [tilespmem:$0xA1F0];
	v32 =	vadd.f32 v61, v60;
	v16 =	vmul.f32 v16, v46;
	v58 =	vadd.f32 $0.0e+00, v54  }
0x104: {  	v59 =	vld [tilespmem:$0xAA90];
	v34 =	vmul.f32 v62, v55;
	v15 =	vadd.f32 $0.0e+00, v15;
	v62 =	vmul.f32 v14, v42  }
0x105: {  	v57 =	vld [tilespmem:$0xAA10];
	v14 =	vmul.f32 v14, v46;
	v35 =	vadd.f32 v63, v35;
	v16 =	vmul.f32 v48, v16  }
0x106: {  	v60 =	vld [tilespmem:$0xA220];
	v32 =	vadd.f32 v39, v32;
	v39 =	vmul.f32 v8, v42;
	v8 =	vmul.f32 v8, v46  }
0x107: {  	v63 =	vld [tilespmem:$0xA2A0];
	v34 =	vadd.f32 v34, v58;
	v61 =	vmul.f32 v53, v13;
	v13 =	vmul.f32 v56, v13  }
0x108: {  	v45 =	vld [tilespmem:$0xAA20];
	v53 =	vmul.f32 v12, v42;
	v12 =	vmul.f32 v12, v46;
	v15 =	vadd.f32 v16, v15  }
0x109: {  	v48 =	vld [tilespmem:$0xAAA0];
	v33 =	vadd.f32 v51, v35;
	v14 =	vmul.f32 v59, v14;
	v59 =	vmul.f32 v10, v42  }
0x10a: {  	v51 =	vld [tilespmem:$0xA230];
	v34 =	vadd.f32 v61, v34;
	v47 =	vmul.f32 v57, v62;
	v13 =	vadd.f32 v13, v15  }
0x10b: {  	v54 =	vld [tilespmem:$0xA2B0];
	v10 =	vmul.f32 v10, v46;
	v52 =	vmul.f32 v60, v11  }
0x10c: {  	v55 =	vld [tilespmem:$0xAA30];
	v34 =	vadd.f32 v47, v34;
	v11 =	vmul.f32 v63, v11;
	v13 =	vadd.f32 v14, v13  }
0x10d: {  	v56 =	vld [tilespmem:$0xAAB0];
	v16 =	vmul.f32 v45, v53;
	v57 =	vmul.f32 v4, v28  }
0x10e: {  	v58 =	vld [tilespmem:$0xA240];
	v12 =	vmul.f32 v48, v12;
	v34 =	vadd.f32 v52, v34;
	v11 =	vadd.f32 v11, v13  }
0x10f: {  	v60 =	vld [tilespmem:$0xA2C0];
	v36 =	vmul.f32 v49, v57;
	v15 =	vmul.f32 v51, v9  }
0x110: {  	v62 =	vld [tilespmem:$0xAAC0];
	v9 =	vmul.f32 v54, v9;
	v16 =	vadd.f32 v16, v34;
	v11 =	vadd.f32 v12, v11  }
0x111: {  	v61 =	vld [tilespmem:$0xAA40];
	v47 =	vmul.f32 v6, v42;
	v14 =	vmul.f32 v55, v59  }
0x112: {  	v63 =	vld [tilespmem:$0xA250];
	v10 =	vmul.f32 v56, v10;
	v15 =	vadd.f32 v15, v16;
	v9 =	vadd.f32 v9, v11  }
0x113: {  	v40 =	vld [tilespmem:$0xA2D0];
	v33 =	vadd.f32 v37, v33;
	v6 =	vmul.f32 v6, v46;
	v13 =	vmul.f32 v58, v7  }
0x114: {  	v41 =	vld [tilespmem:$0xAA50];
	v7 =	vmul.f32 v60, v7;
	v14 =	vadd.f32 v14, v15;
	v9 =	vadd.f32 v10, v9  }
0x115: {  	v45 =	vld [tilespmem:$0xA260];
	v33 =	vadd.f32 v50, v33;
	v50 =	vmul.f32 v38, v1;
	v8 =	vmul.f32 v62, v8  }
0x116: {  	v53 =	vld [tilespmem:$0xA270];
	v12 =	vmul.f32 v61, v39;
	v13 =	vadd.f32 v13, v14;
	v7 =	vadd.f32 v7, v9  }
0x117: {  	v48 =	vld [tilespmem:$0xA2E0];
	v52 =	vmul.f32 v2, v28;
	v11 =	vmul.f32 v63, v5  }
0x118: {  	(xrf2) =	vadd.scan.msk.f32 $0xffff, v17;
	v51 =	vld [tilespmem:$0xAAE0];
	v5 =	vmul.f32 v40, v5;
	v12 =	vadd.f32 v12, v13;
	v7 =	vadd.f32 v8, v7  }
0x119: {  	v49 =	vld [tilespmem:$0xAA60];
	v6 =	vmul.f32 v43, v6;
	v54 =	vmul.f32 v4, v42  }
0x11a: {  	(xrf2) =	vadd.scan.msk.f32 $0xffff, v18;
	v31 =	vld [tilespmem:$0xA9F0];
	v10 =	vmul.f32 v41, v47;
	v11 =	vadd.f32 v11, v12;
	v5 =	vadd.f32 v5, v7  }
0x11b: {  	(xrf2) =	vadd.scan.msk.f32 $0xffff, v19;
	v55 =	vld [tilespmem:$0xA2F0];
	v4 =	vmul.f32 v4, v46;
	v9 =	vmul.f32 v45, v3  }
0x11c: {  	(xrf2) =	vadd.scan.msk.f32 $0xffff, v20;
	v57 =	vld [tilespmem:$0xAAF0];
	v3 =	vmul.f32 v48, v3;
	v10 =	vadd.f32 v10, v11;
	v5 =	vadd.f32 v6, v5  }
0x11d: {  	(xrf2) =	vadd.scan.msk.f32 $0xffff, v21;
	v56 =	vld [tilespmem:$0xAA70];
	v44 =	vadd.f32 v36, v33;
	v59 =	vmul.f32 v53, v1;
	v4 =	vmul.f32 v51, v4  }
0x11e: {  	(xrf2) =	vadd.scan.msk.f32 $0xffff, v22;
	v8 =	vmul.f32 v49, v54;
	v9 =	vadd.f32 v9, v10;
	v3 =	vadd.f32 v3, v5  }
0x11f: {  	(xrf2) =	vadd.scan.msk.f32 $0xffff, v23;
	v60 =	vmul.f32 v2, v42;
	v2 =	vmul.f32 v2, v46;
	v61 =	vadd.f32 v27, v32  }
0x120: {  	(xrf2) =	vadd.scan.msk.f32 $0xffff, v25;
	v1 =	vmul.f32 v55, v1;
	v58 =	vadd.f32 v8, v9;
	v3 =	vadd.f32 v4, v3  }
0x121: {  	(xrf2) =	vadd.scan.msk.f32 $0xffff, v24;
	v2 =	vmul.f32 v57, v2;
	v12 =	vadd.f32 v50, v44;
	v7 =	vmul.f32 v31, v52  }
0x122: {  	(xrf2) =	vadd.scan.msk.f32 $0xffff, v26;
	v62, _, _ =	vpop (xrf2);
	v6 =	vmul.f32 v56, v60;
	v5 =	vadd.f32 v59, v58;
	v1 =	vadd.f32 v1, v3  }
0x123: {  	(xrf2) =	vadd.scan.msk.f32 $0xffff, v29;
	(v2sf) =	vpush v62, $0xF;
	v7 =	vadd.f32 v7, v12  }
0x124: {  	v63 =	vadd.f32 v6, v5;
	v3, _, _ =	vpop (xrf2);
	(xrf2) =	vadd.scan.msk.f32 $0xffff, v61;
	v1 =	vadd.f32 v2, v1  }
0x125: {  	(v2sf) =	vpush v3, $0xF;
	v3, _, _ =	vpop (xrf2);
	(xrf2) =	vadd.scan.msk.f32 $0xffff, v7  }
0x126: {  	(v2sf) =	vpush v3, $0xF;
	v2, _, _ =	vpop (xrf2);
	(xrf2) =	vadd.scan.msk.f32 $0xffff, v63  }
0x127: {  	(v2sf) =	vpush v2, $0xF;
	v2, _, _ =	vpop (xrf2);
	(xrf2) =	vadd.scan.msk.f32 $0xffff, v1  }
0x128: {  	v1, _, _ =	vpop (xrf2);
	(v2sf) =	vpush v2, $0xF  }
0x129: {  	v2, _, _ =	vpop (xrf2);
	(v2sf) =	vpush v1, $0xF  }
0x12a: {  	v1, _, _ =	vpop (xrf2);
	(v2sf) =	vpush v2, $0xF  }
0x12b: {  	v2, _, _ =	vpop (xrf2);
	(v2sf) =	vpush v1, $0xF  }
0x12c: {  	v1, _, _ =	vpop (xrf2);
	(v2sf) =	vpush v2, $0xF  }
0x12d: {  	v2, _, _ =	vpop (xrf2);
	(v2sf) =	vpush v1, $0xF  }
0x12e: {  	v1, _, _ =	vpop (xrf2);
	(v2sf) =	vpush v2, $0xF  }
0x12f: {  	v2, _, _ =	vpop (xrf2);
	(v2sf) =	vpush v1, $0xF  }
0x130: {  	v1, _, _ =	vpop (xrf2);
	(v2sf) =	vpush v2, $0xF  }
0x131: {  	s0 =	spop (v2sf);
	(v2sf) =	vpush v1, $0xF;
	v1, _, _ =	vpop (xrf2)  }
0x132: {  	s28 =	spop (v2sf);
	(v2sf) =	vpush v1, $0xF  }
0x133: {  	s29 =	spop (v2sf)  }
0x134: {  	s30 =	spop (v2sf)  }
0x135: {  	s5 =	spop (v2sf)  }
0x136: {  	s6 =	spop (v2sf)  }
0x137: {  	s8 =	spop (v2sf)  }
0x138: {  	s10 =	spop (v2sf)  }
0x139: {  	s11 =	spop (v2sf)  }
0x13a: {  	s31 =	spop (v2sf)  }
0x13b: {  	s14 =	spop (v2sf)  }
0x13c: {  	s15 =	spop (v2sf)  }
0x13d: {  	s17 =	spop (v2sf)  }
0x13e: {  	s19 =	spop (v2sf)  }
0x13f: {  	s20 =	spop (v2sf)  }
0x140: {  	s21 =	spop (v2sf)  }
0x141: {  	s22 =	spop (v2sf)  }
0x142: {  	s22 =	sadd.f32 s22, s0  }
0x143: {  	s1 =	sadd.f32 s28, s0  }
0x144: {  	s2 =	sadd.f32 s29, s0;
	v1 =	vmov s22  }
0x145: {  	s3 =	sadd.f32 s30, s0;
	v1 =	vsel vm0, s1, v1  }
0x146: {  	s5 =	sadd.f32 s5, s0;
	v1 =	vsel vm1, s2, v1  }
0x147: {  	s6 =	sadd.f32 s6, s0;
	v1 =	vsel vm2, s3, v1  }
0x148: {  	s8 =	sadd.f32 s8, s0;
	v1 =	vsel vm3, s5, v1  }
0x149: {  	s10 =	sadd.f32 s10, s0;
	v1 =	vsel vm4, s6, v1  }
0x14a: {  	s11 =	sadd.f32 s11, s0;
	v1 =	vsel vm5, s8, v1  }
0x14b: {  	s22 =	sadd.f32 s31, s0;
	v1 =	vsel vm6, s10, v1  }
0x14c: {  	s23 =	sadd.f32 s14, s0;
	v1 =	vsel vm7, s11, v1  }
0x14d: {  	s24 =	sadd.f32 s15, s0;
	v1 =	vsel vm8, s22, v1  }
0x14e: {  	s25 =	sadd.f32 s17, s0;
	v1 =	vsel vm9, s23, v1  }
0x14f: {  	s26 =	sadd.f32 s19, s0;
	v1 =	vsel vm10, s24, v1  }
0x150: {  	s28 =	sadd.f32 s20, s0;
	v1 =	vsel vm11, s25, v1  }
0x151: {  	s0 =	sadd.f32 s21, s0;
	v1 =	vsel vm12, s26, v1  }
0x152: {  	v1 =	vsel vm13, s28, v1  }
0x153: {  	v1 =	vsel vm14, s0, v1  }
0x154: {  	v1 =	vsub.f32 $0.0e+00, v1;
	_ =	sdelay $0x1  }
0x155: {  	v1 =	vmul.f32 $1.442695020e+00, v1;
	_ =	sdelay $0x1  }
0x156: {  	(erf) = vpow2.f32 v1;
	_ =	sdelay $0x8  }
0x157: {  	v1 =	vpop (erf)  }
0x158: {  	v1 =	vadd.f32 $1.000000000e+00, v1;
	_ =	sdelay $0x1  }
0x159: {  	(erf) = vrcp.f32 v1;
	_ =	sdelay $0x8  }
0x15a: {  	v1 =	vpop (erf)  }
0x15b: {  	s29 =	rddreg [dreg:$0x7];
	s30 =	simm.s32 $0xAC80;
	s6 =	simm.s32 $0x0;
	[tilespmem:$0xAC80] =	vst v1  }
0x15c: {  	[hbm4b:s29+s6] =	stream.linear.scatter [tilespmem:s30], [sflag:$0x1], $0x10, $0x38;
	[tilespmem:$0xAD00] =	vst v63  }
0x15d: {  	_ =	swait.ge [sflag:s12], $0x10  }
0x15e: {  	s18 =	sadd.s32 $0x1, s18;
	s31 =	rddreg [dreg:$0x8]  }
0x15f: {  	p1 =	sne.s32 s18, s31  }
.Ltmp1:
0x160: {  	_ = 	snop;
	(pc) =	sbr.rel @!p1 .LBB2_21-.Ltmp1, $3  }
0x161: {  	_ =	sdelay $0x1  }
0x162: {  	[sflag:s12] =	ssyncset.done $0x0  }
0x163: {  	[sflag:s12] =	ssyncadd.s32 $0xFFFFFFF0  }
.LBB2_1:
0x164: {  	s0 =	rddreg [dreg:$0x5]  }
0x165: {  	[tilespmem:s6], [sflag:$0x1] =	stream.linear.gather [hbm4b:s0+s6], $0x5000, $0x38;
	[tilespmem:$0xAD00] =	vst v63  }
0x166: {  	_ =	swait.ge [sflag:s12], $0x5000  }
0x167: {  	[sflag:s12] =	ssyncset.done $0x0  }
0x168: {  	[sflag:s12] =	ssyncadd.s32 $0xFFFFB000  }
0x169: {  	v1 =	vld [tilespmem:s6+$0x0]  }
0x16a: {  	s31 =	sand.u32 $0x3F0, s6  }
0x16b: {  	v2 =	vld [tilespmem:s31+$0x280];
	_ =	sdelay $0x1  }
0x16c: {  	v3 =	vld [tilespmem:s31+$0x500]  }
0x16d: {  	v1 =	vadd.f32 $0.0e+00, v1  }
0x16e: {  	v4 =	vld [tilespmem:s31+$0x780]  }
0x16f: {  	v1 =	vadd.f32 v2, v1  }
0x170: {  	v2 =	vld [tilespmem:s31+$0xA00]  }
0x171: {  	v1 =	vadd.f32 v3, v1  }
0x172: {  	v3 =	vld [tilespmem:s31+$0xC80]  }
0x173: {  	v1 =	vadd.f32 v4, v1  }
0x174: {  	v55 =	vld [tilespmem:s31+$0xF00]  }
0x175: {  	v1 =	vadd.f32 v2, v1  }
0x176: {  	v2 =	vld [tilespmem:s31+$0x1180]  }
0x177: {  	v1 =	vadd.f32 v3, v1  }
0x178: {  	v3 =	vld [tilespmem:s31+$0x1400]  }
0x179: {  	v1 =	vadd.f32 v55, v1  }
0x17a: {  	v56 =	vld [tilespmem:s31+$0x1680]  }
0x17b: {  	v1 =	vadd.f32 v2, v1  }
0x17c: {  	v2 =	vld [tilespmem:s31+$0x1900]  }
0x17d: {  	v1 =	vadd.f32 v3, v1  }
0x17e: {  	v3 =	vld [tilespmem:s31+$0x1B80]  }
0x17f: {  	v1 =	vadd.f32 v56, v1  }
0x180: {  	v57 =	vld [tilespmem:s31+$0x1E00]  }
0x181: {  	v1 =	vadd.f32 v2, v1  }
0x182: {  	v2 =	vld [tilespmem:s31+$0x2080]  }
0x183: {  	v1 =	vadd.f32 v3, v1  }
0x184: {  	v3 =	vld [tilespmem:s31+$0x2300]  }
0x185: {  	v1 =	vadd.f32 v57, v1  }
0x186: {  	v58 =	vld [tilespmem:s31+$0x2580]  }
0x187: {  	v1 =	vadd.f32 v2, v1  }
0x188: {  	v2 =	vld [tilespmem:s31+$0x2800]  }
0x189: {  	v1 =	vadd.f32 v3, v1  }
0x18a: {  	v3 =	vld [tilespmem:s31+$0x2A80]  }
0x18b: {  	v1 =	vadd.f32 v58, v1  }
0x18c: {  	v59 =	vld [tilespmem:s31+$0x2D00]  }
0x18d: {  	v1 =	vadd.f32 v2, v1  }
0x18e: {  	v2 =	vld [tilespmem:s31+$0x2F80]  }
0x18f: {  	v1 =	vadd.f32 v3, v1  }
0x190: {  	v3 =	vld [tilespmem:s31+$0x3200]  }
0x191: {  	v1 =	vadd.f32 v59, v1  }
0x192: {  	v60 =	vld [tilespmem:s31+$0x3480]  }
0x193: {  	v1 =	vadd.f32 v2, v1  }
0x194: {  	v2 =	vld [tilespmem:s31+$0x3700]  }
0x195: {  	v1 =	vadd.f32 v3, v1  }
0x196: {  	v3 =	vld [tilespmem:s31+$0x3980]  }
0x197: {  	v1 =	vadd.f32 v60, v1  }
0x198: {  	v61 =	vld [tilespmem:s31+$0x3C00]  }
0x199: {  	v1 =	vadd.f32 v2, v1  }
0x19a: {  	v2 =	vld [tilespmem:s31+$0x3E80]  }
0x19b: {  	v1 =	vadd.f32 v3, v1  }
0x19c: {  	v3 =	vld [tilespmem:s31+$0x4100]  }
0x19d: {  	v1 =	vadd.f32 v61, v1  }
0x19e: {  	v62 =	vld [tilespmem:s31+$0x4380]  }
0x19f: {  	v1 =	vadd.f32 v2, v1  }
0x1a0: {  	v2 =	vld [tilespmem:s31+$0x4600]  }
0x1a1: {  	v1 =	vadd.f32 v3, v1  }
0x1a2: {  	v3 =	vld [tilespmem:s31+$0x4880]  }
0x1a3: {  	v1 =	vadd.f32 v62, v1  }
0x1a4: {  	v63 =	vld [tilespmem:s31+$0x4B00]  }
0x1a5: {  	v1 =	vadd.f32 v2, v1  }
0x1a6: {  	v2 =	vld [tilespmem:s31+$0x4D80]  }
0x1a7: {  	v1 =	vadd.f32 v3, v1;
	_ =	sdelay $0x1  }
0x1a8: {  	v1 =	vadd.f32 v63, v1;
	_ =	sdelay $0x1  }
0x1a9: {  	v1 =	vadd.f32 v2, v1  }
0x1aa: {  	s0 =	simm.s32 $0x5000  }
0x1ab: {  	s1 =	simm.s32 $0x10;
	[tilespmem:s0+$0x0] =	vst v1  }
0x1ac: {  	s2 =	simm.s32 $0x20;
	s3 =	simm.s32 $0x10;
	v1 =	vld [tilespmem:s1+$0x0]  }
.LBB2_2:
0x1ad: {  	p1 =	sne.s32 s2, $0x270;
	s5 =	sand.u32 $0x3F0, s1;
	s1 =	smov.u32 s2  }
0x1ae: {  	v2 =	vld [tilespmem:s5+$0x280];
	_ =	sdelay $0x1  }
0x1af: {  	v3 =	vld [tilespmem:s5+$0x500]  }
0x1b0: {  	v1 =	vadd.f32 $0.0e+00, v1  }
0x1b1: {  	v4 =	vld [tilespmem:s5+$0x780]  }
0x1b2: {  	v1 =	vadd.f32 v2, v1  }
0x1b3: {  	v2 =	vld [tilespmem:s5+$0xA00]  }
0x1b4: {  	v1 =	vadd.f32 v3, v1  }
0x1b5: {  	v3 =	vld [tilespmem:s5+$0xC80]  }
0x1b6: {  	v1 =	vadd.f32 v4, v1  }
0x1b7: {  	v4 =	vld [tilespmem:s5+$0xF00]  }
0x1b8: {  	v1 =	vadd.f32 v2, v1  }
0x1b9: {  	v2 =	vld [tilespmem:s5+$0x1180]  }
0x1ba: {  	v1 =	vadd.f32 v3, v1  }
0x1bb: {  	v3 =	vld [tilespmem:s5+$0x1400]  }
0x1bc: {  	v1 =	vadd.f32 v4, v1  }
0x1bd: {  	v4 =	vld [tilespmem:s5+$0x1680]  }
0x1be: {  	v1 =	vadd.f32 v2, v1  }
0x1bf: {  	v2 =	vld [tilespmem:s5+$0x1900]  }
0x1c0: {  	v1 =	vadd.f32 v3, v1  }
0x1c1: {  	v3 =	vld [tilespmem:s5+$0x1B80]  }
0x1c2: {  	v1 =	vadd.f32 v4, v1  }
0x1c3: {  	v4 =	vld [tilespmem:s5+$0x1E00]  }
0x1c4: {  	v1 =	vadd.f32 v2, v1  }
0x1c5: {  	v2 =	vld [tilespmem:s5+$0x2080]  }
0x1c6: {  	v1 =	vadd.f32 v3, v1  }
0x1c7: {  	v3 =	vld [tilespmem:s5+$0x2300]  }
0x1c8: {  	v1 =	vadd.f32 v4, v1  }
0x1c9: {  	v4 =	vld [tilespmem:s5+$0x2580]  }
0x1ca: {  	v1 =	vadd.f32 v2, v1  }
0x1cb: {  	v2 =	vld [tilespmem:s5+$0x2800]  }
0x1cc: {  	v1 =	vadd.f32 v3, v1  }
0x1cd: {  	v3 =	vld [tilespmem:s5+$0x2A80]  }
0x1ce: {  	v1 =	vadd.f32 v4, v1  }
0x1cf: {  	v4 =	vld [tilespmem:s5+$0x2D00]  }
0x1d0: {  	v1 =	vadd.f32 v2, v1  }
0x1d1: {  	v2 =	vld [tilespmem:s5+$0x2F80]  }
0x1d2: {  	v1 =	vadd.f32 v3, v1  }
0x1d3: {  	v3 =	vld [tilespmem:s5+$0x3200]  }
0x1d4: {  	v1 =	vadd.f32 v4, v1  }
0x1d5: {  	v4 =	vld [tilespmem:s5+$0x3480]  }
0x1d6: {  	v1 =	vadd.f32 v2, v1  }
0x1d7: {  	v2 =	vld [tilespmem:s5+$0x3700]  }
0x1d8: {  	v1 =	vadd.f32 v3, v1  }
0x1d9: {  	v3 =	vld [tilespmem:s5+$0x3980]  }
0x1da: {  	v1 =	vadd.f32 v4, v1  }
0x1db: {  	v4 =	vld [tilespmem:s5+$0x3C00]  }
0x1dc: {  	v1 =	vadd.f32 v2, v1  }
0x1dd: {  	v2 =	vld [tilespmem:s5+$0x3E80]  }
0x1de: {  	v1 =	vadd.f32 v3, v1  }
0x1df: {  	v3 =	vld [tilespmem:s5+$0x4100]  }
0x1e0: {  	v1 =	vadd.f32 v4, v1  }
0x1e1: {  	v4 =	vld [tilespmem:s5+$0x4380]  }
0x1e2: {  	v1 =	vadd.f32 v2, v1  }
0x1e3: {  	v2 =	vld [tilespmem:s5+$0x4600]  }
0x1e4: {  	v1 =	vadd.f32 v3, v1  }
0x1e5: {  	v3 =	vld [tilespmem:s5+$0x4880]  }
0x1e6: {  	v1 =	vadd.f32 v4, v1  }
0x1e7: {  	v4 =	vld [tilespmem:s5+$0x4B00]  }
0x1e8: {  	v1 =	vadd.f32 v2, v1  }
0x1e9: {  	v2 =	vld [tilespmem:s5+$0x4D80]  }
0x1ea: {  	v1 =	vadd.f32 v3, v1;
	_ =	sdelay $0x1  }
0x1eb: {  	v1 =	vadd.f32 v4, v1  }
.Ltmp2:
0x1ec: {  	(pc) =	sbr.rel @p1 .LBB2_2-.Ltmp2, $4  }
0x1ed: {  	v1 =	vadd.f32 v2, v1  }
0x1ee: {  	s0 =	sadd.s32 $0x10, s0  }
0x1ef: {  	s3 =	sadd.s32 $0x10, s3;
	[tilespmem:s0+$0x0] =	vst v1  }
0x1f0: {  	s2 =	sadd.s32 $0x10, s2;
	v1 =	vld [tilespmem:s3+$0x0]  }
0x1f1: {  	s1 =	sand.u32 $0x3F0, s1  }
0x1f2: {  	v2 =	vld [tilespmem:s1+$0x280];
	_ =	sdelay $0x1  }
0x1f3: {  	v3 =	vld [tilespmem:s1+$0x500]  }
0x1f4: {  	v1 =	vadd.f32 $0.0e+00, v1  }
0x1f5: {  	v4 =	vld [tilespmem:s1+$0x780]  }
0x1f6: {  	v1 =	vadd.f32 v2, v1  }
0x1f7: {  	v2 =	vld [tilespmem:s1+$0xA00]  }
0x1f8: {  	v1 =	vadd.f32 v3, v1  }
0x1f9: {  	v3 =	vld [tilespmem:s1+$0xC80]  }
0x1fa: {  	v1 =	vadd.f32 v4, v1  }
0x1fb: {  	v55 =	vld [tilespmem:s1+$0xF00]  }
0x1fc: {  	v1 =	vadd.f32 v2, v1  }
0x1fd: {  	v2 =	vld [tilespmem:s1+$0x1180]  }
0x1fe: {  	v1 =	vadd.f32 v3, v1  }
0x1ff: {  	v3 =	vld [tilespmem:s1+$0x1400]  }
0x200: {  	v1 =	vadd.f32 v55, v1  }
0x201: {  	v56 =	vld [tilespmem:s1+$0x1680]  }
0x202: {  	v1 =	vadd.f32 v2, v1  }
0x203: {  	v2 =	vld [tilespmem:s1+$0x1900]  }
0x204: {  	v1 =	vadd.f32 v3, v1  }
0x205: {  	v3 =	vld [tilespmem:s1+$0x1B80]  }
0x206: {  	v1 =	vadd.f32 v56, v1  }
0x207: {  	v57 =	vld [tilespmem:s1+$0x1E00]  }
0x208: {  	v1 =	vadd.f32 v2, v1  }
0x209: {  	v2 =	vld [tilespmem:s1+$0x2080]  }
0x20a: {  	v1 =	vadd.f32 v3, v1  }
0x20b: {  	v3 =	vld [tilespmem:s1+$0x2300]  }
0x20c: {  	v1 =	vadd.f32 v57, v1  }
0x20d: {  	v58 =	vld [tilespmem:s1+$0x2580]  }
0x20e: {  	v1 =	vadd.f32 v2, v1  }
0x20f: {  	v2 =	vld [tilespmem:s1+$0x2800]  }
0x210: {  	v1 =	vadd.f32 v3, v1  }
0x211: {  	v3 =	vld [tilespmem:s1+$0x2A80]  }
0x212: {  	v1 =	vadd.f32 v58, v1  }
0x213: {  	v59 =	vld [tilespmem:s1+$0x2D00]  }
0x214: {  	v1 =	vadd.f32 v2, v1  }
0x215: {  	v2 =	vld [tilespmem:s1+$0x2F80]  }
0x216: {  	v1 =	vadd.f32 v3, v1  }
0x217: {  	v3 =	vld [tilespmem:s1+$0x3200]  }
0x218: {  	v1 =	vadd.f32 v59, v1  }
0x219: {  	v60 =	vld [tilespmem:s1+$0x3480]  }
0x21a: {  	v1 =	vadd.f32 v2, v1  }
0x21b: {  	v2 =	vld [tilespmem:s1+$0x3700]  }
0x21c: {  	v1 =	vadd.f32 v3, v1  }
0x21d: {  	v3 =	vld [tilespmem:s1+$0x3980]  }
0x21e: {  	v1 =	vadd.f32 v60, v1  }
0x21f: {  	v61 =	vld [tilespmem:s1+$0x3C00]  }
0x220: {  	v1 =	vadd.f32 v2, v1  }
0x221: {  	v2 =	vld [tilespmem:s1+$0x3E80]  }
0x222: {  	v1 =	vadd.f32 v3, v1  }
0x223: {  	v3 =	vld [tilespmem:s1+$0x4100]  }
0x224: {  	v1 =	vadd.f32 v61, v1  }
0x225: {  	v62 =	vld [tilespmem:s1+$0x4380]  }
0x226: {  	v1 =	vadd.f32 v2, v1  }
0x227: {  	v2 =	vld [tilespmem:s1+$0x4600]  }
0x228: {  	v1 =	vadd.f32 v3, v1  }
0x229: {  	v3 =	vld [tilespmem:s1+$0x4880]  }
0x22a: {  	v1 =	vadd.f32 v62, v1  }
0x22b: {  	v63 =	vld [tilespmem:s1+$0x4B00]  }
0x22c: {  	v1 =	vadd.f32 v2, v1  }
0x22d: {  	v2 =	vld [tilespmem:s1+$0x4D80]  }
0x22e: {  	v1 =	vadd.f32 v3, v1;
	_ =	sdelay $0x1  }
0x22f: {  	v1 =	vadd.f32 v63, v1;
	_ =	sdelay $0x1  }
0x230: {  	v1 =	vadd.f32 v2, v1  }
0x231: {  	s0 =	sadd.s32 $0x10, s0  }
0x232: {  	[tilespmem:s0+$0x0] =	vst v1  }
0x233: {  	s25 =	simm.s32 $0x0;
	s26 =	rddreg [dreg:$0x4];
	s2 =	simm.s32 $0x5300;
	[tilespmem:$0x5280] =	vst v0  }
0x234: {  	[tilespmem:s2], [sflag:$0x1] =	stream.linear.gather [hbm4b:s26+s25], $0x2800, $0x38;
	[tilespmem:$0xAD00] =	vst v63  }
0x235: {  	_ =	swait.ge [sflag:s12], $0x2800  }
0x236: {  	[sflag:s12] =	ssyncset.done $0x0  }
0x237: {  	[sflag:s12] =	ssyncadd.s32 $0xFFFFD800  }
0x238: {  	s29 =	simm.s32 $0xAB00;
	s28 =	rddreg [dreg:$0x1]  }
0x239: {  	[tilespmem:s29], [sflag:$0x1] =	stream.linear.gather [hbm4b:s28+s25], $0x100, $0x38;
	[tilespmem:$0xAD00] =	vst v63  }
0x23a: {  	_ =	swait.ge [sflag:s12], $0x100  }
0x23b: {  	[sflag:s12] =	ssyncset.done $0x0  }
0x23c: {  	s31 =	simm.s32 $0xAC00;
	s30 =	rddreg [dreg:$0x6];
	[sflag:s12] =	ssyncadd.s32 $0xFFFFFF00  }
0x23d: {  	[tilespmem:s31], [sflag:$0x1] =	stream.linear.gather [hbm4b:s30+s25], $0x80, $0x38;
	[tilespmem:$0xAD00] =	vst v63  }
0x23e: {  	_ =	swait.ge [sflag:s12], $0x80  }
0x23f: {  	[sflag:s12] =	ssyncset.done $0x0  }
0x240: {  	s1 =	simm.s32 $0x200;
	s0 =	simm.s32 $0x0;
	[sflag:s12] =	ssyncadd.s32 $0xFFFFFF80  }
.LBB2_4:
0x241: {  	p1 =	seq.s32 s1, $0x1E00;
	[tilespmem:s0+$0xA370] =	vst v0  }
0x242: {  	[tilespmem:s0+$0x9B00] =	vst v0  }
0x243: {  	[tilespmem:s0+$0xA300] =	vst v0  }
0x244: {  	[tilespmem:s0+$0x9B10] =	vst v0  }
0x245: {  	[tilespmem:s0+$0xA310] =	vst v0  }
0x246: {  	[tilespmem:s0+$0x9B20] =	vst v0  }
0x247: {  	[tilespmem:s0+$0xA320] =	vst v0  }
0x248: {  	[tilespmem:s0+$0x9B30] =	vst v0  }
0x249: {  	[tilespmem:s0+$0xA330] =	vst v0  }
0x24a: {  	[tilespmem:s0+$0x9B40] =	vst v0  }
0x24b: {  	[tilespmem:s0+$0xA340] =	vst v0  }
.Ltmp3:
0x24c: {  	[tilespmem:s0+$0x9B50] =	vst v0;
	(pc) =	sbr.rel @!p1 .LBB2_4-.Ltmp3, $4  }
0x24d: {  	[tilespmem:s0+$0xA350] =	vst v0  }
0x24e: {  	[tilespmem:s0+$0x9B60] =	vst v0  }
0x24f: {  	[tilespmem:s0+$0xA360] =	vst v0  }
0x250: {  	[tilespmem:s0+$0x9B70] =	vst v0;
	s0 =	sshra.s32 s1, $0x2;
	s1 =	sadd.s32 $0x200, s1  }
0x251: {  	[tilespmem:s0+$0xA370] =	vst v0  }
0x252: {  	[tilespmem:s0+$0x9B00] =	vst v0  }
0x253: {  	[tilespmem:s0+$0xA300] =	vst v0  }
0x254: {  	[tilespmem:s0+$0x9B10] =	vst v0  }
0x255: {  	[tilespmem:s0+$0xA310] =	vst v0  }
0x256: {  	[tilespmem:s0+$0x9B20] =	vst v0  }
0x257: {  	[tilespmem:s0+$0xA320] =	vst v0  }
0x258: {  	[tilespmem:s0+$0x9B30] =	vst v0  }
0x259: {  	[tilespmem:s0+$0xA330] =	vst v0  }
0x25a: {  	[tilespmem:s0+$0x9B40] =	vst v0  }
0x25b: {  	[tilespmem:s0+$0xA340] =	vst v0  }
.Ltmp4:
0x25c: {  	[tilespmem:s0+$0x9B50] =	vst v0;
	(pc) =	sbr.rel @p0 .LBB2_8-.Ltmp4, $4  }
0x25d: {  	[tilespmem:s0+$0xA350] =	vst v0  }
0x25e: {  	[tilespmem:s0+$0x9B60] =	vst v0  }
0x25f: {  	[tilespmem:s0+$0xA360] =	vst v0  }
0x260: {  	[tilespmem:s0+$0x9B70] =	vst v0  }
0x261: {  	s1 =	simm.s32 $0x5000  }
0x262: {  	v1 =	vld [tilespmem:s1+$0x0];
	_ =	sdelay $0x4  }
0x263: {  	(v2sf) =	vpush v1, $0x0;
	_ =	sdelay $0x6  }
0x264: {  	p3 =	sne.s32 s7, $0x1  }
.Ltmp5:
0x265: {  	_ = 	snop;
	(pc) =	sbr.rel @!p3 .LBB2_7-.Ltmp5, $3  }
0x266: {  	_ =	sdelay $0x1  }
0x267: {  	s0 =	simm.f32 $0.0e+00;
	s2 =	simm.s32 $0x5001  }
0x268: {  	p1 =	por $0x0, $0x0;
	p2 =	por $0x0, $0x0;
	s1 =	sadd.s32 $0xFFFFFFFF, s7  }
0x269: {  	v1 =	vld [tilespmem:s2+$0x0];
	_ =	sdelay $0x4  }
0x26a: {  	(v2sf) =	vpush v1, $0x0;
	_ =	sdelay $0x3  }
0x26b: {  	p3 =	sne.s32 s1, $0x1  }
.Ltmp6:
0x26c: {  	_ = 	snop;
	(pc) =	sbr.rel @!p3 .LBB2_10-.Ltmp6, $2  }
0x26d: {  	_ =	sdelay $0x2  }
0x26e: {  	s1 =	sadd.s32 $0xFFFFFFFF, s1;
	s2 =	simm.s32 $0x5002;
	p1 =	por $0x1, $0x1  }
0x26f: {  	v1 =	vld [tilespmem:s2+$0x0];
	_ =	sdelay $0x4  }
0x270: {  	(v2sf) =	vpush v1, $0x0;
	_ =	sdelay $0x3  }
0x271: {  	p3 =	sne.s32 s1, $0x1  }
.Ltmp7:
0x272: {  	_ = 	snop;
	(pc) =	sbr.rel @!p3 .LBB2_12-.Ltmp7, $3  }
0x273: {  	_ =	sdelay $0x1  }
0x274: {  	s2 =	sadd.s32 $0xFFFFFFFF, s1  }
0x275: {  	s3 =	simm.s32 $0x5003;
	p2 =	por $0x1, $0x1;
	s1 =	simm.f32 $0.0e+00  }
.LBB2_13:
0x276: {  	v1 =	vld [tilespmem:s3+$0x0];
	p3 =	sne.s32 s2, $0x1;
	s2 =	sadd.s32 $0xFFFFFFFF, s2  }
.Ltmp8:
0x277: {  	(pc) =	sbr.rel @p3 .LBB2_13-.Ltmp8, $3  }
0x278: {  	s5 =	spop (v2sf)  }
0x279: {  	s1 =	sadd.f32 s5, s1;
	_ =	sdelay $0x1  }
0x27a: {  	s3 =	sadd.s32 $0x1, s3;
	(v2sf) =	vpush v1, $0x0  }
.LBB2_14:
0x27b: {  	_ =	sdelay $0x7  }
0x27c: {  	s2 =	spop @p2 (v2sf)  }
0x27d: {  	s1 =	sadd.f32 @p2 s2, s1  }
0x27e: {  	s2 =	simm.f32 $0.0e+00  }
0x27f: {  	s2 =	smov.u32 @p2 s1;
	s1 =	spop @p1 (v2sf)  }
0x280: {  	s1 =	sadd.f32 @p1 s1, s2  }
.Ltmp9:
0x281: {  	_ = 	snop;
	(pc) =	sbr.rel .LBB2_15-.Ltmp9, $3  }
0x282: {  	s0 =	smov.u32 @p1 s1;
	s31 =	spop (v2sf)  }
0x283: {  	s0 =	sadd.f32 s31, s0;
	_ =	sdelay $0x1  }
0x284: {  	s14 =	scvt.f32.s32 s0  }
.LBB2_8:
0x285: {  	s14 =	simm.s32 $0x0  }
.LBB2_15:
0x286: {  	v1 =	vld [tilespmem:s9+$0x0]  }
0x287: {  	v2 =	vld [tilespmem:s9+$0x1];
	_ =	sdelay $0x1  }
0x288: {  	v3 =	vld [tilespmem:s9+$0x2];
	_ =	sdelay $0x1  }
0x289: {  	(v2sf) =	vpush v1, $0x0;
	v1 =	vld [tilespmem:s9+$0x3]  }
0x28a: {  	(v2sf) =	vpush v2, $0x0  }
0x28b: {  	v2 =	vld [tilespmem:s9+$0x4]  }
0x28c: {  	(v2sf) =	vpush v3, $0x0  }
0x28d: {  	v3 =	vld [tilespmem:s9+$0x5]  }
0x28e: {  	(v2sf) =	vpush v1, $0x0  }
0x28f: {  	v1 =	vld [tilespmem:s9+$0x6]  }
0x290: {  	(v2sf) =	vpush v2, $0x0  }
0x291: {  	v2 =	vld [tilespmem:s9+$0x7]  }
0x292: {  	(v2sf) =	vpush v3, $0x0  }
0x293: {  	v3 =	vld [tilespmem:s9+$0x8]  }
0x294: {  	(v2sf) =	vpush v1, $0x0  }
0x295: {  	v1 =	vld [tilespmem:s9+$0x9]  }
0x296: {  	(v2sf) =	vpush v2, $0x0  }
0x297: {  	v2 =	vld [tilespmem:s9+$0xA]  }
0x298: {  	s13 =	spop (v2sf);
	(v2sf) =	vpush v3, $0x0  }
0x299: {  	v3 =	vld [tilespmem:s9+$0xB];
	s1 =	spop (v2sf)  }
0x29a: {  	(v2sf) =	vpush v1, $0x0;
	s0 =	sadd.f32 s1, s13  }
0x29b: {  	v1 =	vld [tilespmem:s9+$0xC];
	s3 =	spop (v2sf)  }
0x29c: {  	(v2sf) =	vpush v2, $0x0;
	s2 =	sadd.f32 s3, s0  }
0x29d: {  	v2 =	vld [tilespmem:s9+$0xD];
	s0 =	spop (v2sf)  }
0x29e: {  	(v2sf) =	vpush v3, $0x0;
	s2 =	sadd.f32 s0, s2  }
0x29f: {  	v3 =	vld [tilespmem:s9+$0xE];
	s31 =	spop (v2sf)  }
0x2a0: {  	(v2sf) =	vpush v1, $0x0;
	s2 =	sadd.f32 s31, s2  }
0x2a1: {  	v1 =	vld [tilespmem:s9+$0xF];
	s30 =	spop (v2sf)  }
0x2a2: {  	(v2sf) =	vpush v2, $0x0;
	s2 =	sadd.f32 s30, s2  }
0x2a3: {  	s29 =	spop (v2sf)  }
0x2a4: {  	(v2sf) =	vpush v3, $0x0;
	s2 =	sadd.f32 s29, s2  }
0x2a5: {  	s28 =	spop (v2sf)  }
0x2a6: {  	(v2sf) =	vpush v1, $0x0;
	s2 =	sadd.f32 s28, s2  }
0x2a7: {  	s26 =	spop (v2sf)  }
0x2a8: {  	s2 =	sadd.f32 s26, s2  }
0x2a9: {  	s25 =	spop (v2sf)  }
0x2aa: {  	s2 =	sadd.f32 s25, s2  }
0x2ab: {  	s24 =	spop (v2sf)  }
0x2ac: {  	s2 =	sadd.f32 s24, s2  }
0x2ad: {  	s5 =	spop (v2sf)  }
0x2ae: {  	s2 =	sadd.f32 s5, s2  }
0x2af: {  	s11 =	spop (v2sf)  }
0x2b0: {  	s2 =	sadd.f32 s11, s2  }
0x2b1: {  	s15 =	spop (v2sf)  }
0x2b2: {  	s2 =	sadd.f32 s15, s2  }
0x2b3: {  	s17 =	spop (v2sf)  }
0x2b4: {  	s2 =	sadd.f32 s17, s2  }
0x2b5: {  	s19 =	spop (v2sf)  }
0x2b6: {  	s6 =	sand.u32 $0x3F, s14;
	s2 =	sadd.f32 s19, s2  }
0x2b7: {  	s10 =	simm.s32 $0x1;
	p1 =	slt.s32 s14, $0x1;
	p2 =	sne.s32 s6, $0x0  }
0x2b8: {  	s20 =	sshra.s32 s14, $0x1F;
	p1 =	por !p1, !p2;
	s2 =	scvt.f32.s32 s2  }
0x2b9: {  	s6 =	simm.s32 $0x1;
	p1 =	por !p1, !p1;
	[dreg:$0xd] =	wrdreg s5  }
0x2ba: {  	s5 =	sshrl.u32 s20, $0x1A;
	[dreg:$0xb] =	wrdreg s15;
	s15 =	sadd.s32 s2, s14  }
0x2bb: {  	s10 =	simm.s32 @!p1 $0x0;
	s5 =	sadd.s32 s5, s14;
	s21 =	sadd.s32 $0x3F, s15  }
0x2bc: {  	s5 =	sshra.s32 s5, $0x6;
	s8 =	sand.u32 $0x3F, s21;
	s22 =	sshra.s32 s21, $0x1F  }
0x2bd: {  	p6 =	slt.s32 s21, $0x1;
	p5 =	sne.s32 s8, $0x0;
	s8 =	sshrl.u32 s22, $0x1A  }
0x2be: {  	[dreg:$0xa] =	wrdreg s17;
	s23 =	sadd.s32 s8, s21;
	p1 =	por !p6, !p5  }
0x2bf: {  	s17 =	ssub.s32 s5, s10;
	s5 =	sshra.s32 s23, $0x6;
	p1 =	por !p1, !p1  }
0x2c0: {  	s5 =	ssub.s32 s5, s17;
	s6 =	simm.s32 @!p1 $0x0  }
0x2c1: {  	p1 =	slt.s32 s2, $0x1;
	s5 =	ssub.s32 s5, s6  }
0x2c2: {  	p2 =	slt.s32 @!p1 s5, $0x1  }
0x2c3: {  	p1 =	por p1, p2  }
.Ltmp10:
0x2c4: {  	_ = 	snop;
	(pc) =	sbr.rel @p1 .LBB2_20-.Ltmp10, $3  }
0x2c5: {  	_ =	sdelay $0x1  }
0x2c6: {  	[dreg:$0xc] =	wrdreg s11  }
0x2c7: {  	[dreg:$0x9] =	wrdreg s19  }
0x2c8: {  	s2 =	sshll.u32 s17, $0x8  }
0x2c9: {  	s2 =	sshra.s32 s2, $0x2  }
0x2ca: {  	s8 =	simm.s32 $0x0;
	s10 =	simm.s32 $0x0;
	s23 =	sadd.s32 $0x5300, s2  }
.LBB2_17:
0x2cb: {  	s2 =	sadd.s32 s17, s10  }
0x2cc: {  	s6 =	sshll.u32 s2, $0xA  }
0x2cd: {  	s2 =	sshll.u32 s2, $0x6;
	s6 =	sand.u32 $0x1FFFFC00, s6  }
0x2ce: {  	s11 =	ssub.s32 s14, s2;
	s6 =	sadd.s32 s4, s6  }
0x2cf: {  	[tilespmem:s16], [sflag:$0x1] =	stream.linear.gather [hbm4b:s6+s8], $0x2000, $0x38;
	[tilespmem:$0xAD00] =	vst v63  }
0x2d0: {  	s2 =	ssub.s32 s15, s2;
	p1 =	sgt.s32 s11, $0x0;
	_ =	swait.ge [sflag:s12], $0x2000  }
0x2d1: {  	p2 =	sle.s32 @!p1 s2, $0x0;
	[sflag:s12] =	ssyncset.done $0x0  }
0x2d2: {  	p1 =	por p2, p1;
	[sflag:s12] =	ssyncadd.s32 $0xFFFFE000  }
0x2d3: {  	v1 =	vld @!p1 [tilespmem:s23+$0x0];
	_ =	sdelay $0x4  }
0x2d4: {  	(v2sf) =	vpush @!p1 v1, $0x0;
	_ =	sdelay $0xe  }
0x2d5: {  	s6 =	spop @!p1 (v2sf)  }
0x2d6: {  	s19 =	simm.s32 $0x7B40;
	s6 =	ssub.s32 @!p1 s6, s7  }
0x2d7: {  	v1 =	vld @!p1 [tilespmem:s19+$0xFFFFFFC0];
	s20 =	sshll.u32 @!p1 s6, $0x7  }
0x2d8: {  	v2 =	vld @!p1 [tilespmem:s20+$0xA300]  }
0x2d9: {  	v3 =	vld @!p1 [tilespmem:s20+$0x9B00];
	_ =	sdelay $0x4  }
0x2da: {  	v2 =	vadd.f32 @!p1 v2, v1;
	v1 =	vmax.f32 @!p1 v3, v1  }
0x2db: {  	v3 =	vld @!p1 [tilespmem:s20+$0xA310];
	[tilespmem:s20+$0x9B00] =	vst @!p1 v1  }
0x2dc: {  	[tilespmem:s20+$0xA300] =	vst @!p1 v2;
	v2 =	vld @!p1 [tilespmem:s20+$0x9B10]  }
0x2dd: {  	v1 =	vld @!p1 [tilespmem:s19+$0xFFFFFFD0];
	_ =	sdelay $0x4  }
0x2de: {  	v2 =	vmax.f32 @!p1 v2, v1;
	v1 =	vadd.f32 @!p1 v3, v1  }
0x2df: {  	v3 =	vld @!p1 [tilespmem:s20+$0xA320];
	[tilespmem:s20+$0x9B10] =	vst @!p1 v2  }
0x2e0: {  	v2 =	vld @!p1 [tilespmem:s20+$0x9B20];
	[tilespmem:s20+$0xA310] =	vst @!p1 v1  }
0x2e1: {  	v1 =	vld @!p1 [tilespmem:s19+$0xFFFFFFE0];
	_ =	sdelay $0x4  }
0x2e2: {  	v2 =	vmax.f32 @!p1 v2, v1;
	v1 =	vadd.f32 @!p1 v3, v1  }
0x2e3: {  	v3 =	vld @!p1 [tilespmem:s20+$0xA330];
	[tilespmem:s20+$0x9B20] =	vst @!p1 v2  }
0x2e4: {  	v2 =	vld @!p1 [tilespmem:s20+$0x9B30];
	[tilespmem:s20+$0xA320] =	vst @!p1 v1  }
0x2e5: {  	v1 =	vld @!p1 [tilespmem:s19+$0xFFFFFFF0];
	_ =	sdelay $0x4  }
0x2e6: {  	v2 =	vmax.f32 @!p1 v2, v1;
	v1 =	vadd.f32 @!p1 v3, v1  }
0x2e7: {  	v3 =	vld @!p1 [tilespmem:s20+$0xA340];
	[tilespmem:s20+$0x9B30] =	vst @!p1 v2  }
0x2e8: {  	v2 =	vld @!p1 [tilespmem:s20+$0x9B40];
	[tilespmem:s20+$0xA330] =	vst @!p1 v1  }
0x2e9: {  	v1 =	vld @!p1 [tilespmem:s19+$0x0];
	_ =	sdelay $0x4  }
0x2ea: {  	v2 =	vmax.f32 @!p1 v2, v1;
	v1 =	vadd.f32 @!p1 v3, v1  }
0x2eb: {  	v3 =	vld @!p1 [tilespmem:s20+$0xA350];
	[tilespmem:s20+$0x9B40] =	vst @!p1 v2  }
0x2ec: {  	v2 =	vld @!p1 [tilespmem:s20+$0x9B50];
	[tilespmem:s20+$0xA340] =	vst @!p1 v1  }
0x2ed: {  	v1 =	vld @!p1 [tilespmem:s19+$0x10];
	_ =	sdelay $0x4  }
0x2ee: {  	v2 =	vmax.f32 @!p1 v2, v1;
	v1 =	vadd.f32 @!p1 v3, v1  }
0x2ef: {  	v3 =	vld @!p1 [tilespmem:s20+$0xA360];
	[tilespmem:s20+$0x9B50] =	vst @!p1 v2  }
0x2f0: {  	v2 =	vld @!p1 [tilespmem:s20+$0x9B60];
	[tilespmem:s20+$0xA350] =	vst @!p1 v1  }
0x2f1: {  	v1 =	vld @!p1 [tilespmem:s19+$0x20];
	_ =	sdelay $0x4  }
0x2f2: {  	v2 =	vmax.f32 @!p1 v2, v1;
	v1 =	vadd.f32 @!p1 v3, v1  }
0x2f3: {  	[tilespmem:s20+$0x9B60] =	vst @!p1 v2;
	v2 =	vld @!p1 [tilespmem:s20+$0x9B70]  }
0x2f4: {  	[tilespmem:s20+$0xA360] =	vst @!p1 v1;
	v1 =	vld @!p1 [tilespmem:s20+$0xA370]  }
0x2f5: {  	v3 =	vld @!p1 [tilespmem:s19+$0x30];
	_ =	sdelay $0x3  }
0x2f6: {  	s22 =	simm.s32 $0x1;
	s21 =	simm.s32 $0x2  }
0x2f7: {  	p3 =	sgt.s32 s11, $0x1;
	s6 =	smov.u32 s23;
	s19 =	simm.s32 $0x7BC0;
	v2 =	vmax.f32 @!p1 v2, v3;
	v1 =	vadd.f32 @!p1 v1, v3  }
.LBB2_18:
0x2f8: {  	p4 =	sle.s32 @!p3 s2, s22  }
0x2f9: {  	[tilespmem:s20+$0x9B70] =	vst @!p1 v2;
	s6 =	sadd.s32 $0x1, s6;
	s22 =	smov.u32 s21;
	s21 =	sadd.s32 $0x1, s21  }
0x2fa: {  	p2 =	sne.s32 s21, $0x40;
	[tilespmem:s20+$0xA370] =	vst @!p1 v1;
	p1 =	por p4, p3  }
0x2fb: {  	v1 =	vld @!p1 [tilespmem:s6+$0x0];
	_ =	sdelay $0x4  }
0x2fc: {  	(v2sf) =	vpush @!p1 v1, $0x0;
	_ =	sdelay $0xe  }
0x2fd: {  	s20 =	spop @!p1 (v2sf)  }
0x2fe: {  	s20 =	ssub.s32 @!p1 s20, s7  }
0x2ff: {  	s20 =	sshll.u32 @!p1 s20, $0x7;
	v1 =	vld @!p1 [tilespmem:s19+$0xFFFFFFC0]  }
0x300: {  	v2 =	vld @!p1 [tilespmem:s20+$0xA300]  }
0x301: {  	v3 =	vld @!p1 [tilespmem:s20+$0x9B00];
	_ =	sdelay $0x3  }
0x302: {  	v2 =	vadd.f32 @!p1 v2, v1  }
0x303: {  	v1 =	vmax.f32 @!p1 v3, v1  }
0x304: {  	[tilespmem:s20+$0xA300] =	vst @!p1 v2;
	v2 =	vld @!p1 [tilespmem:s20+$0x9B10]  }
0x305: {  	[tilespmem:s20+$0x9B00] =	vst @!p1 v1;
	v1 =	vld @!p1 [tilespmem:s20+$0xA310]  }
0x306: {  	v3 =	vld @!p1 [tilespmem:s19+$0xFFFFFFD0];
	_ =	sdelay $0x4  }
0x307: {  	v2 =	vmax.f32 @!p1 v2, v3;
	v1 =	vadd.f32 @!p1 v1, v3  }
0x308: {  	[tilespmem:s20+$0x9B10] =	vst @!p1 v2;
	v2 =	vld @!p1 [tilespmem:s20+$0x9B20]  }
0x309: {  	[tilespmem:s20+$0xA310] =	vst @!p1 v1;
	v1 =	vld @!p1 [tilespmem:s20+$0xA320]  }
0x30a: {  	v3 =	vld @!p1 [tilespmem:s19+$0xFFFFFFE0];
	_ =	sdelay $0x4  }
0x30b: {  	v2 =	vmax.f32 @!p1 v2, v3;
	v1 =	vadd.f32 @!p1 v1, v3  }
0x30c: {  	[tilespmem:s20+$0x9B20] =	vst @!p1 v2;
	v2 =	vld @!p1 [tilespmem:s20+$0x9B30]  }
0x30d: {  	[tilespmem:s20+$0xA320] =	vst @!p1 v1;
	v1 =	vld @!p1 [tilespmem:s20+$0xA330]  }
0x30e: {  	v3 =	vld @!p1 [tilespmem:s19+$0xFFFFFFF0];
	_ =	sdelay $0x4  }
0x30f: {  	v2 =	vmax.f32 @!p1 v2, v3;
	v1 =	vadd.f32 @!p1 v1, v3  }
0x310: {  	[tilespmem:s20+$0x9B30] =	vst @!p1 v2;
	v2 =	vld @!p1 [tilespmem:s20+$0x9B40]  }
0x311: {  	[tilespmem:s20+$0xA330] =	vst @!p1 v1;
	v1 =	vld @!p1 [tilespmem:s20+$0xA340]  }
0x312: {  	v3 =	vld @!p1 [tilespmem:s19+$0x0];
	_ =	sdelay $0x4  }
0x313: {  	v2 =	vmax.f32 @!p1 v2, v3;
	v1 =	vadd.f32 @!p1 v1, v3  }
0x314: {  	[tilespmem:s20+$0x9B40] =	vst @!p1 v2;
	v2 =	vld @!p1 [tilespmem:s20+$0x9B50]  }
0x315: {  	[tilespmem:s20+$0xA340] =	vst @!p1 v1;
	v1 =	vld @!p1 [tilespmem:s20+$0xA350]  }
0x316: {  	v3 =	vld @!p1 [tilespmem:s19+$0x10];
	_ =	sdelay $0x4  }
0x317: {  	v2 =	vmax.f32 @!p1 v2, v3;
	v1 =	vadd.f32 @!p1 v1, v3  }
0x318: {  	[tilespmem:s20+$0x9B50] =	vst @!p1 v2;
	v2 =	vld @!p1 [tilespmem:s20+$0x9B60]  }
0x319: {  	[tilespmem:s20+$0xA350] =	vst @!p1 v1;
	v1 =	vld @!p1 [tilespmem:s20+$0xA360]  }
0x31a: {  	v3 =	vld @!p1 [tilespmem:s19+$0x20];
	_ =	sdelay $0x4  }
0x31b: {  	v2 =	vmax.f32 @!p1 v2, v3;
	v1 =	vadd.f32 @!p1 v1, v3  }
0x31c: {  	[tilespmem:s20+$0x9B60] =	vst @!p1 v2;
	v2 =	vld @!p1 [tilespmem:s20+$0x9B70]  }
0x31d: {  	[tilespmem:s20+$0xA360] =	vst @!p1 v1;
	v1 =	vld @!p1 [tilespmem:s20+$0xA370]  }
0x31e: {  	v3 =	vld @!p1 [tilespmem:s19+$0x30]  }
.Ltmp11:
0x31f: {  	(pc) =	sbr.rel @p2 .LBB2_18-.Ltmp11, $2  }
0x320: {  	_ =	sdelay $0x2  }
0x321: {  	p3 =	sgt.s32 s11, s22;
	s19 =	sadd.s32 $0x80, s19;
	v2 =	vmax.f32 @!p1 v2, v3;
	v1 =	vadd.f32 @!p1 v1, v3  }
0x322: {  	p2 =	sle.s32 @!p3 s2, s22;
	[tilespmem:s20+$0x9B70] =	vst @!p1 v2  }
0x323: {  	s2 =	sadd.s32 $0x1, s6;
	p2 =	por p2, p3;
	[tilespmem:s20+$0xA370] =	vst @!p1 v1  }
0x324: {  	v1 =	vld @!p2 [tilespmem:s2+$0x0];
	_ =	sdelay $0x4  }
0x325: {  	(v2sf) =	vpush @!p2 v1, $0x0;
	_ =	sdelay $0xe  }
0x326: {  	s2 =	spop @!p2 (v2sf)  }
0x327: {  	s2 =	ssub.s32 @!p2 s2, s7  }
0x328: {  	v1 =	vld @!p2 [tilespmem:s19+$0xFFFFFFC0];
	s2 =	sshll.u32 @!p2 s2, $0x7  }
0x329: {  	v2 =	vld @!p2 [tilespmem:s2+$0xA300]  }
0x32a: {  	v3 =	vld @!p2 [tilespmem:s2+$0x9B00];
	_ =	sdelay $0x4  }
0x32b: {  	v2 =	vadd.f32 @!p2 v2, v1;
	v1 =	vmax.f32 @!p2 v3, v1  }
0x32c: {  	[tilespmem:s2+$0x9B00] =	vst @!p2 v1;
	v1 =	vld @!p2 [tilespmem:s2+$0xA310]  }
0x32d: {  	[tilespmem:s2+$0xA300] =	vst @!p2 v2;
	v2 =	vld @!p2 [tilespmem:s2+$0x9B10]  }
0x32e: {  	v3 =	vld @!p2 [tilespmem:s19+$0xFFFFFFD0];
	_ =	sdelay $0x4  }
0x32f: {  	v2 =	vmax.f32 @!p2 v2, v3;
	v1 =	vadd.f32 @!p2 v1, v3  }
0x330: {  	[tilespmem:s2+$0x9B10] =	vst @!p2 v2;
	v2 =	vld @!p2 [tilespmem:s2+$0x9B20]  }
0x331: {  	[tilespmem:s2+$0xA310] =	vst @!p2 v1;
	v1 =	vld @!p2 [tilespmem:s2+$0xA320]  }
0x332: {  	v3 =	vld @!p2 [tilespmem:s19+$0xFFFFFFE0];
	_ =	sdelay $0x4  }
0x333: {  	v2 =	vmax.f32 @!p2 v2, v3;
	v1 =	vadd.f32 @!p2 v1, v3  }
0x334: {  	[tilespmem:s2+$0x9B20] =	vst @!p2 v2;
	v2 =	vld @!p2 [tilespmem:s2+$0x9B30]  }
0x335: {  	[tilespmem:s2+$0xA320] =	vst @!p2 v1;
	v1 =	vld @!p2 [tilespmem:s2+$0xA330]  }
0x336: {  	v3 =	vld @!p2 [tilespmem:s19+$0xFFFFFFF0];
	_ =	sdelay $0x4  }
0x337: {  	v2 =	vmax.f32 @!p2 v2, v3;
	v1 =	vadd.f32 @!p2 v1, v3  }
0x338: {  	[tilespmem:s2+$0x9B30] =	vst @!p2 v2;
	v2 =	vld @!p2 [tilespmem:s2+$0x9B40]  }
0x339: {  	[tilespmem:s2+$0xA330] =	vst @!p2 v1;
	v1 =	vld @!p2 [tilespmem:s2+$0xA340]  }
0x33a: {  	v3 =	vld @!p2 [tilespmem:s19+$0x0];
	_ =	sdelay $0x4  }
0x33b: {  	v2 =	vmax.f32 @!p2 v2, v3;
	v1 =	vadd.f32 @!p2 v1, v3  }
0x33c: {  	[tilespmem:s2+$0x9B40] =	vst @!p2 v2;
	v2 =	vld @!p2 [tilespmem:s2+$0x9B50]  }
0x33d: {  	[tilespmem:s2+$0xA340] =	vst @!p2 v1;
	v1 =	vld @!p2 [tilespmem:s2+$0xA350]  }
0x33e: {  	v3 =	vld @!p2 [tilespmem:s19+$0x10];
	_ =	sdelay $0x4  }
0x33f: {  	v2 =	vmax.f32 @!p2 v2, v3;
	v1 =	vadd.f32 @!p2 v1, v3  }
0x340: {  	[tilespmem:s2+$0x9B50] =	vst @!p2 v2;
	v2 =	vld @!p2 [tilespmem:s2+$0x9B60]  }
0x341: {  	[tilespmem:s2+$0xA350] =	vst @!p2 v1;
	v1 =	vld @!p2 [tilespmem:s2+$0xA360]  }
0x342: {  	v3 =	vld @!p2 [tilespmem:s19+$0x20];
	_ =	sdelay $0x4  }
0x343: {  	v2 =	vmax.f32 @!p2 v2, v3;
	v1 =	vadd.f32 @!p2 v1, v3  }
0x344: {  	[tilespmem:s2+$0x9B60] =	vst @!p2 v2;
	v2 =	vld @!p2 [tilespmem:s2+$0x9B70]  }
0x345: {  	[tilespmem:s2+$0xA360] =	vst @!p2 v1;
	v1 =	vld @!p2 [tilespmem:s2+$0xA370]  }
0x346: {  	v3 =	vld @!p2 [tilespmem:s19+$0x30]  }
0x347: {  	s10 =	sadd.s32 $0x1, s10  }
0x348: {  	p1 =	sgt.s32 s5, s10  }
.Ltmp12:
0x349: {  	_ = 	snop;
	(pc) =	sbr.rel @p1 .LBB2_17-.Ltmp12, $4  }
.Ltmp13:
0x34a: {  	_ = 	snop;
	(pc) =	sbr.rel @!p1 .LBB2_20-.Ltmp13, $4  }
0x34b: {  	v2 =	vmax.f32 @!p2 v2, v3;
	v1 =	vadd.f32 @!p2 v1, v3  }
0x34c: {  	[tilespmem:s2+$0x9B70] =	vst @!p2 v2  }
0x34d: {  	s23 =	sadd.s32 $0x40, s23;
	[tilespmem:s2+$0xA370] =	vst @!p2 v1  }
0x34e: {  	_ = 	snop  }
.LBB2_7:
.Ltmp14:
0x34f: {  	(pc) =	sbr.rel .LBB2_14-.Ltmp14, $2  }
0x350: {  	_ =	sdelay $0x2  }
0x351: {  	s1 =	simm.f32 $0.0e+00  }
.LBB2_10:
.Ltmp15:
0x352: {  	(pc) =	sbr.rel .LBB2_14-.Ltmp15, $2  }
0x353: {  	_ =	sdelay $0x3  }
0x354: {  	s1 =	simm.f32 $0.0e+00  }
.LBB2_12:
.Ltmp16:
0x355: {  	(pc) =	sbr.rel .LBB2_14-.Ltmp16, $2  }
0x356: {  	_ =	sdelay $0x2  }
0x357: {  	s1 =	simm.f32 $0.0e+00  }
.LBB2_21:
0x358: {  	_ =	sfence.sel $0x180000  }
0x359: {  	[bflag:$0x0] =	sbarrier.arrive $0xFFFF  }
0x35a: {  	_ =	strace $0x9000004A  }
0x35b: {  	s0 =	stileid.u32;
	[bflag:$0x2] =	sbarrier.arrive $0xFFFF  }
0x35c: {  	p0 =	sne.s32 s0, $0x0;
	s0 =	rddreg [dreg:$0x3]  }
0x35d: {  	s0 =	sadd.s32 @!p0 $0x100000, s0  }
0x35e: {  	[sflag:s0] =	ssyncadd.tile.s32 @!p0 $0x1;
	_ =	shalt  }
.Lfunc_end2:
_tile_overlayer_lowered:
.L_overlay_start_2:
0x35f: {  	(tag) =	ssettag $0x2  }
0x360: {  	s0 =	rddreg [dreg:$0x0];
	s2 =	stileid.u32  }
0x361: {  	s1 =	rddreg [dreg:$0x1];
	p0 =	sne.s32 s2, $0x0  }
0x362: {  	s3 =	rddreg [dreg:$0x2];
	[bflag:$0x3] =	sbarrier.arrive $0xFFFF;
	s2 =	simm.s32 @!p0 $0x1C01  }
0x363: {  	[timem:s3], [sflag:s2] =	dma.local @!p0 [hbm:s0], s1  }
0x364: {  	s0 =	simm.s32 @!p0 $0x1  }
0x365: {  	_ =	swait.ge @!p0 [sflag:s0], s1  }
0x366: {  	s1 =	ssub.s32 @!p0 $0x0, s1;
	[sflag:s0] =	ssyncset.done @!p0 $0x0  }
0x367: {  	[sflag:s0] =	ssyncadd.s32 @!p0 s1  }
0x368: {  	[bflag:$0x3] =	sbarrier.arrive $0xFFFF  }
0x369: {  	_ =	shalt  }

</sc_bundles>
